<compile_context>
chip_gen: v7x
topology: tpu7x:2x2x1
jax: 0.10.2.dev20260603
libtpu: 0.0.44.dev20260713+nightly
codegen_flags: <defaults>
</compile_context>

<pallas_src>
import functools

import jax
import jax.numpy as jnp
from jax import lax
from jax.experimental import pallas as pl
from jax.experimental.pallas import tpu as pltpu
from jax.experimental.pallas import tpu_sc as plsc

N = 10000
E = 320000
D = 128
NCLS = 40
NPAD = 10240
NC, NS = 2, 16
KD = 2000
KCMP = 80
NBUF = 4
ROWS_PER_TILE = NPAD // NS

_MESH = dict(core_axis_name="c", subcore_axis_name="s")


HROWS = NPAD // D


def _deg_body(ei_hbm, zeros_hbm, out_hbm, hs, hd, src_v, dst_v,
              iota_s, iota_d, acc_sh):
    c = lax.axis_index("c")
    s = lax.axis_index("s")
    pltpu.sync_copy(zeros_hbm.at[pl.ds(0, HROWS)], hs)
    pltpu.sync_copy(zeros_hbm.at[pl.ds(0, HROWS)], hd)

    @pl.when(s < 2 * HROWS // 16)
    def _():
        pltpu.sync_copy(zeros_hbm.at[pl.ds(0, 16)],
                        acc_sh.at[pl.ds(s * 16, 16)])
    for k in range(HROWS // 16):
        base16 = lax.iota(jnp.int32, 16) + (16 * k)
        iota_s[pl.ds(16 * k, 16)] = base16
        iota_d[pl.ds(16 * k, 16)] = base16 + HROWS
    plsc.subcore_barrier()

    ept = E // (NC * NS)
    base = (c * NS + s) * ept

    def chunk(j, carry):
        off = base + j * KD
        pltpu.sync_copy(ei_hbm.at[pl.ds(off, KD)], src_v)
        pltpu.sync_copy(ei_hbm.at[pl.ds(E + off, KD)], dst_v)

        def inner(i, carry2):
            v = src_v[pl.ds(i * 16, 16)]
            cnt, last = plsc.scan_count(v)
            plsc.addupdate_scatter(
                hs, [v >> 7, v & 127], cnt.astype(jnp.float32), mask=last)
            w = dst_v[pl.ds(i * 16, 16)]
            cnt2, last2 = plsc.scan_count(w)
            plsc.addupdate_scatter(
                hd, [w >> 7, w & 127], cnt2.astype(jnp.float32), mask=last2)
            return carry2

        lax.fori_loop(0, KD // 16, inner, 0)
        return carry

    lax.fori_loop(0, ept // KD, chunk, 0)

    pltpu.sync_copy(hs, acc_sh.at[iota_s], add=True)
    pltpu.sync_copy(hd, acc_sh.at[iota_d], add=True)
    plsc.subcore_barrier()

    @pl.when(s < 2 * HROWS // 16)
    def _():
        pltpu.sync_copy(acc_sh.at[pl.ds(s * 16, 16)],
                        out_hbm.at[c, pl.ds(s * 16, 16)])


_deg_kernel = functools.partial(
    pl.kernel,
    out_type=jax.ShapeDtypeStruct((NC, 2 * HROWS, D), jnp.float32),
    mesh=plsc.VectorSubcoreMesh(**_MESH),
    scratch_types=[
        pltpu.VMEM((HROWS, D), jnp.float32),
        pltpu.VMEM((HROWS, D), jnp.float32),
        pltpu.VMEM((KD,), jnp.int32),
        pltpu.VMEM((KD,), jnp.int32),
        pltpu.VMEM((HROWS,), jnp.int32),
        pltpu.VMEM((HROWS,), jnp.int32),
        pltpu.VMEM_SHARED((2 * HROWS, D), jnp.float32),
    ],
    compiler_params=pltpu.CompilerParams(needs_layout_passes=False),
)(_deg_body)


def _mp_body(h_hbm, ei_hbm, zeros_hbm, out_hbm, acc_sh,
             src0, src1, src2, src3, dst0, dst1, dst2, dst3,
             rows0, rows1, rows2, rows3,
             gs0, gs1, gs2, gs3, ss0, ss1, ss2, ss3):
    c = lax.axis_index("c")
    s = lax.axis_index("s")
    r0 = s * ROWS_PER_TILE
    pltpu.sync_copy(zeros_hbm.at[pl.ds(r0, ROWS_PER_TILE)],
                    acc_sh.at[pl.ds(r0, ROWS_PER_TILE)])
    plsc.subcore_barrier()

    ept = E // (NC * NS)
    base = (c * NS + s) * ept
    nchunks = ept // KCMP
    srcs = [src0, src1, src2, src3]
    dsts = [dst0, dst1, dst2, dst3]
    rows = [rows0, rows1, rows2, rows3]
    gsems = [gs0, gs1, gs2, gs3]
    ssems = [ss0, ss1, ss2, ss3]

    def start_gather(j, b):
        pltpu.sync_copy(ei_hbm.at[pl.ds(base + j * KCMP, KCMP)], srcs[b])
        pltpu.async_copy(h_hbm.at[srcs[b]], rows[b], gsems[b])

    def start_scatter(j, b):
        pltpu.make_async_copy(h_hbm.at[srcs[b]], rows[b], gsems[b]).wait()
        pltpu.sync_copy(ei_hbm.at[pl.ds(E + base + j * KCMP, KCMP)], dsts[b])
        pltpu.async_copy(rows[b], acc_sh.at[dsts[b]], ssems[b], add=True)

    def wait_scatter(b):
        pltpu.make_async_copy(rows[b], acc_sh.at[dsts[b]], ssems[b]).wait()

    start_gather(0, 0)
    start_gather(1, 1)
    start_gather(2, 2)
    start_scatter(0, 0)
    start_gather(3, 3)
    for j in range(1, 4):
        start_scatter(j, j)
        wait_scatter(j - 1)
        start_gather(j + 3, (j + 3) % NBUF)

    def step(g, carry):
        for b in range(NBUF):
            j = 4 + NBUF * g + b
            start_scatter(j, b)
            wait_scatter((b + 3) % NBUF)
            start_gather(j + 3, (b + 3) % NBUF)
        return carry

    ngroups = (nchunks - 4 - 5) // NBUF
    lax.fori_loop(0, ngroups, step, 0)
    jt = 4 + NBUF * ngroups
    start_scatter(jt, 0)
    wait_scatter(3)
    start_gather(jt + 3, 3)
    start_scatter(jt + 1, 1)
    wait_scatter(0)
    start_gather(jt + 4, 0)
    start_scatter(jt + 2, 2)
    start_scatter(jt + 3, 3)
    start_scatter(jt + 4, 0)
    wait_scatter(1)
    wait_scatter(2)
    wait_scatter(3)
    wait_scatter(0)

    plsc.subcore_barrier()
    pltpu.sync_copy(acc_sh.at[pl.ds(r0, ROWS_PER_TILE)],
                    out_hbm.at[c, pl.ds(r0, ROWS_PER_TILE)])


_mp = functools.partial(
    pl.kernel,
    out_type=jax.ShapeDtypeStruct((NC, NPAD, D), jnp.float32),
    mesh=plsc.VectorSubcoreMesh(**_MESH),
    scratch_types=(
        [pltpu.VMEM_SHARED((NPAD, D), jnp.float32)]
        + [pltpu.VMEM((KCMP,), jnp.int32) for _ in range(8)]
        + [pltpu.VMEM((KCMP, D), jnp.float32) for _ in range(4)]
        + [pltpu.SemaphoreType.DMA for _ in range(8)]
    ),
)(_mp_body)


def _mm_body(x_ref, w_ref, o_ref):
    o_ref[...] = jnp.dot(x_ref[...], w_ref[...],
                         preferred_element_type=jnp.float32)


def _prep_body(xw_ref, degp_ref, o_h, o_ns, o_nd):
    degp_full = degp_ref[...]
    degp = degp_full[0] + degp_full[1]
    deg_out = degp[:HROWS].reshape(NPAD)[:N]
    deg_in = degp[HROWS:].reshape(NPAD)[:N]
    ns = jnp.where(deg_out > 0, lax.rsqrt(deg_out), 0.0)[:, None]
    nd = jnp.where(deg_in > 0, lax.rsqrt(deg_in), 0.0)[:, None]
    o_h[...] = xw_ref[...] * ns
    o_ns[...] = ns
    o_nd[...] = nd


def _mid_body(aggp_ref, nd_ref, b_ref, g_ref, be_ref, ns_ref, w_ref, o_ref):
    aggp = aggp_ref[...]
    agg = aggp[0, :N, :] + aggp[1, :N, :]
    t = agg * nd_ref[...] + b_ref[...]
    mu = jnp.mean(t, axis=0, keepdims=True)
    var = jnp.mean((t - mu) * (t - mu), axis=0, keepdims=True)
    t = (t - mu) * lax.rsqrt(var + 1e-5) * g_ref[...] + be_ref[...]
    t = jnp.maximum(t, 0.0)
    o_ref[...] = jnp.dot(t * ns_ref[...], w_ref[...],
                         preferred_element_type=jnp.float32)


def _fin_body(aggp_ref, nd_ref, b_ref, o_ref):
    aggp = aggp_ref[...]
    agg = aggp[0, :N, :NCLS] + aggp[1, :N, :NCLS]
    o_ref[...] = agg * nd_ref[...] + b_ref[...]


def _tc(body, out_shape, *args):
    return pl.pallas_call(body, out_shape=out_shape)(*args)


def kernel(x, edge_index, W0, b0, g0, be0, W1, b1, g1, be1, W2, b2):
    f32 = jnp.float32
    ei = edge_index.reshape(2 * E)
    zeros_d = jnp.zeros((NPAD, D), f32)
    W2p = jnp.pad(W2, ((0, 0), (0, D - NCLS)))

    degp = _deg_kernel(ei, zeros_d)
    xw = _tc(_mm_body, jax.ShapeDtypeStruct((N, D), f32), x, W0)
    h0, ns, nd = _tc(
        _prep_body,
        (jax.ShapeDtypeStruct((N, D), f32),
         jax.ShapeDtypeStruct((N, 1), f32),
         jax.ShapeDtypeStruct((N, 1), f32)),
        xw, degp)

    aggp0 = _mp(h0, ei, zeros_d)
    h1 = _tc(_mid_body, jax.ShapeDtypeStruct((N, D), f32),
             aggp0, nd, b0.reshape(1, D), g0.reshape(1, D),
             be0.reshape(1, D), ns, W1)

    aggp1 = _mp(h1, ei, zeros_d)
    h2 = _tc(_mid_body, jax.ShapeDtypeStruct((N, D), f32),
             aggp1, nd, b1.reshape(1, D), g1.reshape(1, D),
             be1.reshape(1, D), ns, W2p)

    aggp2 = _mp(h2, ei, zeros_d)
    out = _tc(_fin_body, jax.ShapeDtypeStruct((N, NCLS), f32),
              aggp2, nd, b2.reshape(1, NCLS))
    return out

# --- scband reference (transcript-rebuilt; emitter-appended) ---
"""Pipeline reference for scband-gcn2-25159918420550 (READ-ONLY COPY).

The authoritative reference and input builder live on the scoring server;
editing this copy changes nothing except your own understanding.
"""

import jax, jax.numpy as jnp
import numpy as np

N = 10000
E = 320000
D_IN = 128
D_HID = 128
N_CLASSES = 40


def setup_inputs(seed: int = 0) -> dict:
    key = jax.random.key(seed)
    ks = jax.random.split(key, 8)
    x = jax.random.normal(ks[0], (N, D_IN), dtype=jnp.float32)
    edge_index = jax.random.randint(ks[1], (2, E), 0, N, dtype=jnp.int32)
    W0 = jax.random.normal(ks[2], (D_IN, D_HID), dtype=jnp.float32) * (1.0 / np.sqrt(D_IN))
    b0 = jnp.zeros((D_HID,), dtype=jnp.float32)
    g0 = jnp.ones((D_HID,), dtype=jnp.float32)
    be0 = jnp.zeros((D_HID,), dtype=jnp.float32)
    W1 = jax.random.normal(ks[3], (D_HID, D_HID), dtype=jnp.float32) * (1.0 / np.sqrt(D_HID))
    b1 = jnp.zeros((D_HID,), dtype=jnp.float32)
    g1 = jnp.ones((D_HID,), dtype=jnp.float32)
    be1 = jnp.zeros((D_HID,), dtype=jnp.float32)
    W2 = jax.random.normal(ks[4], (D_HID, N_CLASSES), dtype=jnp.float32) * (1.0 / np.sqrt(D_HID))
    b2 = jnp.zeros((N_CLASSES,), dtype=jnp.float32)
    return {"x": x, "edge_index": edge_index, "W0": W0, "b0": b0, "g0": g0, "be0": be0,
            "W1": W1, "b1": b1, "g1": g1, "be1": be1, "W2": W2, "b2": b2}


def _gcn_layer(x, src, dst, W, b):
    # DGL GraphConv with norm='both': D_out^{-1/2} -> linear -> sum-aggregate -> D_in^{-1/2} -> bias
    ones = jnp.ones((src.shape[0],), dtype=jnp.float32)
    deg_out = jnp.zeros((N,), dtype=jnp.float32).at[src].add(ones)
    deg_in = jnp.zeros((N,), dtype=jnp.float32).at[dst].add(ones)
    norm_src = jnp.where(deg_out > 0, deg_out ** -0.5, 0.0)
    norm_dst = jnp.where(deg_in > 0, deg_in ** -0.5, 0.0)
    h = x * norm_src[:, None]
    h = h @ W
    msg = jnp.take(h, src, axis=0)
    agg = jnp.zeros((N, h.shape[1]), dtype=h.dtype).at[dst].add(msg)
    return agg * norm_dst[:, None] + b


def _batch_norm(h, gamma, beta, eps=1e-5):
    mu = jnp.mean(h, axis=0)
    var = jnp.var(h, axis=0)  # biased, matching torch BatchNorm1d normalization
    return (h - mu) * jax.lax.rsqrt(var + eps) * gamma + beta


def reference(x, edge_index, W0, b0, g0, be0, W1, b1, g1, be1, W2, b2):
    src = edge_index[0]
    dst = edge_index[1]
    h = _gcn_layer(x, src, dst, W0, b0)
    h = _batch_norm(h, g0, be0)
    h = jax.nn.relu(h)
    h = _gcn_layer(h, src, dst, W1, b1)
    h = _batch_norm(h, g1, be1)
    h = jax.nn.relu(h)
    # dropout on final layer input is identity in eval mode
    h = _gcn_layer(h, src, dst, W2, b2)
    return h

if __name__ == "__main__":
    import jax
    _d = setup_inputs()
    print(jax.jit(kernel)(*tuple(_d.values())))

</pallas_src>

<mosaic_0001>
#map = affine_map<(d0, d1) -> (0, 0)>
#map1 = affine_map<(d0, d1) -> (0)>
#map2 = affine_map<(d0, d1) -> (0, 0, 0)>
module attributes {stable_mosaic.version = 14 : i64} {
  func.func @_mp_body(%arg0: i32, %arg1: i32, %arg2: memref<10000x128xf32, #tpu.memory_space<hbm>>, %arg3: memref<640000xi32, #tpu.memory_space<hbm>>, %arg4: memref<10240x128xf32, #tpu.memory_space<hbm>>, %arg5: memref<2x10240x128xf32, #tpu.memory_space<hbm>>, %arg6: memref<10240x128xf32, #tpu.memory_space<vmem_shared>>, %arg7: memref<80xi32, #tpu.memory_space<vmem>>, %arg8: memref<80xi32, #tpu.memory_space<vmem>>, %arg9: memref<80xi32, #tpu.memory_space<vmem>>, %arg10: memref<80xi32, #tpu.memory_space<vmem>>, %arg11: memref<80xi32, #tpu.memory_space<vmem>>, %arg12: memref<80xi32, #tpu.memory_space<vmem>>, %arg13: memref<80xi32, #tpu.memory_space<vmem>>, %arg14: memref<80xi32, #tpu.memory_space<vmem>>, %arg15: memref<80x128xf32, #tpu.memory_space<vmem>>, %arg16: memref<80x128xf32, #tpu.memory_space<vmem>>, %arg17: memref<80x128xf32, #tpu.memory_space<vmem>>, %arg18: memref<80x128xf32, #tpu.memory_space<vmem>>, %arg19: memref<!tpu.dma_semaphore, #tpu.memory_space<semaphore_mem>>, %arg20: memref<!tpu.dma_semaphore, #tpu.memory_space<semaphore_mem>>, %arg21: memref<!tpu.dma_semaphore, #tpu.memory_space<semaphore_mem>>, %arg22: memref<!tpu.dma_semaphore, #tpu.memory_space<semaphore_mem>>, %arg23: memref<!tpu.dma_semaphore, #tpu.memory_space<semaphore_mem>>, %arg24: memref<!tpu.dma_semaphore, #tpu.memory_space<semaphore_mem>>, %arg25: memref<!tpu.dma_semaphore, #tpu.memory_space<semaphore_mem>>, %arg26: memref<!tpu.dma_semaphore, #tpu.memory_space<semaphore_mem>>) attributes {dimension_semantics = [#tpu.dimension_semantics<core_parallel>, #tpu.dimension_semantics<subcore_parallel>], iteration_bounds = array<i64: 2, 16>, scalar_prefetch = 0 : i64, scratch_operands = 21 : i64, tpu.core_type = #tpu.core_type<sc_vector_subcore>, window_params = [{transform_indices = #map}, {transform_indices = #map1}, {transform_indices = #map}, {transform_indices = #map2}]} {
    %mul3A = arith.constant 640 : i32
    %mul3A_0 = arith.muli %arg1, %mul3A : i32
    "tpu.region"() ({
      %run_scoped3A = tpu.sem_alloc : memref<!tpu.dma_semaphore, #tpu.memory_space<semaphore_mem>>
      %dma_start3A_171 = arith.constant 0 : i32
      %dma_start3A_172 = tpu.memref_slice %arg6[%mul3A_0, %dma_start3A_171] : memref<10240x128xf32, #tpu.memory_space<vmem_shared>> -> memref<640x128xf32, #tpu.memory_space<vmem_shared>>
      %dma_start3A_173 = arith.constant 0 : i32
      %dma_start3A_174 = tpu.memref_slice %arg4[%mul3A_0, %dma_start3A_173] : memref<10240x128xf32, #tpu.memory_space<hbm>> -> memref<640x128xf32, #tpu.memory_space<hbm>>
      tpu.enqueue_dma source(%dma_start3A_174 : memref<640x128xf32, #tpu.memory_space<hbm>>) target(%dma_start3A_172 : memref<640x128xf32, #tpu.memory_space<vmem_shared>>) target_semaphore(%run_scoped3A : memref<!tpu.dma_semaphore, #tpu.memory_space<semaphore_mem>>)
      %dma_wait3A_175 = arith.constant 0 : i32
      %dma_wait3A_176 = tpu.memref_slice %arg6[%mul3A_0, %dma_wait3A_175] : memref<10240x128xf32, #tpu.memory_space<vmem_shared>> -> memref<640x128xf32, #tpu.memory_space<vmem_shared>>
      %dma_wait3A_177 = arith.constant 0 : i32
      %dma_wait3A_178 = tpu.memref_slice %arg4[%mul3A_0, %dma_wait3A_177] : memref<10240x128xf32, #tpu.memory_space<hbm>> -> memref<640x128xf32, #tpu.memory_space<hbm>>
      tpu.wait_dma2 semaphore(%run_scoped3A : memref<!tpu.dma_semaphore, #tpu.memory_space<semaphore_mem>>) src(%dma_wait3A_178 : memref<640x128xf32, #tpu.memory_space<hbm>>) dst(%dma_wait3A_176 : memref<640x128xf32, #tpu.memory_space<vmem_shared>>)
      tpu.yield
    }) : () -> ()
    %barrier3A = arith.constant 0 : index
    tpu.barrier barrier_id(%barrier3A)
    %mul3A_1 = arith.constant 16 : i32
    %mul3A_2 = arith.muli %arg0, %mul3A_1 : i32
    %add3A = arith.addi %mul3A_2, %arg1 : i32
    %mul3A_3 = arith.constant 10000 : i32
    %mul3A_4 = arith.muli %add3A, %mul3A_3 : i32
    %add3A_5 = arith.constant 0 : i32
    %add3A_6 = arith.addi %mul3A_4, %add3A_5 : i32
    "tpu.region"() ({
      %run_scoped3A = tpu.sem_alloc : memref<!tpu.dma_semaphore, #tpu.memory_space<semaphore_mem>>
      %dma_start3A_171 = tpu.memref_slice %arg3[%add3A_6] : memref<640000xi32, #tpu.memory_space<hbm>> -> memref<80xi32, #tpu.memory_space<hbm>>
      %dma_start3A_172 = tpu.memref_slice %arg3[%add3A_6] : memref<640000xi32, #tpu.memory_space<hbm>> -> memref<80xi32, #tpu.memory_space<hbm>>
      tpu.enqueue_dma source(%dma_start3A_172 : memref<80xi32, #tpu.memory_space<hbm>>) target(%arg7 : memref<80xi32, #tpu.memory_space<vmem>>) target_semaphore(%run_scoped3A : memref<!tpu.dma_semaphore, #tpu.memory_space<semaphore_mem>>)
      %dma_wait3A_173 = tpu.memref_slice %arg3[%add3A_6] : memref<640000xi32, #tpu.memory_space<hbm>> -> memref<80xi32, #tpu.memory_space<hbm>>
      %dma_wait3A_174 = tpu.memref_slice %arg3[%add3A_6] : memref<640000xi32, #tpu.memory_space<hbm>> -> memref<80xi32, #tpu.memory_space<hbm>>
      tpu.wait_dma2 semaphore(%run_scoped3A : memref<!tpu.dma_semaphore, #tpu.memory_space<semaphore_mem>>) src(%dma_wait3A_174 : memref<80xi32, #tpu.memory_space<hbm>>) dst(%arg7 : memref<80xi32, #tpu.memory_space<vmem>>)
      tpu.yield
    }) : () -> ()
    %dma_start3A = arith.constant 0 : i32
    %dma_start3A_7 = arith.constant 0 : i32
    %dma_start3A_8 = tpu.memref_slice %arg2[%dma_start3A, %dma_start3A_7] : memref<10000x128xf32, #tpu.memory_space<hbm>> -> memref<10000x128xf32, #tpu.memory_space<hbm>>
    tpu.enqueue_indirect_dma source(%dma_start3A_8 : memref<10000x128xf32, #tpu.memory_space<hbm>>) target(%arg15 : memref<80x128xf32, #tpu.memory_space<vmem>>) offsets(%arg7 : memref<80xi32, #tpu.memory_space<vmem>>) semaphore(%arg19 : memref<!tpu.dma_semaphore, #tpu.memory_space<semaphore_mem>>)
    %add3A_9 = arith.constant 80 : i32
    %add3A_10 = arith.addi %mul3A_4, %add3A_9 : i32
    "tpu.region"() ({
      %run_scoped3A = tpu.sem_alloc : memref<!tpu.dma_semaphore, #tpu.memory_space<semaphore_mem>>
      %dma_start3A_171 = tpu.memref_slice %arg3[%add3A_10] : memref<640000xi32, #tpu.memory_space<hbm>> -> memref<80xi32, #tpu.memory_space<hbm>>
      %dma_start3A_172 = tpu.memref_slice %arg3[%add3A_10] : memref<640000xi32, #tpu.memory_space<hbm>> -> memref<80xi32, #tpu.memory_space<hbm>>
      tpu.enqueue_dma source(%dma_start3A_172 : memref<80xi32, #tpu.memory_space<hbm>>) target(%arg8 : memref<80xi32, #tpu.memory_space<vmem>>) target_semaphore(%run_scoped3A : memref<!tpu.dma_semaphore, #tpu.memory_space<semaphore_mem>>)
      %dma_wait3A_173 = tpu.memref_slice %arg3[%add3A_10] : memref<640000xi32, #tpu.memory_space<hbm>> -> memref<80xi32, #tpu.memory_space<hbm>>
      %dma_wait3A_174 = tpu.memref_slice %arg3[%add3A_10] : memref<640000xi32, #tpu.memory_space<hbm>> -> memref<80xi32, #tpu.memory_space<hbm>>
      tpu.wait_dma2 semaphore(%run_scoped3A : memref<!tpu.dma_semaphore, #tpu.memory_space<semaphore_mem>>) src(%dma_wait3A_174 : memref<80xi32, #tpu.memory_space<hbm>>) dst(%arg8 : memref<80xi32, #tpu.memory_space<vmem>>)
      tpu.yield
    }) : () -> ()
    %dma_start3A_11 = arith.constant 0 : i32
    %dma_start3A_12 = arith.constant 0 : i32
    %dma_start3A_13 = tpu.memref_slice %arg2[%dma_start3A_11, %dma_start3A_12] : memref<10000x128xf32, #tpu.memory_space<hbm>> -> memref<10000x128xf32, #tpu.memory_space<hbm>>
    tpu.enqueue_indirect_dma source(%dma_start3A_13 : memref<10000x128xf32, #tpu.memory_space<hbm>>) target(%arg16 : memref<80x128xf32, #tpu.memory_space<vmem>>) offsets(%arg8 : memref<80xi32, #tpu.memory_space<vmem>>) semaphore(%arg20 : memref<!tpu.dma_semaphore, #tpu.memory_space<semaphore_mem>>)
    %add3A_14 = arith.constant 160 : i32
    %add3A_15 = arith.addi %mul3A_4, %add3A_14 : i32
    "tpu.region"() ({
      %run_scoped3A = tpu.sem_alloc : memref<!tpu.dma_semaphore, #tpu.memory_space<semaphore_mem>>
      %dma_start3A_171 = tpu.memref_slice %arg3[%add3A_15] : memref<640000xi32, #tpu.memory_space<hbm>> -> memref<80xi32, #tpu.memory_space<hbm>>
      %dma_start3A_172 = tpu.memref_slice %arg3[%add3A_15] : memref<640000xi32, #tpu.memory_space<hbm>> -> memref<80xi32, #tpu.memory_space<hbm>>
      tpu.enqueue_dma source(%dma_start3A_172 : memref<80xi32, #tpu.memory_space<hbm>>) target(%arg9 : memref<80xi32, #tpu.memory_space<vmem>>) target_semaphore(%run_scoped3A : memref<!tpu.dma_semaphore, #tpu.memory_space<semaphore_mem>>)
      %dma_wait3A_173 = tpu.memref_slice %arg3[%add3A_15] : memref<640000xi32, #tpu.memory_space<hbm>> -> memref<80xi32, #tpu.memory_space<hbm>>
      %dma_wait3A_174 = tpu.memref_slice %arg3[%add3A_15] : memref<640000xi32, #tpu.memory_space<hbm>> -> memref<80xi32, #tpu.memory_space<hbm>>
      tpu.wait_dma2 semaphore(%run_scoped3A : memref<!tpu.dma_semaphore, #tpu.memory_space<semaphore_mem>>) src(%dma_wait3A_174 : memref<80xi32, #tpu.memory_space<hbm>>) dst(%arg9 : memref<80xi32, #tpu.memory_space<vmem>>)
      tpu.yield
    }) : () -> ()
    %dma_start3A_16 = arith.constant 0 : i32
    %dma_start3A_17 = arith.constant 0 : i32
    %dma_start3A_18 = tpu.memref_slice %arg2[%dma_start3A_16, %dma_start3A_17] : memref<10000x128xf32, #tpu.memory_space<hbm>> -> memref<10000x128xf32, #tpu.memory_space<hbm>>
    tpu.enqueue_indirect_dma source(%dma_start3A_18 : memref<10000x128xf32, #tpu.memory_space<hbm>>) target(%arg17 : memref<80x128xf32, #tpu.memory_space<vmem>>) offsets(%arg9 : memref<80xi32, #tpu.memory_space<vmem>>) semaphore(%arg21 : memref<!tpu.dma_semaphore, #tpu.memory_space<semaphore_mem>>)
    %dma_wait3A = arith.constant 0 : i32
    %dma_wait3A_19 = arith.constant 0 : i32
    %dma_wait3A_20 = tpu.memref_slice %arg2[%dma_wait3A, %dma_wait3A_19] : memref<10000x128xf32, #tpu.memory_space<hbm>> -> memref<10000x128xf32, #tpu.memory_space<hbm>>
    tpu.wait_indirect_dma semaphore(%arg19 : memref<!tpu.dma_semaphore, #tpu.memory_space<semaphore_mem>>) src(%dma_wait3A_20 : memref<10000x128xf32, #tpu.memory_space<hbm>>) dst(%arg15 : memref<80x128xf32, #tpu.memory_space<vmem>>)
    %add3A_21 = arith.constant 320000 : i32
    %add3A_22 = arith.addi %add3A_21, %mul3A_4 : i32
    %add3A_23 = arith.constant 0 : i32
    %add3A_24 = arith.addi %add3A_22, %add3A_23 : i32
    "tpu.region"() ({
      %run_scoped3A = tpu.sem_alloc : memref<!tpu.dma_semaphore, #tpu.memory_space<semaphore_mem>>
      %dma_start3A_171 = tpu.memref_slice %arg3[%add3A_24] : memref<640000xi32, #tpu.memory_space<hbm>> -> memref<80xi32, #tpu.memory_space<hbm>>
      %dma_start3A_172 = tpu.memref_slice %arg3[%add3A_24] : memref<640000xi32, #tpu.memory_space<hbm>> -> memref<80xi32, #tpu.memory_space<hbm>>
      tpu.enqueue_dma source(%dma_start3A_172 : memref<80xi32, #tpu.memory_space<hbm>>) target(%arg11 : memref<80xi32, #tpu.memory_space<vmem>>) target_semaphore(%run_scoped3A : memref<!tpu.dma_semaphore, #tpu.memory_space<semaphore_mem>>)
      %dma_wait3A_173 = tpu.memref_slice %arg3[%add3A_24] : memref<640000xi32, #tpu.memory_space<hbm>> -> memref<80xi32, #tpu.memory_space<hbm>>
      %dma_wait3A_174 = tpu.memref_slice %arg3[%add3A_24] : memref<640000xi32, #tpu.memory_space<hbm>> -> memref<80xi32, #tpu.memory_space<hbm>>
      tpu.wait_dma2 semaphore(%run_scoped3A : memref<!tpu.dma_semaphore, #tpu.memory_space<semaphore_mem>>) src(%dma_wait3A_174 : memref<80xi32, #tpu.memory_space<hbm>>) dst(%arg11 : memref<80xi32, #tpu.memory_space<vmem>>)
      tpu.yield
    }) : () -> ()
    %dma_start3A_25 = arith.constant 0 : i32
    %dma_start3A_26 = arith.constant 0 : i32
    %dma_start3A_27 = tpu.memref_slice %arg6[%dma_start3A_25, %dma_start3A_26] : memref<10240x128xf32, #tpu.memory_space<vmem_shared>> -> memref<10240x128xf32, #tpu.memory_space<vmem_shared>>
    tpu.enqueue_indirect_dma source(%arg15 : memref<80x128xf32, #tpu.memory_space<vmem>>) target(%dma_start3A_27 : memref<10240x128xf32, #tpu.memory_space<vmem_shared>>) offsets(%arg11 : memref<80xi32, #tpu.memory_space<vmem>>) semaphore(%arg23 : memref<!tpu.dma_semaphore, #tpu.memory_space<semaphore_mem>>) {add = true}
    %add3A_28 = arith.constant 240 : i32
    %add3A_29 = arith.addi %mul3A_4, %add3A_28 : i32
    "tpu.region"() ({
      %run_scoped3A = tpu.sem_alloc : memref<!tpu.dma_semaphore, #tpu.memory_space<semaphore_mem>>
      %dma_start3A_171 = tpu.memref_slice %arg3[%add3A_29] : memref<640000xi32, #tpu.memory_space<hbm>> -> memref<80xi32, #tpu.memory_space<hbm>>
      %dma_start3A_172 = tpu.memref_slice %arg3[%add3A_29] : memref<640000xi32, #tpu.memory_space<hbm>> -> memref<80xi32, #tpu.memory_space<hbm>>
      tpu.enqueue_dma source(%dma_start3A_172 : memref<80xi32, #tpu.memory_space<hbm>>) target(%arg10 : memref<80xi32, #tpu.memory_space<vmem>>) target_semaphore(%run_scoped3A : memref<!tpu.dma_semaphore, #tpu.memory_space<semaphore_mem>>)
      %dma_wait3A_173 = tpu.memref_slice %arg3[%add3A_29] : memref<640000xi32, #tpu.memory_space<hbm>> -> memref<80xi32, #tpu.memory_space<hbm>>
      %dma_wait3A_174 = tpu.memref_slice %arg3[%add3A_29] : memref<640000xi32, #tpu.memory_space<hbm>> -> memref<80xi32, #tpu.memory_space<hbm>>
      tpu.wait_dma2 semaphore(%run_scoped3A : memref<!tpu.dma_semaphore, #tpu.memory_space<semaphore_mem>>) src(%dma_wait3A_174 : memref<80xi32, #tpu.memory_space<hbm>>) dst(%arg10 : memref<80xi32, #tpu.memory_space<vmem>>)
      tpu.yield
    }) : () -> ()
    %dma_start3A_30 = arith.constant 0 : i32
    %dma_start3A_31 = arith.constant 0 : i32
    %dma_start3A_32 = tpu.memref_slice %arg2[%dma_start3A_30, %dma_start3A_31] : memref<10000x128xf32, #tpu.memory_space<hbm>> -> memref<10000x128xf32, #tpu.memory_space<hbm>>
    tpu.enqueue_indirect_dma source(%dma_start3A_32 : memref<10000x128xf32, #tpu.memory_space<hbm>>) target(%arg18 : memref<80x128xf32, #tpu.memory_space<vmem>>) offsets(%arg10 : memref<80xi32, #tpu.memory_space<vmem>>) semaphore(%arg22 : memref<!tpu.dma_semaphore, #tpu.memory_space<semaphore_mem>>)
    %dma_wait3A_33 = arith.constant 0 : i32
    %dma_wait3A_34 = arith.constant 0 : i32
    %dma_wait3A_35 = tpu.memref_slice %arg2[%dma_wait3A_33, %dma_wait3A_34] : memref<10000x128xf32, #tpu.memory_space<hbm>> -> memref<10000x128xf32, #tpu.memory_space<hbm>>
    tpu.wait_indirect_dma semaphore(%arg20 : memref<!tpu.dma_semaphore, #tpu.memory_space<semaphore_mem>>) src(%dma_wait3A_35 : memref<10000x128xf32, #tpu.memory_space<hbm>>) dst(%arg16 : memref<80x128xf32, #tpu.memory_space<vmem>>)
    %add3A_36 = arith.constant 320000 : i32
    %add3A_37 = arith.addi %add3A_36, %mul3A_4 : i32
    %add3A_38 = arith.constant 80 : i32
    %add3A_39 = arith.addi %add3A_37, %add3A_38 : i32
    "tpu.region"() ({
      %run_scoped3A = tpu.sem_alloc : memref<!tpu.dma_semaphore, #tpu.memory_space<semaphore_mem>>
      %dma_start3A_171 = tpu.memref_slice %arg3[%add3A_39] : memref<640000xi32, #tpu.memory_space<hbm>> -> memref<80xi32, #tpu.memory_space<hbm>>
      %dma_start3A_172 = tpu.memref_slice %arg3[%add3A_39] : memref<640000xi32, #tpu.memory_space<hbm>> -> memref<80xi32, #tpu.memory_space<hbm>>
      tpu.enqueue_dma source(%dma_start3A_172 : memref<80xi32, #tpu.memory_space<hbm>>) target(%arg12 : memref<80xi32, #tpu.memory_space<vmem>>) target_semaphore(%run_scoped3A : memref<!tpu.dma_semaphore, #tpu.memory_space<semaphore_mem>>)
      %dma_wait3A_173 = tpu.memref_slice %arg3[%add3A_39] : memref<640000xi32, #tpu.memory_space<hbm>> -> memref<80xi32, #tpu.memory_space<hbm>>
      %dma_wait3A_174 = tpu.memref_slice %arg3[%add3A_39] : memref<640000xi32, #tpu.memory_space<hbm>> -> memref<80xi32, #tpu.memory_space<hbm>>
      tpu.wait_dma2 semaphore(%run_scoped3A : memref<!tpu.dma_semaphore, #tpu.memory_space<semaphore_mem>>) src(%dma_wait3A_174 : memref<80xi32, #tpu.memory_space<hbm>>) dst(%arg12 : memref<80xi32, #tpu.memory_space<vmem>>)
      tpu.yield
    }) : () -> ()
    %dma_start3A_40 = arith.constant 0 : i32
    %dma_start3A_41 = arith.constant 0 : i32
    %dma_start3A_42 = tpu.memref_slice %arg6[%dma_start3A_40, %dma_start3A_41] : memref<10240x128xf32, #tpu.memory_space<vmem_shared>> -> memref<10240x128xf32, #tpu.memory_space<vmem_shared>>
    tpu.enqueue_indirect_dma source(%arg16 : memref<80x128xf32, #tpu.memory_space<vmem>>) target(%dma_start3A_42 : memref<10240x128xf32, #tpu.memory_space<vmem_shared>>) offsets(%arg12 : memref<80xi32, #tpu.memory_space<vmem>>) semaphore(%arg24 : memref<!tpu.dma_semaphore, #tpu.memory_space<semaphore_mem>>) {add = true}
    %dma_wait3A_43 = arith.constant 0 : i32
    %dma_wait3A_44 = arith.constant 0 : i32
    %dma_wait3A_45 = tpu.memref_slice %arg6[%dma_wait3A_43, %dma_wait3A_44] : memref<10240x128xf32, #tpu.memory_space<vmem_shared>> -> memref<10240x128xf32, #tpu.memory_space<vmem_shared>>
    tpu.wait_indirect_dma semaphore(%arg23 : memref<!tpu.dma_semaphore, #tpu.memory_space<semaphore_mem>>) src(%arg15 : memref<80x128xf32, #tpu.memory_space<vmem>>) dst(%dma_wait3A_45 : memref<10240x128xf32, #tpu.memory_space<vmem_shared>>)
    %add3A_46 = arith.constant 320 : i32
    %add3A_47 = arith.addi %mul3A_4, %add3A_46 : i32
    "tpu.region"() ({
      %run_scoped3A = tpu.sem_alloc : memref<!tpu.dma_semaphore, #tpu.memory_space<semaphore_mem>>
      %dma_start3A_171 = tpu.memref_slice %arg3[%add3A_47] : memref<640000xi32, #tpu.memory_space<hbm>> -> memref<80xi32, #tpu.memory_space<hbm>>
      %dma_start3A_172 = tpu.memref_slice %arg3[%add3A_47] : memref<640000xi32, #tpu.memory_space<hbm>> -> memref<80xi32, #tpu.memory_space<hbm>>
      tpu.enqueue_dma source(%dma_start3A_172 : memref<80xi32, #tpu.memory_space<hbm>>) target(%arg7 : memref<80xi32, #tpu.memory_space<vmem>>) target_semaphore(%run_scoped3A : memref<!tpu.dma_semaphore, #tpu.memory_space<semaphore_mem>>)
      %dma_wait3A_173 = tpu.memref_slice %arg3[%add3A_47] : memref<640000xi32, #tpu.memory_space<hbm>> -> memref<80xi32, #tpu.memory_space<hbm>>
      %dma_wait3A_174 = tpu.memref_slice %arg3[%add3A_47] : memref<640000xi32, #tpu.memory_space<hbm>> -> memref<80xi32, #tpu.memory_space<hbm>>
      tpu.wait_dma2 semaphore(%run_scoped3A : memref<!tpu.dma_semaphore, #tpu.memory_space<semaphore_mem>>) src(%dma_wait3A_174 : memref<80xi32, #tpu.memory_space<hbm>>) dst(%arg7 : memref<80xi32, #tpu.memory_space<vmem>>)
      tpu.yield
    }) : () -> ()
    %dma_start3A_48 = arith.constant 0 : i32
    %dma_start3A_49 = arith.constant 0 : i32
    %dma_start3A_50 = tpu.memref_slice %arg2[%dma_start3A_48, %dma_start3A_49] : memref<10000x128xf32, #tpu.memory_space<hbm>> -> memref<10000x128xf32, #tpu.memory_space<hbm>>
    tpu.enqueue_indirect_dma source(%dma_start3A_50 : memref<10000x128xf32, #tpu.memory_space<hbm>>) target(%arg15 : memref<80x128xf32, #tpu.memory_space<vmem>>) offsets(%arg7 : memref<80xi32, #tpu.memory_space<vmem>>) semaphore(%arg19 : memref<!tpu.dma_semaphore, #tpu.memory_space<semaphore_mem>>)
    %dma_wait3A_51 = arith.constant 0 : i32
    %dma_wait3A_52 = arith.constant 0 : i32
    %dma_wait3A_53 = tpu.memref_slice %arg2[%dma_wait3A_51, %dma_wait3A_52] : memref<10000x128xf32, #tpu.memory_space<hbm>> -> memref<10000x128xf32, #tpu.memory_space<hbm>>
    tpu.wait_indirect_dma semaphore(%arg21 : memref<!tpu.dma_semaphore, #tpu.memory_space<semaphore_mem>>) src(%dma_wait3A_53 : memref<10000x128xf32, #tpu.memory_space<hbm>>) dst(%arg17 : memref<80x128xf32, #tpu.memory_space<vmem>>)
    %add3A_54 = arith.constant 320000 : i32
    %add3A_55 = arith.addi %add3A_54, %mul3A_4 : i32
    %add3A_56 = arith.constant 160 : i32
    %add3A_57 = arith.addi %add3A_55, %add3A_56 : i32
    "tpu.region"() ({
      %run_scoped3A = tpu.sem_alloc : memref<!tpu.dma_semaphore, #tpu.memory_space<semaphore_mem>>
      %dma_start3A_171 = tpu.memref_slice %arg3[%add3A_57] : memref<640000xi32, #tpu.memory_space<hbm>> -> memref<80xi32, #tpu.memory_space<hbm>>
      %dma_start3A_172 = tpu.memref_slice %arg3[%add3A_57] : memref<640000xi32, #tpu.memory_space<hbm>> -> memref<80xi32, #tpu.memory_space<hbm>>
      tpu.enqueue_dma source(%dma_start3A_172 : memref<80xi32, #tpu.memory_space<hbm>>) target(%arg13 : memref<80xi32, #tpu.memory_space<vmem>>) target_semaphore(%run_scoped3A : memref<!tpu.dma_semaphore, #tpu.memory_space<semaphore_mem>>)
      %dma_wait3A_173 = tpu.memref_slice %arg3[%add3A_57] : memref<640000xi32, #tpu.memory_space<hbm>> -> memref<80xi32, #tpu.memory_space<hbm>>
      %dma_wait3A_174 = tpu.memref_slice %arg3[%add3A_57] : memref<640000xi32, #tpu.memory_space<hbm>> -> memref<80xi32, #tpu.memory_space<hbm>>
      tpu.wait_dma2 semaphore(%run_scoped3A : memref<!tpu.dma_semaphore, #tpu.memory_space<semaphore_mem>>) src(%dma_wait3A_174 : memref<80xi32, #tpu.memory_space<hbm>>) dst(%arg13 : memref<80xi32, #tpu.memory_space<vmem>>)
      tpu.yield
    }) : () -> ()
    %dma_start3A_58 = arith.constant 0 : i32
    %dma_start3A_59 = arith.constant 0 : i32
    %dma_start3A_60 = tpu.memref_slice %arg6[%dma_start3A_58, %dma_start3A_59] : memref<10240x128xf32, #tpu.memory_space<vmem_shared>> -> memref<10240x128xf32, #tpu.memory_space<vmem_shared>>
    tpu.enqueue_indirect_dma source(%arg17 : memref<80x128xf32, #tpu.memory_space<vmem>>) target(%dma_start3A_60 : memref<10240x128xf32, #tpu.memory_space<vmem_shared>>) offsets(%arg13 : memref<80xi32, #tpu.memory_space<vmem>>) semaphore(%arg25 : memref<!tpu.dma_semaphore, #tpu.memory_space<semaphore_mem>>) {add = true}
    %dma_wait3A_61 = arith.constant 0 : i32
    %dma_wait3A_62 = arith.constant 0 : i32
    %dma_wait3A_63 = tpu.memref_slice %arg6[%dma_wait3A_61, %dma_wait3A_62] : memref<10240x128xf32, #tpu.memory_space<vmem_shared>> -> memref<10240x128xf32, #tpu.memory_space<vmem_shared>>
    tpu.wait_indirect_dma semaphore(%arg24 : memref<!tpu.dma_semaphore, #tpu.memory_space<semaphore_mem>>) src(%arg16 : memref<80x128xf32, #tpu.memory_space<vmem>>) dst(%dma_wait3A_63 : memref<10240x128xf32, #tpu.memory_space<vmem_shared>>)
    %add3A_64 = arith.constant 400 : i32
    %add3A_65 = arith.addi %mul3A_4, %add3A_64 : i32
    "tpu.region"() ({
      %run_scoped3A = tpu.sem_alloc : memref<!tpu.dma_semaphore, #tpu.memory_space<semaphore_mem>>
      %dma_start3A_171 = tpu.memref_slice %arg3[%add3A_65] : memref<640000xi32, #tpu.memory_space<hbm>> -> memref<80xi32, #tpu.memory_space<hbm>>
      %dma_start3A_172 = tpu.memref_slice %arg3[%add3A_65] : memref<640000xi32, #tpu.memory_space<hbm>> -> memref<80xi32, #tpu.memory_space<hbm>>
      tpu.enqueue_dma source(%dma_start3A_172 : memref<80xi32, #tpu.memory_space<hbm>>) target(%arg8 : memref<80xi32, #tpu.memory_space<vmem>>) target_semaphore(%run_scoped3A : memref<!tpu.dma_semaphore, #tpu.memory_space<semaphore_mem>>)
      %dma_wait3A_173 = tpu.memref_slice %arg3[%add3A_65] : memref<640000xi32, #tpu.memory_space<hbm>> -> memref<80xi32, #tpu.memory_space<hbm>>
      %dma_wait3A_174 = tpu.memref_slice %arg3[%add3A_65] : memref<640000xi32, #tpu.memory_space<hbm>> -> memref<80xi32, #tpu.memory_space<hbm>>
      tpu.wait_dma2 semaphore(%run_scoped3A : memref<!tpu.dma_semaphore, #tpu.memory_space<semaphore_mem>>) src(%dma_wait3A_174 : memref<80xi32, #tpu.memory_space<hbm>>) dst(%arg8 : memref<80xi32, #tpu.memory_space<vmem>>)
      tpu.yield
    }) : () -> ()
    %dma_start3A_66 = arith.constant 0 : i32
    %dma_start3A_67 = arith.constant 0 : i32
    %dma_start3A_68 = tpu.memref_slice %arg2[%dma_start3A_66, %dma_start3A_67] : memref<10000x128xf32, #tpu.memory_space<hbm>> -> memref<10000x128xf32, #tpu.memory_space<hbm>>
    tpu.enqueue_indirect_dma source(%dma_start3A_68 : memref<10000x128xf32, #tpu.memory_space<hbm>>) target(%arg16 : memref<80x128xf32, #tpu.memory_space<vmem>>) offsets(%arg8 : memref<80xi32, #tpu.memory_space<vmem>>) semaphore(%arg20 : memref<!tpu.dma_semaphore, #tpu.memory_space<semaphore_mem>>)
    %dma_wait3A_69 = arith.constant 0 : i32
    %dma_wait3A_70 = arith.constant 0 : i32
    %dma_wait3A_71 = tpu.memref_slice %arg2[%dma_wait3A_69, %dma_wait3A_70] : memref<10000x128xf32, #tpu.memory_space<hbm>> -> memref<10000x128xf32, #tpu.memory_space<hbm>>
    tpu.wait_indirect_dma semaphore(%arg22 : memref<!tpu.dma_semaphore, #tpu.memory_space<semaphore_mem>>) src(%dma_wait3A_71 : memref<10000x128xf32, #tpu.memory_space<hbm>>) dst(%arg18 : memref<80x128xf32, #tpu.memory_space<vmem>>)
    %add3A_72 = arith.constant 320000 : i32
    %add3A_73 = arith.addi %add3A_72, %mul3A_4 : i32
    %add3A_74 = arith.constant 240 : i32
    %add3A_75 = arith.addi %add3A_73, %add3A_74 : i32
    "tpu.region"() ({
      %run_scoped3A = tpu.sem_alloc : memref<!tpu.dma_semaphore, #tpu.memory_space<semaphore_mem>>
      %dma_start3A_171 = tpu.memref_slice %arg3[%add3A_75] : memref<640000xi32, #tpu.memory_space<hbm>> -> memref<80xi32, #tpu.memory_space<hbm>>
      %dma_start3A_172 = tpu.memref_slice %arg3[%add3A_75] : memref<640000xi32, #tpu.memory_space<hbm>> -> memref<80xi32, #tpu.memory_space<hbm>>
      tpu.enqueue_dma source(%dma_start3A_172 : memref<80xi32, #tpu.memory_space<hbm>>) target(%arg14 : memref<80xi32, #tpu.memory_space<vmem>>) target_semaphore(%run_scoped3A : memref<!tpu.dma_semaphore, #tpu.memory_space<semaphore_mem>>)
      %dma_wait3A_173 = tpu.memref_slice %arg3[%add3A_75] : memref<640000xi32, #tpu.memory_space<hbm>> -> memref<80xi32, #tpu.memory_space<hbm>>
      %dma_wait3A_174 = tpu.memref_slice %arg3[%add3A_75] : memref<640000xi32, #tpu.memory_space<hbm>> -> memref<80xi32, #tpu.memory_space<hbm>>
      tpu.wait_dma2 semaphore(%run_scoped3A : memref<!tpu.dma_semaphore, #tpu.memory_space<semaphore_mem>>) src(%dma_wait3A_174 : memref<80xi32, #tpu.memory_space<hbm>>) dst(%arg14 : memref<80xi32, #tpu.memory_space<vmem>>)
      tpu.yield
    }) : () -> ()
    %dma_start3A_76 = arith.constant 0 : i32
    %dma_start3A_77 = arith.constant 0 : i32
    %dma_start3A_78 = tpu.memref_slice %arg6[%dma_start3A_76, %dma_start3A_77] : memref<10240x128xf32, #tpu.memory_space<vmem_shared>> -> memref<10240x128xf32, #tpu.memory_space<vmem_shared>>
    tpu.enqueue_indirect_dma source(%arg18 : memref<80x128xf32, #tpu.memory_space<vmem>>) target(%dma_start3A_78 : memref<10240x128xf32, #tpu.memory_space<vmem_shared>>) offsets(%arg14 : memref<80xi32, #tpu.memory_space<vmem>>) semaphore(%arg26 : memref<!tpu.dma_semaphore, #tpu.memory_space<semaphore_mem>>) {add = true}
    %dma_wait3A_79 = arith.constant 0 : i32
    %dma_wait3A_80 = arith.constant 0 : i32
    %dma_wait3A_81 = tpu.memref_slice %arg6[%dma_wait3A_79, %dma_wait3A_80] : memref<10240x128xf32, #tpu.memory_space<vmem_shared>> -> memref<10240x128xf32, #tpu.memory_space<vmem_shared>>
    tpu.wait_indirect_dma semaphore(%arg25 : memref<!tpu.dma_semaphore, #tpu.memory_space<semaphore_mem>>) src(%arg17 : memref<80x128xf32, #tpu.memory_space<vmem>>) dst(%dma_wait3A_81 : memref<10240x128xf32, #tpu.memory_space<vmem_shared>>)
    %add3A_82 = arith.constant 480 : i32
    %add3A_83 = arith.addi %mul3A_4, %add3A_82 : i32
    "tpu.region"() ({
      %run_scoped3A = tpu.sem_alloc : memref<!tpu.dma_semaphore, #tpu.memory_space<semaphore_mem>>
      %dma_start3A_171 = tpu.memref_slice %arg3[%add3A_83] : memref<640000xi32, #tpu.memory_space<hbm>> -> memref<80xi32, #tpu.memory_space<hbm>>
      %dma_start3A_172 = tpu.memref_slice %arg3[%add3A_83] : memref<640000xi32, #tpu.memory_space<hbm>> -> memref<80xi32, #tpu.memory_space<hbm>>
      tpu.enqueue_dma source(%dma_start3A_172 : memref<80xi32, #tpu.memory_space<hbm>>) target(%arg9 : memref<80xi32, #tpu.memory_space<vmem>>) target_semaphore(%run_scoped3A : memref<!tpu.dma_semaphore, #tpu.memory_space<semaphore_mem>>)
      %dma_wait3A_173 = tpu.memref_slice %arg3[%add3A_83] : memref<640000xi32, #tpu.memory_space<hbm>> -> memref<80xi32, #tpu.memory_space<hbm>>
      %dma_wait3A_174 = tpu.memref_slice %arg3[%add3A_83] : memref<640000xi32, #tpu.memory_space<hbm>> -> memref<80xi32, #tpu.memory_space<hbm>>
      tpu.wait_dma2 semaphore(%run_scoped3A : memref<!tpu.dma_semaphore, #tpu.memory_space<semaphore_mem>>) src(%dma_wait3A_174 : memref<80xi32, #tpu.memory_space<hbm>>) dst(%arg9 : memref<80xi32, #tpu.memory_space<vmem>>)
      tpu.yield
    }) : () -> ()
    %dma_start3A_84 = arith.constant 0 : i32
    %dma_start3A_85 = arith.constant 0 : i32
    %dma_start3A_86 = tpu.memref_slice %arg2[%dma_start3A_84, %dma_start3A_85] : memref<10000x128xf32, #tpu.memory_space<hbm>> -> memref<10000x128xf32, #tpu.memory_space<hbm>>
    tpu.enqueue_indirect_dma source(%dma_start3A_86 : memref<10000x128xf32, #tpu.memory_space<hbm>>) target(%arg17 : memref<80x128xf32, #tpu.memory_space<vmem>>) offsets(%arg9 : memref<80xi32, #tpu.memory_space<vmem>>) semaphore(%arg21 : memref<!tpu.dma_semaphore, #tpu.memory_space<semaphore_mem>>)
    %scan3A = arith.constant 0 : i32
    %scan3A_87 = arith.constant 0 : i32
    %scan3A_88 = arith.constant 29 : i32
    %scan3A_89 = arith.addi %scan3A_87, %scan3A_88 : i32
    %scan3A_90 = arith.constant 1 : i32
    scf.for %scan3A_171 = %scan3A_87 to %scan3A_89 step %scan3A_90  : i32 {
      %mul3A_172 = arith.constant 4 : i32
      %mul3A_173 = arith.muli %mul3A_172, %scan3A_171 : i32
      %add3A_174 = arith.constant 4 : i32
      %add3A_175 = arith.addi %add3A_174, %mul3A_173 : i32
      %add3A_176 = arith.constant 0 : i32
      %add3A_177 = arith.addi %add3A_175, %add3A_176 : i32
      %dma_wait3A_178 = arith.constant 0 : i32
      %dma_wait3A_179 = arith.constant 0 : i32
      %dma_wait3A_180 = tpu.memref_slice %arg2[%dma_wait3A_178, %dma_wait3A_179] : memref<10000x128xf32, #tpu.memory_space<hbm>> -> memref<10000x128xf32, #tpu.memory_space<hbm>>
      tpu.wait_indirect_dma semaphore(%arg19 : memref<!tpu.dma_semaphore, #tpu.memory_space<semaphore_mem>>) src(%dma_wait3A_180 : memref<10000x128xf32, #tpu.memory_space<hbm>>) dst(%arg15 : memref<80x128xf32, #tpu.memory_space<vmem>>)
      %add3A_181 = arith.constant 320000 : i32
      %add3A_182 = arith.addi %add3A_181, %mul3A_4 : i32
      %mul3A_183 = arith.constant 80 : i32
      %mul3A_184 = arith.muli %add3A_177, %mul3A_183 : i32
      %add3A_185 = arith.addi %add3A_182, %mul3A_184 : i32
      "tpu.region"() ({
        %run_scoped3A = tpu.sem_alloc : memref<!tpu.dma_semaphore, #tpu.memory_space<semaphore_mem>>
        %dma_start3A_284 = tpu.memref_slice %arg3[%add3A_185] : memref<640000xi32, #tpu.memory_space<hbm>> -> memref<80xi32, #tpu.memory_space<hbm>>
        %dma_start3A_285 = tpu.memref_slice %arg3[%add3A_185] : memref<640000xi32, #tpu.memory_space<hbm>> -> memref<80xi32, #tpu.memory_space<hbm>>
        tpu.enqueue_dma source(%dma_start3A_285 : memref<80xi32, #tpu.memory_space<hbm>>) target(%arg11 : memref<80xi32, #tpu.memory_space<vmem>>) target_semaphore(%run_scoped3A : memref<!tpu.dma_semaphore, #tpu.memory_space<semaphore_mem>>)
        %dma_wait3A_286 = tpu.memref_slice %arg3[%add3A_185] : memref<640000xi32, #tpu.memory_space<hbm>> -> memref<80xi32, #tpu.memory_space<hbm>>
        %dma_wait3A_287 = tpu.memref_slice %arg3[%add3A_185] : memref<640000xi32, #tpu.memory_space<hbm>> -> memref<80xi32, #tpu.memory_space<hbm>>
        tpu.wait_dma2 semaphore(%run_scoped3A : memref<!tpu.dma_semaphore, #tpu.memory_space<semaphore_mem>>) src(%dma_wait3A_287 : memref<80xi32, #tpu.memory_space<hbm>>) dst(%arg11 : memref<80xi32, #tpu.memory_space<vmem>>)
        tpu.yield
      }) : () -> ()
      %dma_start3A_186 = arith.constant 0 : i32
      %dma_start3A_187 = arith.constant 0 : i32
      %dma_start3A_188 = tpu.memref_slice %arg6[%dma_start3A_186, %dma_start3A_187] : memref<10240x128xf32, #tpu.memory_space<vmem_shared>> -> memref<10240x128xf32, #tpu.memory_space<vmem_shared>>
      tpu.enqueue_indirect_dma source(%arg15 : memref<80x128xf32, #tpu.memory_space<vmem>>) target(%dma_start3A_188 : memref<10240x128xf32, #tpu.memory_space<vmem_shared>>) offsets(%arg11 : memref<80xi32, #tpu.memory_space<vmem>>) semaphore(%arg23 : memref<!tpu.dma_semaphore, #tpu.memory_space<semaphore_mem>>) {add = true}
      %dma_wait3A_189 = arith.constant 0 : i32
      %dma_wait3A_190 = arith.constant 0 : i32
      %dma_wait3A_191 = tpu.memref_slice %arg6[%dma_wait3A_189, %dma_wait3A_190] : memref<10240x128xf32, #tpu.memory_space<vmem_shared>> -> memref<10240x128xf32, #tpu.memory_space<vmem_shared>>
      tpu.wait_indirect_dma semaphore(%arg26 : memref<!tpu.dma_semaphore, #tpu.memory_space<semaphore_mem>>) src(%arg18 : memref<80x128xf32, #tpu.memory_space<vmem>>) dst(%dma_wait3A_191 : memref<10240x128xf32, #tpu.memory_space<vmem_shared>>)
      %add3A_192 = arith.constant 3 : i32
      %add3A_193 = arith.addi %add3A_177, %add3A_192 : i32
      %mul3A_194 = arith.constant 80 : i32
      %mul3A_195 = arith.muli %add3A_193, %mul3A_194 : i32
      %add3A_196 = arith.addi %mul3A_4, %mul3A_195 : i32
      "tpu.region"() ({
        %run_scoped3A = tpu.sem_alloc : memref<!tpu.dma_semaphore, #tpu.memory_space<semaphore_mem>>
        %dma_start3A_284 = tpu.memref_slice %arg3[%add3A_196] : memref<640000xi32, #tpu.memory_space<hbm>> -> memref<80xi32, #tpu.memory_space<hbm>>
        %dma_start3A_285 = tpu.memref_slice %arg3[%add3A_196] : memref<640000xi32, #tpu.memory_space<hbm>> -> memref<80xi32, #tpu.memory_space<hbm>>
        tpu.enqueue_dma source(%dma_start3A_285 : memref<80xi32, #tpu.memory_space<hbm>>) target(%arg10 : memref<80xi32, #tpu.memory_space<vmem>>) target_semaphore(%run_scoped3A : memref<!tpu.dma_semaphore, #tpu.memory_space<semaphore_mem>>)
        %dma_wait3A_286 = tpu.memref_slice %arg3[%add3A_196] : memref<640000xi32, #tpu.memory_space<hbm>> -> memref<80xi32, #tpu.memory_space<hbm>>
        %dma_wait3A_287 = tpu.memref_slice %arg3[%add3A_196] : memref<640000xi32, #tpu.memory_space<hbm>> -> memref<80xi32, #tpu.memory_space<hbm>>
        tpu.wait_dma2 semaphore(%run_scoped3A : memref<!tpu.dma_semaphore, #tpu.memory_space<semaphore_mem>>) src(%dma_wait3A_287 : memref<80xi32, #tpu.memory_space<hbm>>) dst(%arg10 : memref<80xi32, #tpu.memory_space<vmem>>)
        tpu.yield
      }) : () -> ()
      %dma_start3A_197 = arith.constant 0 : i32
      %dma_start3A_198 = arith.constant 0 : i32
      %dma_start3A_199 = tpu.memref_slice %arg2[%dma_start3A_197, %dma_start3A_198] : memref<10000x128xf32, #tpu.memory_space<hbm>> -> memref<10000x128xf32, #tpu.memory_space<hbm>>
      tpu.enqueue_indirect_dma source(%dma_start3A_199 : memref<10000x128xf32, #tpu.memory_space<hbm>>) target(%arg18 : memref<80x128xf32, #tpu.memory_space<vmem>>) offsets(%arg10 : memref<80xi32, #tpu.memory_space<vmem>>) semaphore(%arg22 : memref<!tpu.dma_semaphore, #tpu.memory_space<semaphore_mem>>)
      %mul3A_200 = arith.constant 4 : i32
      %mul3A_201 = arith.muli %mul3A_200, %scan3A_171 : i32
      %add3A_202 = arith.constant 4 : i32
      %add3A_203 = arith.addi %add3A_202, %mul3A_201 : i32
      %add3A_204 = arith.constant 1 : i32
      %add3A_205 = arith.addi %add3A_203, %add3A_204 : i32
      %dma_wait3A_206 = arith.constant 0 : i32
      %dma_wait3A_207 = arith.constant 0 : i32
      %dma_wait3A_208 = tpu.memref_slice %arg2[%dma_wait3A_206, %dma_wait3A_207] : memref<10000x128xf32, #tpu.memory_space<hbm>> -> memref<10000x128xf32, #tpu.memory_space<hbm>>
      tpu.wait_indirect_dma semaphore(%arg20 : memref<!tpu.dma_semaphore, #tpu.memory_space<semaphore_mem>>) src(%dma_wait3A_208 : memref<10000x128xf32, #tpu.memory_space<hbm>>) dst(%arg16 : memref<80x128xf32, #tpu.memory_space<vmem>>)
      %add3A_209 = arith.constant 320000 : i32
      %add3A_210 = arith.addi %add3A_209, %mul3A_4 : i32
      %mul3A_211 = arith.constant 80 : i32
      %mul3A_212 = arith.muli %add3A_205, %mul3A_211 : i32
      %add3A_213 = arith.addi %add3A_210, %mul3A_212 : i32
      "tpu.region"() ({
        %run_scoped3A = tpu.sem_alloc : memref<!tpu.dma_semaphore, #tpu.memory_space<semaphore_mem>>
        %dma_start3A_284 = tpu.memref_slice %arg3[%add3A_213] : memref<640000xi32, #tpu.memory_space<hbm>> -> memref<80xi32, #tpu.memory_space<hbm>>
        %dma_start3A_285 = tpu.memref_slice %arg3[%add3A_213] : memref<640000xi32, #tpu.memory_space<hbm>> -> memref<80xi32, #tpu.memory_space<hbm>>
        tpu.enqueue_dma source(%dma_start3A_285 : memref<80xi32, #tpu.memory_space<hbm>>) target(%arg12 : memref<80xi32, #tpu.memory_space<vmem>>) target_semaphore(%run_scoped3A : memref<!tpu.dma_semaphore, #tpu.memory_space<semaphore_mem>>)
        %dma_wait3A_286 = tpu.memref_slice %arg3[%add3A_213] : memref<640000xi32, #tpu.memory_space<hbm>> -> memref<80xi32, #tpu.memory_space<hbm>>
        %dma_wait3A_287 = tpu.memref_slice %arg3[%add3A_213] : memref<640000xi32, #tpu.memory_space<hbm>> -> memref<80xi32, #tpu.memory_space<hbm>>
        tpu.wait_dma2 semaphore(%run_scoped3A : memref<!tpu.dma_semaphore, #tpu.memory_space<semaphore_mem>>) src(%dma_wait3A_287 : memref<80xi32, #tpu.memory_space<hbm>>) dst(%arg12 : memref<80xi32, #tpu.memory_space<vmem>>)
        tpu.yield
      }) : () -> ()
      %dma_start3A_214 = arith.constant 0 : i32
      %dma_start3A_215 = arith.constant 0 : i32
      %dma_start3A_216 = tpu.memref_slice %arg6[%dma_start3A_214, %dma_start3A_215] : memref<10240x128xf32, #tpu.memory_space<vmem_shared>> -> memref<10240x128xf32, #tpu.memory_space<vmem_shared>>
      tpu.enqueue_indirect_dma source(%arg16 : memref<80x128xf32, #tpu.memory_space<vmem>>) target(%dma_start3A_216 : memref<10240x128xf32, #tpu.memory_space<vmem_shared>>) offsets(%arg12 : memref<80xi32, #tpu.memory_space<vmem>>) semaphore(%arg24 : memref<!tpu.dma_semaphore, #tpu.memory_space<semaphore_mem>>) {add = true}
      %dma_wait3A_217 = arith.constant 0 : i32
      %dma_wait3A_218 = arith.constant 0 : i32
      %dma_wait3A_219 = tpu.memref_slice %arg6[%dma_wait3A_217, %dma_wait3A_218] : memref<10240x128xf32, #tpu.memory_space<vmem_shared>> -> memref<10240x128xf32, #tpu.memory_space<vmem_shared>>
      tpu.wait_indirect_dma semaphore(%arg23 : memref<!tpu.dma_semaphore, #tpu.memory_space<semaphore_mem>>) src(%arg15 : memref<80x128xf32, #tpu.memory_space<vmem>>) dst(%dma_wait3A_219 : memref<10240x128xf32, #tpu.memory_space<vmem_shared>>)
      %add3A_220 = arith.constant 3 : i32
      %add3A_221 = arith.addi %add3A_205, %add3A_220 : i32
      %mul3A_222 = arith.constant 80 : i32
      %mul3A_223 = arith.muli %add3A_221, %mul3A_222 : i32
      %add3A_224 = arith.addi %mul3A_4, %mul3A_223 : i32
      "tpu.region"() ({
        %run_scoped3A = tpu.sem_alloc : memref<!tpu.dma_semaphore, #tpu.memory_space<semaphore_mem>>
        %dma_start3A_284 = tpu.memref_slice %arg3[%add3A_224] : memref<640000xi32, #tpu.memory_space<hbm>> -> memref<80xi32, #tpu.memory_space<hbm>>
        %dma_start3A_285 = tpu.memref_slice %arg3[%add3A_224] : memref<640000xi32, #tpu.memory_space<hbm>> -> memref<80xi32, #tpu.memory_space<hbm>>
        tpu.enqueue_dma source(%dma_start3A_285 : memref<80xi32, #tpu.memory_space<hbm>>) target(%arg7 : memref<80xi32, #tpu.memory_space<vmem>>) target_semaphore(%run_scoped3A : memref<!tpu.dma_semaphore, #tpu.memory_space<semaphore_mem>>)
        %dma_wait3A_286 = tpu.memref_slice %arg3[%add3A_224] : memref<640000xi32, #tpu.memory_space<hbm>> -> memref<80xi32, #tpu.memory_space<hbm>>
        %dma_wait3A_287 = tpu.memref_slice %arg3[%add3A_224] : memref<640000xi32, #tpu.memory_space<hbm>> -> memref<80xi32, #tpu.memory_space<hbm>>
        tpu.wait_dma2 semaphore(%run_scoped3A : memref<!tpu.dma_semaphore, #tpu.memory_space<semaphore_mem>>) src(%dma_wait3A_287 : memref<80xi32, #tpu.memory_space<hbm>>) dst(%arg7 : memref<80xi32, #tpu.memory_space<vmem>>)
        tpu.yield
      }) : () -> ()
      %dma_start3A_225 = arith.constant 0 : i32
      %dma_start3A_226 = arith.constant 0 : i32
      %dma_start3A_227 = tpu.memref_slice %arg2[%dma_start3A_225, %dma_start3A_226] : memref<10000x128xf32, #tpu.memory_space<hbm>> -> memref<10000x128xf32, #tpu.memory_space<hbm>>
      tpu.enqueue_indirect_dma source(%dma_start3A_227 : memref<10000x128xf32, #tpu.memory_space<hbm>>) target(%arg15 : memref<80x128xf32, #tpu.memory_space<vmem>>) offsets(%arg7 : memref<80xi32, #tpu.memory_space<vmem>>) semaphore(%arg19 : memref<!tpu.dma_semaphore, #tpu.memory_space<semaphore_mem>>)
      %mul3A_228 = arith.constant 4 : i32
      %mul3A_229 = arith.muli %mul3A_228, %scan3A_171 : i32
      %add3A_230 = arith.constant 4 : i32
      %add3A_231 = arith.addi %add3A_230, %mul3A_229 : i32
      %add3A_232 = arith.constant 2 : i32
      %add3A_233 = arith.addi %add3A_231, %add3A_232 : i32
      %dma_wait3A_234 = arith.constant 0 : i32
      %dma_wait3A_235 = arith.constant 0 : i32
      %dma_wait3A_236 = tpu.memref_slice %arg2[%dma_wait3A_234, %dma_wait3A_235] : memref<10000x128xf32, #tpu.memory_space<hbm>> -> memref<10000x128xf32, #tpu.memory_space<hbm>>
      tpu.wait_indirect_dma semaphore(%arg21 : memref<!tpu.dma_semaphore, #tpu.memory_space<semaphore_mem>>) src(%dma_wait3A_236 : memref<10000x128xf32, #tpu.memory_space<hbm>>) dst(%arg17 : memref<80x128xf32, #tpu.memory_space<vmem>>)
      %add3A_237 = arith.constant 320000 : i32
      %add3A_238 = arith.addi %add3A_237, %mul3A_4 : i32
      %mul3A_239 = arith.constant 80 : i32
      %mul3A_240 = arith.muli %add3A_233, %mul3A_239 : i32
      %add3A_241 = arith.addi %add3A_238, %mul3A_240 : i32
      "tpu.region"() ({
        %run_scoped3A = tpu.sem_alloc : memref<!tpu.dma_semaphore, #tpu.memory_space<semaphore_mem>>
        %dma_start3A_284 = tpu.memref_slice %arg3[%add3A_241] : memref<640000xi32, #tpu.memory_space<hbm>> -> memref<80xi32, #tpu.memory_space<hbm>>
        %dma_start3A_285 = tpu.memref_slice %arg3[%add3A_241] : memref<640000xi32, #tpu.memory_space<hbm>> -> memref<80xi32, #tpu.memory_space<hbm>>
        tpu.enqueue_dma source(%dma_start3A_285 : memref<80xi32, #tpu.memory_space<hbm>>) target(%arg13 : memref<80xi32, #tpu.memory_space<vmem>>) target_semaphore(%run_scoped3A : memref<!tpu.dma_semaphore, #tpu.memory_space<semaphore_mem>>)
        %dma_wait3A_286 = tpu.memref_slice %arg3[%add3A_241] : memref<640000xi32, #tpu.memory_space<hbm>> -> memref<80xi32, #tpu.memory_space<hbm>>
        %dma_wait3A_287 = tpu.memref_slice %arg3[%add3A_241] : memref<640000xi32, #tpu.memory_space<hbm>> -> memref<80xi32, #tpu.memory_space<hbm>>
        tpu.wait_dma2 semaphore(%run_scoped3A : memref<!tpu.dma_semaphore, #tpu.memory_space<semaphore_mem>>) src(%dma_wait3A_287 : memref<80xi32, #tpu.memory_space<hbm>>) dst(%arg13 : memref<80xi32, #tpu.memory_space<vmem>>)
        tpu.yield
      }) : () -> ()
      %dma_start3A_242 = arith.constant 0 : i32
      %dma_start3A_243 = arith.constant 0 : i32
      %dma_start3A_244 = tpu.memref_slice %arg6[%dma_start3A_242, %dma_start3A_243] : memref<10240x128xf32, #tpu.memory_space<vmem_shared>> -> memref<10240x128xf32, #tpu.memory_space<vmem_shared>>
      tpu.enqueue_indirect_dma source(%arg17 : memref<80x128xf32, #tpu.memory_space<vmem>>) target(%dma_start3A_244 : memref<10240x128xf32, #tpu.memory_space<vmem_shared>>) offsets(%arg13 : memref<80xi32, #tpu.memory_space<vmem>>) semaphore(%arg25 : memref<!tpu.dma_semaphore, #tpu.memory_space<semaphore_mem>>) {add = true}
      %dma_wait3A_245 = arith.constant 0 : i32
      %dma_wait3A_246 = arith.constant 0 : i32
      %dma_wait3A_247 = tpu.memref_slice %arg6[%dma_wait3A_245, %dma_wait3A_246] : memref<10240x128xf32, #tpu.memory_space<vmem_shared>> -> memref<10240x128xf32, #tpu.memory_space<vmem_shared>>
      tpu.wait_indirect_dma semaphore(%arg24 : memref<!tpu.dma_semaphore, #tpu.memory_space<semaphore_mem>>) src(%arg16 : memref<80x128xf32, #tpu.memory_space<vmem>>) dst(%dma_wait3A_247 : memref<10240x128xf32, #tpu.memory_space<vmem_shared>>)
      %add3A_248 = arith.constant 3 : i32
      %add3A_249 = arith.addi %add3A_233, %add3A_248 : i32
      %mul3A_250 = arith.constant 80 : i32
      %mul3A_251 = arith.muli %add3A_249, %mul3A_250 : i32
      %add3A_252 = arith.addi %mul3A_4, %mul3A_251 : i32
      "tpu.region"() ({
        %run_scoped3A = tpu.sem_alloc : memref<!tpu.dma_semaphore, #tpu.memory_space<semaphore_mem>>
        %dma_start3A_284 = tpu.memref_slice %arg3[%add3A_252] : memref<640000xi32, #tpu.memory_space<hbm>> -> memref<80xi32, #tpu.memory_space<hbm>>
        %dma_start3A_285 = tpu.memref_slice %arg3[%add3A_252] : memref<640000xi32, #tpu.memory_space<hbm>> -> memref<80xi32, #tpu.memory_space<hbm>>
        tpu.enqueue_dma source(%dma_start3A_285 : memref<80xi32, #tpu.memory_space<hbm>>) target(%arg8 : memref<80xi32, #tpu.memory_space<vmem>>) target_semaphore(%run_scoped3A : memref<!tpu.dma_semaphore, #tpu.memory_space<semaphore_mem>>)
        %dma_wait3A_286 = tpu.memref_slice %arg3[%add3A_252] : memref<640000xi32, #tpu.memory_space<hbm>> -> memref<80xi32, #tpu.memory_space<hbm>>
        %dma_wait3A_287 = tpu.memref_slice %arg3[%add3A_252] : memref<640000xi32, #tpu.memory_space<hbm>> -> memref<80xi32, #tpu.memory_space<hbm>>
        tpu.wait_dma2 semaphore(%run_scoped3A : memref<!tpu.dma_semaphore, #tpu.memory_space<semaphore_mem>>) src(%dma_wait3A_287 : memref<80xi32, #tpu.memory_space<hbm>>) dst(%arg8 : memref<80xi32, #tpu.memory_space<vmem>>)
        tpu.yield
      }) : () -> ()
      %dma_start3A_253 = arith.constant 0 : i32
      %dma_start3A_254 = arith.constant 0 : i32
      %dma_start3A_255 = tpu.memref_slice %arg2[%dma_start3A_253, %dma_start3A_254] : memref<10000x128xf32, #tpu.memory_space<hbm>> -> memref<10000x128xf32, #tpu.memory_space<hbm>>
      tpu.enqueue_indirect_dma source(%dma_start3A_255 : memref<10000x128xf32, #tpu.memory_space<hbm>>) target(%arg16 : memref<80x128xf32, #tpu.memory_space<vmem>>) offsets(%arg8 : memref<80xi32, #tpu.memory_space<vmem>>) semaphore(%arg20 : memref<!tpu.dma_semaphore, #tpu.memory_space<semaphore_mem>>)
      %mul3A_256 = arith.constant 4 : i32
      %mul3A_257 = arith.muli %mul3A_256, %scan3A_171 : i32
      %add3A_258 = arith.constant 4 : i32
      %add3A_259 = arith.addi %add3A_258, %mul3A_257 : i32
      %add3A_260 = arith.constant 3 : i32
      %add3A_261 = arith.addi %add3A_259, %add3A_260 : i32
      %dma_wait3A_262 = arith.constant 0 : i32
      %dma_wait3A_263 = arith.constant 0 : i32
      %dma_wait3A_264 = tpu.memref_slice %arg2[%dma_wait3A_262, %dma_wait3A_263] : memref<10000x128xf32, #tpu.memory_space<hbm>> -> memref<10000x128xf32, #tpu.memory_space<hbm>>
      tpu.wait_indirect_dma semaphore(%arg22 : memref<!tpu.dma_semaphore, #tpu.memory_space<semaphore_mem>>) src(%dma_wait3A_264 : memref<10000x128xf32, #tpu.memory_space<hbm>>) dst(%arg18 : memref<80x128xf32, #tpu.memory_space<vmem>>)
      %add3A_265 = arith.constant 320000 : i32
      %add3A_266 = arith.addi %add3A_265, %mul3A_4 : i32
      %mul3A_267 = arith.constant 80 : i32
      %mul3A_268 = arith.muli %add3A_261, %mul3A_267 : i32
      %add3A_269 = arith.addi %add3A_266, %mul3A_268 : i32
      "tpu.region"() ({
        %run_scoped3A = tpu.sem_alloc : memref<!tpu.dma_semaphore, #tpu.memory_space<semaphore_mem>>
        %dma_start3A_284 = tpu.memref_slice %arg3[%add3A_269] : memref<640000xi32, #tpu.memory_space<hbm>> -> memref<80xi32, #tpu.memory_space<hbm>>
        %dma_start3A_285 = tpu.memref_slice %arg3[%add3A_269] : memref<640000xi32, #tpu.memory_space<hbm>> -> memref<80xi32, #tpu.memory_space<hbm>>
        tpu.enqueue_dma source(%dma_start3A_285 : memref<80xi32, #tpu.memory_space<hbm>>) target(%arg14 : memref<80xi32, #tpu.memory_space<vmem>>) target_semaphore(%run_scoped3A : memref<!tpu.dma_semaphore, #tpu.memory_space<semaphore_mem>>)
        %dma_wait3A_286 = tpu.memref_slice %arg3[%add3A_269] : memref<640000xi32, #tpu.memory_space<hbm>> -> memref<80xi32, #tpu.memory_space<hbm>>
        %dma_wait3A_287 = tpu.memref_slice %arg3[%add3A_269] : memref<640000xi32, #tpu.memory_space<hbm>> -> memref<80xi32, #tpu.memory_space<hbm>>
        tpu.wait_dma2 semaphore(%run_scoped3A : memref<!tpu.dma_semaphore, #tpu.memory_space<semaphore_mem>>) src(%dma_wait3A_287 : memref<80xi32, #tpu.memory_space<hbm>>) dst(%arg14 : memref<80xi32, #tpu.memory_space<vmem>>)
        tpu.yield
      }) : () -> ()
      %dma_start3A_270 = arith.constant 0 : i32
      %dma_start3A_271 = arith.constant 0 : i32
      %dma_start3A_272 = tpu.memref_slice %arg6[%dma_start3A_270, %dma_start3A_271] : memref<10240x128xf32, #tpu.memory_space<vmem_shared>> -> memref<10240x128xf32, #tpu.memory_space<vmem_shared>>
      tpu.enqueue_indirect_dma source(%arg18 : memref<80x128xf32, #tpu.memory_space<vmem>>) target(%dma_start3A_272 : memref<10240x128xf32, #tpu.memory_space<vmem_shared>>) offsets(%arg14 : memref<80xi32, #tpu.memory_space<vmem>>) semaphore(%arg26 : memref<!tpu.dma_semaphore, #tpu.memory_space<semaphore_mem>>) {add = true}
      %dma_wait3A_273 = arith.constant 0 : i32
      %dma_wait3A_274 = arith.constant 0 : i32
      %dma_wait3A_275 = tpu.memref_slice %arg6[%dma_wait3A_273, %dma_wait3A_274] : memref<10240x128xf32, #tpu.memory_space<vmem_shared>> -> memref<10240x128xf32, #tpu.memory_space<vmem_shared>>
      tpu.wait_indirect_dma semaphore(%arg25 : memref<!tpu.dma_semaphore, #tpu.memory_space<semaphore_mem>>) src(%arg17 : memref<80x128xf32, #tpu.memory_space<vmem>>) dst(%dma_wait3A_275 : memref<10240x128xf32, #tpu.memory_space<vmem_shared>>)
      %add3A_276 = arith.constant 3 : i32
      %add3A_277 = arith.addi %add3A_261, %add3A_276 : i32
      %mul3A_278 = arith.constant 80 : i32
      %mul3A_279 = arith.muli %add3A_277, %mul3A_278 : i32
      %add3A_280 = arith.addi %mul3A_4, %mul3A_279 : i32
      "tpu.region"() ({
        %run_scoped3A = tpu.sem_alloc : memref<!tpu.dma_semaphore, #tpu.memory_space<semaphore_mem>>
        %dma_start3A_284 = tpu.memref_slice %arg3[%add3A_280] : memref<640000xi32, #tpu.memory_space<hbm>> -> memref<80xi32, #tpu.memory_space<hbm>>
        %dma_start3A_285 = tpu.memref_slice %arg3[%add3A_280] : memref<640000xi32, #tpu.memory_space<hbm>> -> memref<80xi32, #tpu.memory_space<hbm>>
        tpu.enqueue_dma source(%dma_start3A_285 : memref<80xi32, #tpu.memory_space<hbm>>) target(%arg9 : memref<80xi32, #tpu.memory_space<vmem>>) target_semaphore(%run_scoped3A : memref<!tpu.dma_semaphore, #tpu.memory_space<semaphore_mem>>)
        %dma_wait3A_286 = tpu.memref_slice %arg3[%add3A_280] : memref<640000xi32, #tpu.memory_space<hbm>> -> memref<80xi32, #tpu.memory_space<hbm>>
        %dma_wait3A_287 = tpu.memref_slice %arg3[%add3A_280] : memref<640000xi32, #tpu.memory_space<hbm>> -> memref<80xi32, #tpu.memory_space<hbm>>
        tpu.wait_dma2 semaphore(%run_scoped3A : memref<!tpu.dma_semaphore, #tpu.memory_space<semaphore_mem>>) src(%dma_wait3A_287 : memref<80xi32, #tpu.memory_space<hbm>>) dst(%arg9 : memref<80xi32, #tpu.memory_space<vmem>>)
        tpu.yield
      }) : () -> ()
      %dma_start3A_281 = arith.constant 0 : i32
      %dma_start3A_282 = arith.constant 0 : i32
      %dma_start3A_283 = tpu.memref_slice %arg2[%dma_start3A_281, %dma_start3A_282] : memref<10000x128xf32, #tpu.memory_space<hbm>> -> memref<10000x128xf32, #tpu.memory_space<hbm>>
      tpu.enqueue_indirect_dma source(%dma_start3A_283 : memref<10000x128xf32, #tpu.memory_space<hbm>>) target(%arg17 : memref<80x128xf32, #tpu.memory_space<vmem>>) offsets(%arg9 : memref<80xi32, #tpu.memory_space<vmem>>) semaphore(%arg21 : memref<!tpu.dma_semaphore, #tpu.memory_space<semaphore_mem>>)
    }
    %scan3A_91 = arith.constant 29 : i32
    %dma_wait3A_92 = arith.constant 0 : i32
    %dma_wait3A_93 = arith.constant 0 : i32
    %dma_wait3A_94 = tpu.memref_slice %arg2[%dma_wait3A_92, %dma_wait3A_93] : memref<10000x128xf32, #tpu.memory_space<hbm>> -> memref<10000x128xf32, #tpu.memory_space<hbm>>
    tpu.wait_indirect_dma semaphore(%arg19 : memref<!tpu.dma_semaphore, #tpu.memory_space<semaphore_mem>>) src(%dma_wait3A_94 : memref<10000x128xf32, #tpu.memory_space<hbm>>) dst(%arg15 : memref<80x128xf32, #tpu.memory_space<vmem>>)
    %add3A_95 = arith.constant 320000 : i32
    %add3A_96 = arith.addi %add3A_95, %mul3A_4 : i32
    %add3A_97 = arith.constant 9600 : i32
    %add3A_98 = arith.addi %add3A_96, %add3A_97 : i32
    "tpu.region"() ({
      %run_scoped3A = tpu.sem_alloc : memref<!tpu.dma_semaphore, #tpu.memory_space<semaphore_mem>>
      %dma_start3A_171 = tpu.memref_slice %arg3[%add3A_98] : memref<640000xi32, #tpu.memory_space<hbm>> -> memref<80xi32, #tpu.memory_space<hbm>>
      %dma_start3A_172 = tpu.memref_slice %arg3[%add3A_98] : memref<640000xi32, #tpu.memory_space<hbm>> -> memref<80xi32, #tpu.memory_space<hbm>>
      tpu.enqueue_dma source(%dma_start3A_172 : memref<80xi32, #tpu.memory_space<hbm>>) target(%arg11 : memref<80xi32, #tpu.memory_space<vmem>>) target_semaphore(%run_scoped3A : memref<!tpu.dma_semaphore, #tpu.memory_space<semaphore_mem>>)
      %dma_wait3A_173 = tpu.memref_slice %arg3[%add3A_98] : memref<640000xi32, #tpu.memory_space<hbm>> -> memref<80xi32, #tpu.memory_space<hbm>>
      %dma_wait3A_174 = tpu.memref_slice %arg3[%add3A_98] : memref<640000xi32, #tpu.memory_space<hbm>> -> memref<80xi32, #tpu.memory_space<hbm>>
      tpu.wait_dma2 semaphore(%run_scoped3A : memref<!tpu.dma_semaphore, #tpu.memory_space<semaphore_mem>>) src(%dma_wait3A_174 : memref<80xi32, #tpu.memory_space<hbm>>) dst(%arg11 : memref<80xi32, #tpu.memory_space<vmem>>)
      tpu.yield
    }) : () -> ()
    %dma_start3A_99 = arith.constant 0 : i32
    %dma_start3A_100 = arith.constant 0 : i32
    %dma_start3A_101 = tpu.memref_slice %arg6[%dma_start3A_99, %dma_start3A_100] : memref<10240x128xf32, #tpu.memory_space<vmem_shared>> -> memref<10240x128xf32, #tpu.memory_space<vmem_shared>>
    tpu.enqueue_indirect_dma source(%arg15 : memref<80x128xf32, #tpu.memory_space<vmem>>) target(%dma_start3A_101 : memref<10240x128xf32, #tpu.memory_space<vmem_shared>>) offsets(%arg11 : memref<80xi32, #tpu.memory_space<vmem>>) semaphore(%arg23 : memref<!tpu.dma_semaphore, #tpu.memory_space<semaphore_mem>>) {add = true}
    %dma_wait3A_102 = arith.constant 0 : i32
    %dma_wait3A_103 = arith.constant 0 : i32
    %dma_wait3A_104 = tpu.memref_slice %arg6[%dma_wait3A_102, %dma_wait3A_103] : memref<10240x128xf32, #tpu.memory_space<vmem_shared>> -> memref<10240x128xf32, #tpu.memory_space<vmem_shared>>
    tpu.wait_indirect_dma semaphore(%arg26 : memref<!tpu.dma_semaphore, #tpu.memory_space<semaphore_mem>>) src(%arg18 : memref<80x128xf32, #tpu.memory_space<vmem>>) dst(%dma_wait3A_104 : memref<10240x128xf32, #tpu.memory_space<vmem_shared>>)
    %add3A_105 = arith.constant 9840 : i32
    %add3A_106 = arith.addi %mul3A_4, %add3A_105 : i32
    "tpu.region"() ({
      %run_scoped3A = tpu.sem_alloc : memref<!tpu.dma_semaphore, #tpu.memory_space<semaphore_mem>>
      %dma_start3A_171 = tpu.memref_slice %arg3[%add3A_106] : memref<640000xi32, #tpu.memory_space<hbm>> -> memref<80xi32, #tpu.memory_space<hbm>>
      %dma_start3A_172 = tpu.memref_slice %arg3[%add3A_106] : memref<640000xi32, #tpu.memory_space<hbm>> -> memref<80xi32, #tpu.memory_space<hbm>>
      tpu.enqueue_dma source(%dma_start3A_172 : memref<80xi32, #tpu.memory_space<hbm>>) target(%arg10 : memref<80xi32, #tpu.memory_space<vmem>>) target_semaphore(%run_scoped3A : memref<!tpu.dma_semaphore, #tpu.memory_space<semaphore_mem>>)
      %dma_wait3A_173 = tpu.memref_slice %arg3[%add3A_106] : memref<640000xi32, #tpu.memory_space<hbm>> -> memref<80xi32, #tpu.memory_space<hbm>>
      %dma_wait3A_174 = tpu.memref_slice %arg3[%add3A_106] : memref<640000xi32, #tpu.memory_space<hbm>> -> memref<80xi32, #tpu.memory_space<hbm>>
      tpu.wait_dma2 semaphore(%run_scoped3A : memref<!tpu.dma_semaphore, #tpu.memory_space<semaphore_mem>>) src(%dma_wait3A_174 : memref<80xi32, #tpu.memory_space<hbm>>) dst(%arg10 : memref<80xi32, #tpu.memory_space<vmem>>)
      tpu.yield
    }) : () -> ()
    %dma_start3A_107 = arith.constant 0 : i32
    %dma_start3A_108 = arith.constant 0 : i32
    %dma_start3A_109 = tpu.memref_slice %arg2[%dma_start3A_107, %dma_start3A_108] : memref<10000x128xf32, #tpu.memory_space<hbm>> -> memref<10000x128xf32, #tpu.memory_space<hbm>>
    tpu.enqueue_indirect_dma source(%dma_start3A_109 : memref<10000x128xf32, #tpu.memory_space<hbm>>) target(%arg18 : memref<80x128xf32, #tpu.memory_space<vmem>>) offsets(%arg10 : memref<80xi32, #tpu.memory_space<vmem>>) semaphore(%arg22 : memref<!tpu.dma_semaphore, #tpu.memory_space<semaphore_mem>>)
    %dma_wait3A_110 = arith.constant 0 : i32
    %dma_wait3A_111 = arith.constant 0 : i32
    %dma_wait3A_112 = tpu.memref_slice %arg2[%dma_wait3A_110, %dma_wait3A_111] : memref<10000x128xf32, #tpu.memory_space<hbm>> -> memref<10000x128xf32, #tpu.memory_space<hbm>>
    tpu.wait_indirect_dma semaphore(%arg20 : memref<!tpu.dma_semaphore, #tpu.memory_space<semaphore_mem>>) src(%dma_wait3A_112 : memref<10000x128xf32, #tpu.memory_space<hbm>>) dst(%arg16 : memref<80x128xf32, #tpu.memory_space<vmem>>)
    %add3A_113 = arith.constant 320000 : i32
    %add3A_114 = arith.addi %add3A_113, %mul3A_4 : i32
    %add3A_115 = arith.constant 9680 : i32
    %add3A_116 = arith.addi %add3A_114, %add3A_115 : i32
    "tpu.region"() ({
      %run_scoped3A = tpu.sem_alloc : memref<!tpu.dma_semaphore, #tpu.memory_space<semaphore_mem>>
      %dma_start3A_171 = tpu.memref_slice %arg3[%add3A_116] : memref<640000xi32, #tpu.memory_space<hbm>> -> memref<80xi32, #tpu.memory_space<hbm>>
      %dma_start3A_172 = tpu.memref_slice %arg3[%add3A_116] : memref<640000xi32, #tpu.memory_space<hbm>> -> memref<80xi32, #tpu.memory_space<hbm>>
      tpu.enqueue_dma source(%dma_start3A_172 : memref<80xi32, #tpu.memory_space<hbm>>) target(%arg12 : memref<80xi32, #tpu.memory_space<vmem>>) target_semaphore(%run_scoped3A : memref<!tpu.dma_semaphore, #tpu.memory_space<semaphore_mem>>)
      %dma_wait3A_173 = tpu.memref_slice %arg3[%add3A_116] : memref<640000xi32, #tpu.memory_space<hbm>> -> memref<80xi32, #tpu.memory_space<hbm>>
      %dma_wait3A_174 = tpu.memref_slice %arg3[%add3A_116] : memref<640000xi32, #tpu.memory_space<hbm>> -> memref<80xi32, #tpu.memory_space<hbm>>
      tpu.wait_dma2 semaphore(%run_scoped3A : memref<!tpu.dma_semaphore, #tpu.memory_space<semaphore_mem>>) src(%dma_wait3A_174 : memref<80xi32, #tpu.memory_space<hbm>>) dst(%arg12 : memref<80xi32, #tpu.memory_space<vmem>>)
      tpu.yield
    }) : () -> ()
    %dma_start3A_117 = arith.constant 0 : i32
    %dma_start3A_118 = arith.constant 0 : i32
    %dma_start3A_119 = tpu.memref_slice %arg6[%dma_start3A_117, %dma_start3A_118] : memref<10240x128xf32, #tpu.memory_space<vmem_shared>> -> memref<10240x128xf32, #tpu.memory_space<vmem_shared>>
    tpu.enqueue_indirect_dma source(%arg16 : memref<80x128xf32, #tpu.memory_space<vmem>>) target(%dma_start3A_119 : memref<10240x128xf32, #tpu.memory_space<vmem_shared>>) offsets(%arg12 : memref<80xi32, #tpu.memory_space<vmem>>) semaphore(%arg24 : memref<!tpu.dma_semaphore, #tpu.memory_space<semaphore_mem>>) {add = true}
    %dma_wait3A_120 = arith.constant 0 : i32
    %dma_wait3A_121 = arith.constant 0 : i32
    %dma_wait3A_122 = tpu.memref_slice %arg6[%dma_wait3A_120, %dma_wait3A_121] : memref<10240x128xf32, #tpu.memory_space<vmem_shared>> -> memref<10240x128xf32, #tpu.memory_space<vmem_shared>>
    tpu.wait_indirect_dma semaphore(%arg23 : memref<!tpu.dma_semaphore, #tpu.memory_space<semaphore_mem>>) src(%arg15 : memref<80x128xf32, #tpu.memory_space<vmem>>) dst(%dma_wait3A_122 : memref<10240x128xf32, #tpu.memory_space<vmem_shared>>)
    %add3A_123 = arith.constant 9920 : i32
    %add3A_124 = arith.addi %mul3A_4, %add3A_123 : i32
    "tpu.region"() ({
      %run_scoped3A = tpu.sem_alloc : memref<!tpu.dma_semaphore, #tpu.memory_space<semaphore_mem>>
      %dma_start3A_171 = tpu.memref_slice %arg3[%add3A_124] : memref<640000xi32, #tpu.memory_space<hbm>> -> memref<80xi32, #tpu.memory_space<hbm>>
      %dma_start3A_172 = tpu.memref_slice %arg3[%add3A_124] : memref<640000xi32, #tpu.memory_space<hbm>> -> memref<80xi32, #tpu.memory_space<hbm>>
      tpu.enqueue_dma source(%dma_start3A_172 : memref<80xi32, #tpu.memory_space<hbm>>) target(%arg7 : memref<80xi32, #tpu.memory_space<vmem>>) target_semaphore(%run_scoped3A : memref<!tpu.dma_semaphore, #tpu.memory_space<semaphore_mem>>)
      %dma_wait3A_173 = tpu.memref_slice %arg3[%add3A_124] : memref<640000xi32, #tpu.memory_space<hbm>> -> memref<80xi32, #tpu.memory_space<hbm>>
      %dma_wait3A_174 = tpu.memref_slice %arg3[%add3A_124] : memref<640000xi32, #tpu.memory_space<hbm>> -> memref<80xi32, #tpu.memory_space<hbm>>
      tpu.wait_dma2 semaphore(%run_scoped3A : memref<!tpu.dma_semaphore, #tpu.memory_space<semaphore_mem>>) src(%dma_wait3A_174 : memref<80xi32, #tpu.memory_space<hbm>>) dst(%arg7 : memref<80xi32, #tpu.memory_space<vmem>>)
      tpu.yield
    }) : () -> ()
    %dma_start3A_125 = arith.constant 0 : i32
    %dma_start3A_126 = arith.constant 0 : i32
    %dma_start3A_127 = tpu.memref_slice %arg2[%dma_start3A_125, %dma_start3A_126] : memref<10000x128xf32, #tpu.memory_space<hbm>> -> memref<10000x128xf32, #tpu.memory_space<hbm>>
    tpu.enqueue_indirect_dma source(%dma_start3A_127 : memref<10000x128xf32, #tpu.memory_space<hbm>>) target(%arg15 : memref<80x128xf32, #tpu.memory_space<vmem>>) offsets(%arg7 : memref<80xi32, #tpu.memory_space<vmem>>) semaphore(%arg19 : memref<!tpu.dma_semaphore, #tpu.memory_space<semaphore_mem>>)
    %dma_wait3A_128 = arith.constant 0 : i32
    %dma_wait3A_129 = arith.constant 0 : i32
    %dma_wait3A_130 = tpu.memref_slice %arg2[%dma_wait3A_128, %dma_wait3A_129] : memref<10000x128xf32, #tpu.memory_space<hbm>> -> memref<10000x128xf32, #tpu.memory_space<hbm>>
    tpu.wait_indirect_dma semaphore(%arg21 : memref<!tpu.dma_semaphore, #tpu.memory_space<semaphore_mem>>) src(%dma_wait3A_130 : memref<10000x128xf32, #tpu.memory_space<hbm>>) dst(%arg17 : memref<80x128xf32, #tpu.memory_space<vmem>>)
    %add3A_131 = arith.constant 320000 : i32
    %add3A_132 = arith.addi %add3A_131, %mul3A_4 : i32
    %add3A_133 = arith.constant 9760 : i32
    %add3A_134 = arith.addi %add3A_132, %add3A_133 : i32
    "tpu.region"() ({
      %run_scoped3A = tpu.sem_alloc : memref<!tpu.dma_semaphore, #tpu.memory_space<semaphore_mem>>
      %dma_start3A_171 = tpu.memref_slice %arg3[%add3A_134] : memref<640000xi32, #tpu.memory_space<hbm>> -> memref<80xi32, #tpu.memory_space<hbm>>
      %dma_start3A_172 = tpu.memref_slice %arg3[%add3A_134] : memref<640000xi32, #tpu.memory_space<hbm>> -> memref<80xi32, #tpu.memory_space<hbm>>
      tpu.enqueue_dma source(%dma_start3A_172 : memref<80xi32, #tpu.memory_space<hbm>>) target(%arg13 : memref<80xi32, #tpu.memory_space<vmem>>) target_semaphore(%run_scoped3A : memref<!tpu.dma_semaphore, #tpu.memory_space<semaphore_mem>>)
      %dma_wait3A_173 = tpu.memref_slice %arg3[%add3A_134] : memref<640000xi32, #tpu.memory_space<hbm>> -> memref<80xi32, #tpu.memory_space<hbm>>
      %dma_wait3A_174 = tpu.memref_slice %arg3[%add3A_134] : memref<640000xi32, #tpu.memory_space<hbm>> -> memref<80xi32, #tpu.memory_space<hbm>>
      tpu.wait_dma2 semaphore(%run_scoped3A : memref<!tpu.dma_semaphore, #tpu.memory_space<semaphore_mem>>) src(%dma_wait3A_174 : memref<80xi32, #tpu.memory_space<hbm>>) dst(%arg13 : memref<80xi32, #tpu.memory_space<vmem>>)
      tpu.yield
    }) : () -> ()
    %dma_start3A_135 = arith.constant 0 : i32
    %dma_start3A_136 = arith.constant 0 : i32
    %dma_start3A_137 = tpu.memref_slice %arg6[%dma_start3A_135, %dma_start3A_136] : memref<10240x128xf32, #tpu.memory_space<vmem_shared>> -> memref<10240x128xf32, #tpu.memory_space<vmem_shared>>
    tpu.enqueue_indirect_dma source(%arg17 : memref<80x128xf32, #tpu.memory_space<vmem>>) target(%dma_start3A_137 : memref<10240x128xf32, #tpu.memory_space<vmem_shared>>) offsets(%arg13 : memref<80xi32, #tpu.memory_space<vmem>>) semaphore(%arg25 : memref<!tpu.dma_semaphore, #tpu.memory_space<semaphore_mem>>) {add = true}
    %dma_wait3A_138 = arith.constant 0 : i32
    %dma_wait3A_139 = arith.constant 0 : i32
    %dma_wait3A_140 = tpu.memref_slice %arg2[%dma_wait3A_138, %dma_wait3A_139] : memref<10000x128xf32, #tpu.memory_space<hbm>> -> memref<10000x128xf32, #tpu.memory_space<hbm>>
    tpu.wait_indirect_dma semaphore(%arg22 : memref<!tpu.dma_semaphore, #tpu.memory_space<semaphore_mem>>) src(%dma_wait3A_140 : memref<10000x128xf32, #tpu.memory_space<hbm>>) dst(%arg18 : memref<80x128xf32, #tpu.memory_space<vmem>>)
    %add3A_141 = arith.constant 320000 : i32
    %add3A_142 = arith.addi %add3A_141, %mul3A_4 : i32
    %add3A_143 = arith.constant 9840 : i32
    %add3A_144 = arith.addi %add3A_142, %add3A_143 : i32
    "tpu.region"() ({
      %run_scoped3A = tpu.sem_alloc : memref<!tpu.dma_semaphore, #tpu.memory_space<semaphore_mem>>
      %dma_start3A_171 = tpu.memref_slice %arg3[%add3A_144] : memref<640000xi32, #tpu.memory_space<hbm>> -> memref<80xi32, #tpu.memory_space<hbm>>
      %dma_start3A_172 = tpu.memref_slice %arg3[%add3A_144] : memref<640000xi32, #tpu.memory_space<hbm>> -> memref<80xi32, #tpu.memory_space<hbm>>
      tpu.enqueue_dma source(%dma_start3A_172 : memref<80xi32, #tpu.memory_space<hbm>>) target(%arg14 : memref<80xi32, #tpu.memory_space<vmem>>) target_semaphore(%run_scoped3A : memref<!tpu.dma_semaphore, #tpu.memory_space<semaphore_mem>>)
      %dma_wait3A_173 = tpu.memref_slice %arg3[%add3A_144] : memref<640000xi32, #tpu.memory_space<hbm>> -> memref<80xi32, #tpu.memory_space<hbm>>
      %dma_wait3A_174 = tpu.memref_slice %arg3[%add3A_144] : memref<640000xi32, #tpu.memory_space<hbm>> -> memref<80xi32, #tpu.memory_space<hbm>>
      tpu.wait_dma2 semaphore(%run_scoped3A : memref<!tpu.dma_semaphore, #tpu.memory_space<semaphore_mem>>) src(%dma_wait3A_174 : memref<80xi32, #tpu.memory_space<hbm>>) dst(%arg14 : memref<80xi32, #tpu.memory_space<vmem>>)
      tpu.yield
    }) : () -> ()
    %dma_start3A_145 = arith.constant 0 : i32
    %dma_start3A_146 = arith.constant 0 : i32
    %dma_start3A_147 = tpu.memref_slice %arg6[%dma_start3A_145, %dma_start3A_146] : memref<10240x128xf32, #tpu.memory_space<vmem_shared>> -> memref<10240x128xf32, #tpu.memory_space<vmem_shared>>
    tpu.enqueue_indirect_dma source(%arg18 : memref<80x128xf32, #tpu.memory_space<vmem>>) target(%dma_start3A_147 : memref<10240x128xf32, #tpu.memory_space<vmem_shared>>) offsets(%arg14 : memref<80xi32, #tpu.memory_space<vmem>>) semaphore(%arg26 : memref<!tpu.dma_semaphore, #tpu.memory_space<semaphore_mem>>) {add = true}
    %dma_wait3A_148 = arith.constant 0 : i32
    %dma_wait3A_149 = arith.constant 0 : i32
    %dma_wait3A_150 = tpu.memref_slice %arg2[%dma_wait3A_148, %dma_wait3A_149] : memref<10000x128xf32, #tpu.memory_space<hbm>> -> memref<10000x128xf32, #tpu.memory_space<hbm>>
    tpu.wait_indirect_dma semaphore(%arg19 : memref<!tpu.dma_semaphore, #tpu.memory_space<semaphore_mem>>) src(%dma_wait3A_150 : memref<10000x128xf32, #tpu.memory_space<hbm>>) dst(%arg15 : memref<80x128xf32, #tpu.memory_space<vmem>>)
    %add3A_151 = arith.constant 320000 : i32
    %add3A_152 = arith.addi %add3A_151, %mul3A_4 : i32
    %add3A_153 = arith.constant 9920 : i32
    %add3A_154 = arith.addi %add3A_152, %add3A_153 : i32
    "tpu.region"() ({
      %run_scoped3A = tpu.sem_alloc : memref<!tpu.dma_semaphore, #tpu.memory_space<semaphore_mem>>
      %dma_start3A_171 = tpu.memref_slice %arg3[%add3A_154] : memref<640000xi32, #tpu.memory_space<hbm>> -> memref<80xi32, #tpu.memory_space<hbm>>
      %dma_start3A_172 = tpu.memref_slice %arg3[%add3A_154] : memref<640000xi32, #tpu.memory_space<hbm>> -> memref<80xi32, #tpu.memory_space<hbm>>
      tpu.enqueue_dma source(%dma_start3A_172 : memref<80xi32, #tpu.memory_space<hbm>>) target(%arg11 : memref<80xi32, #tpu.memory_space<vmem>>) target_semaphore(%run_scoped3A : memref<!tpu.dma_semaphore, #tpu.memory_space<semaphore_mem>>)
      %dma_wait3A_173 = tpu.memref_slice %arg3[%add3A_154] : memref<640000xi32, #tpu.memory_space<hbm>> -> memref<80xi32, #tpu.memory_space<hbm>>
      %dma_wait3A_174 = tpu.memref_slice %arg3[%add3A_154] : memref<640000xi32, #tpu.memory_space<hbm>> -> memref<80xi32, #tpu.memory_space<hbm>>
      tpu.wait_dma2 semaphore(%run_scoped3A : memref<!tpu.dma_semaphore, #tpu.memory_space<semaphore_mem>>) src(%dma_wait3A_174 : memref<80xi32, #tpu.memory_space<hbm>>) dst(%arg11 : memref<80xi32, #tpu.memory_space<vmem>>)
      tpu.yield
    }) : () -> ()
    %dma_start3A_155 = arith.constant 0 : i32
    %dma_start3A_156 = arith.constant 0 : i32
    %dma_start3A_157 = tpu.memref_slice %arg6[%dma_start3A_155, %dma_start3A_156] : memref<10240x128xf32, #tpu.memory_space<vmem_shared>> -> memref<10240x128xf32, #tpu.memory_space<vmem_shared>>
    tpu.enqueue_indirect_dma source(%arg15 : memref<80x128xf32, #tpu.memory_space<vmem>>) target(%dma_start3A_157 : memref<10240x128xf32, #tpu.memory_space<vmem_shared>>) offsets(%arg11 : memref<80xi32, #tpu.memory_space<vmem>>) semaphore(%arg23 : memref<!tpu.dma_semaphore, #tpu.memory_space<semaphore_mem>>) {add = true}
    %dma_wait3A_158 = arith.constant 0 : i32
    %dma_wait3A_159 = arith.constant 0 : i32
    %dma_wait3A_160 = tpu.memref_slice %arg6[%dma_wait3A_158, %dma_wait3A_159] : memref<10240x128xf32, #tpu.memory_space<vmem_shared>> -> memref<10240x128xf32, #tpu.memory_space<vmem_shared>>
    tpu.wait_indirect_dma semaphore(%arg24 : memref<!tpu.dma_semaphore, #tpu.memory_space<semaphore_mem>>) src(%arg16 : memref<80x128xf32, #tpu.memory_space<vmem>>) dst(%dma_wait3A_160 : memref<10240x128xf32, #tpu.memory_space<vmem_shared>>)
    %dma_wait3A_161 = arith.constant 0 : i32
    %dma_wait3A_162 = arith.constant 0 : i32
    %dma_wait3A_163 = tpu.memref_slice %arg6[%dma_wait3A_161, %dma_wait3A_162] : memref<10240x128xf32, #tpu.memory_space<vmem_shared>> -> memref<10240x128xf32, #tpu.memory_space<vmem_shared>>
    tpu.wait_indirect_dma semaphore(%arg25 : memref<!tpu.dma_semaphore, #tpu.memory_space<semaphore_mem>>) src(%arg17 : memref<80x128xf32, #tpu.memory_space<vmem>>) dst(%dma_wait3A_163 : memref<10240x128xf32, #tpu.memory_space<vmem_shared>>)
    %dma_wait3A_164 = arith.constant 0 : i32
    %dma_wait3A_165 = arith.constant 0 : i32
    %dma_wait3A_166 = tpu.memref_slice %arg6[%dma_wait3A_164, %dma_wait3A_165] : memref<10240x128xf32, #tpu.memory_space<vmem_shared>> -> memref<10240x128xf32, #tpu.memory_space<vmem_shared>>
    tpu.wait_indirect_dma semaphore(%arg26 : memref<!tpu.dma_semaphore, #tpu.memory_space<semaphore_mem>>) src(%arg18 : memref<80x128xf32, #tpu.memory_space<vmem>>) dst(%dma_wait3A_166 : memref<10240x128xf32, #tpu.memory_space<vmem_shared>>)
    %dma_wait3A_167 = arith.constant 0 : i32
    %dma_wait3A_168 = arith.constant 0 : i32
    %dma_wait3A_169 = tpu.memref_slice %arg6[%dma_wait3A_167, %dma_wait3A_168] : memref<10240x128xf32, #tpu.memory_space<vmem_shared>> -> memref<10240x128xf32, #tpu.memory_space<vmem_shared>>
    tpu.wait_indirect_dma semaphore(%arg23 : memref<!tpu.dma_semaphore, #tpu.memory_space<semaphore_mem>>) src(%arg15 : memref<80x128xf32, #tpu.memory_space<vmem>>) dst(%dma_wait3A_169 : memref<10240x128xf32, #tpu.memory_space<vmem_shared>>)
    %barrier3A_170 = arith.constant 0 : index
    tpu.barrier barrier_id(%barrier3A_170)
    "tpu.region"() ({
      %run_scoped3A = tpu.sem_alloc : memref<!tpu.dma_semaphore, #tpu.memory_space<semaphore_mem>>
      %dma_start3A_171 = arith.constant 0 : i32
      %dma_start3A_172 = tpu.memref_slice %arg5[%arg0, %mul3A_0, %dma_start3A_171] : memref<2x10240x128xf32, #tpu.memory_space<hbm>> -> memref<1x640x128xf32, #tpu.memory_space<hbm>>
      %dma_start3A_173 = tpu.memref_squeeze %dma_start3A_172 : memref<1x640x128xf32, #tpu.memory_space<hbm>> -> memref<640x128xf32, #tpu.memory_space<hbm>>
      %dma_start3A_174 = arith.constant 0 : i32
      %dma_start3A_175 = tpu.memref_slice %arg6[%mul3A_0, %dma_start3A_174] : memref<10240x128xf32, #tpu.memory_space<vmem_shared>> -> memref<640x128xf32, #tpu.memory_space<vmem_shared>>
      tpu.enqueue_dma source(%dma_start3A_175 : memref<640x128xf32, #tpu.memory_space<vmem_shared>>) target(%dma_start3A_173 : memref<640x128xf32, #tpu.memory_space<hbm>>) target_semaphore(%run_scoped3A : memref<!tpu.dma_semaphore, #tpu.memory_space<semaphore_mem>>)
      %dma_wait3A_176 = arith.constant 0 : i32
      %dma_wait3A_177 = tpu.memref_slice %arg5[%arg0, %mul3A_0, %dma_wait3A_176] : memref<2x10240x128xf32, #tpu.memory_space<hbm>> -> memref<1x640x128xf32, #tpu.memory_space<hbm>>
      %dma_wait3A_178 = tpu.memref_squeeze %dma_wait3A_177 : memref<1x640x128xf32, #tpu.memory_space<hbm>> -> memref<640x128xf32, #tpu.memory_space<hbm>>
      %dma_wait3A_179 = arith.constant 0 : i32
      %dma_wait3A_180 = tpu.memref_slice %arg6[%mul3A_0, %dma_wait3A_179] : memref<10240x128xf32, #tpu.memory_space<vmem_shared>> -> memref<640x128xf32, #tpu.memory_space<vmem_shared>>
      tpu.wait_dma2 semaphore(%run_scoped3A : memref<!tpu.dma_semaphore, #tpu.memory_space<semaphore_mem>>) src(%dma_wait3A_180 : memref<640x128xf32, #tpu.memory_space<vmem_shared>>) dst(%dma_wait3A_178 : memref<640x128xf32, #tpu.memory_space<hbm>>)
      tpu.yield
    }) : () -> ()
    return
  }
}

#map = affine_map<(d0, d1) -> (0)>
#map1 = affine_map<(d0, d1) -> (0, 0)>
#map2 = affine_map<(d0, d1) -> (0, 0, 0)>
module attributes {stable_mosaic.version = 14 : i64} {
  func.func @_deg_body(%arg0: i32, %arg1: i32, %arg2: memref<640000xi32, #tpu.memory_space<hbm>>, %arg3: memref<10240x128xf32, #tpu.memory_space<hbm>>, %arg4: memref<2x160x128xf32, #tpu.memory_space<hbm>>, %arg5: memref<80x128xf32, #tpu.memory_space<vmem>>, %arg6: memref<80x128xf32, #tpu.memory_space<vmem>>, %arg7: memref<2000xi32, #tpu.memory_space<vmem>>, %arg8: memref<2000xi32, #tpu.memory_space<vmem>>, %arg9: memref<80xi32, #tpu.memory_space<vmem>>, %arg10: memref<80xi32, #tpu.memory_space<vmem>>, %arg11: memref<160x128xf32, #tpu.memory_space<vmem_shared>>) attributes {dimension_semantics = [#tpu.dimension_semantics<core_parallel>, #tpu.dimension_semantics<subcore_parallel>], iteration_bounds = array<i64: 2, 16>, scalar_prefetch = 0 : i64, scratch_operands = 7 : i64, tpu.core_type = #tpu.core_type<sc_vector_subcore>, window_params = [{transform_indices = #map}, {transform_indices = #map1}, {transform_indices = #map2}]} {
    "tpu.region"() ({
      %run_scoped3A = tpu.sem_alloc : memref<!tpu.dma_semaphore, #tpu.memory_space<semaphore_mem>>
      %dma_start3A = arith.constant 0 : i32
      %dma_start3A_69 = arith.constant 0 : i32
      %dma_start3A_70 = tpu.memref_slice %arg3[%dma_start3A, %dma_start3A_69] : memref<10240x128xf32, #tpu.memory_space<hbm>> -> memref<80x128xf32, #tpu.memory_space<hbm>>
      %dma_start3A_71 = arith.constant 0 : i32
      %dma_start3A_72 = arith.constant 0 : i32
      %dma_start3A_73 = tpu.memref_slice %arg3[%dma_start3A_71, %dma_start3A_72] : memref<10240x128xf32, #tpu.memory_space<hbm>> -> memref<80x128xf32, #tpu.memory_space<hbm>>
      tpu.enqueue_dma source(%dma_start3A_73 : memref<80x128xf32, #tpu.memory_space<hbm>>) target(%arg5 : memref<80x128xf32, #tpu.memory_space<vmem>>) target_semaphore(%run_scoped3A : memref<!tpu.dma_semaphore, #tpu.memory_space<semaphore_mem>>)
      %dma_wait3A = arith.constant 0 : i32
      %dma_wait3A_74 = arith.constant 0 : i32
      %dma_wait3A_75 = tpu.memref_slice %arg3[%dma_wait3A, %dma_wait3A_74] : memref<10240x128xf32, #tpu.memory_space<hbm>> -> memref<80x128xf32, #tpu.memory_space<hbm>>
      %dma_wait3A_76 = arith.constant 0 : i32
      %dma_wait3A_77 = arith.constant 0 : i32
      %dma_wait3A_78 = tpu.memref_slice %arg3[%dma_wait3A_76, %dma_wait3A_77] : memref<10240x128xf32, #tpu.memory_space<hbm>> -> memref<80x128xf32, #tpu.memory_space<hbm>>
      tpu.wait_dma2 semaphore(%run_scoped3A : memref<!tpu.dma_semaphore, #tpu.memory_space<semaphore_mem>>) src(%dma_wait3A_78 : memref<80x128xf32, #tpu.memory_space<hbm>>) dst(%arg5 : memref<80x128xf32, #tpu.memory_space<vmem>>)
      tpu.yield
    }) : () -> ()
    "tpu.region"() ({
      %run_scoped3A = tpu.sem_alloc : memref<!tpu.dma_semaphore, #tpu.memory_space<semaphore_mem>>
      %dma_start3A = arith.constant 0 : i32
      %dma_start3A_69 = arith.constant 0 : i32
      %dma_start3A_70 = tpu.memref_slice %arg3[%dma_start3A, %dma_start3A_69] : memref<10240x128xf32, #tpu.memory_space<hbm>> -> memref<80x128xf32, #tpu.memory_space<hbm>>
      %dma_start3A_71 = arith.constant 0 : i32
      %dma_start3A_72 = arith.constant 0 : i32
      %dma_start3A_73 = tpu.memref_slice %arg3[%dma_start3A_71, %dma_start3A_72] : memref<10240x128xf32, #tpu.memory_space<hbm>> -> memref<80x128xf32, #tpu.memory_space<hbm>>
      tpu.enqueue_dma source(%dma_start3A_73 : memref<80x128xf32, #tpu.memory_space<hbm>>) target(%arg6 : memref<80x128xf32, #tpu.memory_space<vmem>>) target_semaphore(%run_scoped3A : memref<!tpu.dma_semaphore, #tpu.memory_space<semaphore_mem>>)
      %dma_wait3A = arith.constant 0 : i32
      %dma_wait3A_74 = arith.constant 0 : i32
      %dma_wait3A_75 = tpu.memref_slice %arg3[%dma_wait3A, %dma_wait3A_74] : memref<10240x128xf32, #tpu.memory_space<hbm>> -> memref<80x128xf32, #tpu.memory_space<hbm>>
      %dma_wait3A_76 = arith.constant 0 : i32
      %dma_wait3A_77 = arith.constant 0 : i32
      %dma_wait3A_78 = tpu.memref_slice %arg3[%dma_wait3A_76, %dma_wait3A_77] : memref<10240x128xf32, #tpu.memory_space<hbm>> -> memref<80x128xf32, #tpu.memory_space<hbm>>
      tpu.wait_dma2 semaphore(%run_scoped3A : memref<!tpu.dma_semaphore, #tpu.memory_space<semaphore_mem>>) src(%dma_wait3A_78 : memref<80x128xf32, #tpu.memory_space<hbm>>) dst(%arg6 : memref<80x128xf32, #tpu.memory_space<vmem>>)
      tpu.yield
    }) : () -> ()
    %lt3A = arith.constant 10 : i32
    %lt3A_0 = arith.cmpi slt, %arg1, %lt3A : i32
    %convert_element_type3A = arith.extui %lt3A_0 : i1 to i32
    %cond3A = arith.constant 0 : i32
    %cond3A_1 = arith.cmpi ne, %convert_element_type3A, %cond3A : i32
    scf.if %cond3A_1 {
      %mul3A_69 = arith.constant 16 : i32
      %mul3A_70 = arith.muli %arg1, %mul3A_69 : i32
      "tpu.region"() ({
        %run_scoped3A = tpu.sem_alloc : memref<!tpu.dma_semaphore, #tpu.memory_space<semaphore_mem>>
        %dma_start3A = arith.constant 0 : i32
        %dma_start3A_71 = tpu.memref_slice %arg11[%mul3A_70, %dma_start3A] : memref<160x128xf32, #tpu.memory_space<vmem_shared>> -> memref<16x128xf32, #tpu.memory_space<vmem_shared>>
        %dma_start3A_72 = arith.constant 0 : i32
        %dma_start3A_73 = arith.constant 0 : i32
        %dma_start3A_74 = tpu.memref_slice %arg3[%dma_start3A_72, %dma_start3A_73] : memref<10240x128xf32, #tpu.memory_space<hbm>> -> memref<16x128xf32, #tpu.memory_space<hbm>>
        tpu.enqueue_dma source(%dma_start3A_74 : memref<16x128xf32, #tpu.memory_space<hbm>>) target(%dma_start3A_71 : memref<16x128xf32, #tpu.memory_space<vmem_shared>>) target_semaphore(%run_scoped3A : memref<!tpu.dma_semaphore, #tpu.memory_space<semaphore_mem>>)
        %dma_wait3A = arith.constant 0 : i32
        %dma_wait3A_75 = tpu.memref_slice %arg11[%mul3A_70, %dma_wait3A] : memref<160x128xf32, #tpu.memory_space<vmem_shared>> -> memref<16x128xf32, #tpu.memory_space<vmem_shared>>
        %dma_wait3A_76 = arith.constant 0 : i32
        %dma_wait3A_77 = arith.constant 0 : i32
        %dma_wait3A_78 = tpu.memref_slice %arg3[%dma_wait3A_76, %dma_wait3A_77] : memref<10240x128xf32, #tpu.memory_space<hbm>> -> memref<16x128xf32, #tpu.memory_space<hbm>>
        tpu.wait_dma2 semaphore(%run_scoped3A : memref<!tpu.dma_semaphore, #tpu.memory_space<semaphore_mem>>) src(%dma_wait3A_78 : memref<16x128xf32, #tpu.memory_space<hbm>>) dst(%dma_wait3A_75 : memref<16x128xf32, #tpu.memory_space<vmem_shared>>)
        tpu.yield
      }) : () -> ()
    } else {
    }
    %iota3A = tpu.iota {dimensions = array<i32: 0>} : vector<16xi32>
    %add3A = arith.constant 0 : i32
    %add3A_2 = vector.broadcast %add3A : i32 to vector<16xi32>
    %add3A_3 = arith.addi %iota3A, %add3A_2 : vector<16xi32>
    %swap3A = arith.constant 0 : index
    %swap3A_4 = tpu.vector_load %arg9[%swap3A] {strides = array<i32>} : memref<80xi32, #tpu.memory_space<vmem>>, vector<16xi32>,
    tpu.vector_store %arg9[%swap3A], %add3A_3 {strides = array<i32>} : memref<80xi32, #tpu.memory_space<vmem>>, vector<16xi32>,
    %add3A_5 = arith.constant 80 : i32
    %add3A_6 = vector.broadcast %add3A_5 : i32 to vector<16xi32>
    %add3A_7 = arith.addi %add3A_3, %add3A_6 : vector<16xi32>
    %swap3A_8 = arith.constant 0 : index
    %swap3A_9 = tpu.vector_load %arg10[%swap3A_8] {strides = array<i32>} : memref<80xi32, #tpu.memory_space<vmem>>, vector<16xi32>,
    tpu.vector_store %arg10[%swap3A_8], %add3A_7 {strides = array<i32>} : memref<80xi32, #tpu.memory_space<vmem>>, vector<16xi32>,
    %iota3A_10 = tpu.iota {dimensions = array<i32: 0>} : vector<16xi32>
    %add3A_11 = arith.constant 16 : i32
    %add3A_12 = vector.broadcast %add3A_11 : i32 to vector<16xi32>
    %add3A_13 = arith.addi %iota3A_10, %add3A_12 : vector<16xi32>
    %swap3A_14 = arith.constant 16 : index
    %swap3A_15 = tpu.vector_load %arg9[%swap3A_14] {strides = array<i32>} : memref<80xi32, #tpu.memory_space<vmem>>, vector<16xi32>,
    tpu.vector_store %arg9[%swap3A_14], %add3A_13 {strides = array<i32>} : memref<80xi32, #tpu.memory_space<vmem>>, vector<16xi32>,
    %add3A_16 = arith.constant 80 : i32
    %add3A_17 = vector.broadcast %add3A_16 : i32 to vector<16xi32>
    %add3A_18 = arith.addi %add3A_13, %add3A_17 : vector<16xi32>
    %swap3A_19 = arith.constant 16 : index
    %swap3A_20 = tpu.vector_load %arg10[%swap3A_19] {strides = array<i32>} : memref<80xi32, #tpu.memory_space<vmem>>, vector<16xi32>,
    tpu.vector_store %arg10[%swap3A_19], %add3A_18 {strides = array<i32>} : memref<80xi32, #tpu.memory_space<vmem>>, vector<16xi32>,
    %iota3A_21 = tpu.iota {dimensions = array<i32: 0>} : vector<16xi32>
    %add3A_22 = arith.constant 32 : i32
    %add3A_23 = vector.broadcast %add3A_22 : i32 to vector<16xi32>
    %add3A_24 = arith.addi %iota3A_21, %add3A_23 : vector<16xi32>
    %swap3A_25 = arith.constant 32 : index
    %swap3A_26 = tpu.vector_load %arg9[%swap3A_25] {strides = array<i32>} : memref<80xi32, #tpu.memory_space<vmem>>, vector<16xi32>,
    tpu.vector_store %arg9[%swap3A_25], %add3A_24 {strides = array<i32>} : memref<80xi32, #tpu.memory_space<vmem>>, vector<16xi32>,
    %add3A_27 = arith.constant 80 : i32
    %add3A_28 = vector.broadcast %add3A_27 : i32 to vector<16xi32>
    %add3A_29 = arith.addi %add3A_24, %add3A_28 : vector<16xi32>
    %swap3A_30 = arith.constant 32 : index
    %swap3A_31 = tpu.vector_load %arg10[%swap3A_30] {strides = array<i32>} : memref<80xi32, #tpu.memory_space<vmem>>, vector<16xi32>,
    tpu.vector_store %arg10[%swap3A_30], %add3A_29 {strides = array<i32>} : memref<80xi32, #tpu.memory_space<vmem>>, vector<16xi32>,
    %iota3A_32 = tpu.iota {dimensions = array<i32: 0>} : vector<16xi32>
    %add3A_33 = arith.constant 48 : i32
    %add3A_34 = vector.broadcast %add3A_33 : i32 to vector<16xi32>
    %add3A_35 = arith.addi %iota3A_32, %add3A_34 : vector<16xi32>
    %swap3A_36 = arith.constant 48 : index
    %swap3A_37 = tpu.vector_load %arg9[%swap3A_36] {strides = array<i32>} : memref<80xi32, #tpu.memory_space<vmem>>, vector<16xi32>,
    tpu.vector_store %arg9[%swap3A_36], %add3A_35 {strides = array<i32>} : memref<80xi32, #tpu.memory_space<vmem>>, vector<16xi32>,
    %add3A_38 = arith.constant 80 : i32
    %add3A_39 = vector.broadcast %add3A_38 : i32 to vector<16xi32>
    %add3A_40 = arith.addi %add3A_35, %add3A_39 : vector<16xi32>
    %swap3A_41 = arith.constant 48 : index
    %swap3A_42 = tpu.vector_load %arg10[%swap3A_41] {strides = array<i32>} : memref<80xi32, #tpu.memory_space<vmem>>, vector<16xi32>,
    tpu.vector_store %arg10[%swap3A_41], %add3A_40 {strides = array<i32>} : memref<80xi32, #tpu.memory_space<vmem>>, vector<16xi32>,
    %iota3A_43 = tpu.iota {dimensions = array<i32: 0>} : vector<16xi32>
    %add3A_44 = arith.constant 64 : i32
    %add3A_45 = vector.broadcast %add3A_44 : i32 to vector<16xi32>
    %add3A_46 = arith.addi %iota3A_43, %add3A_45 : vector<16xi32>
    %swap3A_47 = arith.constant 64 : index
    %swap3A_48 = tpu.vector_load %arg9[%swap3A_47] {strides = array<i32>} : memref<80xi32, #tpu.memory_space<vmem>>, vector<16xi32>,
    tpu.vector_store %arg9[%swap3A_47], %add3A_46 {strides = array<i32>} : memref<80xi32, #tpu.memory_space<vmem>>, vector<16xi32>,
    %add3A_49 = arith.constant 80 : i32
    %add3A_50 = vector.broadcast %add3A_49 : i32 to vector<16xi32>
    %add3A_51 = arith.addi %add3A_46, %add3A_50 : vector<16xi32>
    %swap3A_52 = arith.constant 64 : index
    %swap3A_53 = tpu.vector_load %arg10[%swap3A_52] {strides = array<i32>} : memref<80xi32, #tpu.memory_space<vmem>>, vector<16xi32>,
    tpu.vector_store %arg10[%swap3A_52], %add3A_51 {strides = array<i32>} : memref<80xi32, #tpu.memory_space<vmem>>, vector<16xi32>,
    %barrier3A = arith.constant 0 : index
    tpu.barrier barrier_id(%barrier3A)
    %mul3A = arith.constant 16 : i32
    %mul3A_54 = arith.muli %arg0, %mul3A : i32
    %add3A_55 = arith.addi %mul3A_54, %arg1 : i32
    %mul3A_56 = arith.constant 10000 : i32
    %mul3A_57 = arith.muli %add3A_55, %mul3A_56 : i32
    %scan3A = arith.constant 0 : i32
    %scan3A_58 = arith.constant 0 : i32
    %scan3A_59 = arith.constant 5 : i32
    %scan3A_60 = arith.addi %scan3A_58, %scan3A_59 : i32
    %scan3A_61 = arith.constant 1 : i32
    scf.for %scan3A_69 = %scan3A_58 to %scan3A_60 step %scan3A_61  : i32 {
      %mul3A_70 = arith.constant 2000 : i32
      %mul3A_71 = arith.muli %scan3A_69, %mul3A_70 : i32
      %add3A_72 = arith.addi %mul3A_57, %mul3A_71 : i32
      "tpu.region"() ({
        %run_scoped3A = tpu.sem_alloc : memref<!tpu.dma_semaphore, #tpu.memory_space<semaphore_mem>>
        %dma_start3A = tpu.memref_slice %arg2[%add3A_72] : memref<640000xi32, #tpu.memory_space<hbm>> -> memref<2000xi32, #tpu.memory_space<hbm>>
        %dma_start3A_81 = tpu.memref_slice %arg2[%add3A_72] : memref<640000xi32, #tpu.memory_space<hbm>> -> memref<2000xi32, #tpu.memory_space<hbm>>
        tpu.enqueue_dma source(%dma_start3A_81 : memref<2000xi32, #tpu.memory_space<hbm>>) target(%arg7 : memref<2000xi32, #tpu.memory_space<vmem>>) target_semaphore(%run_scoped3A : memref<!tpu.dma_semaphore, #tpu.memory_space<semaphore_mem>>)
        %dma_wait3A = tpu.memref_slice %arg2[%add3A_72] : memref<640000xi32, #tpu.memory_space<hbm>> -> memref<2000xi32, #tpu.memory_space<hbm>>
        %dma_wait3A_82 = tpu.memref_slice %arg2[%add3A_72] : memref<640000xi32, #tpu.memory_space<hbm>> -> memref<2000xi32, #tpu.memory_space<hbm>>
        tpu.wait_dma2 semaphore(%run_scoped3A : memref<!tpu.dma_semaphore, #tpu.memory_space<semaphore_mem>>) src(%dma_wait3A_82 : memref<2000xi32, #tpu.memory_space<hbm>>) dst(%arg7 : memref<2000xi32, #tpu.memory_space<vmem>>)
        tpu.yield
      }) : () -> ()
      %add3A_73 = arith.constant 320000 : i32
      %add3A_74 = arith.addi %add3A_73, %add3A_72 : i32
      "tpu.region"() ({
        %run_scoped3A = tpu.sem_alloc : memref<!tpu.dma_semaphore, #tpu.memory_space<semaphore_mem>>
        %dma_start3A = tpu.memref_slice %arg2[%add3A_74] : memref<640000xi32, #tpu.memory_space<hbm>> -> memref<2000xi32, #tpu.memory_space<hbm>>
        %dma_start3A_81 = tpu.memref_slice %arg2[%add3A_74] : memref<640000xi32, #tpu.memory_space<hbm>> -> memref<2000xi32, #tpu.memory_space<hbm>>
        tpu.enqueue_dma source(%dma_start3A_81 : memref<2000xi32, #tpu.memory_space<hbm>>) target(%arg8 : memref<2000xi32, #tpu.memory_space<vmem>>) target_semaphore(%run_scoped3A : memref<!tpu.dma_semaphore, #tpu.memory_space<semaphore_mem>>)
        %dma_wait3A = tpu.memref_slice %arg2[%add3A_74] : memref<640000xi32, #tpu.memory_space<hbm>> -> memref<2000xi32, #tpu.memory_space<hbm>>
        %dma_wait3A_82 = tpu.memref_slice %arg2[%add3A_74] : memref<640000xi32, #tpu.memory_space<hbm>> -> memref<2000xi32, #tpu.memory_space<hbm>>
        tpu.wait_dma2 semaphore(%run_scoped3A : memref<!tpu.dma_semaphore, #tpu.memory_space<semaphore_mem>>) src(%dma_wait3A_82 : memref<2000xi32, #tpu.memory_space<hbm>>) dst(%arg8 : memref<2000xi32, #tpu.memory_space<vmem>>)
        tpu.yield
      }) : () -> ()
      %scan3A_75 = arith.constant 0 : i32
      %scan3A_76 = arith.constant 0 : i32
      %scan3A_77 = arith.constant 125 : i32
      %scan3A_78 = arith.addi %scan3A_76, %scan3A_77 : i32
      %scan3A_79 = arith.constant 1 : i32
      scf.for %scan3A_81 = %scan3A_76 to %scan3A_78 step %scan3A_79  : i32 {
        %mul3A_82 = arith.constant 16 : i32
        %mul3A_83 = arith.muli %scan3A_81, %mul3A_82 : i32
        %get3A = arith.index_cast %mul3A_83 : i32 to index
        %get3A_84 = tpu.vector_load %arg7[%get3A] {strides = array<i32>} : memref<2000xi32, #tpu.memory_space<vmem>>, vector<16xi32>,
        %broadcast_in_dim3A = arith.constant true
        %broadcast_in_dim3A_85 = vector.broadcast %broadcast_in_dim3A : i1 to vector<16xi1>
        %unique3A, %unique3A_86 = tpu.scan_count mask(%broadcast_in_dim3A_85 : vector<16xi1>) value(%get3A_84 : vector<16xi32>) : vector<16xi1>, vector<16xi32>
        %shift_right_arithmetic3A = arith.constant 7 : i32
        %shift_right_arithmetic3A_87 = vector.broadcast %shift_right_arithmetic3A : i32 to vector<16xi32>
        %shift_right_arithmetic3A_88 = arith.shrsi %get3A_84, %shift_right_arithmetic3A_87 : vector<16xi32>
        %and3A = arith.constant 127 : i32
        %and3A_89 = vector.broadcast %and3A : i32 to vector<16xi32>
        %and3A_90 = arith.andi %get3A_84, %and3A_89 : vector<16xi32>
        %convert_element_type3A_91 = arith.sitofp %unique3A_86 : vector<16xi32> to vector<16xf32>
        tpu.vector_store_idx %arg5[%shift_right_arithmetic3A_88, %and3A_90], %convert_element_type3A_91 masked %unique3A {add = true} : memref<80x128xf32, #tpu.memory_space<vmem>>[vector<16xi32>, vector<16xi32>], vector<16xf32>, vector<16xi1>
        %mul3A_92 = arith.constant 16 : i32
        %mul3A_93 = arith.muli %scan3A_81, %mul3A_92 : i32
        %get3A_94 = arith.index_cast %mul3A_93 : i32 to index
        %get3A_95 = tpu.vector_load %arg8[%get3A_94] {strides = array<i32>} : memref<2000xi32, #tpu.memory_space<vmem>>, vector<16xi32>,
        %broadcast_in_dim3A_96 = arith.constant true
        %broadcast_in_dim3A_97 = vector.broadcast %broadcast_in_dim3A_96 : i1 to vector<16xi1>
        %unique3A_98, %unique3A_99 = tpu.scan_count mask(%broadcast_in_dim3A_97 : vector<16xi1>) value(%get3A_95 : vector<16xi32>) : vector<16xi1>, vector<16xi32>
        %shift_right_arithmetic3A_100 = arith.constant 7 : i32
        %shift_right_arithmetic3A_101 = vector.broadcast %shift_right_arithmetic3A_100 : i32 to vector<16xi32>
        %shift_right_arithmetic3A_102 = arith.shrsi %get3A_95, %shift_right_arithmetic3A_101 : vector<16xi32>
        %and3A_103 = arith.constant 127 : i32
        %and3A_104 = vector.broadcast %and3A_103 : i32 to vector<16xi32>
        %and3A_105 = arith.andi %get3A_95, %and3A_104 : vector<16xi32>
        %convert_element_type3A_106 = arith.sitofp %unique3A_99 : vector<16xi32> to vector<16xf32>
        tpu.vector_store_idx %arg6[%shift_right_arithmetic3A_102, %and3A_105], %convert_element_type3A_106 masked %unique3A_98 {add = true} : memref<80x128xf32, #tpu.memory_space<vmem>>[vector<16xi32>, vector<16xi32>], vector<16xf32>, vector<16xi1>
      }
      %scan3A_80 = arith.constant 125 : i32
    }
    %scan3A_62 = arith.constant 5 : i32
    "tpu.region"() ({
      %run_scoped3A = tpu.sem_alloc : memref<!tpu.dma_semaphore, #tpu.memory_space<semaphore_mem>>
      %dma_start3A = arith.constant 0 : i32
      %dma_start3A_69 = arith.constant 0 : i32
      %dma_start3A_70 = tpu.memref_slice %arg11[%dma_start3A, %dma_start3A_69] : memref<160x128xf32, #tpu.memory_space<vmem_shared>> -> memref<160x128xf32, #tpu.memory_space<vmem_shared>>
      tpu.enqueue_indirect_dma source(%arg5 : memref<80x128xf32, #tpu.memory_space<vmem>>) target(%dma_start3A_70 : memref<160x128xf32, #tpu.memory_space<vmem_shared>>) offsets(%arg9 : memref<80xi32, #tpu.memory_space<vmem>>) semaphore(%run_scoped3A : memref<!tpu.dma_semaphore, #tpu.memory_space<semaphore_mem>>) {add = true}
      %dma_wait3A = arith.constant 0 : i32
      %dma_wait3A_71 = arith.constant 0 : i32
      %dma_wait3A_72 = tpu.memref_slice %arg11[%dma_wait3A, %dma_wait3A_71] : memref<160x128xf32, #tpu.memory_space<vmem_shared>> -> memref<160x128xf32, #tpu.memory_space<vmem_shared>>
      tpu.wait_indirect_dma semaphore(%run_scoped3A : memref<!tpu.dma_semaphore, #tpu.memory_space<semaphore_mem>>) src(%arg5 : memref<80x128xf32, #tpu.memory_space<vmem>>) dst(%dma_wait3A_72 : memref<160x128xf32, #tpu.memory_space<vmem_shared>>)
      tpu.yield
    }) : () -> ()
    "tpu.region"() ({
      %run_scoped3A = tpu.sem_alloc : memref<!tpu.dma_semaphore, #tpu.memory_space<semaphore_mem>>
      %dma_start3A = arith.constant 0 : i32
      %dma_start3A_69 = arith.constant 0 : i32
      %dma_start3A_70 = tpu.memref_slice %arg11[%dma_start3A, %dma_start3A_69] : memref<160x128xf32, #tpu.memory_space<vmem_shared>> -> memref<160x128xf32, #tpu.memory_space<vmem_shared>>
      tpu.enqueue_indirect_dma source(%arg6 : memref<80x128xf32, #tpu.memory_space<vmem>>) target(%dma_start3A_70 : memref<160x128xf32, #tpu.memory_space<vmem_shared>>) offsets(%arg10 : memref<80xi32, #tpu.memory_space<vmem>>) semaphore(%run_scoped3A : memref<!tpu.dma_semaphore, #tpu.memory_space<semaphore_mem>>) {add = true}
      %dma_wait3A = arith.constant 0 : i32
      %dma_wait3A_71 = arith.constant 0 : i32
      %dma_wait3A_72 = tpu.memref_slice %arg11[%dma_wait3A, %dma_wait3A_71] : memref<160x128xf32, #tpu.memory_space<vmem_shared>> -> memref<160x128xf32, #tpu.memory_space<vmem_shared>>
      tpu.wait_indirect_dma semaphore(%run_scoped3A : memref<!tpu.dma_semaphore, #tpu.memory_space<semaphore_mem>>) src(%arg6 : memref<80x128xf32, #tpu.memory_space<vmem>>) dst(%dma_wait3A_72 : memref<160x128xf32, #tpu.memory_space<vmem_shared>>)
      tpu.yield
    }) : () -> ()
    %barrier3A_63 = arith.constant 0 : index
    tpu.barrier barrier_id(%barrier3A_63)
    %lt3A_64 = arith.constant 10 : i32
    %lt3A_65 = arith.cmpi slt, %arg1, %lt3A_64 : i32
    %convert_element_type3A_66 = arith.extui %lt3A_65 : i1 to i32
    %cond3A_67 = arith.constant 0 : i32
    %cond3A_68 = arith.cmpi ne, %convert_element_type3A_66, %cond3A_67 : i32
    scf.if %cond3A_68 {
      %mul3A_69 = arith.constant 16 : i32
      %mul3A_70 = arith.muli %arg1, %mul3A_69 : i32
      %mul3A_71 = arith.constant 16 : i32
      %mul3A_72 = arith.muli %arg1, %mul3A_71 : i32
      "tpu.region"() ({
        %run_scoped3A = tpu.sem_alloc : memref<!tpu.dma_semaphore, #tpu.memory_space<semaphore_mem>>
        %dma_start3A = arith.constant 0 : i32
        %dma_start3A_73 = tpu.memref_slice %arg4[%arg0, %mul3A_72, %dma_start3A] : memref<2x160x128xf32, #tpu.memory_space<hbm>> -> memref<1x16x128xf32, #tpu.memory_space<hbm>>
        %dma_start3A_74 = tpu.memref_squeeze %dma_start3A_73 : memref<1x16x128xf32, #tpu.memory_space<hbm>> -> memref<16x128xf32, #tpu.memory_space<hbm>>
        %dma_start3A_75 = arith.constant 0 : i32
        %dma_start3A_76 = tpu.memref_slice %arg11[%mul3A_70, %dma_start3A_75] : memref<160x128xf32, #tpu.memory_space<vmem_shared>> -> memref<16x128xf32, #tpu.memory_space<vmem_shared>>
        tpu.enqueue_dma source(%dma_start3A_76 : memref<16x128xf32, #tpu.memory_space<vmem_shared>>) target(%dma_start3A_74 : memref<16x128xf32, #tpu.memory_space<hbm>>) target_semaphore(%run_scoped3A : memref<!tpu.dma_semaphore, #tpu.memory_space<semaphore_mem>>)
        %dma_wait3A = arith.constant 0 : i32
        %dma_wait3A_77 = tpu.memref_slice %arg4[%arg0, %mul3A_72, %dma_wait3A] : memref<2x160x128xf32, #tpu.memory_space<hbm>> -> memref<1x16x128xf32, #tpu.memory_space<hbm>>
        %dma_wait3A_78 = tpu.memref_squeeze %dma_wait3A_77 : memref<1x16x128xf32, #tpu.memory_space<hbm>> -> memref<16x128xf32, #tpu.memory_space<hbm>>
        %dma_wait3A_79 = arith.constant 0 : i32
        %dma_wait3A_80 = tpu.memref_slice %arg11[%mul3A_70, %dma_wait3A_79] : memref<160x128xf32, #tpu.memory_space<vmem_shared>> -> memref<16x128xf32, #tpu.memory_space<vmem_shared>>
        tpu.wait_dma2 semaphore(%run_scoped3A : memref<!tpu.dma_semaphore, #tpu.memory_space<semaphore_mem>>) src(%dma_wait3A_80 : memref<16x128xf32, #tpu.memory_space<vmem_shared>>) dst(%dma_wait3A_78 : memref<16x128xf32, #tpu.memory_space<hbm>>)
        tpu.yield
      }) : () -> ()
    } else {
    }
    return
  }
}

#map = affine_map<(d0, d1) -> (0, 0)>
#map1 = affine_map<(d0, d1) -> (0)>
#map2 = affine_map<(d0, d1) -> (0, 0, 0)>
module attributes {stable_mosaic.version = 14 : i64} {
  func.func @_mp_body(%arg0: i32, %arg1: i32, %arg2: memref<10000x128xf32, #tpu.memory_space<hbm>>, %arg3: memref<640000xi32, #tpu.memory_space<hbm>>, %arg4: memref<10240x128xf32, #tpu.memory_space<hbm>>, %arg5: memref<2x10240x128xf32, #tpu.memory_space<hbm>>, %arg6: memref<10240x128xf32, #tpu.memory_space<vmem_shared>>, %arg7: memref<80xi32, #tpu.memory_space<vmem>>, %arg8: memref<80xi32, #tpu.memory_space<vmem>>, %arg9: memref<80xi32, #tpu.memory_space<vmem>>, %arg10: memref<80xi32, #tpu.memory_space<vmem>>, %arg11: memref<80xi32, #tpu.memory_space<vmem>>, %arg12: memref<80xi32, #tpu.memory_space<vmem>>, %arg13: memref<80xi32, #tpu.memory_space<vmem>>, %arg14: memref<80xi32, #tpu.memory_space<vmem>>, %arg15: memref<80x128xf32, #tpu.memory_space<vmem>>, %arg16: memref<80x128xf32, #tpu.memory_space<vmem>>, %arg17: memref<80x128xf32, #tpu.memory_space<vmem>>, %arg18: memref<80x128xf32, #tpu.memory_space<vmem>>, %arg19: memref<!tpu.dma_semaphore, #tpu.memory_space<semaphore_mem>>, %arg20: memref<!tpu.dma_semaphore, #tpu.memory_space<semaphore_mem>>, %arg21: memref<!tpu.dma_semaphore, #tpu.memory_space<semaphore_mem>>, %arg22: memref<!tpu.dma_semaphore, #tpu.memory_space<semaphore_mem>>, %arg23: memref<!tpu.dma_semaphore, #tpu.memory_space<semaphore_mem>>, %arg24: memref<!tpu.dma_semaphore, #tpu.memory_space<semaphore_mem>>, %arg25: memref<!tpu.dma_semaphore, #tpu.memory_space<semaphore_mem>>, %arg26: memref<!tpu.dma_semaphore, #tpu.memory_space<semaphore_mem>>) attributes {dimension_semantics = [#tpu.dimension_semantics<core_parallel>, #tpu.dimension_semantics<subcore_parallel>], iteration_bounds = array<i64: 2, 16>, scalar_prefetch = 0 : i64, scratch_operands = 21 : i64, tpu.core_type = #tpu.core_type<sc_vector_subcore>, window_params = [{transform_indices = #map}, {transform_indices = #map1}, {transform_indices = #map}, {transform_indices = #map2}]} {
    %mul3A = arith.constant 640 : i32
    %mul3A_0 = arith.muli %arg1, %mul3A : i32
    "tpu.region"() ({
      %run_scoped3A = tpu.sem_alloc : memref<!tpu.dma_semaphore, #tpu.memory_space<semaphore_mem>>
      %dma_start3A_171 = arith.constant 0 : i32
      %dma_start3A_172 = tpu.memref_slice %arg6[%mul3A_0, %dma_start3A_171] : memref<10240x128xf32, #tpu.memory_space<vmem_shared>> -> memref<640x128xf32, #tpu.memory_space<vmem_shared>>
      %dma_start3A_173 = arith.constant 0 : i32
      %dma_start3A_174 = tpu.memref_slice %arg4[%mul3A_0, %dma_start3A_173] : memref<10240x128xf32, #tpu.memory_space<hbm>> -> memref<640x128xf32, #tpu.memory_space<hbm>>
      tpu.enqueue_dma source(%dma_start3A_174 : memref<640x128xf32, #tpu.memory_space<hbm>>) target(%dma_start3A_172 : memref<640x128xf32, #tpu.memory_space<vmem_shared>>) target_semaphore(%run_scoped3A : memref<!tpu.dma_semaphore, #tpu.memory_space<semaphore_mem>>)
      %dma_wait3A_175 = arith.constant 0 : i32
      %dma_wait3A_176 = tpu.memref_slice %arg6[%mul3A_0, %dma_wait3A_175] : memref<10240x128xf32, #tpu.memory_space<vmem_shared>> -> memref<640x128xf32, #tpu.memory_space<vmem_shared>>
      %dma_wait3A_177 = arith.constant 0 : i32
      %dma_wait3A_178 = tpu.memref_slice %arg4[%mul3A_0, %dma_wait3A_177] : memref<10240x128xf32, #tpu.memory_space<hbm>> -> memref<640x128xf32, #tpu.memory_space<hbm>>
      tpu.wait_dma2 semaphore(%run_scoped3A : memref<!tpu.dma_semaphore, #tpu.memory_space<semaphore_mem>>) src(%dma_wait3A_178 : memref<640x128xf32, #tpu.memory_space<hbm>>) dst(%dma_wait3A_176 : memref<640x128xf32, #tpu.memory_space<vmem_shared>>)
      tpu.yield
    }) : () -> ()
    %barrier3A = arith.constant 0 : index
    tpu.barrier barrier_id(%barrier3A)
    %mul3A_1 = arith.constant 16 : i32
    %mul3A_2 = arith.muli %arg0, %mul3A_1 : i32
    %add3A = arith.addi %mul3A_2, %arg1 : i32
    %mul3A_3 = arith.constant 10000 : i32
    %mul3A_4 = arith.muli %add3A, %mul3A_3 : i32
    %add3A_5 = arith.constant 0 : i32
    %add3A_6 = arith.addi %mul3A_4, %add3A_5 : i32
    "tpu.region"() ({
      %run_scoped3A = tpu.sem_alloc : memref<!tpu.dma_semaphore, #tpu.memory_space<semaphore_mem>>
      %dma_start3A_171 = tpu.memref_slice %arg3[%add3A_6] : memref<640000xi32, #tpu.memory_space<hbm>> -> memref<80xi32, #tpu.memory_space<hbm>>
      %dma_start3A_172 = tpu.memref_slice %arg3[%add3A_6] : memref<640000xi32, #tpu.memory_space<hbm>> -> memref<80xi32, #tpu.memory_space<hbm>>
      tpu.enqueue_dma source(%dma_start3A_172 : memref<80xi32, #tpu.memory_space<hbm>>) target(%arg7 : memref<80xi32, #tpu.memory_space<vmem>>) target_semaphore(%run_scoped3A : memref<!tpu.dma_semaphore, #tpu.memory_space<semaphore_mem>>)
      %dma_wait3A_173 = tpu.memref_slice %arg3[%add3A_6] : memref<640000xi32, #tpu.memory_space<hbm>> -> memref<80xi32, #tpu.memory_space<hbm>>
      %dma_wait3A_174 = tpu.memref_slice %arg3[%add3A_6] : memref<640000xi32, #tpu.memory_space<hbm>> -> memref<80xi32, #tpu.memory_space<hbm>>
      tpu.wait_dma2 semaphore(%run_scoped3A : memref<!tpu.dma_semaphore, #tpu.memory_space<semaphore_mem>>) src(%dma_wait3A_174 : memref<80xi32, #tpu.memory_space<hbm>>) dst(%arg7 : memref<80xi32, #tpu.memory_space<vmem>>)
      tpu.yield
    }) : () -> ()
    %dma_start3A = arith.constant 0 : i32
    %dma_start3A_7 = arith.constant 0 : i32
    %dma_start3A_8 = tpu.memref_slice %arg2[%dma_start3A, %dma_start3A_7] : memref<10000x128xf32, #tpu.memory_space<hbm>> -> memref<10000x128xf32, #tpu.memory_space<hbm>>
    tpu.enqueue_indirect_dma source(%dma_start3A_8 : memref<10000x128xf32, #tpu.memory_space<hbm>>) target(%arg15 : memref<80x128xf32, #tpu.memory_space<vmem>>) offsets(%arg7 : memref<80xi32, #tpu.memory_space<vmem>>) semaphore(%arg19 : memref<!tpu.dma_semaphore, #tpu.memory_space<semaphore_mem>>)
    %add3A_9 = arith.constant 80 : i32
    %add3A_10 = arith.addi %mul3A_4, %add3A_9 : i32
    "tpu.region"() ({
      %run_scoped3A = tpu.sem_alloc : memref<!tpu.dma_semaphore, #tpu.memory_space<semaphore_mem>>
      %dma_start3A_171 = tpu.memref_slice %arg3[%add3A_10] : memref<640000xi32, #tpu.memory_space<hbm>> -> memref<80xi32, #tpu.memory_space<hbm>>
      %dma_start3A_172 = tpu.memref_slice %arg3[%add3A_10] : memref<640000xi32, #tpu.memory_space<hbm>> -> memref<80xi32, #tpu.memory_space<hbm>>
      tpu.enqueue_dma source(%dma_start3A_172 : memref<80xi32, #tpu.memory_space<hbm>>) target(%arg8 : memref<80xi32, #tpu.memory_space<vmem>>) target_semaphore(%run_scoped3A : memref<!tpu.dma_semaphore, #tpu.memory_space<semaphore_mem>>)
      %dma_wait3A_173 = tpu.memref_slice %arg3[%add3A_10] : memref<640000xi32, #tpu.memory_space<hbm>> -> memref<80xi32, #tpu.memory_space<hbm>>
      %dma_wait3A_174 = tpu.memref_slice %arg3[%add3A_10] : memref<640000xi32, #tpu.memory_space<hbm>> -> memref<80xi32, #tpu.memory_space<hbm>>
      tpu.wait_dma2 semaphore(%run_scoped3A : memref<!tpu.dma_semaphore, #tpu.memory_space<semaphore_mem>>) src(%dma_wait3A_174 : memref<80xi32, #tpu.memory_space<hbm>>) dst(%arg8 : memref<80xi32, #tpu.memory_space<vmem>>)
      tpu.yield
    }) : () -> ()
    %dma_start3A_11 = arith.constant 0 : i32
    %dma_start3A_12 = arith.constant 0 : i32
    %dma_start3A_13 = tpu.memref_slice %arg2[%dma_start3A_11, %dma_start3A_12] : memref<10000x128xf32, #tpu.memory_space<hbm>> -> memref<10000x128xf32, #tpu.memory_space<hbm>>
    tpu.enqueue_indirect_dma source(%dma_start3A_13 : memref<10000x128xf32, #tpu.memory_space<hbm>>) target(%arg16 : memref<80x128xf32, #tpu.memory_space<vmem>>) offsets(%arg8 : memref<80xi32, #tpu.memory_space<vmem>>) semaphore(%arg20 : memref<!tpu.dma_semaphore, #tpu.memory_space<semaphore_mem>>)
    %add3A_14 = arith.constant 160 : i32
    %add3A_15 = arith.addi %mul3A_4, %add3A_14 : i32
    "tpu.region"() ({
      %run_scoped3A = tpu.sem_alloc : memref<!tpu.dma_semaphore, #tpu.memory_space<semaphore_mem>>
      %dma_start3A_171 = tpu.memref_slice %arg3[%add3A_15] : memref<640000xi32, #tpu.memory_space<hbm>> -> memref<80xi32, #tpu.memory_space<hbm>>
      %dma_start3A_172 = tpu.memref_slice %arg3[%add3A_15] : memref<640000xi32, #tpu.memory_space<hbm>> -> memref<80xi32, #tpu.memory_space<hbm>>
      tpu.enqueue_dma source(%dma_start3A_172 : memref<80xi32, #tpu.memory_space<hbm>>) target(%arg9 : memref<80xi32, #tpu.memory_space<vmem>>) target_semaphore(%run_scoped3A : memref<!tpu.dma_semaphore, #tpu.memory_space<semaphore_mem>>)
      %dma_wait3A_173 = tpu.memref_slice %arg3[%add3A_15] : memref<640000xi32, #tpu.memory_space<hbm>> -> memref<80xi32, #tpu.memory_space<hbm>>
      %dma_wait3A_174 = tpu.memref_slice %arg3[%add3A_15] : memref<640000xi32, #tpu.memory_space<hbm>> -> memref<80xi32, #tpu.memory_space<hbm>>
      tpu.wait_dma2 semaphore(%run_scoped3A : memref<!tpu.dma_semaphore, #tpu.memory_space<semaphore_mem>>) src(%dma_wait3A_174 : memref<80xi32, #tpu.memory_space<hbm>>) dst(%arg9 : memref<80xi32, #tpu.memory_space<vmem>>)
      tpu.yield
    }) : () -> ()
    %dma_start3A_16 = arith.constant 0 : i32
    %dma_start3A_17 = arith.constant 0 : i32
    %dma_start3A_18 = tpu.memref_slice %arg2[%dma_start3A_16, %dma_start3A_17] : memref<10000x128xf32, #tpu.memory_space<hbm>> -> memref<10000x128xf32, #tpu.memory_space<hbm>>
    tpu.enqueue_indirect_dma source(%dma_start3A_18 : memref<10000x128xf32, #tpu.memory_space<hbm>>) target(%arg17 : memref<80x128xf32, #tpu.memory_space<vmem>>) offsets(%arg9 : memref<80xi32, #tpu.memory_space<vmem>>) semaphore(%arg21 : memref<!tpu.dma_semaphore, #tpu.memory_space<semaphore_mem>>)
    %dma_wait3A = arith.constant 0 : i32
    %dma_wait3A_19 = arith.constant 0 : i32
    %dma_wait3A_20 = tpu.memref_slice %arg2[%dma_wait3A, %dma_wait3A_19] : memref<10000x128xf32, #tpu.memory_space<hbm>> -> memref<10000x128xf32, #tpu.memory_space<hbm>>
    tpu.wait_indirect_dma semaphore(%arg19 : memref<!tpu.dma_semaphore, #tpu.memory_space<semaphore_mem>>) src(%dma_wait3A_20 : memref<10000x128xf32, #tpu.memory_space<hbm>>) dst(%arg15 : memref<80x128xf32, #tpu.memory_space<vmem>>)
    %add3A_21 = arith.constant 320000 : i32
    %add3A_22 = arith.addi %add3A_21, %mul3A_4 : i32
    %add3A_23 = arith.constant 0 : i32
    %add3A_24 = arith.addi %add3A_22, %add3A_23 : i32
    "tpu.region"() ({
      %run_scoped3A = tpu.sem_alloc : memref<!tpu.dma_semaphore, #tpu.memory_space<semaphore_mem>>
      %dma_start3A_171 = tpu.memref_slice %arg3[%add3A_24] : memref<640000xi32, #tpu.memory_space<hbm>> -> memref<80xi32, #tpu.memory_space<hbm>>
      %dma_start3A_172 = tpu.memref_slice %arg3[%add3A_24] : memref<640000xi32, #tpu.memory_space<hbm>> -> memref<80xi32, #tpu.memory_space<hbm>>
      tpu.enqueue_dma source(%dma_start3A_172 : memref<80xi32, #tpu.memory_space<hbm>>) target(%arg11 : memref<80xi32, #tpu.memory_space<vmem>>) target_semaphore(%run_scoped3A : memref<!tpu.dma_semaphore, #tpu.memory_space<semaphore_mem>>)
      %dma_wait3A_173 = tpu.memref_slice %arg3[%add3A_24] : memref<640000xi32, #tpu.memory_space<hbm>> -> memref<80xi32, #tpu.memory_space<hbm>>
      %dma_wait3A_174 = tpu.memref_slice %arg3[%add3A_24] : memref<640000xi32, #tpu.memory_space<hbm>> -> memref<80xi32, #tpu.memory_space<hbm>>
      tpu.wait_dma2 semaphore(%run_scoped3A : memref<!tpu.dma_semaphore, #tpu.memory_space<semaphore_mem>>) src(%dma_wait3A_174 : memref<80xi32, #tpu.memory_space<hbm>>) dst(%arg11 : memref<80xi32, #tpu.memory_space<vmem>>)
      tpu.yield
    }) : () -> ()
    %dma_start3A_25 = arith.constant 0 : i32
    %dma_start3A_26 = arith.constant 0 : i32
    %dma_start3A_27 = tpu.memref_slice %arg6[%dma_start3A_25, %dma_start3A_26] : memref<10240x128xf32, #tpu.memory_space<vmem_shared>> -> memref<10240x128xf32, #tpu.memory_space<vmem_shared>>
    tpu.enqueue_indirect_dma source(%arg15 : memref<80x128xf32, #tpu.memory_space<vmem>>) target(%dma_start3A_27 : memref<10240x128xf32, #tpu.memory_space<vmem_shared>>) offsets(%arg11 : memref<80xi32, #tpu.memory_space<vmem>>) semaphore(%arg23 : memref<!tpu.dma_semaphore, #tpu.memory_space<semaphore_mem>>) {add = true}
    %add3A_28 = arith.constant 240 : i32
    %add3A_29 = arith.addi %mul3A_4, %add3A_28 : i32
    "tpu.region"() ({
      %run_scoped3A = tpu.sem_alloc : memref<!tpu.dma_semaphore, #tpu.memory_space<semaphore_mem>>
      %dma_start3A_171 = tpu.memref_slice %arg3[%add3A_29] : memref<640000xi32, #tpu.memory_space<hbm>> -> memref<80xi32, #tpu.memory_space<hbm>>
      %dma_start3A_172 = tpu.memref_slice %arg3[%add3A_29] : memref<640000xi32, #tpu.memory_space<hbm>> -> memref<80xi32, #tpu.memory_space<hbm>>
      tpu.enqueue_dma source(%dma_start3A_172 : memref<80xi32, #tpu.memory_space<hbm>>) target(%arg10 : memref<80xi32, #tpu.memory_space<vmem>>) target_semaphore(%run_scoped3A : memref<!tpu.dma_semaphore, #tpu.memory_space<semaphore_mem>>)
      %dma_wait3A_173 = tpu.memref_slice %arg3[%add3A_29] : memref<640000xi32, #tpu.memory_space<hbm>> -> memref<80xi32, #tpu.memory_space<hbm>>
      %dma_wait3A_174 = tpu.memref_slice %arg3[%add3A_29] : memref<640000xi32, #tpu.memory_space<hbm>> -> memref<80xi32, #tpu.memory_space<hbm>>
      tpu.wait_dma2 semaphore(%run_scoped3A : memref<!tpu.dma_semaphore, #tpu.memory_space<semaphore_mem>>) src(%dma_wait3A_174 : memref<80xi32, #tpu.memory_space<hbm>>) dst(%arg10 : memref<80xi32, #tpu.memory_space<vmem>>)
      tpu.yield
    }) : () -> ()
    %dma_start3A_30 = arith.constant 0 : i32
    %dma_start3A_31 = arith.constant 0 : i32
    %dma_start3A_32 = tpu.memref_slice %arg2[%dma_start3A_30, %dma_start3A_31] : memref<10000x128xf32, #tpu.memory_space<hbm>> -> memref<10000x128xf32, #tpu.memory_space<hbm>>
    tpu.enqueue_indirect_dma source(%dma_start3A_32 : memref<10000x128xf32, #tpu.memory_space<hbm>>) target(%arg18 : memref<80x128xf32, #tpu.memory_space<vmem>>) offsets(%arg10 : memref<80xi32, #tpu.memory_space<vmem>>) semaphore(%arg22 : memref<!tpu.dma_semaphore, #tpu.memory_space<semaphore_mem>>)
    %dma_wait3A_33 = arith.constant 0 : i32
    %dma_wait3A_34 = arith.constant 0 : i32
    %dma_wait3A_35 = tpu.memref_slice %arg2[%dma_wait3A_33, %dma_wait3A_34] : memref<10000x128xf32, #tpu.memory_space<hbm>> -> memref<10000x128xf32, #tpu.memory_space<hbm>>
    tpu.wait_indirect_dma semaphore(%arg20 : memref<!tpu.dma_semaphore, #tpu.memory_space<semaphore_mem>>) src(%dma_wait3A_35 : memref<10000x128xf32, #tpu.memory_space<hbm>>) dst(%arg16 : memref<80x128xf32, #tpu.memory_space<vmem>>)
    %add3A_36 = arith.constant 320000 : i32
    %add3A_37 = arith.addi %add3A_36, %mul3A_4 : i32
    %add3A_38 = arith.constant 80 : i32
    %add3A_39 = arith.addi %add3A_37, %add3A_38 : i32
    "tpu.region"() ({
      %run_scoped3A = tpu.sem_alloc : memref<!tpu.dma_semaphore, #tpu.memory_space<semaphore_mem>>
      %dma_start3A_171 = tpu.memref_slice %arg3[%add3A_39] : memref<640000xi32, #tpu.memory_space<hbm>> -> memref<80xi32, #tpu.memory_space<hbm>>
      %dma_start3A_172 = tpu.memref_slice %arg3[%add3A_39] : memref<640000xi32, #tpu.memory_space<hbm>> -> memref<80xi32, #tpu.memory_space<hbm>>
      tpu.enqueue_dma source(%dma_start3A_172 : memref<80xi32, #tpu.memory_space<hbm>>) target(%arg12 : memref<80xi32, #tpu.memory_space<vmem>>) target_semaphore(%run_scoped3A : memref<!tpu.dma_semaphore, #tpu.memory_space<semaphore_mem>>)
      %dma_wait3A_173 = tpu.memref_slice %arg3[%add3A_39] : memref<640000xi32, #tpu.memory_space<hbm>> -> memref<80xi32, #tpu.memory_space<hbm>>
      %dma_wait3A_174 = tpu.memref_slice %arg3[%add3A_39] : memref<640000xi32, #tpu.memory_space<hbm>> -> memref<80xi32, #tpu.memory_space<hbm>>
      tpu.wait_dma2 semaphore(%run_scoped3A : memref<!tpu.dma_semaphore, #tpu.memory_space<semaphore_mem>>) src(%dma_wait3A_174 : memref<80xi32, #tpu.memory_space<hbm>>) dst(%arg12 : memref<80xi32, #tpu.memory_space<vmem>>)
      tpu.yield
    }) : () -> ()
    %dma_start3A_40 = arith.constant 0 : i32
    %dma_start3A_41 = arith.constant 0 : i32
    %dma_start3A_42 = tpu.memref_slice %arg6[%dma_start3A_40, %dma_start3A_41] : memref<10240x128xf32, #tpu.memory_space<vmem_shared>> -> memref<10240x128xf32, #tpu.memory_space<vmem_shared>>
    tpu.enqueue_indirect_dma source(%arg16 : memref<80x128xf32, #tpu.memory_space<vmem>>) target(%dma_start3A_42 : memref<10240x128xf32, #tpu.memory_space<vmem_shared>>) offsets(%arg12 : memref<80xi32, #tpu.memory_space<vmem>>) semaphore(%arg24 : memref<!tpu.dma_semaphore, #tpu.memory_space<semaphore_mem>>) {add = true}
    %dma_wait3A_43 = arith.constant 0 : i32
    %dma_wait3A_44 = arith.constant 0 : i32
    %dma_wait3A_45 = tpu.memref_slice %arg6[%dma_wait3A_43, %dma_wait3A_44] : memref<10240x128xf32, #tpu.memory_space<vmem_shared>> -> memref<10240x128xf32, #tpu.memory_space<vmem_shared>>
    tpu.wait_indirect_dma semaphore(%arg23 : memref<!tpu.dma_semaphore, #tpu.memory_space<semaphore_mem>>) src(%arg15 : memref<80x128xf32, #tpu.memory_space<vmem>>) dst(%dma_wait3A_45 : memref<10240x128xf32, #tpu.memory_space<vmem_shared>>)
    %add3A_46 = arith.constant 320 : i32
    %add3A_47 = arith.addi %mul3A_4, %add3A_46 : i32
    "tpu.region"() ({
      %run_scoped3A = tpu.sem_alloc : memref<!tpu.dma_semaphore, #tpu.memory_space<semaphore_mem>>
      %dma_start3A_171 = tpu.memref_slice %arg3[%add3A_47] : memref<640000xi32, #tpu.memory_space<hbm>> -> memref<80xi32, #tpu.memory_space<hbm>>
      %dma_start3A_172 = tpu.memref_slice %arg3[%add3A_47] : memref<640000xi32, #tpu.memory_space<hbm>> -> memref<80xi32, #tpu.memory_space<hbm>>
      tpu.enqueue_dma source(%dma_start3A_172 : memref<80xi32, #tpu.memory_space<hbm>>) target(%arg7 : memref<80xi32, #tpu.memory_space<vmem>>) target_semaphore(%run_scoped3A : memref<!tpu.dma_semaphore, #tpu.memory_space<semaphore_mem>>)
      %dma_wait3A_173 = tpu.memref_slice %arg3[%add3A_47] : memref<640000xi32, #tpu.memory_space<hbm>> -> memref<80xi32, #tpu.memory_space<hbm>>
      %dma_wait3A_174 = tpu.memref_slice %arg3[%add3A_47] : memref<640000xi32, #tpu.memory_space<hbm>> -> memref<80xi32, #tpu.memory_space<hbm>>
      tpu.wait_dma2 semaphore(%run_scoped3A : memref<!tpu.dma_semaphore, #tpu.memory_space<semaphore_mem>>) src(%dma_wait3A_174 : memref<80xi32, #tpu.memory_space<hbm>>) dst(%arg7 : memref<80xi32, #tpu.memory_space<vmem>>)
      tpu.yield
    }) : () -> ()
    %dma_start3A_48 = arith.constant 0 : i32
    %dma_start3A_49 = arith.constant 0 : i32
    %dma_start3A_50 = tpu.memref_slice %arg2[%dma_start3A_48, %dma_start3A_49] : memref<10000x128xf32, #tpu.memory_space<hbm>> -> memref<10000x128xf32, #tpu.memory_space<hbm>>
    tpu.enqueue_indirect_dma source(%dma_start3A_50 : memref<10000x128xf32, #tpu.memory_space<hbm>>) target(%arg15 : memref<80x128xf32, #tpu.memory_space<vmem>>) offsets(%arg7 : memref<80xi32, #tpu.memory_space<vmem>>) semaphore(%arg19 : memref<!tpu.dma_semaphore, #tpu.memory_space<semaphore_mem>>)
    %dma_wait3A_51 = arith.constant 0 : i32
    %dma_wait3A_52 = arith.constant 0 : i32
    %dma_wait3A_53 = tpu.memref_slice %arg2[%dma_wait3A_51, %dma_wait3A_52] : memref<10000x128xf32, #tpu.memory_space<hbm>> -> memref<10000x128xf32, #tpu.memory_space<hbm>>
    tpu.wait_indirect_dma semaphore(%arg21 : memref<!tpu.dma_semaphore, #tpu.memory_space<semaphore_mem>>) src(%dma_wait3A_53 : memref<10000x128xf32, #tpu.memory_space<hbm>>) dst(%arg17 : memref<80x128xf32, #tpu.memory_space<vmem>>)
    %add3A_54 = arith.constant 320000 : i32
    %add3A_55 = arith.addi %add3A_54, %mul3A_4 : i32
    %add3A_56 = arith.constant 160 : i32
    %add3A_57 = arith.addi %add3A_55, %add3A_56 : i32
    "tpu.region"() ({
      %run_scoped3A = tpu.sem_alloc : memref<!tpu.dma_semaphore, #tpu.memory_space<semaphore_mem>>
      %dma_start3A_171 = tpu.memref_slice %arg3[%add3A_57] : memref<640000xi32, #tpu.memory_space<hbm>> -> memref<80xi32, #tpu.memory_space<hbm>>
      %dma_start3A_172 = tpu.memref_slice %arg3[%add3A_57] : memref<640000xi32, #tpu.memory_space<hbm>> -> memref<80xi32, #tpu.memory_space<hbm>>
      tpu.enqueue_dma source(%dma_start3A_172 : memref<80xi32, #tpu.memory_space<hbm>>) target(%arg13 : memref<80xi32, #tpu.memory_space<vmem>>) target_semaphore(%run_scoped3A : memref<!tpu.dma_semaphore, #tpu.memory_space<semaphore_mem>>)
      %dma_wait3A_173 = tpu.memref_slice %arg3[%add3A_57] : memref<640000xi32, #tpu.memory_space<hbm>> -> memref<80xi32, #tpu.memory_space<hbm>>
      %dma_wait3A_174 = tpu.memref_slice %arg3[%add3A_57] : memref<640000xi32, #tpu.memory_space<hbm>> -> memref<80xi32, #tpu.memory_space<hbm>>
      tpu.wait_dma2 semaphore(%run_scoped3A : memref<!tpu.dma_semaphore, #tpu.memory_space<semaphore_mem>>) src(%dma_wait3A_174 : memref<80xi32, #tpu.memory_space<hbm>>) dst(%arg13 : memref<80xi32, #tpu.memory_space<vmem>>)
      tpu.yield
    }) : () -> ()
    %dma_start3A_58 = arith.constant 0 : i32
    %dma_start3A_59 = arith.constant 0 : i32
    %dma_start3A_60 = tpu.memref_slice %arg6[%dma_start3A_58, %dma_start3A_59] : memref<10240x128xf32, #tpu.memory_space<vmem_shared>> -> memref<10240x128xf32, #tpu.memory_space<vmem_shared>>
    tpu.enqueue_indirect_dma source(%arg17 : memref<80x128xf32, #tpu.memory_space<vmem>>) target(%dma_start3A_60 : memref<10240x128xf32, #tpu.memory_space<vmem_shared>>) offsets(%arg13 : memref<80xi32, #tpu.memory_space<vmem>>) semaphore(%arg25 : memref<!tpu.dma_semaphore, #tpu.memory_space<semaphore_mem>>) {add = true}
    %dma_wait3A_61 = arith.constant 0 : i32
    %dma_wait3A_62 = arith.constant 0 : i32
    %dma_wait3A_63 = tpu.memref_slice %arg6[%dma_wait3A_61, %dma_wait3A_62] : memref<10240x128xf32, #tpu.memory_space<vmem_shared>> -> memref<10240x128xf32, #tpu.memory_space<vmem_shared>>
    tpu.wait_indirect_dma semaphore(%arg24 : memref<!tpu.dma_semaphore, #tpu.memory_space<semaphore_mem>>) src(%arg16 : memref<80x128xf32, #tpu.memory_space<vmem>>) dst(%dma_wait3A_63 : memref<10240x128xf32, #tpu.memory_space<vmem_shared>>)
    %add3A_64 = arith.constant 400 : i32
    %add3A_65 = arith.addi %mul3A_4, %add3A_64 : i32
    "tpu.region"() ({
      %run_scoped3A = tpu.sem_alloc : memref<!tpu.dma_semaphore, #tpu.memory_space<semaphore_mem>>
      %dma_start3A_171 = tpu.memref_slice %arg3[%add3A_65] : memref<640000xi32, #tpu.memory_space<hbm>> -> memref<80xi32, #tpu.memory_space<hbm>>
      %dma_start3A_172 = tpu.memref_slice %arg3[%add3A_65] : memref<640000xi32, #tpu.memory_space<hbm>> -> memref<80xi32, #tpu.memory_space<hbm>>
      tpu.enqueue_dma source(%dma_start3A_172 : memref<80xi32, #tpu.memory_space<hbm>>) target(%arg8 : memref<80xi32, #tpu.memory_space<vmem>>) target_semaphore(%run_scoped3A : memref<!tpu.dma_semaphore, #tpu.memory_space<semaphore_mem>>)
      %dma_wait3A_173 = tpu.memref_slice %arg3[%add3A_65] : memref<640000xi32, #tpu.memory_space<hbm>> -> memref<80xi32, #tpu.memory_space<hbm>>
      %dma_wait3A_174 = tpu.memref_slice %arg3[%add3A_65] : memref<640000xi32, #tpu.memory_space<hbm>> -> memref<80xi32, #tpu.memory_space<hbm>>
      tpu.wait_dma2 semaphore(%run_scoped3A : memref<!tpu.dma_semaphore, #tpu.memory_space<semaphore_mem>>) src(%dma_wait3A_174 : memref<80xi32, #tpu.memory_space<hbm>>) dst(%arg8 : memref<80xi32, #tpu.memory_space<vmem>>)
      tpu.yield
    }) : () -> ()
    %dma_start3A_66 = arith.constant 0 : i32
    %dma_start3A_67 = arith.constant 0 : i32
    %dma_start3A_68 = tpu.memref_slice %arg2[%dma_start3A_66, %dma_start3A_67] : memref<10000x128xf32, #tpu.memory_space<hbm>> -> memref<10000x128xf32, #tpu.memory_space<hbm>>
    tpu.enqueue_indirect_dma source(%dma_start3A_68 : memref<10000x128xf32, #tpu.memory_space<hbm>>) target(%arg16 : memref<80x128xf32, #tpu.memory_space<vmem>>) offsets(%arg8 : memref<80xi32, #tpu.memory_space<vmem>>) semaphore(%arg20 : memref<!tpu.dma_semaphore, #tpu.memory_space<semaphore_mem>>)
    %dma_wait3A_69 = arith.constant 0 : i32
    %dma_wait3A_70 = arith.constant 0 : i32
    %dma_wait3A_71 = tpu.memref_slice %arg2[%dma_wait3A_69, %dma_wait3A_70] : memref<10000x128xf32, #tpu.memory_space<hbm>> -> memref<10000x128xf32, #tpu.memory_space<hbm>>
    tpu.wait_indirect_dma semaphore(%arg22 : memref<!tpu.dma_semaphore, #tpu.memory_space<semaphore_mem>>) src(%dma_wait3A_71 : memref<10000x128xf32, #tpu.memory_space<hbm>>) dst(%arg18 : memref<80x128xf32, #tpu.memory_space<vmem>>)
    %add3A_72 = arith.constant 320000 : i32
    %add3A_73 = arith.addi %add3A_72, %mul3A_4 : i32
    %add3A_74 = arith.constant 240 : i32
    %add3A_75 = arith.addi %add3A_73, %add3A_74 : i32
    "tpu.region"() ({
      %run_scoped3A = tpu.sem_alloc : memref<!tpu.dma_semaphore, #tpu.memory_space<semaphore_mem>>
      %dma_start3A_171 = tpu.memref_slice %arg3[%add3A_75] : memref<640000xi32, #tpu.memory_space<hbm>> -> memref<80xi32, #tpu.memory_space<hbm>>
      %dma_start3A_172 = tpu.memref_slice %arg3[%add3A_75] : memref<640000xi32, #tpu.memory_space<hbm>> -> memref<80xi32, #tpu.memory_space<hbm>>
      tpu.enqueue_dma source(%dma_start3A_172 : memref<80xi32, #tpu.memory_space<hbm>>) target(%arg14 : memref<80xi32, #tpu.memory_space<vmem>>) target_semaphore(%run_scoped3A : memref<!tpu.dma_semaphore, #tpu.memory_space<semaphore_mem>>)
      %dma_wait3A_173 = tpu.memref_slice %arg3[%add3A_75] : memref<640000xi32, #tpu.memory_space<hbm>> -> memref<80xi32, #tpu.memory_space<hbm>>
      %dma_wait3A_174 = tpu.memref_slice %arg3[%add3A_75] : memref<640000xi32, #tpu.memory_space<hbm>> -> memref<80xi32, #tpu.memory_space<hbm>>
      tpu.wait_dma2 semaphore(%run_scoped3A : memref<!tpu.dma_semaphore, #tpu.memory_space<semaphore_mem>>) src(%dma_wait3A_174 : memref<80xi32, #tpu.memory_space<hbm>>) dst(%arg14 : memref<80xi32, #tpu.memory_space<vmem>>)
      tpu.yield
    }) : () -> ()
    %dma_start3A_76 = arith.constant 0 : i32
    %dma_start3A_77 = arith.constant 0 : i32
    %dma_start3A_78 = tpu.memref_slice %arg6[%dma_start3A_76, %dma_start3A_77] : memref<10240x128xf32, #tpu.memory_space<vmem_shared>> -> memref<10240x128xf32, #tpu.memory_space<vmem_shared>>
    tpu.enqueue_indirect_dma source(%arg18 : memref<80x128xf32, #tpu.memory_space<vmem>>) target(%dma_start3A_78 : memref<10240x128xf32, #tpu.memory_space<vmem_shared>>) offsets(%arg14 : memref<80xi32, #tpu.memory_space<vmem>>) semaphore(%arg26 : memref<!tpu.dma_semaphore, #tpu.memory_space<semaphore_mem>>) {add = true}
    %dma_wait3A_79 = arith.constant 0 : i32
    %dma_wait3A_80 = arith.constant 0 : i32
    %dma_wait3A_81 = tpu.memref_slice %arg6[%dma_wait3A_79, %dma_wait3A_80] : memref<10240x128xf32, #tpu.memory_space<vmem_shared>> -> memref<10240x128xf32, #tpu.memory_space<vmem_shared>>
    tpu.wait_indirect_dma semaphore(%arg25 : memref<!tpu.dma_semaphore, #tpu.memory_space<semaphore_mem>>) src(%arg17 : memref<80x128xf32, #tpu.memory_space<vmem>>) dst(%dma_wait3A_81 : memref<10240x128xf32, #tpu.memory_space<vmem_shared>>)
    %add3A_82 = arith.constant 480 : i32
    %add3A_83 = arith.addi %mul3A_4, %add3A_82 : i32
    "tpu.region"() ({
      %run_scoped3A = tpu.sem_alloc : memref<!tpu.dma_semaphore, #tpu.memory_space<semaphore_mem>>
      %dma_start3A_171 = tpu.memref_slice %arg3[%add3A_83] : memref<640000xi32, #tpu.memory_space<hbm>> -> memref<80xi32, #tpu.memory_space<hbm>>
      %dma_start3A_172 = tpu.memref_slice %arg3[%add3A_83] : memref<640000xi32, #tpu.memory_space<hbm>> -> memref<80xi32, #tpu.memory_space<hbm>>
      tpu.enqueue_dma source(%dma_start3A_172 : memref<80xi32, #tpu.memory_space<hbm>>) target(%arg9 : memref<80xi32, #tpu.memory_space<vmem>>) target_semaphore(%run_scoped3A : memref<!tpu.dma_semaphore, #tpu.memory_space<semaphore_mem>>)
      %dma_wait3A_173 = tpu.memref_slice %arg3[%add3A_83] : memref<640000xi32, #tpu.memory_space<hbm>> -> memref<80xi32, #tpu.memory_space<hbm>>
      %dma_wait3A_174 = tpu.memref_slice %arg3[%add3A_83] : memref<640000xi32, #tpu.memory_space<hbm>> -> memref<80xi32, #tpu.memory_space<hbm>>
      tpu.wait_dma2 semaphore(%run_scoped3A : memref<!tpu.dma_semaphore, #tpu.memory_space<semaphore_mem>>) src(%dma_wait3A_174 : memref<80xi32, #tpu.memory_space<hbm>>) dst(%arg9 : memref<80xi32, #tpu.memory_space<vmem>>)
      tpu.yield
    }) : () -> ()
    %dma_start3A_84 = arith.constant 0 : i32
    %dma_start3A_85 = arith.constant 0 : i32
    %dma_start3A_86 = tpu.memref_slice %arg2[%dma_start3A_84, %dma_start3A_85] : memref<10000x128xf32, #tpu.memory_space<hbm>> -> memref<10000x128xf32, #tpu.memory_space<hbm>>
    tpu.enqueue_indirect_dma source(%dma_start3A_86 : memref<10000x128xf32, #tpu.memory_space<hbm>>) target(%arg17 : memref<80x128xf32, #tpu.memory_space<vmem>>) offsets(%arg9 : memref<80xi32, #tpu.memory_space<vmem>>) semaphore(%arg21 : memref<!tpu.dma_semaphore, #tpu.memory_space<semaphore_mem>>)
    %scan3A = arith.constant 0 : i32
    %scan3A_87 = arith.constant 0 : i32
    %scan3A_88 = arith.constant 29 : i32
    %scan3A_89 = arith.addi %scan3A_87, %scan3A_88 : i32
    %scan3A_90 = arith.constant 1 : i32
    scf.for %scan3A_171 = %scan3A_87 to %scan3A_89 step %scan3A_90  : i32 {
      %mul3A_172 = arith.constant 4 : i32
      %mul3A_173 = arith.muli %mul3A_172, %scan3A_171 : i32
      %add3A_174 = arith.constant 4 : i32
      %add3A_175 = arith.addi %add3A_174, %mul3A_173 : i32
      %add3A_176 = arith.constant 0 : i32
      %add3A_177 = arith.addi %add3A_175, %add3A_176 : i32
      %dma_wait3A_178 = arith.constant 0 : i32
      %dma_wait3A_179 = arith.constant 0 : i32
      %dma_wait3A_180 = tpu.memref_slice %arg2[%dma_wait3A_178, %dma_wait3A_179] : memref<10000x128xf32, #tpu.memory_space<hbm>> -> memref<10000x128xf32, #tpu.memory_space<hbm>>
      tpu.wait_indirect_dma semaphore(%arg19 : memref<!tpu.dma_semaphore, #tpu.memory_space<semaphore_mem>>) src(%dma_wait3A_180 : memref<10000x128xf32, #tpu.memory_space<hbm>>) dst(%arg15 : memref<80x128xf32, #tpu.memory_space<vmem>>)
      %add3A_181 = arith.constant 320000 : i32
      %add3A_182 = arith.addi %add3A_181, %mul3A_4 : i32
      %mul3A_183 = arith.constant 80 : i32
      %mul3A_184 = arith.muli %add3A_177, %mul3A_183 : i32
      %add3A_185 = arith.addi %add3A_182, %mul3A_184 : i32
      "tpu.region"() ({
        %run_scoped3A = tpu.sem_alloc : memref<!tpu.dma_semaphore, #tpu.memory_space<semaphore_mem>>
        %dma_start3A_284 = tpu.memref_slice %arg3[%add3A_185] : memref<640000xi32, #tpu.memory_space<hbm>> -> memref<80xi32, #tpu.memory_space<hbm>>
        %dma_start3A_285 = tpu.memref_slice %arg3[%add3A_185] : memref<640000xi32, #tpu.memory_space<hbm>> -> memref<80xi32, #tpu.memory_space<hbm>>
        tpu.enqueue_dma source(%dma_start3A_285 : memref<80xi32, #tpu.memory_space<hbm>>) target(%arg11 : memref<80xi32, #tpu.memory_space<vmem>>) target_semaphore(%run_scoped3A : memref<!tpu.dma_semaphore, #tpu.memory_space<semaphore_mem>>)
        %dma_wait3A_286 = tpu.memref_slice %arg3[%add3A_185] : memref<640000xi32, #tpu.memory_space<hbm>> -> memref<80xi32, #tpu.memory_space<hbm>>
        %dma_wait3A_287 = tpu.memref_slice %arg3[%add3A_185] : memref<640000xi32, #tpu.memory_space<hbm>> -> memref<80xi32, #tpu.memory_space<hbm>>
        tpu.wait_dma2 semaphore(%run_scoped3A : memref<!tpu.dma_semaphore, #tpu.memory_space<semaphore_mem>>) src(%dma_wait3A_287 : memref<80xi32, #tpu.memory_space<hbm>>) dst(%arg11 : memref<80xi32, #tpu.memory_space<vmem>>)
        tpu.yield
      }) : () -> ()
      %dma_start3A_186 = arith.constant 0 : i32
      %dma_start3A_187 = arith.constant 0 : i32
      %dma_start3A_188 = tpu.memref_slice %arg6[%dma_start3A_186, %dma_start3A_187] : memref<10240x128xf32, #tpu.memory_space<vmem_shared>> -> memref<10240x128xf32, #tpu.memory_space<vmem_shared>>
      tpu.enqueue_indirect_dma source(%arg15 : memref<80x128xf32, #tpu.memory_space<vmem>>) target(%dma_start3A_188 : memref<10240x128xf32, #tpu.memory_space<vmem_shared>>) offsets(%arg11 : memref<80xi32, #tpu.memory_space<vmem>>) semaphore(%arg23 : memref<!tpu.dma_semaphore, #tpu.memory_space<semaphore_mem>>) {add = true}
      %dma_wait3A_189 = arith.constant 0 : i32
      %dma_wait3A_190 = arith.constant 0 : i32
      %dma_wait3A_191 = tpu.memref_slice %arg6[%dma_wait3A_189, %dma_wait3A_190] : memref<10240x128xf32, #tpu.memory_space<vmem_shared>> -> memref<10240x128xf32, #tpu.memory_space<vmem_shared>>
      tpu.wait_indirect_dma semaphore(%arg26 : memref<!tpu.dma_semaphore, #tpu.memory_space<semaphore_mem>>) src(%arg18 : memref<80x128xf32, #tpu.memory_space<vmem>>) dst(%dma_wait3A_191 : memref<10240x128xf32, #tpu.memory_space<vmem_shared>>)
      %add3A_192 = arith.constant 3 : i32
      %add3A_193 = arith.addi %add3A_177, %add3A_192 : i32
      %mul3A_194 = arith.constant 80 : i32
      %mul3A_195 = arith.muli %add3A_193, %mul3A_194 : i32
      %add3A_196 = arith.addi %mul3A_4, %mul3A_195 : i32
      "tpu.region"() ({
        %run_scoped3A = tpu.sem_alloc : memref<!tpu.dma_semaphore, #tpu.memory_space<semaphore_mem>>
        %dma_start3A_284 = tpu.memref_slice %arg3[%add3A_196] : memref<640000xi32, #tpu.memory_space<hbm>> -> memref<80xi32, #tpu.memory_space<hbm>>
        %dma_start3A_285 = tpu.memref_slice %arg3[%add3A_196] : memref<640000xi32, #tpu.memory_space<hbm>> -> memref<80xi32, #tpu.memory_space<hbm>>
        tpu.enqueue_dma source(%dma_start3A_285 : memref<80xi32, #tpu.memory_space<hbm>>) target(%arg10 : memref<80xi32, #tpu.memory_space<vmem>>) target_semaphore(%run_scoped3A : memref<!tpu.dma_semaphore, #tpu.memory_space<semaphore_mem>>)
        %dma_wait3A_286 = tpu.memref_slice %arg3[%add3A_196] : memref<640000xi32, #tpu.memory_space<hbm>> -> memref<80xi32, #tpu.memory_space<hbm>>
        %dma_wait3A_287 = tpu.memref_slice %arg3[%add3A_196] : memref<640000xi32, #tpu.memory_space<hbm>> -> memref<80xi32, #tpu.memory_space<hbm>>
        tpu.wait_dma2 semaphore(%run_scoped3A : memref<!tpu.dma_semaphore, #tpu.memory_space<semaphore_mem>>) src(%dma_wait3A_287 : memref<80xi32, #tpu.memory_space<hbm>>) dst(%arg10 : memref<80xi32, #tpu.memory_space<vmem>>)
        tpu.yield
      }) : () -> ()
      %dma_start3A_197 = arith.constant 0 : i32
      %dma_start3A_198 = arith.constant 0 : i32
      %dma_start3A_199 = tpu.memref_slice %arg2[%dma_start3A_197, %dma_start3A_198] : memref<10000x128xf32, #tpu.memory_space<hbm>> -> memref<10000x128xf32, #tpu.memory_space<hbm>>
      tpu.enqueue_indirect_dma source(%dma_start3A_199 : memref<10000x128xf32, #tpu.memory_space<hbm>>) target(%arg18 : memref<80x128xf32, #tpu.memory_space<vmem>>) offsets(%arg10 : memref<80xi32, #tpu.memory_space<vmem>>) semaphore(%arg22 : memref<!tpu.dma_semaphore, #tpu.memory_space<semaphore_mem>>)
      %mul3A_200 = arith.constant 4 : i32
      %mul3A_201 = arith.muli %mul3A_200, %scan3A_171 : i32
      %add3A_202 = arith.constant 4 : i32
      %add3A_203 = arith.addi %add3A_202, %mul3A_201 : i32
      %add3A_204 = arith.constant 1 : i32
      %add3A_205 = arith.addi %add3A_203, %add3A_204 : i32
      %dma_wait3A_206 = arith.constant 0 : i32
      %dma_wait3A_207 = arith.constant 0 : i32
      %dma_wait3A_208 = tpu.memref_slice %arg2[%dma_wait3A_206, %dma_wait3A_207] : memref<10000x128xf32, #tpu.memory_space<hbm>> -> memref<10000x128xf32, #tpu.memory_space<hbm>>
      tpu.wait_indirect_dma semaphore(%arg20 : memref<!tpu.dma_semaphore, #tpu.memory_space<semaphore_mem>>) src(%dma_wait3A_208 : memref<10000x128xf32, #tpu.memory_space<hbm>>) dst(%arg16 : memref<80x128xf32, #tpu.memory_space<vmem>>)
      %add3A_209 = arith.constant 320000 : i32
      %add3A_210 = arith.addi %add3A_209, %mul3A_4 : i32
      %mul3A_211 = arith.constant 80 : i32
      %mul3A_212 = arith.muli %add3A_205, %mul3A_211 : i32
      %add3A_213 = arith.addi %add3A_210, %mul3A_212 : i32
      "tpu.region"() ({
        %run_scoped3A = tpu.sem_alloc : memref<!tpu.dma_semaphore, #tpu.memory_space<semaphore_mem>>
        %dma_start3A_284 = tpu.memref_slice %arg3[%add3A_213] : memref<640000xi32, #tpu.memory_space<hbm>> -> memref<80xi32, #tpu.memory_space<hbm>>
        %dma_start3A_285 = tpu.memref_slice %arg3[%add3A_213] : memref<640000xi32, #tpu.memory_space<hbm>> -> memref<80xi32, #tpu.memory_space<hbm>>
        tpu.enqueue_dma source(%dma_start3A_285 : memref<80xi32, #tpu.memory_space<hbm>>) target(%arg12 : memref<80xi32, #tpu.memory_space<vmem>>) target_semaphore(%run_scoped3A : memref<!tpu.dma_semaphore, #tpu.memory_space<semaphore_mem>>)
        %dma_wait3A_286 = tpu.memref_slice %arg3[%add3A_213] : memref<640000xi32, #tpu.memory_space<hbm>> -> memref<80xi32, #tpu.memory_space<hbm>>
        %dma_wait3A_287 = tpu.memref_slice %arg3[%add3A_213] : memref<640000xi32, #tpu.memory_space<hbm>> -> memref<80xi32, #tpu.memory_space<hbm>>
        tpu.wait_dma2 semaphore(%run_scoped3A : memref<!tpu.dma_semaphore, #tpu.memory_space<semaphore_mem>>) src(%dma_wait3A_287 : memref<80xi32, #tpu.memory_space<hbm>>) dst(%arg12 : memref<80xi32, #tpu.memory_space<vmem>>)
        tpu.yield
      }) : () -> ()
      %dma_start3A_214 = arith.constant 0 : i32
      %dma_start3A_215 = arith.constant 0 : i32
      %dma_start3A_216 = tpu.memref_slice %arg6[%dma_start3A_214, %dma_start3A_215] : memref<10240x128xf32, #tpu.memory_space<vmem_shared>> -> memref<10240x128xf32, #tpu.memory_space<vmem_shared>>
      tpu.enqueue_indirect_dma source(%arg16 : memref<80x128xf32, #tpu.memory_space<vmem>>) target(%dma_start3A_216 : memref<10240x128xf32, #tpu.memory_space<vmem_shared>>) offsets(%arg12 : memref<80xi32, #tpu.memory_space<vmem>>) semaphore(%arg24 : memref<!tpu.dma_semaphore, #tpu.memory_space<semaphore_mem>>) {add = true}
      %dma_wait3A_217 = arith.constant 0 : i32
      %dma_wait3A_218 = arith.constant 0 : i32
      %dma_wait3A_219 = tpu.memref_slice %arg6[%dma_wait3A_217, %dma_wait3A_218] : memref<10240x128xf32, #tpu.memory_space<vmem_shared>> -> memref<10240x128xf32, #tpu.memory_space<vmem_shared>>
      tpu.wait_indirect_dma semaphore(%arg23 : memref<!tpu.dma_semaphore, #tpu.memory_space<semaphore_mem>>) src(%arg15 : memref<80x128xf32, #tpu.memory_space<vmem>>) dst(%dma_wait3A_219 : memref<10240x128xf32, #tpu.memory_space<vmem_shared>>)
      %add3A_220 = arith.constant 3 : i32
      %add3A_221 = arith.addi %add3A_205, %add3A_220 : i32
      %mul3A_222 = arith.constant 80 : i32
      %mul3A_223 = arith.muli %add3A_221, %mul3A_222 : i32
      %add3A_224 = arith.addi %mul3A_4, %mul3A_223 : i32
      "tpu.region"() ({
        %run_scoped3A = tpu.sem_alloc : memref<!tpu.dma_semaphore, #tpu.memory_space<semaphore_mem>>
        %dma_start3A_284 = tpu.memref_slice %arg3[%add3A_224] : memref<640000xi32, #tpu.memory_space<hbm>> -> memref<80xi32, #tpu.memory_space<hbm>>
        %dma_start3A_285 = tpu.memref_slice %arg3[%add3A_224] : memref<640000xi32, #tpu.memory_space<hbm>> -> memref<80xi32, #tpu.memory_space<hbm>>
        tpu.enqueue_dma source(%dma_start3A_285 : memref<80xi32, #tpu.memory_space<hbm>>) target(%arg7 : memref<80xi32, #tpu.memory_space<vmem>>) target_semaphore(%run_scoped3A : memref<!tpu.dma_semaphore, #tpu.memory_space<semaphore_mem>>)
        %dma_wait3A_286 = tpu.memref_slice %arg3[%add3A_224] : memref<640000xi32, #tpu.memory_space<hbm>> -> memref<80xi32, #tpu.memory_space<hbm>>
        %dma_wait3A_287 = tpu.memref_slice %arg3[%add3A_224] : memref<640000xi32, #tpu.memory_space<hbm>> -> memref<80xi32, #tpu.memory_space<hbm>>
        tpu.wait_dma2 semaphore(%run_scoped3A : memref<!tpu.dma_semaphore, #tpu.memory_space<semaphore_mem>>) src(%dma_wait3A_287 : memref<80xi32, #tpu.memory_space<hbm>>) dst(%arg7 : memref<80xi32, #tpu.memory_space<vmem>>)
        tpu.yield
      }) : () -> ()
      %dma_start3A_225 = arith.constant 0 : i32
      %dma_start3A_226 = arith.constant 0 : i32
      %dma_start3A_227 = tpu.memref_slice %arg2[%dma_start3A_225, %dma_start3A_226] : memref<10000x128xf32, #tpu.memory_space<hbm>> -> memref<10000x128xf32, #tpu.memory_space<hbm>>
      tpu.enqueue_indirect_dma source(%dma_start3A_227 : memref<10000x128xf32, #tpu.memory_space<hbm>>) target(%arg15 : memref<80x128xf32, #tpu.memory_space<vmem>>) offsets(%arg7 : memref<80xi32, #tpu.memory_space<vmem>>) semaphore(%arg19 : memref<!tpu.dma_semaphore, #tpu.memory_space<semaphore_mem>>)
      %mul3A_228 = arith.constant 4 : i32
      %mul3A_229 = arith.muli %mul3A_228, %scan3A_171 : i32
      %add3A_230 = arith.constant 4 : i32
      %add3A_231 = arith.addi %add3A_230, %mul3A_229 : i32
      %add3A_232 = arith.constant 2 : i32
      %add3A_233 = arith.addi %add3A_231, %add3A_232 : i32
      %dma_wait3A_234 = arith.constant 0 : i32
      %dma_wait3A_235 = arith.constant 0 : i32
      %dma_wait3A_236 = tpu.memref_slice %arg2[%dma_wait3A_234, %dma_wait3A_235] : memref<10000x128xf32, #tpu.memory_space<hbm>> -> memref<10000x128xf32, #tpu.memory_space<hbm>>
      tpu.wait_indirect_dma semaphore(%arg21 : memref<!tpu.dma_semaphore, #tpu.memory_space<semaphore_mem>>) src(%dma_wait3A_236 : memref<10000x128xf32, #tpu.memory_space<hbm>>) dst(%arg17 : memref<80x128xf32, #tpu.memory_space<vmem>>)
      %add3A_237 = arith.constant 320000 : i32
      %add3A_238 = arith.addi %add3A_237, %mul3A_4 : i32
      %mul3A_239 = arith.constant 80 : i32
      %mul3A_240 = arith.muli %add3A_233, %mul3A_239 : i32
      %add3A_241 = arith.addi %add3A_238, %mul3A_240 : i32
      "tpu.region"() ({
        %run_scoped3A = tpu.sem_alloc : memref<!tpu.dma_semaphore, #tpu.memory_space<semaphore_mem>>
        %dma_start3A_284 = tpu.memref_slice %arg3[%add3A_241] : memref<640000xi32, #tpu.memory_space<hbm>> -> memref<80xi32, #tpu.memory_space<hbm>>
        %dma_start3A_285 = tpu.memref_slice %arg3[%add3A_241] : memref<640000xi32, #tpu.memory_space<hbm>> -> memref<80xi32, #tpu.memory_space<hbm>>
        tpu.enqueue_dma source(%dma_start3A_285 : memref<80xi32, #tpu.memory_space<hbm>>) target(%arg13 : memref<80xi32, #tpu.memory_space<vmem>>) target_semaphore(%run_scoped3A : memref<!tpu.dma_semaphore, #tpu.memory_space<semaphore_mem>>)
        %dma_wait3A_286 = tpu.memref_slice %arg3[%add3A_241] : memref<640000xi32, #tpu.memory_space<hbm>> -> memref<80xi32, #tpu.memory_space<hbm>>
        %dma_wait3A_287 = tpu.memref_slice %arg3[%add3A_241] : memref<640000xi32, #tpu.memory_space<hbm>> -> memref<80xi32, #tpu.memory_space<hbm>>
        tpu.wait_dma2 semaphore(%run_scoped3A : memref<!tpu.dma_semaphore, #tpu.memory_space<semaphore_mem>>) src(%dma_wait3A_287 : memref<80xi32, #tpu.memory_space<hbm>>) dst(%arg13 : memref<80xi32, #tpu.memory_space<vmem>>)
        tpu.yield
      }) : () -> ()
      %dma_start3A_242 = arith.constant 0 : i32
      %dma_start3A_243 = arith.constant 0 : i32
      %dma_start3A_244 = tpu.memref_slice %arg6[%dma_start3A_242, %dma_start3A_243] : memref<10240x128xf32, #tpu.memory_space<vmem_shared>> -> memref<10240x128xf32, #tpu.memory_space<vmem_shared>>
      tpu.enqueue_indirect_dma source(%arg17 : memref<80x128xf32, #tpu.memory_space<vmem>>) target(%dma_start3A_244 : memref<10240x128xf32, #tpu.memory_space<vmem_shared>>) offsets(%arg13 : memref<80xi32, #tpu.memory_space<vmem>>) semaphore(%arg25 : memref<!tpu.dma_semaphore, #tpu.memory_space<semaphore_mem>>) {add = true}
      %dma_wait3A_245 = arith.constant 0 : i32
      %dma_wait3A_246 = arith.constant 0 : i32
      %dma_wait3A_247 = tpu.memref_slice %arg6[%dma_wait3A_245, %dma_wait3A_246] : memref<10240x128xf32, #tpu.memory_space<vmem_shared>> -> memref<10240x128xf32, #tpu.memory_space<vmem_shared>>
      tpu.wait_indirect_dma semaphore(%arg24 : memref<!tpu.dma_semaphore, #tpu.memory_space<semaphore_mem>>) src(%arg16 : memref<80x128xf32, #tpu.memory_space<vmem>>) dst(%dma_wait3A_247 : memref<10240x128xf32, #tpu.memory_space<vmem_shared>>)
      %add3A_248 = arith.constant 3 : i32
      %add3A_249 = arith.addi %add3A_233, %add3A_248 : i32
      %mul3A_250 = arith.constant 80 : i32
      %mul3A_251 = arith.muli %add3A_249, %mul3A_250 : i32
      %add3A_252 = arith.addi %mul3A_4, %mul3A_251 : i32
      "tpu.region"() ({
        %run_scoped3A = tpu.sem_alloc : memref<!tpu.dma_semaphore, #tpu.memory_space<semaphore_mem>>
        %dma_start3A_284 = tpu.memref_slice %arg3[%add3A_252] : memref<640000xi32, #tpu.memory_space<hbm>> -> memref<80xi32, #tpu.memory_space<hbm>>
        %dma_start3A_285 = tpu.memref_slice %arg3[%add3A_252] : memref<640000xi32, #tpu.memory_space<hbm>> -> memref<80xi32, #tpu.memory_space<hbm>>
        tpu.enqueue_dma source(%dma_start3A_285 : memref<80xi32, #tpu.memory_space<hbm>>) target(%arg8 : memref<80xi32, #tpu.memory_space<vmem>>) target_semaphore(%run_scoped3A : memref<!tpu.dma_semaphore, #tpu.memory_space<semaphore_mem>>)
        %dma_wait3A_286 = tpu.memref_slice %arg3[%add3A_252] : memref<640000xi32, #tpu.memory_space<hbm>> -> memref<80xi32, #tpu.memory_space<hbm>>
        %dma_wait3A_287 = tpu.memref_slice %arg3[%add3A_252] : memref<640000xi32, #tpu.memory_space<hbm>> -> memref<80xi32, #tpu.memory_space<hbm>>
        tpu.wait_dma2 semaphore(%run_scoped3A : memref<!tpu.dma_semaphore, #tpu.memory_space<semaphore_mem>>) src(%dma_wait3A_287 : memref<80xi32, #tpu.memory_space<hbm>>) dst(%arg8 : memref<80xi32, #tpu.memory_space<vmem>>)
        tpu.yield
      }) : () -> ()
      %dma_start3A_253 = arith.constant 0 : i32
      %dma_start3A_254 = arith.constant 0 : i32
      %dma_start3A_255 = tpu.memref_slice %arg2[%dma_start3A_253, %dma_start3A_254] : memref<10000x128xf32, #tpu.memory_space<hbm>> -> memref<10000x128xf32, #tpu.memory_space<hbm>>
      tpu.enqueue_indirect_dma source(%dma_start3A_255 : memref<10000x128xf32, #tpu.memory_space<hbm>>) target(%arg16 : memref<80x128xf32, #tpu.memory_space<vmem>>) offsets(%arg8 : memref<80xi32, #tpu.memory_space<vmem>>) semaphore(%arg20 : memref<!tpu.dma_semaphore, #tpu.memory_space<semaphore_mem>>)
      %mul3A_256 = arith.constant 4 : i32
      %mul3A_257 = arith.muli %mul3A_256, %scan3A_171 : i32
      %add3A_258 = arith.constant 4 : i32
      %add3A_259 = arith.addi %add3A_258, %mul3A_257 : i32
      %add3A_260 = arith.constant 3 : i32
      %add3A_261 = arith.addi %add3A_259, %add3A_260 : i32
      %dma_wait3A_262 = arith.constant 0 : i32
      %dma_wait3A_263 = arith.constant 0 : i32
      %dma_wait3A_264 = tpu.memref_slice %arg2[%dma_wait3A_262, %dma_wait3A_263] : memref<10000x128xf32, #tpu.memory_space<hbm>> -> memref<10000x128xf32, #tpu.memory_space<hbm>>
      tpu.wait_indirect_dma semaphore(%arg22 : memref<!tpu.dma_semaphore, #tpu.memory_space<semaphore_mem>>) src(%dma_wait3A_264 : memref<10000x128xf32, #tpu.memory_space<hbm>>) dst(%arg18 : memref<80x128xf32, #tpu.memory_space<vmem>>)
      %add3A_265 = arith.constant 320000 : i32
      %add3A_266 = arith.addi %add3A_265, %mul3A_4 : i32
      %mul3A_267 = arith.constant 80 : i32
      %mul3A_268 = arith.muli %add3A_261, %mul3A_267 : i32
      %add3A_269 = arith.addi %add3A_266, %mul3A_268 : i32
      "tpu.region"() ({
        %run_scoped3A = tpu.sem_alloc : memref<!tpu.dma_semaphore, #tpu.memory_space<semaphore_mem>>
        %dma_start3A_284 = tpu.memref_slice %arg3[%add3A_269] : memref<640000xi32, #tpu.memory_space<hbm>> -> memref<80xi32, #tpu.memory_space<hbm>>
        %dma_start3A_285 = tpu.memref_slice %arg3[%add3A_269] : memref<640000xi32, #tpu.memory_space<hbm>> -> memref<80xi32, #tpu.memory_space<hbm>>
        tpu.enqueue_dma source(%dma_start3A_285 : memref<80xi32, #tpu.memory_space<hbm>>) target(%arg14 : memref<80xi32, #tpu.memory_space<vmem>>) target_semaphore(%run_scoped3A : memref<!tpu.dma_semaphore, #tpu.memory_space<semaphore_mem>>)
        %dma_wait3A_286 = tpu.memref_slice %arg3[%add3A_269] : memref<640000xi32, #tpu.memory_space<hbm>> -> memref<80xi32, #tpu.memory_space<hbm>>
        %dma_wait3A_287 = tpu.memref_slice %arg3[%add3A_269] : memref<640000xi32, #tpu.memory_space<hbm>> -> memref<80xi32, #tpu.memory_space<hbm>>
        tpu.wait_dma2 semaphore(%run_scoped3A : memref<!tpu.dma_semaphore, #tpu.memory_space<semaphore_mem>>) src(%dma_wait3A_287 : memref<80xi32, #tpu.memory_space<hbm>>) dst(%arg14 : memref<80xi32, #tpu.memory_space<vmem>>)
        tpu.yield
      }) : () -> ()
      %dma_start3A_270 = arith.constant 0 : i32
      %dma_start3A_271 = arith.constant 0 : i32
      %dma_start3A_272 = tpu.memref_slice %arg6[%dma_start3A_270, %dma_start3A_271] : memref<10240x128xf32, #tpu.memory_space<vmem_shared>> -> memref<10240x128xf32, #tpu.memory_space<vmem_shared>>
      tpu.enqueue_indirect_dma source(%arg18 : memref<80x128xf32, #tpu.memory_space<vmem>>) target(%dma_start3A_272 : memref<10240x128xf32, #tpu.memory_space<vmem_shared>>) offsets(%arg14 : memref<80xi32, #tpu.memory_space<vmem>>) semaphore(%arg26 : memref<!tpu.dma_semaphore, #tpu.memory_space<semaphore_mem>>) {add = true}
      %dma_wait3A_273 = arith.constant 0 : i32
      %dma_wait3A_274 = arith.constant 0 : i32
      %dma_wait3A_275 = tpu.memref_slice %arg6[%dma_wait3A_273, %dma_wait3A_274] : memref<10240x128xf32, #tpu.memory_space<vmem_shared>> -> memref<10240x128xf32, #tpu.memory_space<vmem_shared>>
      tpu.wait_indirect_dma semaphore(%arg25 : memref<!tpu.dma_semaphore, #tpu.memory_space<semaphore_mem>>) src(%arg17 : memref<80x128xf32, #tpu.memory_space<vmem>>) dst(%dma_wait3A_275 : memref<10240x128xf32, #tpu.memory_space<vmem_shared>>)
      %add3A_276 = arith.constant 3 : i32
      %add3A_277 = arith.addi %add3A_261, %add3A_276 : i32
      %mul3A_278 = arith.constant 80 : i32
      %mul3A_279 = arith.muli %add3A_277, %mul3A_278 : i32
      %add3A_280 = arith.addi %mul3A_4, %mul3A_279 : i32
      "tpu.region"() ({
        %run_scoped3A = tpu.sem_alloc : memref<!tpu.dma_semaphore, #tpu.memory_space<semaphore_mem>>
        %dma_start3A_284 = tpu.memref_slice %arg3[%add3A_280] : memref<640000xi32, #tpu.memory_space<hbm>> -> memref<80xi32, #tpu.memory_space<hbm>>
        %dma_start3A_285 = tpu.memref_slice %arg3[%add3A_280] : memref<640000xi32, #tpu.memory_space<hbm>> -> memref<80xi32, #tpu.memory_space<hbm>>
        tpu.enqueue_dma source(%dma_start3A_285 : memref<80xi32, #tpu.memory_space<hbm>>) target(%arg9 : memref<80xi32, #tpu.memory_space<vmem>>) target_semaphore(%run_scoped3A : memref<!tpu.dma_semaphore, #tpu.memory_space<semaphore_mem>>)
        %dma_wait3A_286 = tpu.memref_slice %arg3[%add3A_280] : memref<640000xi32, #tpu.memory_space<hbm>> -> memref<80xi32, #tpu.memory_space<hbm>>
        %dma_wait3A_287 = tpu.memref_slice %arg3[%add3A_280] : memref<640000xi32, #tpu.memory_space<hbm>> -> memref<80xi32, #tpu.memory_space<hbm>>
        tpu.wait_dma2 semaphore(%run_scoped3A : memref<!tpu.dma_semaphore, #tpu.memory_space<semaphore_mem>>) src(%dma_wait3A_287 : memref<80xi32, #tpu.memory_space<hbm>>) dst(%arg9 : memref<80xi32, #tpu.memory_space<vmem>>)
        tpu.yield
      }) : () -> ()
      %dma_start3A_281 = arith.constant 0 : i32
      %dma_start3A_282 = arith.constant 0 : i32
      %dma_start3A_283 = tpu.memref_slice %arg2[%dma_start3A_281, %dma_start3A_282] : memref<10000x128xf32, #tpu.memory_space<hbm>> -> memref<10000x128xf32, #tpu.memory_space<hbm>>
      tpu.enqueue_indirect_dma source(%dma_start3A_283 : memref<10000x128xf32, #tpu.memory_space<hbm>>) target(%arg17 : memref<80x128xf32, #tpu.memory_space<vmem>>) offsets(%arg9 : memref<80xi32, #tpu.memory_space<vmem>>) semaphore(%arg21 : memref<!tpu.dma_semaphore, #tpu.memory_space<semaphore_mem>>)
    }
    %scan3A_91 = arith.constant 29 : i32
    %dma_wait3A_92 = arith.constant 0 : i32
    %dma_wait3A_93 = arith.constant 0 : i32
    %dma_wait3A_94 = tpu.memref_slice %arg2[%dma_wait3A_92, %dma_wait3A_93] : memref<10000x128xf32, #tpu.memory_space<hbm>> -> memref<10000x128xf32, #tpu.memory_space<hbm>>
    tpu.wait_indirect_dma semaphore(%arg19 : memref<!tpu.dma_semaphore, #tpu.memory_space<semaphore_mem>>) src(%dma_wait3A_94 : memref<10000x128xf32, #tpu.memory_space<hbm>>) dst(%arg15 : memref<80x128xf32, #tpu.memory_space<vmem>>)
    %add3A_95 = arith.constant 320000 : i32
    %add3A_96 = arith.addi %add3A_95, %mul3A_4 : i32
    %add3A_97 = arith.constant 9600 : i32
    %add3A_98 = arith.addi %add3A_96, %add3A_97 : i32
    "tpu.region"() ({
      %run_scoped3A = tpu.sem_alloc : memref<!tpu.dma_semaphore, #tpu.memory_space<semaphore_mem>>
      %dma_start3A_171 = tpu.memref_slice %arg3[%add3A_98] : memref<640000xi32, #tpu.memory_space<hbm>> -> memref<80xi32, #tpu.memory_space<hbm>>
      %dma_start3A_172 = tpu.memref_slice %arg3[%add3A_98] : memref<640000xi32, #tpu.memory_space<hbm>> -> memref<80xi32, #tpu.memory_space<hbm>>
      tpu.enqueue_dma source(%dma_start3A_172 : memref<80xi32, #tpu.memory_space<hbm>>) target(%arg11 : memref<80xi32, #tpu.memory_space<vmem>>) target_semaphore(%run_scoped3A : memref<!tpu.dma_semaphore, #tpu.memory_space<semaphore_mem>>)
      %dma_wait3A_173 = tpu.memref_slice %arg3[%add3A_98] : memref<640000xi32, #tpu.memory_space<hbm>> -> memref<80xi32, #tpu.memory_space<hbm>>
      %dma_wait3A_174 = tpu.memref_slice %arg3[%add3A_98] : memref<640000xi32, #tpu.memory_space<hbm>> -> memref<80xi32, #tpu.memory_space<hbm>>
      tpu.wait_dma2 semaphore(%run_scoped3A : memref<!tpu.dma_semaphore, #tpu.memory_space<semaphore_mem>>) src(%dma_wait3A_174 : memref<80xi32, #tpu.memory_space<hbm>>) dst(%arg11 : memref<80xi32, #tpu.memory_space<vmem>>)
      tpu.yield
    }) : () -> ()
    %dma_start3A_99 = arith.constant 0 : i32
    %dma_start3A_100 = arith.constant 0 : i32
    %dma_start3A_101 = tpu.memref_slice %arg6[%dma_start3A_99, %dma_start3A_100] : memref<10240x128xf32, #tpu.memory_space<vmem_shared>> -> memref<10240x128xf32, #tpu.memory_space<vmem_shared>>
    tpu.enqueue_indirect_dma source(%arg15 : memref<80x128xf32, #tpu.memory_space<vmem>>) target(%dma_start3A_101 : memref<10240x128xf32, #tpu.memory_space<vmem_shared>>) offsets(%arg11 : memref<80xi32, #tpu.memory_space<vmem>>) semaphore(%arg23 : memref<!tpu.dma_semaphore, #tpu.memory_space<semaphore_mem>>) {add = true}
    %dma_wait3A_102 = arith.constant 0 : i32
    %dma_wait3A_103 = arith.constant 0 : i32
    %dma_wait3A_104 = tpu.memref_slice %arg6[%dma_wait3A_102, %dma_wait3A_103] : memref<10240x128xf32, #tpu.memory_space<vmem_shared>> -> memref<10240x128xf32, #tpu.memory_space<vmem_shared>>
    tpu.wait_indirect_dma semaphore(%arg26 : memref<!tpu.dma_semaphore, #tpu.memory_space<semaphore_mem>>) src(%arg18 : memref<80x128xf32, #tpu.memory_space<vmem>>) dst(%dma_wait3A_104 : memref<10240x128xf32, #tpu.memory_space<vmem_shared>>)
    %add3A_105 = arith.constant 9840 : i32
    %add3A_106 = arith.addi %mul3A_4, %add3A_105 : i32
    "tpu.region"() ({
      %run_scoped3A = tpu.sem_alloc : memref<!tpu.dma_semaphore, #tpu.memory_space<semaphore_mem>>
      %dma_start3A_171 = tpu.memref_slice %arg3[%add3A_106] : memref<640000xi32, #tpu.memory_space<hbm>> -> memref<80xi32, #tpu.memory_space<hbm>>
      %dma_start3A_172 = tpu.memref_slice %arg3[%add3A_106] : memref<640000xi32, #tpu.memory_space<hbm>> -> memref<80xi32, #tpu.memory_space<hbm>>
      tpu.enqueue_dma source(%dma_start3A_172 : memref<80xi32, #tpu.memory_space<hbm>>) target(%arg10 : memref<80xi32, #tpu.memory_space<vmem>>) target_semaphore(%run_scoped3A : memref<!tpu.dma_semaphore, #tpu.memory_space<semaphore_mem>>)
      %dma_wait3A_173 = tpu.memref_slice %arg3[%add3A_106] : memref<640000xi32, #tpu.memory_space<hbm>> -> memref<80xi32, #tpu.memory_space<hbm>>
      %dma_wait3A_174 = tpu.memref_slice %arg3[%add3A_106] : memref<640000xi32, #tpu.memory_space<hbm>> -> memref<80xi32, #tpu.memory_space<hbm>>
      tpu.wait_dma2 semaphore(%run_scoped3A : memref<!tpu.dma_semaphore, #tpu.memory_space<semaphore_mem>>) src(%dma_wait3A_174 : memref<80xi32, #tpu.memory_space<hbm>>) dst(%arg10 : memref<80xi32, #tpu.memory_space<vmem>>)
      tpu.yield
    }) : () -> ()
    %dma_start3A_107 = arith.constant 0 : i32
    %dma_start3A_108 = arith.constant 0 : i32
    %dma_start3A_109 = tpu.memref_slice %arg2[%dma_start3A_107, %dma_start3A_108] : memref<10000x128xf32, #tpu.memory_space<hbm>> -> memref<10000x128xf32, #tpu.memory_space<hbm>>
    tpu.enqueue_indirect_dma source(%dma_start3A_109 : memref<10000x128xf32, #tpu.memory_space<hbm>>) target(%arg18 : memref<80x128xf32, #tpu.memory_space<vmem>>) offsets(%arg10 : memref<80xi32, #tpu.memory_space<vmem>>) semaphore(%arg22 : memref<!tpu.dma_semaphore, #tpu.memory_space<semaphore_mem>>)
    %dma_wait3A_110 = arith.constant 0 : i32
    %dma_wait3A_111 = arith.constant 0 : i32
    %dma_wait3A_112 = tpu.memref_slice %arg2[%dma_wait3A_110, %dma_wait3A_111] : memref<10000x128xf32, #tpu.memory_space<hbm>> -> memref<10000x128xf32, #tpu.memory_space<hbm>>
    tpu.wait_indirect_dma semaphore(%arg20 : memref<!tpu.dma_semaphore, #tpu.memory_space<semaphore_mem>>) src(%dma_wait3A_112 : memref<10000x128xf32, #tpu.memory_space<hbm>>) dst(%arg16 : memref<80x128xf32, #tpu.memory_space<vmem>>)
    %add3A_113 = arith.constant 320000 : i32
    %add3A_114 = arith.addi %add3A_113, %mul3A_4 : i32
    %add3A_115 = arith.constant 9680 : i32
    %add3A_116 = arith.addi %add3A_114, %add3A_115 : i32
    "tpu.region"() ({
      %run_scoped3A = tpu.sem_alloc : memref<!tpu.dma_semaphore, #tpu.memory_space<semaphore_mem>>
      %dma_start3A_171 = tpu.memref_slice %arg3[%add3A_116] : memref<640000xi32, #tpu.memory_space<hbm>> -> memref<80xi32, #tpu.memory_space<hbm>>
      %dma_start3A_172 = tpu.memref_slice %arg3[%add3A_116] : memref<640000xi32, #tpu.memory_space<hbm>> -> memref<80xi32, #tpu.memory_space<hbm>>
      tpu.enqueue_dma source(%dma_start3A_172 : memref<80xi32, #tpu.memory_space<hbm>>) target(%arg12 : memref<80xi32, #tpu.memory_space<vmem>>) target_semaphore(%run_scoped3A : memref<!tpu.dma_semaphore, #tpu.memory_space<semaphore_mem>>)
      %dma_wait3A_173 = tpu.memref_slice %arg3[%add3A_116] : memref<640000xi32, #tpu.memory_space<hbm>> -> memref<80xi32, #tpu.memory_space<hbm>>
      %dma_wait3A_174 = tpu.memref_slice %arg3[%add3A_116] : memref<640000xi32, #tpu.memory_space<hbm>> -> memref<80xi32, #tpu.memory_space<hbm>>
      tpu.wait_dma2 semaphore(%run_scoped3A : memref<!tpu.dma_semaphore, #tpu.memory_space<semaphore_mem>>) src(%dma_wait3A_174 : memref<80xi32, #tpu.memory_space<hbm>>) dst(%arg12 : memref<80xi32, #tpu.memory_space<vmem>>)
      tpu.yield
    }) : () -> ()
    %dma_start3A_117 = arith.constant 0 : i32
    %dma_start3A_118 = arith.constant 0 : i32
    %dma_start3A_119 = tpu.memref_slice %arg6[%dma_start3A_117, %dma_start3A_118] : memref<10240x128xf32, #tpu.memory_space<vmem_shared>> -> memref<10240x128xf32, #tpu.memory_space<vmem_shared>>
    tpu.enqueue_indirect_dma source(%arg16 : memref<80x128xf32, #tpu.memory_space<vmem>>) target(%dma_start3A_119 : memref<10240x128xf32, #tpu.memory_space<vmem_shared>>) offsets(%arg12 : memref<80xi32, #tpu.memory_space<vmem>>) semaphore(%arg24 : memref<!tpu.dma_semaphore, #tpu.memory_space<semaphore_mem>>) {add = true}
    %dma_wait3A_120 = arith.constant 0 : i32
    %dma_wait3A_121 = arith.constant 0 : i32
    %dma_wait3A_122 = tpu.memref_slice %arg6[%dma_wait3A_120, %dma_wait3A_121] : memref<10240x128xf32, #tpu.memory_space<vmem_shared>> -> memref<10240x128xf32, #tpu.memory_space<vmem_shared>>
    tpu.wait_indirect_dma semaphore(%arg23 : memref<!tpu.dma_semaphore, #tpu.memory_space<semaphore_mem>>) src(%arg15 : memref<80x128xf32, #tpu.memory_space<vmem>>) dst(%dma_wait3A_122 : memref<10240x128xf32, #tpu.memory_space<vmem_shared>>)
    %add3A_123 = arith.constant 9920 : i32
    %add3A_124 = arith.addi %mul3A_4, %add3A_123 : i32
    "tpu.region"() ({
      %run_scoped3A = tpu.sem_alloc : memref<!tpu.dma_semaphore, #tpu.memory_space<semaphore_mem>>
      %dma_start3A_171 = tpu.memref_slice %arg3[%add3A_124] : memref<640000xi32, #tpu.memory_space<hbm>> -> memref<80xi32, #tpu.memory_space<hbm>>
      %dma_start3A_172 = tpu.memref_slice %arg3[%add3A_124] : memref<640000xi32, #tpu.memory_space<hbm>> -> memref<80xi32, #tpu.memory_space<hbm>>
      tpu.enqueue_dma source(%dma_start3A_172 : memref<80xi32, #tpu.memory_space<hbm>>) target(%arg7 : memref<80xi32, #tpu.memory_space<vmem>>) target_semaphore(%run_scoped3A : memref<!tpu.dma_semaphore, #tpu.memory_space<semaphore_mem>>)
      %dma_wait3A_173 = tpu.memref_slice %arg3[%add3A_124] : memref<640000xi32, #tpu.memory_space<hbm>> -> memref<80xi32, #tpu.memory_space<hbm>>
      %dma_wait3A_174 = tpu.memref_slice %arg3[%add3A_124] : memref<640000xi32, #tpu.memory_space<hbm>> -> memref<80xi32, #tpu.memory_space<hbm>>
      tpu.wait_dma2 semaphore(%run_scoped3A : memref<!tpu.dma_semaphore, #tpu.memory_space<semaphore_mem>>) src(%dma_wait3A_174 : memref<80xi32, #tpu.memory_space<hbm>>) dst(%arg7 : memref<80xi32, #tpu.memory_space<vmem>>)
      tpu.yield
    }) : () -> ()
    %dma_start3A_125 = arith.constant 0 : i32
    %dma_start3A_126 = arith.constant 0 : i32
    %dma_start3A_127 = tpu.memref_slice %arg2[%dma_start3A_125, %dma_start3A_126] : memref<10000x128xf32, #tpu.memory_space<hbm>> -> memref<10000x128xf32, #tpu.memory_space<hbm>>
    tpu.enqueue_indirect_dma source(%dma_start3A_127 : memref<10000x128xf32, #tpu.memory_space<hbm>>) target(%arg15 : memref<80x128xf32, #tpu.memory_space<vmem>>) offsets(%arg7 : memref<80xi32, #tpu.memory_space<vmem>>) semaphore(%arg19 : memref<!tpu.dma_semaphore, #tpu.memory_space<semaphore_mem>>)
    %dma_wait3A_128 = arith.constant 0 : i32
    %dma_wait3A_129 = arith.constant 0 : i32
    %dma_wait3A_130 = tpu.memref_slice %arg2[%dma_wait3A_128, %dma_wait3A_129] : memref<10000x128xf32, #tpu.memory_space<hbm>> -> memref<10000x128xf32, #tpu.memory_space<hbm>>
    tpu.wait_indirect_dma semaphore(%arg21 : memref<!tpu.dma_semaphore, #tpu.memory_space<semaphore_mem>>) src(%dma_wait3A_130 : memref<10000x128xf32, #tpu.memory_space<hbm>>) dst(%arg17 : memref<80x128xf32, #tpu.memory_space<vmem>>)
    %add3A_131 = arith.constant 320000 : i32
    %add3A_132 = arith.addi %add3A_131, %mul3A_4 : i32
    %add3A_133 = arith.constant 9760 : i32
    %add3A_134 = arith.addi %add3A_132, %add3A_133 : i32
    "tpu.region"() ({
      %run_scoped3A = tpu.sem_alloc : memref<!tpu.dma_semaphore, #tpu.memory_space<semaphore_mem>>
      %dma_start3A_171 = tpu.memref_slice %arg3[%add3A_134] : memref<640000xi32, #tpu.memory_space<hbm>> -> memref<80xi32, #tpu.memory_space<hbm>>
      %dma_start3A_172 = tpu.memref_slice %arg3[%add3A_134] : memref<640000xi32, #tpu.memory_space<hbm>> -> memref<80xi32, #tpu.memory_space<hbm>>
      tpu.enqueue_dma source(%dma_start3A_172 : memref<80xi32, #tpu.memory_space<hbm>>) target(%arg13 : memref<80xi32, #tpu.memory_space<vmem>>) target_semaphore(%run_scoped3A : memref<!tpu.dma_semaphore, #tpu.memory_space<semaphore_mem>>)
      %dma_wait3A_173 = tpu.memref_slice %arg3[%add3A_134] : memref<640000xi32, #tpu.memory_space<hbm>> -> memref<80xi32, #tpu.memory_space<hbm>>
      %dma_wait3A_174 = tpu.memref_slice %arg3[%add3A_134] : memref<640000xi32, #tpu.memory_space<hbm>> -> memref<80xi32, #tpu.memory_space<hbm>>
      tpu.wait_dma2 semaphore(%run_scoped3A : memref<!tpu.dma_semaphore, #tpu.memory_space<semaphore_mem>>) src(%dma_wait3A_174 : memref<80xi32, #tpu.memory_space<hbm>>) dst(%arg13 : memref<80xi32, #tpu.memory_space<vmem>>)
      tpu.yield
    }) : () -> ()
    %dma_start3A_135 = arith.constant 0 : i32
    %dma_start3A_136 = arith.constant 0 : i32
    %dma_start3A_137 = tpu.memref_slice %arg6[%dma_start3A_135, %dma_start3A_136] : memref<10240x128xf32, #tpu.memory_space<vmem_shared>> -> memref<10240x128xf32, #tpu.memory_space<vmem_shared>>
    tpu.enqueue_indirect_dma source(%arg17 : memref<80x128xf32, #tpu.memory_space<vmem>>) target(%dma_start3A_137 : memref<10240x128xf32, #tpu.memory_space<vmem_shared>>) offsets(%arg13 : memref<80xi32, #tpu.memory_space<vmem>>) semaphore(%arg25 : memref<!tpu.dma_semaphore, #tpu.memory_space<semaphore_mem>>) {add = true}
    %dma_wait3A_138 = arith.constant 0 : i32
    %dma_wait3A_139 = arith.constant 0 : i32
    %dma_wait3A_140 = tpu.memref_slice %arg2[%dma_wait3A_138, %dma_wait3A_139] : memref<10000x128xf32, #tpu.memory_space<hbm>> -> memref<10000x128xf32, #tpu.memory_space<hbm>>
    tpu.wait_indirect_dma semaphore(%arg22 : memref<!tpu.dma_semaphore, #tpu.memory_space<semaphore_mem>>) src(%dma_wait3A_140 : memref<10000x128xf32, #tpu.memory_space<hbm>>) dst(%arg18 : memref<80x128xf32, #tpu.memory_space<vmem>>)
    %add3A_141 = arith.constant 320000 : i32
    %add3A_142 = arith.addi %add3A_141, %mul3A_4 : i32
    %add3A_143 = arith.constant 9840 : i32
    %add3A_144 = arith.addi %add3A_142, %add3A_143 : i32
    "tpu.region"() ({
      %run_scoped3A = tpu.sem_alloc : memref<!tpu.dma_semaphore, #tpu.memory_space<semaphore_mem>>
      %dma_start3A_171 = tpu.memref_slice %arg3[%add3A_144] : memref<640000xi32, #tpu.memory_space<hbm>> -> memref<80xi32, #tpu.memory_space<hbm>>
      %dma_start3A_172 = tpu.memref_slice %arg3[%add3A_144] : memref<640000xi32, #tpu.memory_space<hbm>> -> memref<80xi32, #tpu.memory_space<hbm>>
      tpu.enqueue_dma source(%dma_start3A_172 : memref<80xi32, #tpu.memory_space<hbm>>) target(%arg14 : memref<80xi32, #tpu.memory_space<vmem>>) target_semaphore(%run_scoped3A : memref<!tpu.dma_semaphore, #tpu.memory_space<semaphore_mem>>)
      %dma_wait3A_173 = tpu.memref_slice %arg3[%add3A_144] : memref<640000xi32, #tpu.memory_space<hbm>> -> memref<80xi32, #tpu.memory_space<hbm>>
      %dma_wait3A_174 = tpu.memref_slice %arg3[%add3A_144] : memref<640000xi32, #tpu.memory_space<hbm>> -> memref<80xi32, #tpu.memory_space<hbm>>
      tpu.wait_dma2 semaphore(%run_scoped3A : memref<!tpu.dma_semaphore, #tpu.memory_space<semaphore_mem>>) src(%dma_wait3A_174 : memref<80xi32, #tpu.memory_space<hbm>>) dst(%arg14 : memref<80xi32, #tpu.memory_space<vmem>>)
      tpu.yield
    }) : () -> ()
    %dma_start3A_145 = arith.constant 0 : i32
    %dma_start3A_146 = arith.constant 0 : i32
    %dma_start3A_147 = tpu.memref_slice %arg6[%dma_start3A_145, %dma_start3A_146] : memref<10240x128xf32, #tpu.memory_space<vmem_shared>> -> memref<10240x128xf32, #tpu.memory_space<vmem_shared>>
    tpu.enqueue_indirect_dma source(%arg18 : memref<80x128xf32, #tpu.memory_space<vmem>>) target(%dma_start3A_147 : memref<10240x128xf32, #tpu.memory_space<vmem_shared>>) offsets(%arg14 : memref<80xi32, #tpu.memory_space<vmem>>) semaphore(%arg26 : memref<!tpu.dma_semaphore, #tpu.memory_space<semaphore_mem>>) {add = true}
    %dma_wait3A_148 = arith.constant 0 : i32
    %dma_wait3A_149 = arith.constant 0 : i32
    %dma_wait3A_150 = tpu.memref_slice %arg2[%dma_wait3A_148, %dma_wait3A_149] : memref<10000x128xf32, #tpu.memory_space<hbm>> -> memref<10000x128xf32, #tpu.memory_space<hbm>>
    tpu.wait_indirect_dma semaphore(%arg19 : memref<!tpu.dma_semaphore, #tpu.memory_space<semaphore_mem>>) src(%dma_wait3A_150 : memref<10000x128xf32, #tpu.memory_space<hbm>>) dst(%arg15 : memref<80x128xf32, #tpu.memory_space<vmem>>)
    %add3A_151 = arith.constant 320000 : i32
    %add3A_152 = arith.addi %add3A_151, %mul3A_4 : i32
    %add3A_153 = arith.constant 9920 : i32
    %add3A_154 = arith.addi %add3A_152, %add3A_153 : i32
    "tpu.region"() ({
      %run_scoped3A = tpu.sem_alloc : memref<!tpu.dma_semaphore, #tpu.memory_space<semaphore_mem>>
      %dma_start3A_171 = tpu.memref_slice %arg3[%add3A_154] : memref<640000xi32, #tpu.memory_space<hbm>> -> memref<80xi32, #tpu.memory_space<hbm>>
      %dma_start3A_172 = tpu.memref_slice %arg3[%add3A_154] : memref<640000xi32, #tpu.memory_space<hbm>> -> memref<80xi32, #tpu.memory_space<hbm>>
      tpu.enqueue_dma source(%dma_start3A_172 : memref<80xi32, #tpu.memory_space<hbm>>) target(%arg11 : memref<80xi32, #tpu.memory_space<vmem>>) target_semaphore(%run_scoped3A : memref<!tpu.dma_semaphore, #tpu.memory_space<semaphore_mem>>)
      %dma_wait3A_173 = tpu.memref_slice %arg3[%add3A_154] : memref<640000xi32, #tpu.memory_space<hbm>> -> memref<80xi32, #tpu.memory_space<hbm>>
      %dma_wait3A_174 = tpu.memref_slice %arg3[%add3A_154] : memref<640000xi32, #tpu.memory_space<hbm>> -> memref<80xi32, #tpu.memory_space<hbm>>
      tpu.wait_dma2 semaphore(%run_scoped3A : memref<!tpu.dma_semaphore, #tpu.memory_space<semaphore_mem>>) src(%dma_wait3A_174 : memref<80xi32, #tpu.memory_space<hbm>>) dst(%arg11 : memref<80xi32, #tpu.memory_space<vmem>>)
      tpu.yield
    }) : () -> ()
    %dma_start3A_155 = arith.constant 0 : i32
    %dma_start3A_156 = arith.constant 0 : i32
    %dma_start3A_157 = tpu.memref_slice %arg6[%dma_start3A_155, %dma_start3A_156] : memref<10240x128xf32, #tpu.memory_space<vmem_shared>> -> memref<10240x128xf32, #tpu.memory_space<vmem_shared>>
    tpu.enqueue_indirect_dma source(%arg15 : memref<80x128xf32, #tpu.memory_space<vmem>>) target(%dma_start3A_157 : memref<10240x128xf32, #tpu.memory_space<vmem_shared>>) offsets(%arg11 : memref<80xi32, #tpu.memory_space<vmem>>) semaphore(%arg23 : memref<!tpu.dma_semaphore, #tpu.memory_space<semaphore_mem>>) {add = true}
    %dma_wait3A_158 = arith.constant 0 : i32
    %dma_wait3A_159 = arith.constant 0 : i32
    %dma_wait3A_160 = tpu.memref_slice %arg6[%dma_wait3A_158, %dma_wait3A_159] : memref<10240x128xf32, #tpu.memory_space<vmem_shared>> -> memref<10240x128xf32, #tpu.memory_space<vmem_shared>>
    tpu.wait_indirect_dma semaphore(%arg24 : memref<!tpu.dma_semaphore, #tpu.memory_space<semaphore_mem>>) src(%arg16 : memref<80x128xf32, #tpu.memory_space<vmem>>) dst(%dma_wait3A_160 : memref<10240x128xf32, #tpu.memory_space<vmem_shared>>)
    %dma_wait3A_161 = arith.constant 0 : i32
    %dma_wait3A_162 = arith.constant 0 : i32
    %dma_wait3A_163 = tpu.memref_slice %arg6[%dma_wait3A_161, %dma_wait3A_162] : memref<10240x128xf32, #tpu.memory_space<vmem_shared>> -> memref<10240x128xf32, #tpu.memory_space<vmem_shared>>
    tpu.wait_indirect_dma semaphore(%arg25 : memref<!tpu.dma_semaphore, #tpu.memory_space<semaphore_mem>>) src(%arg17 : memref<80x128xf32, #tpu.memory_space<vmem>>) dst(%dma_wait3A_163 : memref<10240x128xf32, #tpu.memory_space<vmem_shared>>)
    %dma_wait3A_164 = arith.constant 0 : i32
    %dma_wait3A_165 = arith.constant 0 : i32
    %dma_wait3A_166 = tpu.memref_slice %arg6[%dma_wait3A_164, %dma_wait3A_165] : memref<10240x128xf32, #tpu.memory_space<vmem_shared>> -> memref<10240x128xf32, #tpu.memory_space<vmem_shared>>
    tpu.wait_indirect_dma semaphore(%arg26 : memref<!tpu.dma_semaphore, #tpu.memory_space<semaphore_mem>>) src(%arg18 : memref<80x128xf32, #tpu.memory_space<vmem>>) dst(%dma_wait3A_166 : memref<10240x128xf32, #tpu.memory_space<vmem_shared>>)
    %dma_wait3A_167 = arith.constant 0 : i32
    %dma_wait3A_168 = arith.constant 0 : i32
    %dma_wait3A_169 = tpu.memref_slice %arg6[%dma_wait3A_167, %dma_wait3A_168] : memref<10240x128xf32, #tpu.memory_space<vmem_shared>> -> memref<10240x128xf32, #tpu.memory_space<vmem_shared>>
    tpu.wait_indirect_dma semaphore(%arg23 : memref<!tpu.dma_semaphore, #tpu.memory_space<semaphore_mem>>) src(%arg15 : memref<80x128xf32, #tpu.memory_space<vmem>>) dst(%dma_wait3A_169 : memref<10240x128xf32, #tpu.memory_space<vmem_shared>>)
    %barrier3A_170 = arith.constant 0 : index
    tpu.barrier barrier_id(%barrier3A_170)
    "tpu.region"() ({
      %run_scoped3A = tpu.sem_alloc : memref<!tpu.dma_semaphore, #tpu.memory_space<semaphore_mem>>
      %dma_start3A_171 = arith.constant 0 : i32
      %dma_start3A_172 = tpu.memref_slice %arg5[%arg0, %mul3A_0, %dma_start3A_171] : memref<2x10240x128xf32, #tpu.memory_space<hbm>> -> memref<1x640x128xf32, #tpu.memory_space<hbm>>
      %dma_start3A_173 = tpu.memref_squeeze %dma_start3A_172 : memref<1x640x128xf32, #tpu.memory_space<hbm>> -> memref<640x128xf32, #tpu.memory_space<hbm>>
      %dma_start3A_174 = arith.constant 0 : i32
      %dma_start3A_175 = tpu.memref_slice %arg6[%mul3A_0, %dma_start3A_174] : memref<10240x128xf32, #tpu.memory_space<vmem_shared>> -> memref<640x128xf32, #tpu.memory_space<vmem_shared>>
      tpu.enqueue_dma source(%dma_start3A_175 : memref<640x128xf32, #tpu.memory_space<vmem_shared>>) target(%dma_start3A_173 : memref<640x128xf32, #tpu.memory_space<hbm>>) target_semaphore(%run_scoped3A : memref<!tpu.dma_semaphore, #tpu.memory_space<semaphore_mem>>)
      %dma_wait3A_176 = arith.constant 0 : i32
      %dma_wait3A_177 = tpu.memref_slice %arg5[%arg0, %mul3A_0, %dma_wait3A_176] : memref<2x10240x128xf32, #tpu.memory_space<hbm>> -> memref<1x640x128xf32, #tpu.memory_space<hbm>>
      %dma_wait3A_178 = tpu.memref_squeeze %dma_wait3A_177 : memref<1x640x128xf32, #tpu.memory_space<hbm>> -> memref<640x128xf32, #tpu.memory_space<hbm>>
      %dma_wait3A_179 = arith.constant 0 : i32
      %dma_wait3A_180 = tpu.memref_slice %arg6[%mul3A_0, %dma_wait3A_179] : memref<10240x128xf32, #tpu.memory_space<vmem_shared>> -> memref<640x128xf32, #tpu.memory_space<vmem_shared>>
      tpu.wait_dma2 semaphore(%run_scoped3A : memref<!tpu.dma_semaphore, #tpu.memory_space<semaphore_mem>>) src(%dma_wait3A_180 : memref<640x128xf32, #tpu.memory_space<vmem_shared>>) dst(%dma_wait3A_178 : memref<640x128xf32, #tpu.memory_space<hbm>>)
      tpu.yield
    }) : () -> ()
    return
  }
}

#map = affine_map<(d0, d1) -> (0, 0)>
#map1 = affine_map<(d0, d1) -> (0)>
#map2 = affine_map<(d0, d1) -> (0, 0, 0)>
module attributes {stable_mosaic.version = 14 : i64} {
  func.func @_mp_body(%arg0: i32, %arg1: i32, %arg2: memref<10000x128xf32, #tpu.memory_space<hbm>>, %arg3: memref<640000xi32, #tpu.memory_space<hbm>>, %arg4: memref<10240x128xf32, #tpu.memory_space<hbm>>, %arg5: memref<2x10240x128xf32, #tpu.memory_space<hbm>>, %arg6: memref<10240x128xf32, #tpu.memory_space<vmem_shared>>, %arg7: memref<80xi32, #tpu.memory_space<vmem>>, %arg8: memref<80xi32, #tpu.memory_space<vmem>>, %arg9: memref<80xi32, #tpu.memory_space<vmem>>, %arg10: memref<80xi32, #tpu.memory_space<vmem>>, %arg11: memref<80xi32, #tpu.memory_space<vmem>>, %arg12: memref<80xi32, #tpu.memory_space<vmem>>, %arg13: memref<80xi32, #tpu.memory_space<vmem>>, %arg14: memref<80xi32, #tpu.memory_space<vmem>>, %arg15: memref<80x128xf32, #tpu.memory_space<vmem>>, %arg16: memref<80x128xf32, #tpu.memory_space<vmem>>, %arg17: memref<80x128xf32, #tpu.memory_space<vmem>>, %arg18: memref<80x128xf32, #tpu.memory_space<vmem>>, %arg19: memref<!tpu.dma_semaphore, #tpu.memory_space<semaphore_mem>>, %arg20: memref<!tpu.dma_semaphore, #tpu.memory_space<semaphore_mem>>, %arg21: memref<!tpu.dma_semaphore, #tpu.memory_space<semaphore_mem>>, %arg22: memref<!tpu.dma_semaphore, #tpu.memory_space<semaphore_mem>>, %arg23: memref<!tpu.dma_semaphore, #tpu.memory_space<semaphore_mem>>, %arg24: memref<!tpu.dma_semaphore, #tpu.memory_space<semaphore_mem>>, %arg25: memref<!tpu.dma_semaphore, #tpu.memory_space<semaphore_mem>>, %arg26: memref<!tpu.dma_semaphore, #tpu.memory_space<semaphore_mem>>) attributes {dimension_semantics = [#tpu.dimension_semantics<core_parallel>, #tpu.dimension_semantics<subcore_parallel>], iteration_bounds = array<i64: 2, 16>, scalar_prefetch = 0 : i64, scratch_operands = 21 : i64, tpu.core_type = #tpu.core_type<sc_vector_subcore>, window_params = [{transform_indices = #map}, {transform_indices = #map1}, {transform_indices = #map}, {transform_indices = #map2}]} {
    %mul3A = arith.constant 640 : i32
    %mul3A_0 = arith.muli %arg1, %mul3A : i32
    "tpu.region"() ({
      %run_scoped3A = tpu.sem_alloc : memref<!tpu.dma_semaphore, #tpu.memory_space<semaphore_mem>>
      %dma_start3A_171 = arith.constant 0 : i32
      %dma_start3A_172 = tpu.memref_slice %arg6[%mul3A_0, %dma_start3A_171] : memref<10240x128xf32, #tpu.memory_space<vmem_shared>> -> memref<640x128xf32, #tpu.memory_space<vmem_shared>>
      %dma_start3A_173 = arith.constant 0 : i32
      %dma_start3A_174 = tpu.memref_slice %arg4[%mul3A_0, %dma_start3A_173] : memref<10240x128xf32, #tpu.memory_space<hbm>> -> memref<640x128xf32, #tpu.memory_space<hbm>>
      tpu.enqueue_dma source(%dma_start3A_174 : memref<640x128xf32, #tpu.memory_space<hbm>>) target(%dma_start3A_172 : memref<640x128xf32, #tpu.memory_space<vmem_shared>>) target_semaphore(%run_scoped3A : memref<!tpu.dma_semaphore, #tpu.memory_space<semaphore_mem>>)
      %dma_wait3A_175 = arith.constant 0 : i32
      %dma_wait3A_176 = tpu.memref_slice %arg6[%mul3A_0, %dma_wait3A_175] : memref<10240x128xf32, #tpu.memory_space<vmem_shared>> -> memref<640x128xf32, #tpu.memory_space<vmem_shared>>
      %dma_wait3A_177 = arith.constant 0 : i32
      %dma_wait3A_178 = tpu.memref_slice %arg4[%mul3A_0, %dma_wait3A_177] : memref<10240x128xf32, #tpu.memory_space<hbm>> -> memref<640x128xf32, #tpu.memory_space<hbm>>
      tpu.wait_dma2 semaphore(%run_scoped3A : memref<!tpu.dma_semaphore, #tpu.memory_space<semaphore_mem>>) src(%dma_wait3A_178 : memref<640x128xf32, #tpu.memory_space<hbm>>) dst(%dma_wait3A_176 : memref<640x128xf32, #tpu.memory_space<vmem_shared>>)
      tpu.yield
    }) : () -> ()
    %barrier3A = arith.constant 0 : index
    tpu.barrier barrier_id(%barrier3A)
    %mul3A_1 = arith.constant 16 : i32
    %mul3A_2 = arith.muli %arg0, %mul3A_1 : i32
    %add3A = arith.addi %mul3A_2, %arg1 : i32
    %mul3A_3 = arith.constant 10000 : i32
    %mul3A_4 = arith.muli %add3A, %mul3A_3 : i32
    %add3A_5 = arith.constant 0 : i32
    %add3A_6 = arith.addi %mul3A_4, %add3A_5 : i32
    "tpu.region"() ({
      %run_scoped3A = tpu.sem_alloc : memref<!tpu.dma_semaphore, #tpu.memory_space<semaphore_mem>>
      %dma_start3A_171 = tpu.memref_slice %arg3[%add3A_6] : memref<640000xi32, #tpu.memory_space<hbm>> -> memref<80xi32, #tpu.memory_space<hbm>>
      %dma_start3A_172 = tpu.memref_slice %arg3[%add3A_6] : memref<640000xi32, #tpu.memory_space<hbm>> -> memref<80xi32, #tpu.memory_space<hbm>>
      tpu.enqueue_dma source(%dma_start3A_172 : memref<80xi32, #tpu.memory_space<hbm>>) target(%arg7 : memref<80xi32, #tpu.memory_space<vmem>>) target_semaphore(%run_scoped3A : memref<!tpu.dma_semaphore, #tpu.memory_space<semaphore_mem>>)
      %dma_wait3A_173 = tpu.memref_slice %arg3[%add3A_6] : memref<640000xi32, #tpu.memory_space<hbm>> -> memref<80xi32, #tpu.memory_space<hbm>>
      %dma_wait3A_174 = tpu.memref_slice %arg3[%add3A_6] : memref<640000xi32, #tpu.memory_space<hbm>> -> memref<80xi32, #tpu.memory_space<hbm>>
      tpu.wait_dma2 semaphore(%run_scoped3A : memref<!tpu.dma_semaphore, #tpu.memory_space<semaphore_mem>>) src(%dma_wait3A_174 : memref<80xi32, #tpu.memory_space<hbm>>) dst(%arg7 : memref<80xi32, #tpu.memory_space<vmem>>)
      tpu.yield
    }) : () -> ()
    %dma_start3A = arith.constant 0 : i32
    %dma_start3A_7 = arith.constant 0 : i32
    %dma_start3A_8 = tpu.memref_slice %arg2[%dma_start3A, %dma_start3A_7] : memref<10000x128xf32, #tpu.memory_space<hbm>> -> memref<10000x128xf32, #tpu.memory_space<hbm>>
    tpu.enqueue_indirect_dma source(%dma_start3A_8 : memref<10000x128xf32, #tpu.memory_space<hbm>>) target(%arg15 : memref<80x128xf32, #tpu.memory_space<vmem>>) offsets(%arg7 : memref<80xi32, #tpu.memory_space<vmem>>) semaphore(%arg19 : memref<!tpu.dma_semaphore, #tpu.memory_space<semaphore_mem>>)
    %add3A_9 = arith.constant 80 : i32
    %add3A_10 = arith.addi %mul3A_4, %add3A_9 : i32
    "tpu.region"() ({
      %run_scoped3A = tpu.sem_alloc : memref<!tpu.dma_semaphore, #tpu.memory_space<semaphore_mem>>
      %dma_start3A_171 = tpu.memref_slice %arg3[%add3A_10] : memref<640000xi32, #tpu.memory_space<hbm>> -> memref<80xi32, #tpu.memory_space<hbm>>
      %dma_start3A_172 = tpu.memref_slice %arg3[%add3A_10] : memref<640000xi32, #tpu.memory_space<hbm>> -> memref<80xi32, #tpu.memory_space<hbm>>
      tpu.enqueue_dma source(%dma_start3A_172 : memref<80xi32, #tpu.memory_space<hbm>>) target(%arg8 : memref<80xi32, #tpu.memory_space<vmem>>) target_semaphore(%run_scoped3A : memref<!tpu.dma_semaphore, #tpu.memory_space<semaphore_mem>>)
      %dma_wait3A_173 = tpu.memref_slice %arg3[%add3A_10] : memref<640000xi32, #tpu.memory_space<hbm>> -> memref<80xi32, #tpu.memory_space<hbm>>
      %dma_wait3A_174 = tpu.memref_slice %arg3[%add3A_10] : memref<640000xi32, #tpu.memory_space<hbm>> -> memref<80xi32, #tpu.memory_space<hbm>>
      tpu.wait_dma2 semaphore(%run_scoped3A : memref<!tpu.dma_semaphore, #tpu.memory_space<semaphore_mem>>) src(%dma_wait3A_174 : memref<80xi32, #tpu.memory_space<hbm>>) dst(%arg8 : memref<80xi32, #tpu.memory_space<vmem>>)
      tpu.yield
    }) : () -> ()
    %dma_start3A_11 = arith.constant 0 : i32
    %dma_start3A_12 = arith.constant 0 : i32
    %dma_start3A_13 = tpu.memref_slice %arg2[%dma_start3A_11, %dma_start3A_12] : memref<10000x128xf32, #tpu.memory_space<hbm>> -> memref<10000x128xf32, #tpu.memory_space<hbm>>
    tpu.enqueue_indirect_dma source(%dma_start3A_13 : memref<10000x128xf32, #tpu.memory_space<hbm>>) target(%arg16 : memref<80x128xf32, #tpu.memory_space<vmem>>) offsets(%arg8 : memref<80xi32, #tpu.memory_space<vmem>>) semaphore(%arg20 : memref<!tpu.dma_semaphore, #tpu.memory_space<semaphore_mem>>)
    %add3A_14 = arith.constant 160 : i32
    %add3A_15 = arith.addi %mul3A_4, %add3A_14 : i32
    "tpu.region"() ({
      %run_scoped3A = tpu.sem_alloc : memref<!tpu.dma_semaphore, #tpu.memory_space<semaphore_mem>>
      %dma_start3A_171 = tpu.memref_slice %arg3[%add3A_15] : memref<640000xi32, #tpu.memory_space<hbm>> -> memref<80xi32, #tpu.memory_space<hbm>>
      %dma_start3A_172 = tpu.memref_slice %arg3[%add3A_15] : memref<640000xi32, #tpu.memory_space<hbm>> -> memref<80xi32, #tpu.memory_space<hbm>>
      tpu.enqueue_dma source(%dma_start3A_172 : memref<80xi32, #tpu.memory_space<hbm>>) target(%arg9 : memref<80xi32, #tpu.memory_space<vmem>>) target_semaphore(%run_scoped3A : memref<!tpu.dma_semaphore, #tpu.memory_space<semaphore_mem>>)
      %dma_wait3A_173 = tpu.memref_slice %arg3[%add3A_15] : memref<640000xi32, #tpu.memory_space<hbm>> -> memref<80xi32, #tpu.memory_space<hbm>>
      %dma_wait3A_174 = tpu.memref_slice %arg3[%add3A_15] : memref<640000xi32, #tpu.memory_space<hbm>> -> memref<80xi32, #tpu.memory_space<hbm>>
      tpu.wait_dma2 semaphore(%run_scoped3A : memref<!tpu.dma_semaphore, #tpu.memory_space<semaphore_mem>>) src(%dma_wait3A_174 : memref<80xi32, #tpu.memory_space<hbm>>) dst(%arg9 : memref<80xi32, #tpu.memory_space<vmem>>)
      tpu.yield
    }) : () -> ()
    %dma_start3A_16 = arith.constant 0 : i32
    %dma_start3A_17 = arith.constant 0 : i32
    %dma_start3A_18 = tpu.memref_slice %arg2[%dma_start3A_16, %dma_start3A_17] : memref<10000x128xf32, #tpu.memory_space<hbm>> -> memref<10000x128xf32, #tpu.memory_space<hbm>>
    tpu.enqueue_indirect_dma source(%dma_start3A_18 : memref<10000x128xf32, #tpu.memory_space<hbm>>) target(%arg17 : memref<80x128xf32, #tpu.memory_space<vmem>>) offsets(%arg9 : memref<80xi32, #tpu.memory_space<vmem>>) semaphore(%arg21 : memref<!tpu.dma_semaphore, #tpu.memory_space<semaphore_mem>>)
    %dma_wait3A = arith.constant 0 : i32
    %dma_wait3A_19 = arith.constant 0 : i32
    %dma_wait3A_20 = tpu.memref_slice %arg2[%dma_wait3A, %dma_wait3A_19] : memref<10000x128xf32, #tpu.memory_space<hbm>> -> memref<10000x128xf32, #tpu.memory_space<hbm>>
    tpu.wait_indirect_dma semaphore(%arg19 : memref<!tpu.dma_semaphore, #tpu.memory_space<semaphore_mem>>) src(%dma_wait3A_20 : memref<10000x128xf32, #tpu.memory_space<hbm>>) dst(%arg15 : memref<80x128xf32, #tpu.memory_space<vmem>>)
    %add3A_21 = arith.constant 320000 : i32
    %add3A_22 = arith.addi %add3A_21, %mul3A_4 : i32
    %add3A_23 = arith.constant 0 : i32
    %add3A_24 = arith.addi %add3A_22, %add3A_23 : i32
    "tpu.region"() ({
      %run_scoped3A = tpu.sem_alloc : memref<!tpu.dma_semaphore, #tpu.memory_space<semaphore_mem>>
      %dma_start3A_171 = tpu.memref_slice %arg3[%add3A_24] : memref<640000xi32, #tpu.memory_space<hbm>> -> memref<80xi32, #tpu.memory_space<hbm>>
      %dma_start3A_172 = tpu.memref_slice %arg3[%add3A_24] : memref<640000xi32, #tpu.memory_space<hbm>> -> memref<80xi32, #tpu.memory_space<hbm>>
      tpu.enqueue_dma source(%dma_start3A_172 : memref<80xi32, #tpu.memory_space<hbm>>) target(%arg11 : memref<80xi32, #tpu.memory_space<vmem>>) target_semaphore(%run_scoped3A : memref<!tpu.dma_semaphore, #tpu.memory_space<semaphore_mem>>)
      %dma_wait3A_173 = tpu.memref_slice %arg3[%add3A_24] : memref<640000xi32, #tpu.memory_space<hbm>> -> memref<80xi32, #tpu.memory_space<hbm>>
      %dma_wait3A_174 = tpu.memref_slice %arg3[%add3A_24] : memref<640000xi32, #tpu.memory_space<hbm>> -> memref<80xi32, #tpu.memory_space<hbm>>
      tpu.wait_dma2 semaphore(%run_scoped3A : memref<!tpu.dma_semaphore, #tpu.memory_space<semaphore_mem>>) src(%dma_wait3A_174 : memref<80xi32, #tpu.memory_space<hbm>>) dst(%arg11 : memref<80xi32, #tpu.memory_space<vmem>>)
      tpu.yield
    }) : () -> ()
    %dma_start3A_25 = arith.constant 0 : i32
    %dma_start3A_26 = arith.constant 0 : i32
    %dma_start3A_27 = tpu.memref_slice %arg6[%dma_start3A_25, %dma_start3A_26] : memref<10240x128xf32, #tpu.memory_space<vmem_shared>> -> memref<10240x128xf32, #tpu.memory_space<vmem_shared>>
    tpu.enqueue_indirect_dma source(%arg15 : memref<80x128xf32, #tpu.memory_space<vmem>>) target(%dma_start3A_27 : memref<10240x128xf32, #tpu.memory_space<vmem_shared>>) offsets(%arg11 : memref<80xi32, #tpu.memory_space<vmem>>) semaphore(%arg23 : memref<!tpu.dma_semaphore, #tpu.memory_space<semaphore_mem>>) {add = true}
    %add3A_28 = arith.constant 240 : i32
    %add3A_29 = arith.addi %mul3A_4, %add3A_28 : i32
    "tpu.region"() ({
      %run_scoped3A = tpu.sem_alloc : memref<!tpu.dma_semaphore, #tpu.memory_space<semaphore_mem>>
      %dma_start3A_171 = tpu.memref_slice %arg3[%add3A_29] : memref<640000xi32, #tpu.memory_space<hbm>> -> memref<80xi32, #tpu.memory_space<hbm>>
      %dma_start3A_172 = tpu.memref_slice %arg3[%add3A_29] : memref<640000xi32, #tpu.memory_space<hbm>> -> memref<80xi32, #tpu.memory_space<hbm>>
      tpu.enqueue_dma source(%dma_start3A_172 : memref<80xi32, #tpu.memory_space<hbm>>) target(%arg10 : memref<80xi32, #tpu.memory_space<vmem>>) target_semaphore(%run_scoped3A : memref<!tpu.dma_semaphore, #tpu.memory_space<semaphore_mem>>)
      %dma_wait3A_173 = tpu.memref_slice %arg3[%add3A_29] : memref<640000xi32, #tpu.memory_space<hbm>> -> memref<80xi32, #tpu.memory_space<hbm>>
      %dma_wait3A_174 = tpu.memref_slice %arg3[%add3A_29] : memref<640000xi32, #tpu.memory_space<hbm>> -> memref<80xi32, #tpu.memory_space<hbm>>
      tpu.wait_dma2 semaphore(%run_scoped3A : memref<!tpu.dma_semaphore, #tpu.memory_space<semaphore_mem>>) src(%dma_wait3A_174 : memref<80xi32, #tpu.memory_space<hbm>>) dst(%arg10 : memref<80xi32, #tpu.memory_space<vmem>>)
      tpu.yield
    }) : () -> ()
    %dma_start3A_30 = arith.constant 0 : i32
    %dma_start3A_31 = arith.constant 0 : i32
    %dma_start3A_32 = tpu.memref_slice %arg2[%dma_start3A_30, %dma_start3A_31] : memref<10000x128xf32, #tpu.memory_space<hbm>> -> memref<10000x128xf32, #tpu.memory_space<hbm>>
    tpu.enqueue_indirect_dma source(%dma_start3A_32 : memref<10000x128xf32, #tpu.memory_space<hbm>>) target(%arg18 : memref<80x128xf32, #tpu.memory_space<vmem>>) offsets(%arg10 : memref<80xi32, #tpu.memory_space<vmem>>) semaphore(%arg22 : memref<!tpu.dma_semaphore, #tpu.memory_space<semaphore_mem>>)
    %dma_wait3A_33 = arith.constant 0 : i32
    %dma_wait3A_34 = arith.constant 0 : i32
    %dma_wait3A_35 = tpu.memref_slice %arg2[%dma_wait3A_33, %dma_wait3A_34] : memref<10000x128xf32, #tpu.memory_space<hbm>> -> memref<10000x128xf32, #tpu.memory_space<hbm>>
    tpu.wait_indirect_dma semaphore(%arg20 : memref<!tpu.dma_semaphore, #tpu.memory_space<semaphore_mem>>) src(%dma_wait3A_35 : memref<10000x128xf32, #tpu.memory_space<hbm>>) dst(%arg16 : memref<80x128xf32, #tpu.memory_space<vmem>>)
    %add3A_36 = arith.constant 320000 : i32
    %add3A_37 = arith.addi %add3A_36, %mul3A_4 : i32
    %add3A_38 = arith.constant 80 : i32
    %add3A_39 = arith.addi %add3A_37, %add3A_38 : i32
    "tpu.region"() ({
      %run_scoped3A = tpu.sem_alloc : memref<!tpu.dma_semaphore, #tpu.memory_space<semaphore_mem>>
      %dma_start3A_171 = tpu.memref_slice %arg3[%add3A_39] : memref<640000xi32, #tpu.memory_space<hbm>> -> memref<80xi32, #tpu.memory_space<hbm>>
      %dma_start3A_172 = tpu.memref_slice %arg3[%add3A_39] : memref<640000xi32, #tpu.memory_space<hbm>> -> memref<80xi32, #tpu.memory_space<hbm>>
      tpu.enqueue_dma source(%dma_start3A_172 : memref<80xi32, #tpu.memory_space<hbm>>) target(%arg12 : memref<80xi32, #tpu.memory_space<vmem>>) target_semaphore(%run_scoped3A : memref<!tpu.dma_semaphore, #tpu.memory_space<semaphore_mem>>)
      %dma_wait3A_173 = tpu.memref_slice %arg3[%add3A_39] : memref<640000xi32, #tpu.memory_space<hbm>> -> memref<80xi32, #tpu.memory_space<hbm>>
      %dma_wait3A_174 = tpu.memref_slice %arg3[%add3A_39] : memref<640000xi32, #tpu.memory_space<hbm>> -> memref<80xi32, #tpu.memory_space<hbm>>
      tpu.wait_dma2 semaphore(%run_scoped3A : memref<!tpu.dma_semaphore, #tpu.memory_space<semaphore_mem>>) src(%dma_wait3A_174 : memref<80xi32, #tpu.memory_space<hbm>>) dst(%arg12 : memref<80xi32, #tpu.memory_space<vmem>>)
      tpu.yield
    }) : () -> ()
    %dma_start3A_40 = arith.constant 0 : i32
    %dma_start3A_41 = arith.constant 0 : i32
    %dma_start3A_42 = tpu.memref_slice %arg6[%dma_start3A_40, %dma_start3A_41] : memref<10240x128xf32, #tpu.memory_space<vmem_shared>> -> memref<10240x128xf32, #tpu.memory_space<vmem_shared>>
    tpu.enqueue_indirect_dma source(%arg16 : memref<80x128xf32, #tpu.memory_space<vmem>>) target(%dma_start3A_42 : memref<10240x128xf32, #tpu.memory_space<vmem_shared>>) offsets(%arg12 : memref<80xi32, #tpu.memory_space<vmem>>) semaphore(%arg24 : memref<!tpu.dma_semaphore, #tpu.memory_space<semaphore_mem>>) {add = true}
    %dma_wait3A_43 = arith.constant 0 : i32
    %dma_wait3A_44 = arith.constant 0 : i32
    %dma_wait3A_45 = tpu.memref_slice %arg6[%dma_wait3A_43, %dma_wait3A_44] : memref<10240x128xf32, #tpu.memory_space<vmem_shared>> -> memref<10240x128xf32, #tpu.memory_space<vmem_shared>>
    tpu.wait_indirect_dma semaphore(%arg23 : memref<!tpu.dma_semaphore, #tpu.memory_space<semaphore_mem>>) src(%arg15 : memref<80x128xf32, #tpu.memory_space<vmem>>) dst(%dma_wait3A_45 : memref<10240x128xf32, #tpu.memory_space<vmem_shared>>)
    %add3A_46 = arith.constant 320 : i32
    %add3A_47 = arith.addi %mul3A_4, %add3A_46 : i32
    "tpu.region"() ({
      %run_scoped3A = tpu.sem_alloc : memref<!tpu.dma_semaphore, #tpu.memory_space<semaphore_mem>>
      %dma_start3A_171 = tpu.memref_slice %arg3[%add3A_47] : memref<640000xi32, #tpu.memory_space<hbm>> -> memref<80xi32, #tpu.memory_space<hbm>>
      %dma_start3A_172 = tpu.memref_slice %arg3[%add3A_47] : memref<640000xi32, #tpu.memory_space<hbm>> -> memref<80xi32, #tpu.memory_space<hbm>>
      tpu.enqueue_dma source(%dma_start3A_172 : memref<80xi32, #tpu.memory_space<hbm>>) target(%arg7 : memref<80xi32, #tpu.memory_space<vmem>>) target_semaphore(%run_scoped3A : memref<!tpu.dma_semaphore, #tpu.memory_space<semaphore_mem>>)
      %dma_wait3A_173 = tpu.memref_slice %arg3[%add3A_47] : memref<640000xi32, #tpu.memory_space<hbm>> -> memref<80xi32, #tpu.memory_space<hbm>>
      %dma_wait3A_174 = tpu.memref_slice %arg3[%add3A_47] : memref<640000xi32, #tpu.memory_space<hbm>> -> memref<80xi32, #tpu.memory_space<hbm>>
      tpu.wait_dma2 semaphore(%run_scoped3A : memref<!tpu.dma_semaphore, #tpu.memory_space<semaphore_mem>>) src(%dma_wait3A_174 : memref<80xi32, #tpu.memory_space<hbm>>) dst(%arg7 : memref<80xi32, #tpu.memory_space<vmem>>)
      tpu.yield
    }) : () -> ()
    %dma_start3A_48 = arith.constant 0 : i32
    %dma_start3A_49 = arith.constant 0 : i32
    %dma_start3A_50 = tpu.memref_slice %arg2[%dma_start3A_48, %dma_start3A_49] : memref<10000x128xf32, #tpu.memory_space<hbm>> -> memref<10000x128xf32, #tpu.memory_space<hbm>>
    tpu.enqueue_indirect_dma source(%dma_start3A_50 : memref<10000x128xf32, #tpu.memory_space<hbm>>) target(%arg15 : memref<80x128xf32, #tpu.memory_space<vmem>>) offsets(%arg7 : memref<80xi32, #tpu.memory_space<vmem>>) semaphore(%arg19 : memref<!tpu.dma_semaphore, #tpu.memory_space<semaphore_mem>>)
    %dma_wait3A_51 = arith.constant 0 : i32
    %dma_wait3A_52 = arith.constant 0 : i32
    %dma_wait3A_53 = tpu.memref_slice %arg2[%dma_wait3A_51, %dma_wait3A_52] : memref<10000x128xf32, #tpu.memory_space<hbm>> -> memref<10000x128xf32, #tpu.memory_space<hbm>>
    tpu.wait_indirect_dma semaphore(%arg21 : memref<!tpu.dma_semaphore, #tpu.memory_space<semaphore_mem>>) src(%dma_wait3A_53 : memref<10000x128xf32, #tpu.memory_space<hbm>>) dst(%arg17 : memref<80x128xf32, #tpu.memory_space<vmem>>)
    %add3A_54 = arith.constant 320000 : i32
    %add3A_55 = arith.addi %add3A_54, %mul3A_4 : i32
    %add3A_56 = arith.constant 160 : i32
    %add3A_57 = arith.addi %add3A_55, %add3A_56 : i32
    "tpu.region"() ({
      %run_scoped3A = tpu.sem_alloc : memref<!tpu.dma_semaphore, #tpu.memory_space<semaphore_mem>>
      %dma_start3A_171 = tpu.memref_slice %arg3[%add3A_57] : memref<640000xi32, #tpu.memory_space<hbm>> -> memref<80xi32, #tpu.memory_space<hbm>>
      %dma_start3A_172 = tpu.memref_slice %arg3[%add3A_57] : memref<640000xi32, #tpu.memory_space<hbm>> -> memref<80xi32, #tpu.memory_space<hbm>>
      tpu.enqueue_dma source(%dma_start3A_172 : memref<80xi32, #tpu.memory_space<hbm>>) target(%arg13 : memref<80xi32, #tpu.memory_space<vmem>>) target_semaphore(%run_scoped3A : memref<!tpu.dma_semaphore, #tpu.memory_space<semaphore_mem>>)
      %dma_wait3A_173 = tpu.memref_slice %arg3[%add3A_57] : memref<640000xi32, #tpu.memory_space<hbm>> -> memref<80xi32, #tpu.memory_space<hbm>>
      %dma_wait3A_174 = tpu.memref_slice %arg3[%add3A_57] : memref<640000xi32, #tpu.memory_space<hbm>> -> memref<80xi32, #tpu.memory_space<hbm>>
      tpu.wait_dma2 semaphore(%run_scoped3A : memref<!tpu.dma_semaphore, #tpu.memory_space<semaphore_mem>>) src(%dma_wait3A_174 : memref<80xi32, #tpu.memory_space<hbm>>) dst(%arg13 : memref<80xi32, #tpu.memory_space<vmem>>)
      tpu.yield
    }) : () -> ()
    %dma_start3A_58 = arith.constant 0 : i32
    %dma_start3A_59 = arith.constant 0 : i32
    %dma_start3A_60 = tpu.memref_slice %arg6[%dma_start3A_58, %dma_start3A_59] : memref<10240x128xf32, #tpu.memory_space<vmem_shared>> -> memref<10240x128xf32, #tpu.memory_space<vmem_shared>>
    tpu.enqueue_indirect_dma source(%arg17 : memref<80x128xf32, #tpu.memory_space<vmem>>) target(%dma_start3A_60 : memref<10240x128xf32, #tpu.memory_space<vmem_shared>>) offsets(%arg13 : memref<80xi32, #tpu.memory_space<vmem>>) semaphore(%arg25 : memref<!tpu.dma_semaphore, #tpu.memory_space<semaphore_mem>>) {add = true}
    %dma_wait3A_61 = arith.constant 0 : i32
    %dma_wait3A_62 = arith.constant 0 : i32
    %dma_wait3A_63 = tpu.memref_slice %arg6[%dma_wait3A_61, %dma_wait3A_62] : memref<10240x128xf32, #tpu.memory_space<vmem_shared>> -> memref<10240x128xf32, #tpu.memory_space<vmem_shared>>
    tpu.wait_indirect_dma semaphore(%arg24 : memref<!tpu.dma_semaphore, #tpu.memory_space<semaphore_mem>>) src(%arg16 : memref<80x128xf32, #tpu.memory_space<vmem>>) dst(%dma_wait3A_63 : memref<10240x128xf32, #tpu.memory_space<vmem_shared>>)
    %add3A_64 = arith.constant 400 : i32
    %add3A_65 = arith.addi %mul3A_4, %add3A_64 : i32
    "tpu.region"() ({
      %run_scoped3A = tpu.sem_alloc : memref<!tpu.dma_semaphore, #tpu.memory_space<semaphore_mem>>
      %dma_start3A_171 = tpu.memref_slice %arg3[%add3A_65] : memref<640000xi32, #tpu.memory_space<hbm>> -> memref<80xi32, #tpu.memory_space<hbm>>
      %dma_start3A_172 = tpu.memref_slice %arg3[%add3A_65] : memref<640000xi32, #tpu.memory_space<hbm>> -> memref<80xi32, #tpu.memory_space<hbm>>
      tpu.enqueue_dma source(%dma_start3A_172 : memref<80xi32, #tpu.memory_space<hbm>>) target(%arg8 : memref<80xi32, #tpu.memory_space<vmem>>) target_semaphore(%run_scoped3A : memref<!tpu.dma_semaphore, #tpu.memory_space<semaphore_mem>>)
      %dma_wait3A_173 = tpu.memref_slice %arg3[%add3A_65] : memref<640000xi32, #tpu.memory_space<hbm>> -> memref<80xi32, #tpu.memory_space<hbm>>
      %dma_wait3A_174 = tpu.memref_slice %arg3[%add3A_65] : memref<640000xi32, #tpu.memory_space<hbm>> -> memref<80xi32, #tpu.memory_space<hbm>>
      tpu.wait_dma2 semaphore(%run_scoped3A : memref<!tpu.dma_semaphore, #tpu.memory_space<semaphore_mem>>) src(%dma_wait3A_174 : memref<80xi32, #tpu.memory_space<hbm>>) dst(%arg8 : memref<80xi32, #tpu.memory_space<vmem>>)
      tpu.yield
    }) : () -> ()
    %dma_start3A_66 = arith.constant 0 : i32
    %dma_start3A_67 = arith.constant 0 : i32
    %dma_start3A_68 = tpu.memref_slice %arg2[%dma_start3A_66, %dma_start3A_67] : memref<10000x128xf32, #tpu.memory_space<hbm>> -> memref<10000x128xf32, #tpu.memory_space<hbm>>
    tpu.enqueue_indirect_dma source(%dma_start3A_68 : memref<10000x128xf32, #tpu.memory_space<hbm>>) target(%arg16 : memref<80x128xf32, #tpu.memory_space<vmem>>) offsets(%arg8 : memref<80xi32, #tpu.memory_space<vmem>>) semaphore(%arg20 : memref<!tpu.dma_semaphore, #tpu.memory_space<semaphore_mem>>)
    %dma_wait3A_69 = arith.constant 0 : i32
    %dma_wait3A_70 = arith.constant 0 : i32
    %dma_wait3A_71 = tpu.memref_slice %arg2[%dma_wait3A_69, %dma_wait3A_70] : memref<10000x128xf32, #tpu.memory_space<hbm>> -> memref<10000x128xf32, #tpu.memory_space<hbm>>
    tpu.wait_indirect_dma semaphore(%arg22 : memref<!tpu.dma_semaphore, #tpu.memory_space<semaphore_mem>>) src(%dma_wait3A_71 : memref<10000x128xf32, #tpu.memory_space<hbm>>) dst(%arg18 : memref<80x128xf32, #tpu.memory_space<vmem>>)
    %add3A_72 = arith.constant 320000 : i32
    %add3A_73 = arith.addi %add3A_72, %mul3A_4 : i32
    %add3A_74 = arith.constant 240 : i32
    %add3A_75 = arith.addi %add3A_73, %add3A_74 : i32
    "tpu.region"() ({
      %run_scoped3A = tpu.sem_alloc : memref<!tpu.dma_semaphore, #tpu.memory_space<semaphore_mem>>
      %dma_start3A_171 = tpu.memref_slice %arg3[%add3A_75] : memref<640000xi32, #tpu.memory_space<hbm>> -> memref<80xi32, #tpu.memory_space<hbm>>
      %dma_start3A_172 = tpu.memref_slice %arg3[%add3A_75] : memref<640000xi32, #tpu.memory_space<hbm>> -> memref<80xi32, #tpu.memory_space<hbm>>
      tpu.enqueue_dma source(%dma_start3A_172 : memref<80xi32, #tpu.memory_space<hbm>>) target(%arg14 : memref<80xi32, #tpu.memory_space<vmem>>) target_semaphore(%run_scoped3A : memref<!tpu.dma_semaphore, #tpu.memory_space<semaphore_mem>>)
      %dma_wait3A_173 = tpu.memref_slice %arg3[%add3A_75] : memref<640000xi32, #tpu.memory_space<hbm>> -> memref<80xi32, #tpu.memory_space<hbm>>
      %dma_wait3A_174 = tpu.memref_slice %arg3[%add3A_75] : memref<640000xi32, #tpu.memory_space<hbm>> -> memref<80xi32, #tpu.memory_space<hbm>>
      tpu.wait_dma2 semaphore(%run_scoped3A : memref<!tpu.dma_semaphore, #tpu.memory_space<semaphore_mem>>) src(%dma_wait3A_174 : memref<80xi32, #tpu.memory_space<hbm>>) dst(%arg14 : memref<80xi32, #tpu.memory_space<vmem>>)
      tpu.yield
    }) : () -> ()
    %dma_start3A_76 = arith.constant 0 : i32
    %dma_start3A_77 = arith.constant 0 : i32
    %dma_start3A_78 = tpu.memref_slice %arg6[%dma_start3A_76, %dma_start3A_77] : memref<10240x128xf32, #tpu.memory_space<vmem_shared>> -> memref<10240x128xf32, #tpu.memory_space<vmem_shared>>
    tpu.enqueue_indirect_dma source(%arg18 : memref<80x128xf32, #tpu.memory_space<vmem>>) target(%dma_start3A_78 : memref<10240x128xf32, #tpu.memory_space<vmem_shared>>) offsets(%arg14 : memref<80xi32, #tpu.memory_space<vmem>>) semaphore(%arg26 : memref<!tpu.dma_semaphore, #tpu.memory_space<semaphore_mem>>) {add = true}
    %dma_wait3A_79 = arith.constant 0 : i32
    %dma_wait3A_80 = arith.constant 0 : i32
    %dma_wait3A_81 = tpu.memref_slice %arg6[%dma_wait3A_79, %dma_wait3A_80] : memref<10240x128xf32, #tpu.memory_space<vmem_shared>> -> memref<10240x128xf32, #tpu.memory_space<vmem_shared>>
    tpu.wait_indirect_dma semaphore(%arg25 : memref<!tpu.dma_semaphore, #tpu.memory_space<semaphore_mem>>) src(%arg17 : memref<80x128xf32, #tpu.memory_space<vmem>>) dst(%dma_wait3A_81 : memref<10240x128xf32, #tpu.memory_space<vmem_shared>>)
    %add3A_82 = arith.constant 480 : i32
    %add3A_83 = arith.addi %mul3A_4, %add3A_82 : i32
    "tpu.region"() ({
      %run_scoped3A = tpu.sem_alloc : memref<!tpu.dma_semaphore, #tpu.memory_space<semaphore_mem>>
      %dma_start3A_171 = tpu.memref_slice %arg3[%add3A_83] : memref<640000xi32, #tpu.memory_space<hbm>> -> memref<80xi32, #tpu.memory_space<hbm>>
      %dma_start3A_172 = tpu.memref_slice %arg3[%add3A_83] : memref<640000xi32, #tpu.memory_space<hbm>> -> memref<80xi32, #tpu.memory_space<hbm>>
      tpu.enqueue_dma source(%dma_start3A_172 : memref<80xi32, #tpu.memory_space<hbm>>) target(%arg9 : memref<80xi32, #tpu.memory_space<vmem>>) target_semaphore(%run_scoped3A : memref<!tpu.dma_semaphore, #tpu.memory_space<semaphore_mem>>)
      %dma_wait3A_173 = tpu.memref_slice %arg3[%add3A_83] : memref<640000xi32, #tpu.memory_space<hbm>> -> memref<80xi32, #tpu.memory_space<hbm>>
      %dma_wait3A_174 = tpu.memref_slice %arg3[%add3A_83] : memref<640000xi32, #tpu.memory_space<hbm>> -> memref<80xi32, #tpu.memory_space<hbm>>
      tpu.wait_dma2 semaphore(%run_scoped3A : memref<!tpu.dma_semaphore, #tpu.memory_space<semaphore_mem>>) src(%dma_wait3A_174 : memref<80xi32, #tpu.memory_space<hbm>>) dst(%arg9 : memref<80xi32, #tpu.memory_space<vmem>>)
      tpu.yield
    }) : () -> ()
    %dma_start3A_84 = arith.constant 0 : i32
    %dma_start3A_85 = arith.constant 0 : i32
    %dma_start3A_86 = tpu.memref_slice %arg2[%dma_start3A_84, %dma_start3A_85] : memref<10000x128xf32, #tpu.memory_space<hbm>> -> memref<10000x128xf32, #tpu.memory_space<hbm>>
    tpu.enqueue_indirect_dma source(%dma_start3A_86 : memref<10000x128xf32, #tpu.memory_space<hbm>>) target(%arg17 : memref<80x128xf32, #tpu.memory_space<vmem>>) offsets(%arg9 : memref<80xi32, #tpu.memory_space<vmem>>) semaphore(%arg21 : memref<!tpu.dma_semaphore, #tpu.memory_space<semaphore_mem>>)
    %scan3A = arith.constant 0 : i32
    %scan3A_87 = arith.constant 0 : i32
    %scan3A_88 = arith.constant 29 : i32
    %scan3A_89 = arith.addi %scan3A_87, %scan3A_88 : i32
    %scan3A_90 = arith.constant 1 : i32
    scf.for %scan3A_171 = %scan3A_87 to %scan3A_89 step %scan3A_90  : i32 {
      %mul3A_172 = arith.constant 4 : i32
      %mul3A_173 = arith.muli %mul3A_172, %scan3A_171 : i32
      %add3A_174 = arith.constant 4 : i32
      %add3A_175 = arith.addi %add3A_174, %mul3A_173 : i32
      %add3A_176 = arith.constant 0 : i32
      %add3A_177 = arith.addi %add3A_175, %add3A_176 : i32
      %dma_wait3A_178 = arith.constant 0 : i32
      %dma_wait3A_179 = arith.constant 0 : i32
      %dma_wait3A_180 = tpu.memref_slice %arg2[%dma_wait3A_178, %dma_wait3A_179] : memref<10000x128xf32, #tpu.memory_space<hbm>> -> memref<10000x128xf32, #tpu.memory_space<hbm>>
      tpu.wait_indirect_dma semaphore(%arg19 : memref<!tpu.dma_semaphore, #tpu.memory_space<semaphore_mem>>) src(%dma_wait3A_180 : memref<10000x128xf32, #tpu.memory_space<hbm>>) dst(%arg15 : memref<80x128xf32, #tpu.memory_space<vmem>>)
      %add3A_181 = arith.constant 320000 : i32
      %add3A_182 = arith.addi %add3A_181, %mul3A_4 : i32
      %mul3A_183 = arith.constant 80 : i32
      %mul3A_184 = arith.muli %add3A_177, %mul3A_183 : i32
      %add3A_185 = arith.addi %add3A_182, %mul3A_184 : i32
      "tpu.region"() ({
        %run_scoped3A = tpu.sem_alloc : memref<!tpu.dma_semaphore, #tpu.memory_space<semaphore_mem>>
        %dma_start3A_284 = tpu.memref_slice %arg3[%add3A_185] : memref<640000xi32, #tpu.memory_space<hbm>> -> memref<80xi32, #tpu.memory_space<hbm>>
        %dma_start3A_285 = tpu.memref_slice %arg3[%add3A_185] : memref<640000xi32, #tpu.memory_space<hbm>> -> memref<80xi32, #tpu.memory_space<hbm>>
        tpu.enqueue_dma source(%dma_start3A_285 : memref<80xi32, #tpu.memory_space<hbm>>) target(%arg11 : memref<80xi32, #tpu.memory_space<vmem>>) target_semaphore(%run_scoped3A : memref<!tpu.dma_semaphore, #tpu.memory_space<semaphore_mem>>)
        %dma_wait3A_286 = tpu.memref_slice %arg3[%add3A_185] : memref<640000xi32, #tpu.memory_space<hbm>> -> memref<80xi32, #tpu.memory_space<hbm>>
        %dma_wait3A_287 = tpu.memref_slice %arg3[%add3A_185] : memref<640000xi32, #tpu.memory_space<hbm>> -> memref<80xi32, #tpu.memory_space<hbm>>
        tpu.wait_dma2 semaphore(%run_scoped3A : memref<!tpu.dma_semaphore, #tpu.memory_space<semaphore_mem>>) src(%dma_wait3A_287 : memref<80xi32, #tpu.memory_space<hbm>>) dst(%arg11 : memref<80xi32, #tpu.memory_space<vmem>>)
        tpu.yield
      }) : () -> ()
      %dma_start3A_186 = arith.constant 0 : i32
      %dma_start3A_187 = arith.constant 0 : i32
      %dma_start3A_188 = tpu.memref_slice %arg6[%dma_start3A_186, %dma_start3A_187] : memref<10240x128xf32, #tpu.memory_space<vmem_shared>> -> memref<10240x128xf32, #tpu.memory_space<vmem_shared>>
      tpu.enqueue_indirect_dma source(%arg15 : memref<80x128xf32, #tpu.memory_space<vmem>>) target(%dma_start3A_188 : memref<10240x128xf32, #tpu.memory_space<vmem_shared>>) offsets(%arg11 : memref<80xi32, #tpu.memory_space<vmem>>) semaphore(%arg23 : memref<!tpu.dma_semaphore, #tpu.memory_space<semaphore_mem>>) {add = true}
      %dma_wait3A_189 = arith.constant 0 : i32
      %dma_wait3A_190 = arith.constant 0 : i32
      %dma_wait3A_191 = tpu.memref_slice %arg6[%dma_wait3A_189, %dma_wait3A_190] : memref<10240x128xf32, #tpu.memory_space<vmem_shared>> -> memref<10240x128xf32, #tpu.memory_space<vmem_shared>>
      tpu.wait_indirect_dma semaphore(%arg26 : memref<!tpu.dma_semaphore, #tpu.memory_space<semaphore_mem>>) src(%arg18 : memref<80x128xf32, #tpu.memory_space<vmem>>) dst(%dma_wait3A_191 : memref<10240x128xf32, #tpu.memory_space<vmem_shared>>)
      %add3A_192 = arith.constant 3 : i32
      %add3A_193 = arith.addi %add3A_177, %add3A_192 : i32
      %mul3A_194 = arith.constant 80 : i32
      %mul3A_195 = arith.muli %add3A_193, %mul3A_194 : i32
      %add3A_196 = arith.addi %mul3A_4, %mul3A_195 : i32
      "tpu.region"() ({
        %run_scoped3A = tpu.sem_alloc : memref<!tpu.dma_semaphore, #tpu.memory_space<semaphore_mem>>
        %dma_start3A_284 = tpu.memref_slice %arg3[%add3A_196] : memref<640000xi32, #tpu.memory_space<hbm>> -> memref<80xi32, #tpu.memory_space<hbm>>
        %dma_start3A_285 = tpu.memref_slice %arg3[%add3A_196] : memref<640000xi32, #tpu.memory_space<hbm>> -> memref<80xi32, #tpu.memory_space<hbm>>
        tpu.enqueue_dma source(%dma_start3A_285 : memref<80xi32, #tpu.memory_space<hbm>>) target(%arg10 : memref<80xi32, #tpu.memory_space<vmem>>) target_semaphore(%run_scoped3A : memref<!tpu.dma_semaphore, #tpu.memory_space<semaphore_mem>>)
        %dma_wait3A_286 = tpu.memref_slice %arg3[%add3A_196] : memref<640000xi32, #tpu.memory_space<hbm>> -> memref<80xi32, #tpu.memory_space<hbm>>
        %dma_wait3A_287 = tpu.memref_slice %arg3[%add3A_196] : memref<640000xi32, #tpu.memory_space<hbm>> -> memref<80xi32, #tpu.memory_space<hbm>>
        tpu.wait_dma2 semaphore(%run_scoped3A : memref<!tpu.dma_semaphore, #tpu.memory_space<semaphore_mem>>) src(%dma_wait3A_287 : memref<80xi32, #tpu.memory_space<hbm>>) dst(%arg10 : memref<80xi32, #tpu.memory_space<vmem>>)
        tpu.yield
      }) : () -> ()
      %dma_start3A_197 = arith.constant 0 : i32
      %dma_start3A_198 = arith.constant 0 : i32
      %dma_start3A_199 = tpu.memref_slice %arg2[%dma_start3A_197, %dma_start3A_198] : memref<10000x128xf32, #tpu.memory_space<hbm>> -> memref<10000x128xf32, #tpu.memory_space<hbm>>
      tpu.enqueue_indirect_dma source(%dma_start3A_199 : memref<10000x128xf32, #tpu.memory_space<hbm>>) target(%arg18 : memref<80x128xf32, #tpu.memory_space<vmem>>) offsets(%arg10 : memref<80xi32, #tpu.memory_space<vmem>>) semaphore(%arg22 : memref<!tpu.dma_semaphore, #tpu.memory_space<semaphore_mem>>)
      %mul3A_200 = arith.constant 4 : i32
      %mul3A_201 = arith.muli %mul3A_200, %scan3A_171 : i32
      %add3A_202 = arith.constant 4 : i32
      %add3A_203 = arith.addi %add3A_202, %mul3A_201 : i32
      %add3A_204 = arith.constant 1 : i32
      %add3A_205 = arith.addi %add3A_203, %add3A_204 : i32
      %dma_wait3A_206 = arith.constant 0 : i32
      %dma_wait3A_207 = arith.constant 0 : i32
      %dma_wait3A_208 = tpu.memref_slice %arg2[%dma_wait3A_206, %dma_wait3A_207] : memref<10000x128xf32, #tpu.memory_space<hbm>> -> memref<10000x128xf32, #tpu.memory_space<hbm>>
      tpu.wait_indirect_dma semaphore(%arg20 : memref<!tpu.dma_semaphore, #tpu.memory_space<semaphore_mem>>) src(%dma_wait3A_208 : memref<10000x128xf32, #tpu.memory_space<hbm>>) dst(%arg16 : memref<80x128xf32, #tpu.memory_space<vmem>>)
      %add3A_209 = arith.constant 320000 : i32
      %add3A_210 = arith.addi %add3A_209, %mul3A_4 : i32
      %mul3A_211 = arith.constant 80 : i32
      %mul3A_212 = arith.muli %add3A_205, %mul3A_211 : i32
      %add3A_213 = arith.addi %add3A_210, %mul3A_212 : i32
      "tpu.region"() ({
        %run_scoped3A = tpu.sem_alloc : memref<!tpu.dma_semaphore, #tpu.memory_space<semaphore_mem>>
        %dma_start3A_284 = tpu.memref_slice %arg3[%add3A_213] : memref<640000xi32, #tpu.memory_space<hbm>> -> memref<80xi32, #tpu.memory_space<hbm>>
        %dma_start3A_285 = tpu.memref_slice %arg3[%add3A_213] : memref<640000xi32, #tpu.memory_space<hbm>> -> memref<80xi32, #tpu.memory_space<hbm>>
        tpu.enqueue_dma source(%dma_start3A_285 : memref<80xi32, #tpu.memory_space<hbm>>) target(%arg12 : memref<80xi32, #tpu.memory_space<vmem>>) target_semaphore(%run_scoped3A : memref<!tpu.dma_semaphore, #tpu.memory_space<semaphore_mem>>)
        %dma_wait3A_286 = tpu.memref_slice %arg3[%add3A_213] : memref<640000xi32, #tpu.memory_space<hbm>> -> memref<80xi32, #tpu.memory_space<hbm>>
        %dma_wait3A_287 = tpu.memref_slice %arg3[%add3A_213] : memref<640000xi32, #tpu.memory_space<hbm>> -> memref<80xi32, #tpu.memory_space<hbm>>
        tpu.wait_dma2 semaphore(%run_scoped3A : memref<!tpu.dma_semaphore, #tpu.memory_space<semaphore_mem>>) src(%dma_wait3A_287 : memref<80xi32, #tpu.memory_space<hbm>>) dst(%arg12 : memref<80xi32, #tpu.memory_space<vmem>>)
        tpu.yield
      }) : () -> ()
      %dma_start3A_214 = arith.constant 0 : i32
      %dma_start3A_215 = arith.constant 0 : i32
      %dma_start3A_216 = tpu.memref_slice %arg6[%dma_start3A_214, %dma_start3A_215] : memref<10240x128xf32, #tpu.memory_space<vmem_shared>> -> memref<10240x128xf32, #tpu.memory_space<vmem_shared>>
      tpu.enqueue_indirect_dma source(%arg16 : memref<80x128xf32, #tpu.memory_space<vmem>>) target(%dma_start3A_216 : memref<10240x128xf32, #tpu.memory_space<vmem_shared>>) offsets(%arg12 : memref<80xi32, #tpu.memory_space<vmem>>) semaphore(%arg24 : memref<!tpu.dma_semaphore, #tpu.memory_space<semaphore_mem>>) {add = true}
      %dma_wait3A_217 = arith.constant 0 : i32
      %dma_wait3A_218 = arith.constant 0 : i32
      %dma_wait3A_219 = tpu.memref_slice %arg6[%dma_wait3A_217, %dma_wait3A_218] : memref<10240x128xf32, #tpu.memory_space<vmem_shared>> -> memref<10240x128xf32, #tpu.memory_space<vmem_shared>>
      tpu.wait_indirect_dma semaphore(%arg23 : memref<!tpu.dma_semaphore, #tpu.memory_space<semaphore_mem>>) src(%arg15 : memref<80x128xf32, #tpu.memory_space<vmem>>) dst(%dma_wait3A_219 : memref<10240x128xf32, #tpu.memory_space<vmem_shared>>)
      %add3A_220 = arith.constant 3 : i32
      %add3A_221 = arith.addi %add3A_205, %add3A_220 : i32
      %mul3A_222 = arith.constant 80 : i32
      %mul3A_223 = arith.muli %add3A_221, %mul3A_222 : i32
      %add3A_224 = arith.addi %mul3A_4, %mul3A_223 : i32
      "tpu.region"() ({
        %run_scoped3A = tpu.sem_alloc : memref<!tpu.dma_semaphore, #tpu.memory_space<semaphore_mem>>
        %dma_start3A_284 = tpu.memref_slice %arg3[%add3A_224] : memref<640000xi32, #tpu.memory_space<hbm>> -> memref<80xi32, #tpu.memory_space<hbm>>
        %dma_start3A_285 = tpu.memref_slice %arg3[%add3A_224] : memref<640000xi32, #tpu.memory_space<hbm>> -> memref<80xi32, #tpu.memory_space<hbm>>
        tpu.enqueue_dma source(%dma_start3A_285 : memref<80xi32, #tpu.memory_space<hbm>>) target(%arg7 : memref<80xi32, #tpu.memory_space<vmem>>) target_semaphore(%run_scoped3A : memref<!tpu.dma_semaphore, #tpu.memory_space<semaphore_mem>>)
        %dma_wait3A_286 = tpu.memref_slice %arg3[%add3A_224] : memref<640000xi32, #tpu.memory_space<hbm>> -> memref<80xi32, #tpu.memory_space<hbm>>
        %dma_wait3A_287 = tpu.memref_slice %arg3[%add3A_224] : memref<640000xi32, #tpu.memory_space<hbm>> -> memref<80xi32, #tpu.memory_space<hbm>>
        tpu.wait_dma2 semaphore(%run_scoped3A : memref<!tpu.dma_semaphore, #tpu.memory_space<semaphore_mem>>) src(%dma_wait3A_287 : memref<80xi32, #tpu.memory_space<hbm>>) dst(%arg7 : memref<80xi32, #tpu.memory_space<vmem>>)
        tpu.yield
      }) : () -> ()
      %dma_start3A_225 = arith.constant 0 : i32
      %dma_start3A_226 = arith.constant 0 : i32
      %dma_start3A_227 = tpu.memref_slice %arg2[%dma_start3A_225, %dma_start3A_226] : memref<10000x128xf32, #tpu.memory_space<hbm>> -> memref<10000x128xf32, #tpu.memory_space<hbm>>
      tpu.enqueue_indirect_dma source(%dma_start3A_227 : memref<10000x128xf32, #tpu.memory_space<hbm>>) target(%arg15 : memref<80x128xf32, #tpu.memory_space<vmem>>) offsets(%arg7 : memref<80xi32, #tpu.memory_space<vmem>>) semaphore(%arg19 : memref<!tpu.dma_semaphore, #tpu.memory_space<semaphore_mem>>)
      %mul3A_228 = arith.constant 4 : i32
      %mul3A_229 = arith.muli %mul3A_228, %scan3A_171 : i32
      %add3A_230 = arith.constant 4 : i32
      %add3A_231 = arith.addi %add3A_230, %mul3A_229 : i32
      %add3A_232 = arith.constant 2 : i32
      %add3A_233 = arith.addi %add3A_231, %add3A_232 : i32
      %dma_wait3A_234 = arith.constant 0 : i32
      %dma_wait3A_235 = arith.constant 0 : i32
      %dma_wait3A_236 = tpu.memref_slice %arg2[%dma_wait3A_234, %dma_wait3A_235] : memref<10000x128xf32, #tpu.memory_space<hbm>> -> memref<10000x128xf32, #tpu.memory_space<hbm>>
      tpu.wait_indirect_dma semaphore(%arg21 : memref<!tpu.dma_semaphore, #tpu.memory_space<semaphore_mem>>) src(%dma_wait3A_236 : memref<10000x128xf32, #tpu.memory_space<hbm>>) dst(%arg17 : memref<80x128xf32, #tpu.memory_space<vmem>>)
      %add3A_237 = arith.constant 320000 : i32
      %add3A_238 = arith.addi %add3A_237, %mul3A_4 : i32
      %mul3A_239 = arith.constant 80 : i32
      %mul3A_240 = arith.muli %add3A_233, %mul3A_239 : i32
      %add3A_241 = arith.addi %add3A_238, %mul3A_240 : i32
      "tpu.region"() ({
        %run_scoped3A = tpu.sem_alloc : memref<!tpu.dma_semaphore, #tpu.memory_space<semaphore_mem>>
        %dma_start3A_284 = tpu.memref_slice %arg3[%add3A_241] : memref<640000xi32, #tpu.memory_space<hbm>> -> memref<80xi32, #tpu.memory_space<hbm>>
        %dma_start3A_285 = tpu.memref_slice %arg3[%add3A_241] : memref<640000xi32, #tpu.memory_space<hbm>> -> memref<80xi32, #tpu.memory_space<hbm>>
        tpu.enqueue_dma source(%dma_start3A_285 : memref<80xi32, #tpu.memory_space<hbm>>) target(%arg13 : memref<80xi32, #tpu.memory_space<vmem>>) target_semaphore(%run_scoped3A : memref<!tpu.dma_semaphore, #tpu.memory_space<semaphore_mem>>)
        %dma_wait3A_286 = tpu.memref_slice %arg3[%add3A_241] : memref<640000xi32, #tpu.memory_space<hbm>> -> memref<80xi32, #tpu.memory_space<hbm>>
        %dma_wait3A_287 = tpu.memref_slice %arg3[%add3A_241] : memref<640000xi32, #tpu.memory_space<hbm>> -> memref<80xi32, #tpu.memory_space<hbm>>
        tpu.wait_dma2 semaphore(%run_scoped3A : memref<!tpu.dma_semaphore, #tpu.memory_space<semaphore_mem>>) src(%dma_wait3A_287 : memref<80xi32, #tpu.memory_space<hbm>>) dst(%arg13 : memref<80xi32, #tpu.memory_space<vmem>>)
        tpu.yield
      }) : () -> ()
      %dma_start3A_242 = arith.constant 0 : i32
      %dma_start3A_243 = arith.constant 0 : i32
      %dma_start3A_244 = tpu.memref_slice %arg6[%dma_start3A_242, %dma_start3A_243] : memref<10240x128xf32, #tpu.memory_space<vmem_shared>> -> memref<10240x128xf32, #tpu.memory_space<vmem_shared>>
      tpu.enqueue_indirect_dma source(%arg17 : memref<80x128xf32, #tpu.memory_space<vmem>>) target(%dma_start3A_244 : memref<10240x128xf32, #tpu.memory_space<vmem_shared>>) offsets(%arg13 : memref<80xi32, #tpu.memory_space<vmem>>) semaphore(%arg25 : memref<!tpu.dma_semaphore, #tpu.memory_space<semaphore_mem>>) {add = true}
      %dma_wait3A_245 = arith.constant 0 : i32
      %dma_wait3A_246 = arith.constant 0 : i32
      %dma_wait3A_247 = tpu.memref_slice %arg6[%dma_wait3A_245, %dma_wait3A_246] : memref<10240x128xf32, #tpu.memory_space<vmem_shared>> -> memref<10240x128xf32, #tpu.memory_space<vmem_shared>>
      tpu.wait_indirect_dma semaphore(%arg24 : memref<!tpu.dma_semaphore, #tpu.memory_space<semaphore_mem>>) src(%arg16 : memref<80x128xf32, #tpu.memory_space<vmem>>) dst(%dma_wait3A_247 : memref<10240x128xf32, #tpu.memory_space<vmem_shared>>)
      %add3A_248 = arith.constant 3 : i32
      %add3A_249 = arith.addi %add3A_233, %add3A_248 : i32
      %mul3A_250 = arith.constant 80 : i32
      %mul3A_251 = arith.muli %add3A_249, %mul3A_250 : i32
      %add3A_252 = arith.addi %mul3A_4, %mul3A_251 : i32
      "tpu.region"() ({
        %run_scoped3A = tpu.sem_alloc : memref<!tpu.dma_semaphore, #tpu.memory_space<semaphore_mem>>
        %dma_start3A_284 = tpu.memref_slice %arg3[%add3A_252] : memref<640000xi32, #tpu.memory_space<hbm>> -> memref<80xi32, #tpu.memory_space<hbm>>
        %dma_start3A_285 = tpu.memref_slice %arg3[%add3A_252] : memref<640000xi32, #tpu.memory_space<hbm>> -> memref<80xi32, #tpu.memory_space<hbm>>
        tpu.enqueue_dma source(%dma_start3A_285 : memref<80xi32, #tpu.memory_space<hbm>>) target(%arg8 : memref<80xi32, #tpu.memory_space<vmem>>) target_semaphore(%run_scoped3A : memref<!tpu.dma_semaphore, #tpu.memory_space<semaphore_mem>>)
        %dma_wait3A_286 = tpu.memref_slice %arg3[%add3A_252] : memref<640000xi32, #tpu.memory_space<hbm>> -> memref<80xi32, #tpu.memory_space<hbm>>
        %dma_wait3A_287 = tpu.memref_slice %arg3[%add3A_252] : memref<640000xi32, #tpu.memory_space<hbm>> -> memref<80xi32, #tpu.memory_space<hbm>>
        tpu.wait_dma2 semaphore(%run_scoped3A : memref<!tpu.dma_semaphore, #tpu.memory_space<semaphore_mem>>) src(%dma_wait3A_287 : memref<80xi32, #tpu.memory_space<hbm>>) dst(%arg8 : memref<80xi32, #tpu.memory_space<vmem>>)
        tpu.yield
      }) : () -> ()
      %dma_start3A_253 = arith.constant 0 : i32
      %dma_start3A_254 = arith.constant 0 : i32
      %dma_start3A_255 = tpu.memref_slice %arg2[%dma_start3A_253, %dma_start3A_254] : memref<10000x128xf32, #tpu.memory_space<hbm>> -> memref<10000x128xf32, #tpu.memory_space<hbm>>
      tpu.enqueue_indirect_dma source(%dma_start3A_255 : memref<10000x128xf32, #tpu.memory_space<hbm>>) target(%arg16 : memref<80x128xf32, #tpu.memory_space<vmem>>) offsets(%arg8 : memref<80xi32, #tpu.memory_space<vmem>>) semaphore(%arg20 : memref<!tpu.dma_semaphore, #tpu.memory_space<semaphore_mem>>)
      %mul3A_256 = arith.constant 4 : i32
      %mul3A_257 = arith.muli %mul3A_256, %scan3A_171 : i32
      %add3A_258 = arith.constant 4 : i32
      %add3A_259 = arith.addi %add3A_258, %mul3A_257 : i32
      %add3A_260 = arith.constant 3 : i32
      %add3A_261 = arith.addi %add3A_259, %add3A_260 : i32
      %dma_wait3A_262 = arith.constant 0 : i32
      %dma_wait3A_263 = arith.constant 0 : i32
      %dma_wait3A_264 = tpu.memref_slice %arg2[%dma_wait3A_262, %dma_wait3A_263] : memref<10000x128xf32, #tpu.memory_space<hbm>> -> memref<10000x128xf32, #tpu.memory_space<hbm>>
      tpu.wait_indirect_dma semaphore(%arg22 : memref<!tpu.dma_semaphore, #tpu.memory_space<semaphore_mem>>) src(%dma_wait3A_264 : memref<10000x128xf32, #tpu.memory_space<hbm>>) dst(%arg18 : memref<80x128xf32, #tpu.memory_space<vmem>>)
      %add3A_265 = arith.constant 320000 : i32
      %add3A_266 = arith.addi %add3A_265, %mul3A_4 : i32
      %mul3A_267 = arith.constant 80 : i32
      %mul3A_268 = arith.muli %add3A_261, %mul3A_267 : i32
      %add3A_269 = arith.addi %add3A_266, %mul3A_268 : i32
      "tpu.region"() ({
        %run_scoped3A = tpu.sem_alloc : memref<!tpu.dma_semaphore, #tpu.memory_space<semaphore_mem>>
        %dma_start3A_284 = tpu.memref_slice %arg3[%add3A_269] : memref<640000xi32, #tpu.memory_space<hbm>> -> memref<80xi32, #tpu.memory_space<hbm>>
        %dma_start3A_285 = tpu.memref_slice %arg3[%add3A_269] : memref<640000xi32, #tpu.memory_space<hbm>> -> memref<80xi32, #tpu.memory_space<hbm>>
        tpu.enqueue_dma source(%dma_start3A_285 : memref<80xi32, #tpu.memory_space<hbm>>) target(%arg14 : memref<80xi32, #tpu.memory_space<vmem>>) target_semaphore(%run_scoped3A : memref<!tpu.dma_semaphore, #tpu.memory_space<semaphore_mem>>)
        %dma_wait3A_286 = tpu.memref_slice %arg3[%add3A_269] : memref<640000xi32, #tpu.memory_space<hbm>> -> memref<80xi32, #tpu.memory_space<hbm>>
        %dma_wait3A_287 = tpu.memref_slice %arg3[%add3A_269] : memref<640000xi32, #tpu.memory_space<hbm>> -> memref<80xi32, #tpu.memory_space<hbm>>
        tpu.wait_dma2 semaphore(%run_scoped3A : memref<!tpu.dma_semaphore, #tpu.memory_space<semaphore_mem>>) src(%dma_wait3A_287 : memref<80xi32, #tpu.memory_space<hbm>>) dst(%arg14 : memref<80xi32, #tpu.memory_space<vmem>>)
        tpu.yield
      }) : () -> ()
      %dma_start3A_270 = arith.constant 0 : i32
      %dma_start3A_271 = arith.constant 0 : i32
      %dma_start3A_272 = tpu.memref_slice %arg6[%dma_start3A_270, %dma_start3A_271] : memref<10240x128xf32, #tpu.memory_space<vmem_shared>> -> memref<10240x128xf32, #tpu.memory_space<vmem_shared>>
      tpu.enqueue_indirect_dma source(%arg18 : memref<80x128xf32, #tpu.memory_space<vmem>>) target(%dma_start3A_272 : memref<10240x128xf32, #tpu.memory_space<vmem_shared>>) offsets(%arg14 : memref<80xi32, #tpu.memory_space<vmem>>) semaphore(%arg26 : memref<!tpu.dma_semaphore, #tpu.memory_space<semaphore_mem>>) {add = true}
      %dma_wait3A_273 = arith.constant 0 : i32
      %dma_wait3A_274 = arith.constant 0 : i32
      %dma_wait3A_275 = tpu.memref_slice %arg6[%dma_wait3A_273, %dma_wait3A_274] : memref<10240x128xf32, #tpu.memory_space<vmem_shared>> -> memref<10240x128xf32, #tpu.memory_space<vmem_shared>>
      tpu.wait_indirect_dma semaphore(%arg25 : memref<!tpu.dma_semaphore, #tpu.memory_space<semaphore_mem>>) src(%arg17 : memref<80x128xf32, #tpu.memory_space<vmem>>) dst(%dma_wait3A_275 : memref<10240x128xf32, #tpu.memory_space<vmem_shared>>)
      %add3A_276 = arith.constant 3 : i32
      %add3A_277 = arith.addi %add3A_261, %add3A_276 : i32
      %mul3A_278 = arith.constant 80 : i32
      %mul3A_279 = arith.muli %add3A_277, %mul3A_278 : i32
      %add3A_280 = arith.addi %mul3A_4, %mul3A_279 : i32
      "tpu.region"() ({
        %run_scoped3A = tpu.sem_alloc : memref<!tpu.dma_semaphore, #tpu.memory_space<semaphore_mem>>
        %dma_start3A_284 = tpu.memref_slice %arg3[%add3A_280] : memref<640000xi32, #tpu.memory_space<hbm>> -> memref<80xi32, #tpu.memory_space<hbm>>
        %dma_start3A_285 = tpu.memref_slice %arg3[%add3A_280] : memref<640000xi32, #tpu.memory_space<hbm>> -> memref<80xi32, #tpu.memory_space<hbm>>
        tpu.enqueue_dma source(%dma_start3A_285 : memref<80xi32, #tpu.memory_space<hbm>>) target(%arg9 : memref<80xi32, #tpu.memory_space<vmem>>) target_semaphore(%run_scoped3A : memref<!tpu.dma_semaphore, #tpu.memory_space<semaphore_mem>>)
        %dma_wait3A_286 = tpu.memref_slice %arg3[%add3A_280] : memref<640000xi32, #tpu.memory_space<hbm>> -> memref<80xi32, #tpu.memory_space<hbm>>
        %dma_wait3A_287 = tpu.memref_slice %arg3[%add3A_280] : memref<640000xi32, #tpu.memory_space<hbm>> -> memref<80xi32, #tpu.memory_space<hbm>>
        tpu.wait_dma2 semaphore(%run_scoped3A : memref<!tpu.dma_semaphore, #tpu.memory_space<semaphore_mem>>) src(%dma_wait3A_287 : memref<80xi32, #tpu.memory_space<hbm>>) dst(%arg9 : memref<80xi32, #tpu.memory_space<vmem>>)
        tpu.yield
      }) : () -> ()
      %dma_start3A_281 = arith.constant 0 : i32
      %dma_start3A_282 = arith.constant 0 : i32
      %dma_start3A_283 = tpu.memref_slice %arg2[%dma_start3A_281, %dma_start3A_282] : memref<10000x128xf32, #tpu.memory_space<hbm>> -> memref<10000x128xf32, #tpu.memory_space<hbm>>
      tpu.enqueue_indirect_dma source(%dma_start3A_283 : memref<10000x128xf32, #tpu.memory_space<hbm>>) target(%arg17 : memref<80x128xf32, #tpu.memory_space<vmem>>) offsets(%arg9 : memref<80xi32, #tpu.memory_space<vmem>>) semaphore(%arg21 : memref<!tpu.dma_semaphore, #tpu.memory_space<semaphore_mem>>)
    }
    %scan3A_91 = arith.constant 29 : i32
    %dma_wait3A_92 = arith.constant 0 : i32
    %dma_wait3A_93 = arith.constant 0 : i32
    %dma_wait3A_94 = tpu.memref_slice %arg2[%dma_wait3A_92, %dma_wait3A_93] : memref<10000x128xf32, #tpu.memory_space<hbm>> -> memref<10000x128xf32, #tpu.memory_space<hbm>>
    tpu.wait_indirect_dma semaphore(%arg19 : memref<!tpu.dma_semaphore, #tpu.memory_space<semaphore_mem>>) src(%dma_wait3A_94 : memref<10000x128xf32, #tpu.memory_space<hbm>>) dst(%arg15 : memref<80x128xf32, #tpu.memory_space<vmem>>)
    %add3A_95 = arith.constant 320000 : i32
    %add3A_96 = arith.addi %add3A_95, %mul3A_4 : i32
    %add3A_97 = arith.constant 9600 : i32
    %add3A_98 = arith.addi %add3A_96, %add3A_97 : i32
    "tpu.region"() ({
      %run_scoped3A = tpu.sem_alloc : memref<!tpu.dma_semaphore, #tpu.memory_space<semaphore_mem>>
      %dma_start3A_171 = tpu.memref_slice %arg3[%add3A_98] : memref<640000xi32, #tpu.memory_space<hbm>> -> memref<80xi32, #tpu.memory_space<hbm>>
      %dma_start3A_172 = tpu.memref_slice %arg3[%add3A_98] : memref<640000xi32, #tpu.memory_space<hbm>> -> memref<80xi32, #tpu.memory_space<hbm>>
      tpu.enqueue_dma source(%dma_start3A_172 : memref<80xi32, #tpu.memory_space<hbm>>) target(%arg11 : memref<80xi32, #tpu.memory_space<vmem>>) target_semaphore(%run_scoped3A : memref<!tpu.dma_semaphore, #tpu.memory_space<semaphore_mem>>)
      %dma_wait3A_173 = tpu.memref_slice %arg3[%add3A_98] : memref<640000xi32, #tpu.memory_space<hbm>> -> memref<80xi32, #tpu.memory_space<hbm>>
      %dma_wait3A_174 = tpu.memref_slice %arg3[%add3A_98] : memref<640000xi32, #tpu.memory_space<hbm>> -> memref<80xi32, #tpu.memory_space<hbm>>
      tpu.wait_dma2 semaphore(%run_scoped3A : memref<!tpu.dma_semaphore, #tpu.memory_space<semaphore_mem>>) src(%dma_wait3A_174 : memref<80xi32, #tpu.memory_space<hbm>>) dst(%arg11 : memref<80xi32, #tpu.memory_space<vmem>>)
      tpu.yield
    }) : () -> ()
    %dma_start3A_99 = arith.constant 0 : i32
    %dma_start3A_100 = arith.constant 0 : i32
    %dma_start3A_101 = tpu.memref_slice %arg6[%dma_start3A_99, %dma_start3A_100] : memref<10240x128xf32, #tpu.memory_space<vmem_shared>> -> memref<10240x128xf32, #tpu.memory_space<vmem_shared>>
    tpu.enqueue_indirect_dma source(%arg15 : memref<80x128xf32, #tpu.memory_space<vmem>>) target(%dma_start3A_101 : memref<10240x128xf32, #tpu.memory_space<vmem_shared>>) offsets(%arg11 : memref<80xi32, #tpu.memory_space<vmem>>) semaphore(%arg23 : memref<!tpu.dma_semaphore, #tpu.memory_space<semaphore_mem>>) {add = true}
    %dma_wait3A_102 = arith.constant 0 : i32
    %dma_wait3A_103 = arith.constant 0 : i32
    %dma_wait3A_104 = tpu.memref_slice %arg6[%dma_wait3A_102, %dma_wait3A_103] : memref<10240x128xf32, #tpu.memory_space<vmem_shared>> -> memref<10240x128xf32, #tpu.memory_space<vmem_shared>>
    tpu.wait_indirect_dma semaphore(%arg26 : memref<!tpu.dma_semaphore, #tpu.memory_space<semaphore_mem>>) src(%arg18 : memref<80x128xf32, #tpu.memory_space<vmem>>) dst(%dma_wait3A_104 : memref<10240x128xf32, #tpu.memory_space<vmem_shared>>)
    %add3A_105 = arith.constant 9840 : i32
    %add3A_106 = arith.addi %mul3A_4, %add3A_105 : i32
    "tpu.region"() ({
      %run_scoped3A = tpu.sem_alloc : memref<!tpu.dma_semaphore, #tpu.memory_space<semaphore_mem>>
      %dma_start3A_171 = tpu.memref_slice %arg3[%add3A_106] : memref<640000xi32, #tpu.memory_space<hbm>> -> memref<80xi32, #tpu.memory_space<hbm>>
      %dma_start3A_172 = tpu.memref_slice %arg3[%add3A_106] : memref<640000xi32, #tpu.memory_space<hbm>> -> memref<80xi32, #tpu.memory_space<hbm>>
      tpu.enqueue_dma source(%dma_start3A_172 : memref<80xi32, #tpu.memory_space<hbm>>) target(%arg10 : memref<80xi32, #tpu.memory_space<vmem>>) target_semaphore(%run_scoped3A : memref<!tpu.dma_semaphore, #tpu.memory_space<semaphore_mem>>)
      %dma_wait3A_173 = tpu.memref_slice %arg3[%add3A_106] : memref<640000xi32, #tpu.memory_space<hbm>> -> memref<80xi32, #tpu.memory_space<hbm>>
      %dma_wait3A_174 = tpu.memref_slice %arg3[%add3A_106] : memref<640000xi32, #tpu.memory_space<hbm>> -> memref<80xi32, #tpu.memory_space<hbm>>
      tpu.wait_dma2 semaphore(%run_scoped3A : memref<!tpu.dma_semaphore, #tpu.memory_space<semaphore_mem>>) src(%dma_wait3A_174 : memref<80xi32, #tpu.memory_space<hbm>>) dst(%arg10 : memref<80xi32, #tpu.memory_space<vmem>>)
      tpu.yield
    }) : () -> ()
    %dma_start3A_107 = arith.constant 0 : i32
    %dma_start3A_108 = arith.constant 0 : i32
    %dma_start3A_109 = tpu.memref_slice %arg2[%dma_start3A_107, %dma_start3A_108] : memref<10000x128xf32, #tpu.memory_space<hbm>> -> memref<10000x128xf32, #tpu.memory_space<hbm>>
    tpu.enqueue_indirect_dma source(%dma_start3A_109 : memref<10000x128xf32, #tpu.memory_space<hbm>>) target(%arg18 : memref<80x128xf32, #tpu.memory_space<vmem>>) offsets(%arg10 : memref<80xi32, #tpu.memory_space<vmem>>) semaphore(%arg22 : memref<!tpu.dma_semaphore, #tpu.memory_space<semaphore_mem>>)
    %dma_wait3A_110 = arith.constant 0 : i32
    %dma_wait3A_111 = arith.constant 0 : i32
    %dma_wait3A_112 = tpu.memref_slice %arg2[%dma_wait3A_110, %dma_wait3A_111] : memref<10000x128xf32, #tpu.memory_space<hbm>> -> memref<10000x128xf32, #tpu.memory_space<hbm>>
    tpu.wait_indirect_dma semaphore(%arg20 : memref<!tpu.dma_semaphore, #tpu.memory_space<semaphore_mem>>) src(%dma_wait3A_112 : memref<10000x128xf32, #tpu.memory_space<hbm>>) dst(%arg16 : memref<80x128xf32, #tpu.memory_space<vmem>>)
    %add3A_113 = arith.constant 320000 : i32
    %add3A_114 = arith.addi %add3A_113, %mul3A_4 : i32
    %add3A_115 = arith.constant 9680 : i32
    %add3A_116 = arith.addi %add3A_114, %add3A_115 : i32
    "tpu.region"() ({
      %run_scoped3A = tpu.sem_alloc : memref<!tpu.dma_semaphore, #tpu.memory_space<semaphore_mem>>
      %dma_start3A_171 = tpu.memref_slice %arg3[%add3A_116] : memref<640000xi32, #tpu.memory_space<hbm>> -> memref<80xi32, #tpu.memory_space<hbm>>
      %dma_start3A_172 = tpu.memref_slice %arg3[%add3A_116] : memref<640000xi32, #tpu.memory_space<hbm>> -> memref<80xi32, #tpu.memory_space<hbm>>
      tpu.enqueue_dma source(%dma_start3A_172 : memref<80xi32, #tpu.memory_space<hbm>>) target(%arg12 : memref<80xi32, #tpu.memory_space<vmem>>) target_semaphore(%run_scoped3A : memref<!tpu.dma_semaphore, #tpu.memory_space<semaphore_mem>>)
      %dma_wait3A_173 = tpu.memref_slice %arg3[%add3A_116] : memref<640000xi32, #tpu.memory_space<hbm>> -> memref<80xi32, #tpu.memory_space<hbm>>
      %dma_wait3A_174 = tpu.memref_slice %arg3[%add3A_116] : memref<640000xi32, #tpu.memory_space<hbm>> -> memref<80xi32, #tpu.memory_space<hbm>>
      tpu.wait_dma2 semaphore(%run_scoped3A : memref<!tpu.dma_semaphore, #tpu.memory_space<semaphore_mem>>) src(%dma_wait3A_174 : memref<80xi32, #tpu.memory_space<hbm>>) dst(%arg12 : memref<80xi32, #tpu.memory_space<vmem>>)
      tpu.yield
    }) : () -> ()
    %dma_start3A_117 = arith.constant 0 : i32
    %dma_start3A_118 = arith.constant 0 : i32
    %dma_start3A_119 = tpu.memref_slice %arg6[%dma_start3A_117, %dma_start3A_118] : memref<10240x128xf32, #tpu.memory_space<vmem_shared>> -> memref<10240x128xf32, #tpu.memory_space<vmem_shared>>
    tpu.enqueue_indirect_dma source(%arg16 : memref<80x128xf32, #tpu.memory_space<vmem>>) target(%dma_start3A_119 : memref<10240x128xf32, #tpu.memory_space<vmem_shared>>) offsets(%arg12 : memref<80xi32, #tpu.memory_space<vmem>>) semaphore(%arg24 : memref<!tpu.dma_semaphore, #tpu.memory_space<semaphore_mem>>) {add = true}
    %dma_wait3A_120 = arith.constant 0 : i32
    %dma_wait3A_121 = arith.constant 0 : i32
    %dma_wait3A_122 = tpu.memref_slice %arg6[%dma_wait3A_120, %dma_wait3A_121] : memref<10240x128xf32, #tpu.memory_space<vmem_shared>> -> memref<10240x128xf32, #tpu.memory_space<vmem_shared>>
    tpu.wait_indirect_dma semaphore(%arg23 : memref<!tpu.dma_semaphore, #tpu.memory_space<semaphore_mem>>) src(%arg15 : memref<80x128xf32, #tpu.memory_space<vmem>>) dst(%dma_wait3A_122 : memref<10240x128xf32, #tpu.memory_space<vmem_shared>>)
    %add3A_123 = arith.constant 9920 : i32
    %add3A_124 = arith.addi %mul3A_4, %add3A_123 : i32
    "tpu.region"() ({
      %run_scoped3A = tpu.sem_alloc : memref<!tpu.dma_semaphore, #tpu.memory_space<semaphore_mem>>
      %dma_start3A_171 = tpu.memref_slice %arg3[%add3A_124] : memref<640000xi32, #tpu.memory_space<hbm>> -> memref<80xi32, #tpu.memory_space<hbm>>
      %dma_start3A_172 = tpu.memref_slice %arg3[%add3A_124] : memref<640000xi32, #tpu.memory_space<hbm>> -> memref<80xi32, #tpu.memory_space<hbm>>
      tpu.enqueue_dma source(%dma_start3A_172 : memref<80xi32, #tpu.memory_space<hbm>>) target(%arg7 : memref<80xi32, #tpu.memory_space<vmem>>) target_semaphore(%run_scoped3A : memref<!tpu.dma_semaphore, #tpu.memory_space<semaphore_mem>>)
      %dma_wait3A_173 = tpu.memref_slice %arg3[%add3A_124] : memref<640000xi32, #tpu.memory_space<hbm>> -> memref<80xi32, #tpu.memory_space<hbm>>
      %dma_wait3A_174 = tpu.memref_slice %arg3[%add3A_124] : memref<640000xi32, #tpu.memory_space<hbm>> -> memref<80xi32, #tpu.memory_space<hbm>>
      tpu.wait_dma2 semaphore(%run_scoped3A : memref<!tpu.dma_semaphore, #tpu.memory_space<semaphore_mem>>) src(%dma_wait3A_174 : memref<80xi32, #tpu.memory_space<hbm>>) dst(%arg7 : memref<80xi32, #tpu.memory_space<vmem>>)
      tpu.yield
    }) : () -> ()
    %dma_start3A_125 = arith.constant 0 : i32
    %dma_start3A_126 = arith.constant 0 : i32
    %dma_start3A_127 = tpu.memref_slice %arg2[%dma_start3A_125, %dma_start3A_126] : memref<10000x128xf32, #tpu.memory_space<hbm>> -> memref<10000x128xf32, #tpu.memory_space<hbm>>
    tpu.enqueue_indirect_dma source(%dma_start3A_127 : memref<10000x128xf32, #tpu.memory_space<hbm>>) target(%arg15 : memref<80x128xf32, #tpu.memory_space<vmem>>) offsets(%arg7 : memref<80xi32, #tpu.memory_space<vmem>>) semaphore(%arg19 : memref<!tpu.dma_semaphore, #tpu.memory_space<semaphore_mem>>)
    %dma_wait3A_128 = arith.constant 0 : i32
    %dma_wait3A_129 = arith.constant 0 : i32
    %dma_wait3A_130 = tpu.memref_slice %arg2[%dma_wait3A_128, %dma_wait3A_129] : memref<10000x128xf32, #tpu.memory_space<hbm>> -> memref<10000x128xf32, #tpu.memory_space<hbm>>
    tpu.wait_indirect_dma semaphore(%arg21 : memref<!tpu.dma_semaphore, #tpu.memory_space<semaphore_mem>>) src(%dma_wait3A_130 : memref<10000x128xf32, #tpu.memory_space<hbm>>) dst(%arg17 : memref<80x128xf32, #tpu.memory_space<vmem>>)
    %add3A_131 = arith.constant 320000 : i32
    %add3A_132 = arith.addi %add3A_131, %mul3A_4 : i32
    %add3A_133 = arith.constant 9760 : i32
    %add3A_134 = arith.addi %add3A_132, %add3A_133 : i32
    "tpu.region"() ({
      %run_scoped3A = tpu.sem_alloc : memref<!tpu.dma_semaphore, #tpu.memory_space<semaphore_mem>>
      %dma_start3A_171 = tpu.memref_slice %arg3[%add3A_134] : memref<640000xi32, #tpu.memory_space<hbm>> -> memref<80xi32, #tpu.memory_space<hbm>>
      %dma_start3A_172 = tpu.memref_slice %arg3[%add3A_134] : memref<640000xi32, #tpu.memory_space<hbm>> -> memref<80xi32, #tpu.memory_space<hbm>>
      tpu.enqueue_dma source(%dma_start3A_172 : memref<80xi32, #tpu.memory_space<hbm>>) target(%arg13 : memref<80xi32, #tpu.memory_space<vmem>>) target_semaphore(%run_scoped3A : memref<!tpu.dma_semaphore, #tpu.memory_space<semaphore_mem>>)
      %dma_wait3A_173 = tpu.memref_slice %arg3[%add3A_134] : memref<640000xi32, #tpu.memory_space<hbm>> -> memref<80xi32, #tpu.memory_space<hbm>>
      %dma_wait3A_174 = tpu.memref_slice %arg3[%add3A_134] : memref<640000xi32, #tpu.memory_space<hbm>> -> memref<80xi32, #tpu.memory_space<hbm>>
      tpu.wait_dma2 semaphore(%run_scoped3A : memref<!tpu.dma_semaphore, #tpu.memory_space<semaphore_mem>>) src(%dma_wait3A_174 : memref<80xi32, #tpu.memory_space<hbm>>) dst(%arg13 : memref<80xi32, #tpu.memory_space<vmem>>)
      tpu.yield
    }) : () -> ()
    %dma_start3A_135 = arith.constant 0 : i32
    %dma_start3A_136 = arith.constant 0 : i32
    %dma_start3A_137 = tpu.memref_slice %arg6[%dma_start3A_135, %dma_start3A_136] : memref<10240x128xf32, #tpu.memory_space<vmem_shared>> -> memref<10240x128xf32, #tpu.memory_space<vmem_shared>>
    tpu.enqueue_indirect_dma source(%arg17 : memref<80x128xf32, #tpu.memory_space<vmem>>) target(%dma_start3A_137 : memref<10240x128xf32, #tpu.memory_space<vmem_shared>>) offsets(%arg13 : memref<80xi32, #tpu.memory_space<vmem>>) semaphore(%arg25 : memref<!tpu.dma_semaphore, #tpu.memory_space<semaphore_mem>>) {add = true}
    %dma_wait3A_138 = arith.constant 0 : i32
    %dma_wait3A_139 = arith.constant 0 : i32
    %dma_wait3A_140 = tpu.memref_slice %arg2[%dma_wait3A_138, %dma_wait3A_139] : memref<10000x128xf32, #tpu.memory_space<hbm>> -> memref<10000x128xf32, #tpu.memory_space<hbm>>
    tpu.wait_indirect_dma semaphore(%arg22 : memref<!tpu.dma_semaphore, #tpu.memory_space<semaphore_mem>>) src(%dma_wait3A_140 : memref<10000x128xf32, #tpu.memory_space<hbm>>) dst(%arg18 : memref<80x128xf32, #tpu.memory_space<vmem>>)
    %add3A_141 = arith.constant 320000 : i32
    %add3A_142 = arith.addi %add3A_141, %mul3A_4 : i32
    %add3A_143 = arith.constant 9840 : i32
    %add3A_144 = arith.addi %add3A_142, %add3A_143 : i32
    "tpu.region"() ({
      %run_scoped3A = tpu.sem_alloc : memref<!tpu.dma_semaphore, #tpu.memory_space<semaphore_mem>>
      %dma_start3A_171 = tpu.memref_slice %arg3[%add3A_144] : memref<640000xi32, #tpu.memory_space<hbm>> -> memref<80xi32, #tpu.memory_space<hbm>>
      %dma_start3A_172 = tpu.memref_slice %arg3[%add3A_144] : memref<640000xi32, #tpu.memory_space<hbm>> -> memref<80xi32, #tpu.memory_space<hbm>>
      tpu.enqueue_dma source(%dma_start3A_172 : memref<80xi32, #tpu.memory_space<hbm>>) target(%arg14 : memref<80xi32, #tpu.memory_space<vmem>>) target_semaphore(%run_scoped3A : memref<!tpu.dma_semaphore, #tpu.memory_space<semaphore_mem>>)
      %dma_wait3A_173 = tpu.memref_slice %arg3[%add3A_144] : memref<640000xi32, #tpu.memory_space<hbm>> -> memref<80xi32, #tpu.memory_space<hbm>>
      %dma_wait3A_174 = tpu.memref_slice %arg3[%add3A_144] : memref<640000xi32, #tpu.memory_space<hbm>> -> memref<80xi32, #tpu.memory_space<hbm>>
      tpu.wait_dma2 semaphore(%run_scoped3A : memref<!tpu.dma_semaphore, #tpu.memory_space<semaphore_mem>>) src(%dma_wait3A_174 : memref<80xi32, #tpu.memory_space<hbm>>) dst(%arg14 : memref<80xi32, #tpu.memory_space<vmem>>)
      tpu.yield
    }) : () -> ()
    %dma_start3A_145 = arith.constant 0 : i32
    %dma_start3A_146 = arith.constant 0 : i32
    %dma_start3A_147 = tpu.memref_slice %arg6[%dma_start3A_145, %dma_start3A_146] : memref<10240x128xf32, #tpu.memory_space<vmem_shared>> -> memref<10240x128xf32, #tpu.memory_space<vmem_shared>>
    tpu.enqueue_indirect_dma source(%arg18 : memref<80x128xf32, #tpu.memory_space<vmem>>) target(%dma_start3A_147 : memref<10240x128xf32, #tpu.memory_space<vmem_shared>>) offsets(%arg14 : memref<80xi32, #tpu.memory_space<vmem>>) semaphore(%arg26 : memref<!tpu.dma_semaphore, #tpu.memory_space<semaphore_mem>>) {add = true}
    %dma_wait3A_148 = arith.constant 0 : i32
    %dma_wait3A_149 = arith.constant 0 : i32
    %dma_wait3A_150 = tpu.memref_slice %arg2[%dma_wait3A_148, %dma_wait3A_149] : memref<10000x128xf32, #tpu.memory_space<hbm>> -> memref<10000x128xf32, #tpu.memory_space<hbm>>
    tpu.wait_indirect_dma semaphore(%arg19 : memref<!tpu.dma_semaphore, #tpu.memory_space<semaphore_mem>>) src(%dma_wait3A_150 : memref<10000x128xf32, #tpu.memory_space<hbm>>) dst(%arg15 : memref<80x128xf32, #tpu.memory_space<vmem>>)
    %add3A_151 = arith.constant 320000 : i32
    %add3A_152 = arith.addi %add3A_151, %mul3A_4 : i32
    %add3A_153 = arith.constant 9920 : i32
    %add3A_154 = arith.addi %add3A_152, %add3A_153 : i32
    "tpu.region"() ({
      %run_scoped3A = tpu.sem_alloc : memref<!tpu.dma_semaphore, #tpu.memory_space<semaphore_mem>>
      %dma_start3A_171 = tpu.memref_slice %arg3[%add3A_154] : memref<640000xi32, #tpu.memory_space<hbm>> -> memref<80xi32, #tpu.memory_space<hbm>>
      %dma_start3A_172 = tpu.memref_slice %arg3[%add3A_154] : memref<640000xi32, #tpu.memory_space<hbm>> -> memref<80xi32, #tpu.memory_space<hbm>>
      tpu.enqueue_dma source(%dma_start3A_172 : memref<80xi32, #tpu.memory_space<hbm>>) target(%arg11 : memref<80xi32, #tpu.memory_space<vmem>>) target_semaphore(%run_scoped3A : memref<!tpu.dma_semaphore, #tpu.memory_space<semaphore_mem>>)
      %dma_wait3A_173 = tpu.memref_slice %arg3[%add3A_154] : memref<640000xi32, #tpu.memory_space<hbm>> -> memref<80xi32, #tpu.memory_space<hbm>>
      %dma_wait3A_174 = tpu.memref_slice %arg3[%add3A_154] : memref<640000xi32, #tpu.memory_space<hbm>> -> memref<80xi32, #tpu.memory_space<hbm>>
      tpu.wait_dma2 semaphore(%run_scoped3A : memref<!tpu.dma_semaphore, #tpu.memory_space<semaphore_mem>>) src(%dma_wait3A_174 : memref<80xi32, #tpu.memory_space<hbm>>) dst(%arg11 : memref<80xi32, #tpu.memory_space<vmem>>)
      tpu.yield
    }) : () -> ()
    %dma_start3A_155 = arith.constant 0 : i32
    %dma_start3A_156 = arith.constant 0 : i32
    %dma_start3A_157 = tpu.memref_slice %arg6[%dma_start3A_155, %dma_start3A_156] : memref<10240x128xf32, #tpu.memory_space<vmem_shared>> -> memref<10240x128xf32, #tpu.memory_space<vmem_shared>>
    tpu.enqueue_indirect_dma source(%arg15 : memref<80x128xf32, #tpu.memory_space<vmem>>) target(%dma_start3A_157 : memref<10240x128xf32, #tpu.memory_space<vmem_shared>>) offsets(%arg11 : memref<80xi32, #tpu.memory_space<vmem>>) semaphore(%arg23 : memref<!tpu.dma_semaphore, #tpu.memory_space<semaphore_mem>>) {add = true}
    %dma_wait3A_158 = arith.constant 0 : i32
    %dma_wait3A_159 = arith.constant 0 : i32
    %dma_wait3A_160 = tpu.memref_slice %arg6[%dma_wait3A_158, %dma_wait3A_159] : memref<10240x128xf32, #tpu.memory_space<vmem_shared>> -> memref<10240x128xf32, #tpu.memory_space<vmem_shared>>
    tpu.wait_indirect_dma semaphore(%arg24 : memref<!tpu.dma_semaphore, #tpu.memory_space<semaphore_mem>>) src(%arg16 : memref<80x128xf32, #tpu.memory_space<vmem>>) dst(%dma_wait3A_160 : memref<10240x128xf32, #tpu.memory_space<vmem_shared>>)
    %dma_wait3A_161 = arith.constant 0 : i32
    %dma_wait3A_162 = arith.constant 0 : i32
    %dma_wait3A_163 = tpu.memref_slice %arg6[%dma_wait3A_161, %dma_wait3A_162] : memref<10240x128xf32, #tpu.memory_space<vmem_shared>> -> memref<10240x128xf32, #tpu.memory_space<vmem_shared>>
    tpu.wait_indirect_dma semaphore(%arg25 : memref<!tpu.dma_semaphore, #tpu.memory_space<semaphore_mem>>) src(%arg17 : memref<80x128xf32, #tpu.memory_space<vmem>>) dst(%dma_wait3A_163 : memref<10240x128xf32, #tpu.memory_space<vmem_shared>>)
    %dma_wait3A_164 = arith.constant 0 : i32
    %dma_wait3A_165 = arith.constant 0 : i32
    %dma_wait3A_166 = tpu.memref_slice %arg6[%dma_wait3A_164, %dma_wait3A_165] : memref<10240x128xf32, #tpu.memory_space<vmem_shared>> -> memref<10240x128xf32, #tpu.memory_space<vmem_shared>>
    tpu.wait_indirect_dma semaphore(%arg26 : memref<!tpu.dma_semaphore, #tpu.memory_space<semaphore_mem>>) src(%arg18 : memref<80x128xf32, #tpu.memory_space<vmem>>) dst(%dma_wait3A_166 : memref<10240x128xf32, #tpu.memory_space<vmem_shared>>)
    %dma_wait3A_167 = arith.constant 0 : i32
    %dma_wait3A_168 = arith.constant 0 : i32
    %dma_wait3A_169 = tpu.memref_slice %arg6[%dma_wait3A_167, %dma_wait3A_168] : memref<10240x128xf32, #tpu.memory_space<vmem_shared>> -> memref<10240x128xf32, #tpu.memory_space<vmem_shared>>
    tpu.wait_indirect_dma semaphore(%arg23 : memref<!tpu.dma_semaphore, #tpu.memory_space<semaphore_mem>>) src(%arg15 : memref<80x128xf32, #tpu.memory_space<vmem>>) dst(%dma_wait3A_169 : memref<10240x128xf32, #tpu.memory_space<vmem_shared>>)
    %barrier3A_170 = arith.constant 0 : index
    tpu.barrier barrier_id(%barrier3A_170)
    "tpu.region"() ({
      %run_scoped3A = tpu.sem_alloc : memref<!tpu.dma_semaphore, #tpu.memory_space<semaphore_mem>>
      %dma_start3A_171 = arith.constant 0 : i32
      %dma_start3A_172 = tpu.memref_slice %arg5[%arg0, %mul3A_0, %dma_start3A_171] : memref<2x10240x128xf32, #tpu.memory_space<hbm>> -> memref<1x640x128xf32, #tpu.memory_space<hbm>>
      %dma_start3A_173 = tpu.memref_squeeze %dma_start3A_172 : memref<1x640x128xf32, #tpu.memory_space<hbm>> -> memref<640x128xf32, #tpu.memory_space<hbm>>
      %dma_start3A_174 = arith.constant 0 : i32
      %dma_start3A_175 = tpu.memref_slice %arg6[%mul3A_0, %dma_start3A_174] : memref<10240x128xf32, #tpu.memory_space<vmem_shared>> -> memref<640x128xf32, #tpu.memory_space<vmem_shared>>
      tpu.enqueue_dma source(%dma_start3A_175 : memref<640x128xf32, #tpu.memory_space<vmem_shared>>) target(%dma_start3A_173 : memref<640x128xf32, #tpu.memory_space<hbm>>) target_semaphore(%run_scoped3A : memref<!tpu.dma_semaphore, #tpu.memory_space<semaphore_mem>>)
      %dma_wait3A_176 = arith.constant 0 : i32
      %dma_wait3A_177 = tpu.memref_slice %arg5[%arg0, %mul3A_0, %dma_wait3A_176] : memref<2x10240x128xf32, #tpu.memory_space<hbm>> -> memref<1x640x128xf32, #tpu.memory_space<hbm>>
      %dma_wait3A_178 = tpu.memref_squeeze %dma_wait3A_177 : memref<1x640x128xf32, #tpu.memory_space<hbm>> -> memref<640x128xf32, #tpu.memory_space<hbm>>
      %dma_wait3A_179 = arith.constant 0 : i32
      %dma_wait3A_180 = tpu.memref_slice %arg6[%mul3A_0, %dma_wait3A_179] : memref<10240x128xf32, #tpu.memory_space<vmem_shared>> -> memref<640x128xf32, #tpu.memory_space<vmem_shared>>
      tpu.wait_dma2 semaphore(%run_scoped3A : memref<!tpu.dma_semaphore, #tpu.memory_space<semaphore_mem>>) src(%dma_wait3A_180 : memref<640x128xf32, #tpu.memory_space<vmem_shared>>) dst(%dma_wait3A_178 : memref<640x128xf32, #tpu.memory_space<hbm>>)
      tpu.yield
    }) : () -> ()
    return
  }
}

module attributes {stable_mosaic.version = 14 : i64} {
  func.func @_mm_body(%arg0: memref<10000x128xf32, #tpu.memory_space<vmem>>, %arg1: memref<128x128xf32, #tpu.memory_space<vmem>>, %arg2: memref<10000x128xf32, #tpu.memory_space<vmem>>) attributes {dimension_semantics = [], scalar_prefetch = 0 : i64, scratch_operands = 0 : i64, tpu.core_type = #tpu.core_type<tc>} {
    %get3A = arith.constant 0 : index
    %get3A_0 = arith.constant 0 : index
    %get3A_1 = vector.load %arg0[%get3A, %get3A_0] : memref<10000x128xf32, #tpu.memory_space<vmem>>, vector<10000x128xf32>
    %get3A_2 = arith.constant 0 : index
    %get3A_3 = arith.constant 0 : index
    %get3A_4 = vector.load %arg1[%get3A_2, %get3A_3] : memref<128x128xf32, #tpu.memory_space<vmem>>, vector<128x128xf32>
    %dot_general3A = arith.constant dense<0.000000e+00> : vector<10000x128xf32>
    %dot_general3A_5 = tpu.matmul %get3A_1, %get3A_4, %dot_general3A {dimension_numbers = #tpu.dot_dimension_numbers<[1], [0], [0], [1], [0, 0, 1, 1], [], []>, transpose_lhs_hint = false} : vector<10000x128xf32>, vector<128x128xf32>, vector<10000x128xf32> -> vector<10000x128xf32>
    %swap3A = arith.constant 0 : index
    %swap3A_6 = arith.constant 0 : index
    %swap3A_7 = vector.load %arg2[%swap3A, %swap3A_6] : memref<10000x128xf32, #tpu.memory_space<vmem>>, vector<10000x128xf32>
    tpu.vector_store %arg2[%swap3A, %swap3A_6], %dot_general3A_5 {strides = array<i32>} : memref<10000x128xf32, #tpu.memory_space<vmem>>, vector<10000x128xf32>,
    return
  }
}

module attributes {stable_mosaic.version = 14 : i64} {
  func.func @_prep_body(%arg0: memref<10000x128xf32, #tpu.memory_space<vmem>>, %arg1: memref<2x160x128xf32, #tpu.memory_space<vmem>>, %arg2: memref<10000x128xf32, #tpu.memory_space<vmem>>, %arg3: memref<10000x1xf32, #tpu.memory_space<vmem>>, %arg4: memref<10000x1xf32, #tpu.memory_space<vmem>>) attributes {dimension_semantics = [], scalar_prefetch = 0 : i64, scratch_operands = 0 : i64, tpu.core_type = #tpu.core_type<tc>} {
    %get3A = arith.constant 0 : index
    %get3A_0 = arith.constant 0 : index
    %get3A_1 = arith.constant 0 : index
    %get3A_2 = vector.load %arg1[%get3A, %get3A_0, %get3A_1] : memref<2x160x128xf32, #tpu.memory_space<vmem>>, vector<2x160x128xf32>
    %slice3A = vector.extract_strided_slice %get3A_2 {offsets = [0, 0, 0], sizes = [1, 160, 128], strides = [1, 1, 1]} : vector<2x160x128xf32> to vector<1x160x128xf32>
    %squeeze3A = vector.shape_cast %slice3A : vector<1x160x128xf32> to vector<160x128xf32>
    %slice3A_3 = vector.extract_strided_slice %get3A_2 {offsets = [1, 0, 0], sizes = [1, 160, 128], strides = [1, 1, 1]} : vector<2x160x128xf32> to vector<1x160x128xf32>
    %squeeze3A_4 = vector.shape_cast %slice3A_3 : vector<1x160x128xf32> to vector<160x128xf32>
    %add3A = arith.addf %squeeze3A, %squeeze3A_4 : vector<160x128xf32>
    %slice3A_5 = vector.extract_strided_slice %add3A {offsets = [0, 0], sizes = [80, 128], strides = [1, 1]} : vector<160x128xf32> to vector<80x128xf32>
    %reshape3A = vector.shape_cast %slice3A_5 : vector<80x128xf32> to vector<10240xf32>
    %slice3A_6 = vector.extract_strided_slice %reshape3A {offsets = [0], sizes = [10000], strides = [1]} : vector<10240xf32> to vector<10000xf32>
    %slice3A_7 = vector.extract_strided_slice %add3A {offsets = [80, 0], sizes = [80, 128], strides = [1, 1]} : vector<160x128xf32> to vector<80x128xf32>
    %reshape3A_8 = vector.shape_cast %slice3A_7 : vector<80x128xf32> to vector<10240xf32>
    %slice3A_9 = vector.extract_strided_slice %reshape3A_8 {offsets = [0], sizes = [10000], strides = [1]} : vector<10240xf32> to vector<10000xf32>
    %gt3A = arith.constant 0.000000e+00 : f32
    %gt3A_10 = vector.broadcast %gt3A : f32 to vector<10000xf32>
    %gt3A_11 = arith.cmpf ogt, %slice3A_6, %gt3A_10 : vector<10000xf32>
    %rsqrt3A = math.rsqrt %slice3A_6 : vector<10000xf32>
    %jit3A = arith.constant 0.000000e+00 : f32
    %broadcast_in_dim3A = vector.broadcast %jit3A : f32 to vector<10000xf32>
    %select_n3A = arith.select %gt3A_11, %rsqrt3A, %broadcast_in_dim3A : vector<10000xi1>, vector<10000xf32>
    %broadcast_in_dim3A_12 = vector.shape_cast %select_n3A : vector<10000xf32> to vector<10000x1xf32>
    %gt3A_13 = arith.constant 0.000000e+00 : f32
    %gt3A_14 = vector.broadcast %gt3A_13 : f32 to vector<10000xf32>
    %gt3A_15 = arith.cmpf ogt, %slice3A_9, %gt3A_14 : vector<10000xf32>
    %rsqrt3A_16 = math.rsqrt %slice3A_9 : vector<10000xf32>
    %jit3A_17 = arith.constant 0.000000e+00 : f32
    %broadcast_in_dim3A_18 = vector.broadcast %jit3A_17 : f32 to vector<10000xf32>
    %select_n3A_19 = arith.select %gt3A_15, %rsqrt3A_16, %broadcast_in_dim3A_18 : vector<10000xi1>, vector<10000xf32>
    %broadcast_in_dim3A_20 = vector.shape_cast %select_n3A_19 : vector<10000xf32> to vector<10000x1xf32>
    %get3A_21 = arith.constant 0 : index
    %get3A_22 = arith.constant 0 : index
    %get3A_23 = vector.load %arg0[%get3A_21, %get3A_22] : memref<10000x128xf32, #tpu.memory_space<vmem>>, vector<10000x128xf32>
    %mul3A = vector.broadcast %broadcast_in_dim3A_12 : vector<10000x1xf32> to vector<10000x128xf32>
    %mul3A_24 = arith.mulf %get3A_23, %mul3A : vector<10000x128xf32>
    %swap3A = arith.constant 0 : index
    %swap3A_25 = arith.constant 0 : index
    %swap3A_26 = vector.load %arg2[%swap3A, %swap3A_25] : memref<10000x128xf32, #tpu.memory_space<vmem>>, vector<10000x128xf32>
    tpu.vector_store %arg2[%swap3A, %swap3A_25], %mul3A_24 {strides = array<i32>} : memref<10000x128xf32, #tpu.memory_space<vmem>>, vector<10000x128xf32>,
    %swap3A_27 = arith.constant 0 : index
    %swap3A_28 = arith.constant 0 : index
    %swap3A_29 = vector.load %arg3[%swap3A_27, %swap3A_28] : memref<10000x1xf32, #tpu.memory_space<vmem>>, vector<10000x1xf32>
    tpu.vector_store %arg3[%swap3A_27, %swap3A_28], %broadcast_in_dim3A_12 {strides = array<i32>} : memref<10000x1xf32, #tpu.memory_space<vmem>>, vector<10000x1xf32>,
    %swap3A_30 = arith.constant 0 : index
    %swap3A_31 = arith.constant 0 : index
    %swap3A_32 = vector.load %arg4[%swap3A_30, %swap3A_31] : memref<10000x1xf32, #tpu.memory_space<vmem>>, vector<10000x1xf32>
    tpu.vector_store %arg4[%swap3A_30, %swap3A_31], %broadcast_in_dim3A_20 {strides = array<i32>} : memref<10000x1xf32, #tpu.memory_space<vmem>>, vector<10000x1xf32>,
    return
  }
}

module attributes {stable_mosaic.version = 14 : i64} {
  func.func @_mid_body(%arg0: memref<2x10240x128xf32, #tpu.memory_space<vmem>>, %arg1: memref<10000x1xf32, #tpu.memory_space<vmem>>, %arg2: memref<1x128xf32, #tpu.memory_space<vmem>>, %arg3: memref<1x128xf32, #tpu.memory_space<vmem>>, %arg4: memref<1x128xf32, #tpu.memory_space<vmem>>, %arg5: memref<10000x1xf32, #tpu.memory_space<vmem>>, %arg6: memref<128x128xf32, #tpu.memory_space<vmem>>, %arg7: memref<10000x128xf32, #tpu.memory_space<vmem>>) attributes {dimension_semantics = [], scalar_prefetch = 0 : i64, scratch_operands = 0 : i64, tpu.core_type = #tpu.core_type<tc>} {
    %get3A = arith.constant 0 : index
    %get3A_0 = arith.constant 0 : index
    %get3A_1 = arith.constant 0 : index
    %get3A_2 = vector.load %arg0[%get3A, %get3A_0, %get3A_1] : memref<2x10240x128xf32, #tpu.memory_space<vmem>>, vector<2x10240x128xf32>
    %slice3A = vector.extract_strided_slice %get3A_2 {offsets = [0, 0, 0], sizes = [1, 10000, 128], strides = [1, 1, 1]} : vector<2x10240x128xf32> to vector<1x10000x128xf32>
    %squeeze3A = vector.shape_cast %slice3A : vector<1x10000x128xf32> to vector<10000x128xf32>
    %slice3A_3 = vector.extract_strided_slice %get3A_2 {offsets = [1, 0, 0], sizes = [1, 10000, 128], strides = [1, 1, 1]} : vector<2x10240x128xf32> to vector<1x10000x128xf32>
    %squeeze3A_4 = vector.shape_cast %slice3A_3 : vector<1x10000x128xf32> to vector<10000x128xf32>
    %add3A = arith.addf %squeeze3A, %squeeze3A_4 : vector<10000x128xf32>
    %get3A_5 = arith.constant 0 : index
    %get3A_6 = arith.constant 0 : index
    %get3A_7 = vector.load %arg1[%get3A_5, %get3A_6] : memref<10000x1xf32, #tpu.memory_space<vmem>>, vector<10000x1xf32>
    %mul3A = vector.broadcast %get3A_7 : vector<10000x1xf32> to vector<10000x128xf32>
    %mul3A_8 = arith.mulf %add3A, %mul3A : vector<10000x128xf32>
    %get3A_9 = arith.constant 0 : index
    %get3A_10 = arith.constant 0 : index
    %get3A_11 = vector.load %arg2[%get3A_9, %get3A_10] : memref<1x128xf32, #tpu.memory_space<vmem>>, vector<1x128xf32>
    %add3A_12 = vector.broadcast %get3A_11 : vector<1x128xf32> to vector<10000x128xf32>
    %add3A_13 = arith.addf %mul3A_8, %add3A_12 : vector<10000x128xf32>
    %reduce_sum3A = arith.constant dense<0.000000e+00> : vector<128xf32>
    %reduce_sum3A_14 = vector.multi_reduction <add>, %add3A_13, %reduce_sum3A [0] : vector<10000x128xf32> to vector<128xf32>
    %broadcast_in_dim3A = vector.shape_cast %reduce_sum3A_14 : vector<128xf32> to vector<1x128xf32>
    %div3A = arith.constant 1.000000e+04 : f32
    %div3A_15 = vector.broadcast %div3A : f32 to vector<1x128xf32>
    %div3A_16 = arith.divf %broadcast_in_dim3A, %div3A_15 : vector<1x128xf32>
    %sub3A = vector.broadcast %div3A_16 : vector<1x128xf32> to vector<10000x128xf32>
    %sub3A_17 = arith.subf %add3A_13, %sub3A : vector<10000x128xf32>
    %sub3A_18 = vector.broadcast %div3A_16 : vector<1x128xf32> to vector<10000x128xf32>
    %sub3A_19 = arith.subf %add3A_13, %sub3A_18 : vector<10000x128xf32>
    %mul3A_20 = arith.mulf %sub3A_17, %sub3A_19 : vector<10000x128xf32>
    %reduce_sum3A_21 = arith.constant dense<0.000000e+00> : vector<128xf32>
    %reduce_sum3A_22 = vector.multi_reduction <add>, %mul3A_20, %reduce_sum3A_21 [0] : vector<10000x128xf32> to vector<128xf32>
    %broadcast_in_dim3A_23 = vector.shape_cast %reduce_sum3A_22 : vector<128xf32> to vector<1x128xf32>
    %div3A_24 = arith.constant 1.000000e+04 : f32
    %div3A_25 = vector.broadcast %div3A_24 : f32 to vector<1x128xf32>
    %div3A_26 = arith.divf %broadcast_in_dim3A_23, %div3A_25 : vector<1x128xf32>
    %sub3A_27 = vector.broadcast %div3A_16 : vector<1x128xf32> to vector<10000x128xf32>
    %sub3A_28 = arith.subf %add3A_13, %sub3A_27 : vector<10000x128xf32>
    %add3A_29 = arith.constant 9.99999974E-6 : f32
    %add3A_30 = vector.broadcast %add3A_29 : f32 to vector<1x128xf32>
    %add3A_31 = arith.addf %div3A_26, %add3A_30 : vector<1x128xf32>
    %rsqrt3A = math.rsqrt %add3A_31 : vector<1x128xf32>
    %mul3A_32 = vector.broadcast %rsqrt3A : vector<1x128xf32> to vector<10000x128xf32>
    %mul3A_33 = arith.mulf %sub3A_28, %mul3A_32 : vector<10000x128xf32>
    %get3A_34 = arith.constant 0 : index
    %get3A_35 = arith.constant 0 : index
    %get3A_36 = vector.load %arg3[%get3A_34, %get3A_35] : memref<1x128xf32, #tpu.memory_space<vmem>>, vector<1x128xf32>
    %mul3A_37 = vector.broadcast %get3A_36 : vector<1x128xf32> to vector<10000x128xf32>
    %mul3A_38 = arith.mulf %mul3A_33, %mul3A_37 : vector<10000x128xf32>
    %get3A_39 = arith.constant 0 : index
    %get3A_40 = arith.constant 0 : index
    %get3A_41 = vector.load %arg4[%get3A_39, %get3A_40] : memref<1x128xf32, #tpu.memory_space<vmem>>, vector<1x128xf32>
    %add3A_42 = vector.broadcast %get3A_41 : vector<1x128xf32> to vector<10000x128xf32>
    %add3A_43 = arith.addf %mul3A_38, %add3A_42 : vector<10000x128xf32>
    %max3A = arith.constant 0.000000e+00 : f32
    %max3A_44 = vector.broadcast %max3A : f32 to vector<10000x128xf32>
    %max3A_45 = arith.maximumf %add3A_43, %max3A_44 : vector<10000x128xf32>
    %get3A_46 = arith.constant 0 : index
    %get3A_47 = arith.constant 0 : index
    %get3A_48 = vector.load %arg5[%get3A_46, %get3A_47] : memref<10000x1xf32, #tpu.memory_space<vmem>>, vector<10000x1xf32>
    %mul3A_49 = vector.broadcast %get3A_48 : vector<10000x1xf32> to vector<10000x128xf32>
    %mul3A_50 = arith.mulf %max3A_45, %mul3A_49 : vector<10000x128xf32>
    %get3A_51 = arith.constant 0 : index
    %get3A_52 = arith.constant 0 : index
    %get3A_53 = vector.load %arg6[%get3A_51, %get3A_52] : memref<128x128xf32, #tpu.memory_space<vmem>>, vector<128x128xf32>
    %dot_general3A = arith.constant dense<0.000000e+00> : vector<10000x128xf32>
    %dot_general3A_54 = tpu.matmul %mul3A_50, %get3A_53, %dot_general3A {dimension_numbers = #tpu.dot_dimension_numbers<[1], [0], [0], [1], [0, 0, 1, 1], [], []>, transpose_lhs_hint = false} : vector<10000x128xf32>, vector<128x128xf32>, vector<10000x128xf32> -> vector<10000x128xf32>
    %swap3A = arith.constant 0 : index
    %swap3A_55 = arith.constant 0 : index
    %swap3A_56 = vector.load %arg7[%swap3A, %swap3A_55] : memref<10000x128xf32, #tpu.memory_space<vmem>>, vector<10000x128xf32>
    tpu.vector_store %arg7[%swap3A, %swap3A_55], %dot_general3A_54 {strides = array<i32>} : memref<10000x128xf32, #tpu.memory_space<vmem>>, vector<10000x128xf32>,
    return
  }
}

module attributes {stable_mosaic.version = 14 : i64} {
  func.func @_fin_body(%arg0: memref<2x10240x128xf32, #tpu.memory_space<vmem>>, %arg1: memref<10000x1xf32, #tpu.memory_space<vmem>>, %arg2: memref<1x40xf32, #tpu.memory_space<vmem>>, %arg3: memref<10000x40xf32, #tpu.memory_space<vmem>>) attributes {dimension_semantics = [], scalar_prefetch = 0 : i64, scratch_operands = 0 : i64, tpu.core_type = #tpu.core_type<tc>} {
    %get3A = arith.constant 0 : index
    %get3A_0 = arith.constant 0 : index
    %get3A_1 = arith.constant 0 : index
    %get3A_2 = vector.load %arg0[%get3A, %get3A_0, %get3A_1] : memref<2x10240x128xf32, #tpu.memory_space<vmem>>, vector<2x10240x128xf32>
    %slice3A = vector.extract_strided_slice %get3A_2 {offsets = [0, 0, 0], sizes = [1, 10000, 40], strides = [1, 1, 1]} : vector<2x10240x128xf32> to vector<1x10000x40xf32>
    %squeeze3A = vector.shape_cast %slice3A : vector<1x10000x40xf32> to vector<10000x40xf32>
    %slice3A_3 = vector.extract_strided_slice %get3A_2 {offsets = [1, 0, 0], sizes = [1, 10000, 40], strides = [1, 1, 1]} : vector<2x10240x128xf32> to vector<1x10000x40xf32>
    %squeeze3A_4 = vector.shape_cast %slice3A_3 : vector<1x10000x40xf32> to vector<10000x40xf32>
    %add3A = arith.addf %squeeze3A, %squeeze3A_4 : vector<10000x40xf32>
    %get3A_5 = arith.constant 0 : index
    %get3A_6 = arith.constant 0 : index
    %get3A_7 = vector.load %arg1[%get3A_5, %get3A_6] : memref<10000x1xf32, #tpu.memory_space<vmem>>, vector<10000x1xf32>
    %mul3A = vector.broadcast %get3A_7 : vector<10000x1xf32> to vector<10000x40xf32>
    %mul3A_8 = arith.mulf %add3A, %mul3A : vector<10000x40xf32>
    %get3A_9 = arith.constant 0 : index
    %get3A_10 = arith.constant 0 : index
    %get3A_11 = vector.load %arg2[%get3A_9, %get3A_10] : memref<1x40xf32, #tpu.memory_space<vmem>>, vector<1x40xf32>
    %add3A_12 = vector.broadcast %get3A_11 : vector<1x40xf32> to vector<10000x40xf32>
    %add3A_13 = arith.addf %mul3A_8, %add3A_12 : vector<10000x40xf32>
    %swap3A = arith.constant 0 : index
    %swap3A_14 = arith.constant 0 : index
    %swap3A_15 = vector.load %arg3[%swap3A, %swap3A_14] : memref<10000x40xf32, #tpu.memory_space<vmem>>, vector<10000x40xf32>
    tpu.vector_store %arg3[%swap3A, %swap3A_14], %add3A_13 {strides = array<i32>} : memref<10000x40xf32, #tpu.memory_space<vmem>>, vector<10000x40xf32>,
    return
  }
}

</mosaic_0001>

<sc_bundles>
// kernel: kernel.11.cloned.1.call-start
scs
__scs_entry_jumppad:
0x0: {  	(pc) =	sbr.rel $0x88, $3  }
0x1: {  	(tag) =	ssettag $0x0;
	lr =	simm.s32 $0x1  }
0x2: {  	[smem:$0x3F95] =	sst lr;
	_ =	strace $0xD0000000  }
0x3: {  	_ = 	snop  }
0x4: {  	_ = 	snop  }
0x5: {  	_ = 	snop  }
0x6: {  	_ = 	snop  }
0x7: {  	_ = 	snop  }
__scs_overlays_trampoline_lowered:
0x8: {  	[smem:$0x3FA4] =	sst s0  }
0x9: {  	[smem:$0x3FA5] =	sst s1  }
0xa: {  	[smem:$0x3FA6] =	sst s2  }
0xb: {  	[smem:$0x3FA7] =	sst s3  }
0xc: {  	[smem:$0x3FA8] =	sst s4  }
0xd: {  	[smem:$0x3FA9] =	sst s5  }
0xe: {  	[smem:$0x3FAA] =	sst s6  }
0xf: {  	[smem:$0x3FAB] =	sst s7  }
0x10: {  	[smem:$0x3FAC] =	sst s8  }
0x11: {  	[smem:$0x3FAD] =	sst s9;
	s0 =	simm.s32 @!p0 $0x0  }
0x12: {  	s1 =	sld [smem:$0x3F93];
	s0 =	simm.s32 @p0 $0x1  }
0x13: {  	[smem:$0x3FAE] =	sst s0;
	s0 =	simm.s32 @!p1 $0x0  }
0x14: {  	s2 =	sld [smem:$0x3F92];
	s0 =	simm.s32 @p1 $0x1  }
0x15: {  	[smem:$0x3FAF] =	sst s0;
	s0 =	simm.s32 @!p2 $0x0  }
0x16: {  	s3 =	sld [smem:$0x3FDB];
	s0 =	simm.s32 @p2 $0x1  }
0x17: {  	s4 =	simm.s32 $0x1BF5;
	[smem:$0x3FB1] =	sst s0  }
0x18: {  	s0 =	sld [smem:$0x3F94];
	_ =	swait.ge [sflag:s4], $0x0  }
0x19: {  	s7 =	sld [smem:$0x3F95]  }
0x1a: {  	s8 =	sadd.s32 $0xFFFFE003, lr  }
0x1b: {  	s9 =	sadd.s32 $0xFFFFFEF7, lr;
	s5 =	simm.s32 $0xFFFFFFFF;
	p2 =	slt.u32 s8, $0xFFFFF086  }
0x1c: {  	p1 =	slt.u32 s9, $0xF7A;
	s5 =	simm.s32 @!p2 $0x0  }
0x1d: {  	s5 =	simm.s32 @p1 $0x1;
	p0 =	seq.s32 s7, s2  }
0x1e: {  	s7 =	smul.u32 @!p0 $0xF7A, s2;
	p2 =	seq.s32 @!p0 s5, $0x0  }
0x1f: {  	s9 =	smul.u32 $0xF7A, s1;
	s8 =	simm.s32 @!p0 $0x1BF5;
	p2 =	por !p2, p0  }
0x20: {  	[sflag:s8] =	ssyncset.s32 @!p0 $0xFFFFF086;
	s6 =	sadd.s32 @!p0 s3, s7;
	s7 =	simm.s32 @!p0 $0x108  }
0x21: {  	s3 =	sadd.s32 s3, s9;
	s6 =	sadd.s32 @!p0 $0x88, s6;
	s7 =	simm.s32 @p2 $0x1082  }
0x22: {  	[simem:s7], [sflag:s8] =	dma.local @!p0 [hbm:s6], $0xF7A  }
0x23: {  	s9 =	sor.u32 $0xD0000000, s2;
	s6 =	simm.s32 $0x108;
	_ =	swait.ge @!p0 [sflag:s8], $0x0  }
0x24: {  	s3 =	sadd.s32 $0x88, s3;
	s6 =	simm.s32 @!p1 $0x1082;
	[sflag:s4] =	ssyncset.s32 $0xFFFFF086  }
0x25: {  	[simem:s6], [sflag:s4] =	dma.local [hbm:s3], $0xF7A  }
0x26: {  	[smem:$0x3F95] =	sst s1;
	(tag) =	ssettag s2;
	_ =	strace s9  }
0x27: {  	s1 =	sld [smem:$0x3FA5]  }
0x28: {  	s2 =	sld [smem:$0x3FA6]  }
0x29: {  	s4 =	sld [smem:$0x3FA8]  }
0x2a: {  	p0 =	seq.s32 s5, $0x0;
	s5 =	sld [smem:$0x3FA9]  }
0x2b: {  	s6 =	sld [smem:$0x3FAA]  }
0x2c: {  	s7 =	sld [smem:$0x3FAB]  }
0x2d: {  	s3 =	simm.s32 $0x108;
	s8 =	sld [smem:$0x3FAC]  }
0x2e: {  	s3 =	simm.s32 @!p0 $0x1082;
	s9 =	sld [smem:$0x3FAD]  }
0x2f: {  	lr =	sadd.s32 s0, s3;
	s0 =	sld [smem:$0x3FA4]  }
0x30: {  	s3 =	sld [smem:$0x3FA7]  }
0x31: {  	[smem:$0x3FB0] =	sst s10  }
0x32: {  	s10 =	sld [smem:$0x3FAE];
	_ =	sdelay $0x3  }
0x33: {  	p0 =	seq.s32 s10, $0x1;
	s10 =	sld [smem:$0x3FB0];
	_ =	sdelay $0x3  }
0x34: {  	[smem:$0x3FB0] =	sst s10  }
0x35: {  	s10 =	sld [smem:$0x3FAF];
	_ =	sdelay $0x3  }
0x36: {  	p1 =	seq.s32 s10, $0x1;
	s10 =	sld [smem:$0x3FB0];
	_ =	sdelay $0x3  }
0x37: {  	[smem:$0x3FB0] =	sst s10  }
0x38: {  	s10 =	sld [smem:$0x3FB1]  }
0x39: {  	_ = 	snop;
	(pc) =	sbr.ind lr, $3  }
0x3a: {  	_ = 	snop  }
0x3b: {  	_ = 	snop  }
0x3c: {  	p2 =	seq.s32 s10, $0x1;
	s10 =	sld [smem:$0x3FB0]  }
0x3d: {  	_ =	shalt  }
0x3e: {  	_ =	shalt  }
0x3f: {  	_ =	shalt  }
0x40: {  	_ =	shalt  }
0x41: {  	_ =	shalt  }
0x42: {  	_ =	shalt  }
0x43: {  	_ =	shalt  }
0x44: {  	_ =	shalt  }
0x45: {  	_ =	shalt  }
0x46: {  	_ =	shalt  }
0x47: {  	_ =	shalt  }
0x48: {  	_ =	shalt  }
0x49: {  	_ =	shalt  }
0x4a: {  	_ =	shalt  }
0x4b: {  	_ =	shalt  }
0x4c: {  	_ =	shalt  }
0x4d: {  	_ =	shalt  }
0x4e: {  	_ =	shalt  }
0x4f: {  	_ =	shalt  }
0x50: {  	_ =	shalt  }
0x51: {  	_ =	shalt  }
0x52: {  	_ =	shalt  }
0x53: {  	_ =	shalt  }
0x54: {  	_ =	shalt  }
0x55: {  	_ =	shalt  }
0x56: {  	_ =	shalt  }
0x57: {  	_ =	shalt  }
0x58: {  	_ =	shalt  }
0x59: {  	_ =	shalt  }
0x5a: {  	_ =	shalt  }
0x5b: {  	_ =	shalt  }
0x5c: {  	_ =	shalt  }
0x5d: {  	_ =	shalt  }
0x5e: {  	_ =	shalt  }
0x5f: {  	_ =	shalt  }
0x60: {  	_ =	shalt  }
0x61: {  	_ =	shalt  }
0x62: {  	_ =	shalt  }
0x63: {  	_ =	shalt  }
0x64: {  	_ =	shalt  }
0x65: {  	_ =	shalt  }
0x66: {  	_ =	shalt  }
0x67: {  	_ =	shalt  }
0x68: {  	_ =	shalt  }
0x69: {  	_ =	shalt  }
0x6a: {  	_ =	shalt  }
0x6b: {  	_ =	shalt  }
0x6c: {  	_ =	shalt  }
0x6d: {  	_ =	shalt  }
0x6e: {  	_ =	shalt  }
0x6f: {  	_ =	shalt  }
0x70: {  	_ =	shalt  }
0x71: {  	_ =	shalt  }
0x72: {  	_ =	shalt  }
0x73: {  	_ =	shalt  }
0x74: {  	_ =	shalt  }
0x75: {  	_ =	shalt  }
0x76: {  	_ =	shalt  }
0x77: {  	_ =	shalt  }
0x78: {  	_ =	shalt  }
0x79: {  	_ =	shalt  }
0x7a: {  	_ =	shalt  }
0x7b: {  	_ =	shalt  }
0x7c: {  	_ =	shalt  }
0x7d: {  	_ =	shalt  }
0x7e: {  	_ =	shalt  }
0x7f: {  	_ =	shalt  }
0x80: {  	_ =	shalt  }
0x81: {  	_ =	shalt  }
0x82: {  	_ =	shalt  }
0x83: {  	_ =	shalt  }
0x84: {  	_ =	shalt  }
0x85: {  	_ =	shalt  }
0x86: {  	_ =	shalt  }
0x87: {  	_ =	shalt  }
.Lfunc_end0:
.L_simem_size_0:
called_computation_lowered:
.L_overlay_start_0:
0x88: {  	s2 =	sld [smem:$0x3FD9]  }
0x89: {  	s3 =	sld [smem:$0x3FFE];
	_ =	sdelay $0x1  }
0x8a: {  	s1 =	srdreg.scid  }
0x8b: {  	s0 =	sand.u32 $0x1, s1  }
0x8c: {  	s17 =	sshll.u32 s0, $0xA;
	s2 =	sadd.s32 s3, s2  }
0x8d: {  	s2 =	sadd.s32 s2, s17  }
0x8e: {  	[smem:$0x3FBC] =	sst s2  }
0x8f: {  	_ = 	snop  }
0x90: {  	s2 =	sld [smem:$0x3FD0];
	(tm) =	ssettm $0x1  }
0x91: {  	s18 =	sld [smem:$0x3FFB];
	_ =	sdelay $0x3  }
0x92: {  	_ =	strace s18  }
0x93: {  	s3 =	sld [smem:$0x3FFC];
	_ =	sdelay $0x3  }
0x94: {  	_ =	strace s3  }
0x95: {  	s3 =	sld [smem:$0x3FFD];
	_ =	sdelay $0x3  }
0x96: {  	_ =	strace s3  }
0x97: {  	_ =	strace $0x8FFFFFFF  }
0x98: {  	s19 =	sld [smem:$0x3FDB];
	_ =	sdelay $0x1  }
0x99: {  	s4 =	simm.s32 $_scs_section_size  }
0x9a: {  	s5 =	simm.s32 $_size__tile_overlayer_lowered;
	s6 =	simm.s32 $_tile_overlayer_lowered  }
0x9b: {  	s22 =	simm.s32 $0x1BFF;
	s21 =	sshll.u32 s6, $0x1;
	s3 =	sadd.s32 s4, s19  }
0x9c: {  	s7 =	simm.s32 $0x0;
	s20 =	sshll.u32 s5, $0x1;
	s5 =	sadd.s32 s21, s3  }
0x9d: {  	[timem:s7], [sflag:s22] =	dma.local [hbm:s5], s20  }
0x9e: {  	_ =	swait.ge [sflag:s22], s20  }
0x9f: {  	s4 =	ssub.s32 $0x0, s20;
	[sflag:s22] =	ssyncset.done $0x0  }
0xa0: {  	[sflag:s22] =	ssyncadd.s32 s4;
	_ =	sdelay $0x1  }
0xa1: {  	s23 =	simm.s32 $0x1B8B  }
0xa2: {  	_ =	swait.ge [sflag:s23], $0x1  }
0xa3: {  	[sflag:s23] =	ssyncset.done $0x0  }
0xa4: {  	s25 =	simm.s32 $0x1B8E;
	s24 =	sld [smem:$0x3FFE];
	[sflag:s23] =	ssyncadd.s32 $0xFFFFFFFF  }
0xa5: {  	s26 =	simm.s32 $execute0_lowered;
	[smem:$0x3FD2] =	sst s25  }
0xa6: {  	s5 =	sshll.u32 s26, $0x1;
	_ =	strace $0x80000046;
	[dreg:$0x1] =	wrdreg $0xFFFFFFFF  }
0xa7: {  	s28 =	simm.s32 $_size_execute0_lowered;
	s3 =	sadd.s32 s3, s5;
	[dreg:$0x0] =	wrdreg $0x0  }
0xa8: {  	s5 =	sshll.u32 s28, $0x1;
	[dreg:$0x2] =	wrdreg s3  }
0xa9: {  	[dreg:$0x3] =	wrdreg s5  }
0xaa: {  	[dreg:$0x4] =	wrdreg $0xC0  }
0xab: {  	_ =	task [dreg:s7], $0x5FFFF  }
0xac: {  	[dreg:$0x1] =	wrdreg $0xFFFFFFFF  }
0xad: {  	[dreg:$0x0] =	wrdreg $0x60  }
0xae: {  	[dreg:$0x2] =	wrdreg s24  }
0xaf: {  	[dreg:$0x3] =	wrdreg s2  }
0xb0: {  	[dreg:$0x4] =	wrdreg $0x61000  }
0xb1: {  	[dreg:$0x5] =	wrdreg $0x9  }
0xb2: {  	_ =	task.clear_ibuf [dreg:s7], $0x6FFFF;
	_ =	strace $0x90000046  }
0xb3: {  	s29 =	simm.s32 $0x9;
	_ =	strace $0x80000048  }
0xb4: {  	_ =	swait.ge [sflag:s29], $0x1  }
0xb5: {  	[sflag:s29] =	ssyncadd.s32 $0xFFFFFFFF  }
0xb6: {  	_ =	strace $0x90000048  }
0xb7: {  	_ =	sfence  }
0xb8: {  	s30 =	sld [smem:$0x0];
	_ =	sdelay $0x2  }
0xb9: {  	s31 =	sshll.u32 s1, $0xD;
	s1 =	sshrl.u32 s1, $0x2  }
0xba: {  	s3 =	sand.u32 $0x4000, s31;
	s1 =	sadd.s32 s1, s30  }
0xbb: {  	s0 =	sor.u32 s3, s0;
	s1 =	sshll.u32 s1, $0x11  }
0xbc: {  	s0 =	sor.u32 s1, s0  }
0xbd: {  	s0 =	sadd.s32 $0x8F2B, s0  }
0xbe: {  	[sflag:s0] =	ssyncadd.remote.s32 $0x1  }
0xbf: {  	_ =	sfence.sel $0xFFFF  }
0xc0: {  	[dreg:$0x0] =	wrdreg $0xFFFFFFFF;
	(pc) =	sbr.abs _section_cstart, $3  }
0xc1: {  	[dreg:$0x1] =	wrdreg $0xFFFFFFFF  }
0xc2: {  	_ =	task.clear_ibuf [dreg:s7], $0x2FFFF;
	_ =	strace $0x9FFFFFFF  }
0xc3: {  	(tm) =	ssettm $0x7FFFFFFF  }
tec
execute0_lowered:
.L_overlay_start_1:
0x0: {  	(tag) =	ssettag $0x1  }
0x1: {  	s5 =	rddreg [dreg:$0x0]  }
0x2: {  	s7 =	rddreg [dreg:$0x1]  }
0x3: {  	s1 =	rddreg [dreg:$0x2]  }
0x4: {  	s0 =	rddreg [dreg:$0x3]  }
0x5: {  	s2 =	simm.s32 $0x0;
	s3 =	srdreg.scid;
	s13 =	simm.s32 $0x5000  }
0x6: {  	s14 =	simm.s32 $0x5800;
	s15 =	simm.s32 $0x50;
	s16 =	simm.s32 $0x6000  }
0x7: {  	s17 =	simm.s32 $0x6080;
	s18 =	simm.s32 $0x0;
	[smem:$0x7FF] =	sst s2  }
0x8: {  	s4 =	sadd.s32 $0x3800, s5;
	s6 =	sand.u32 $0x1, s3;
	s3 =	stileid.u32  }
0x9: {  	s5 =	sadd.s32 $0x17200, s5;
	_ =	strace $0x80000047;
	s8 =	ssub.s32 $0x2, s6  }
0xa: {  	s9 =	smul.u32 $0x5000, s6;
	s11 =	sshll.u32 s3, $0xB;
	s6 =	sshll.u32 s6, $0x4  }
0xb: {  	p0 =	sgt.u32 s3, $0x9;
	s10 =	sshrl.u32 s8, $0x1;
	s12 =	sadd.s32 s11, s1  }
0xc: {  	v0 =	vlaneseq.u32;
	s6 =	sor.u32 s3, s6;
	s8 =	ssub.s32 s8, s10;
	s9 =	sadd.s32 s11, s9  }
0xd: {  	v1 =	vor.u32 $0x50, v0;
	v2 =	vor.u32 $0x10, v0;
	v3 =	vor.u32 $0x60, v0;
	s6 =	smul.u32 $0x2710, s6;
	s11 =	sshll.u32 @!p0 s3, $0x6;
	s10 =	simm.s32 $0x2800  }
0xe: {  	v4 =	vor.u32 $0x20, v0;
	v5 =	vor.u32 $0x70, v0;
	v6 =	vor.u32 $0x30, v0;
	s12 =	sshrl.u32 @!p0 s12, $0x3;
	s9 =	sshrl.u32 s9, $0x3;
	s8 =	smax.u32 s8, $0x1  }
0xf: {  	v7 =	vor.u32 $0x80, v0;
	v8 =	vor.u32 $0x40, v0;
	v9 =	vor.u32 $0x90, v0;
	s11 =	sor.u32 @!p0 $0x1C01, s11;
	s7 =	sadd.s32 s7, s9;
	s9 =	simm.s32 $0x1  }
.LBB2_1:
0x10: {  	[tilespmem:s2], [sflag:$0x1] =	stream.linear.gather [hbm4b:s5+s2], $0x2800, $0x38;
	[tilespmem:$0x6600] =	vst v63  }
0x11: {  	_ =	swait.ge [sflag:s9], $0x2800  }
0x12: {  	[sflag:s9] =	ssyncset.done $0x0  }
0x13: {  	[sflag:s9] =	ssyncadd.s32 $0xFFFFD800  }
0x14: {  	[tilespmem:s10], [sflag:$0x1] =	stream.linear.gather [hbm4b:s5+s2], $0x2800, $0x38;
	[tilespmem:$0x6600] =	vst v63  }
0x15: {  	_ =	swait.ge [sflag:s9], $0x2800  }
0x16: {  	[sflag:s9] =	ssyncset.done $0x0  }
0x17: {  	s19 =	simm.s32 @!p0 $0x1;
	[sflag:s9] =	ssyncadd.s32 $0xFFFFD800  }
0x18: {  	[spmem:s12], [sflag:s11] =	dma.local @!p0 [hbm:s5], $0x100  }
0x19: {  	_ =	swait.ge @!p0 [sflag:s19], $0x100  }
0x1a: {  	[sflag:s19] =	ssyncset.done @!p0 $0x0  }
0x1b: {  	[sflag:s19] =	ssyncadd.s32 @!p0 $0xFFFFFF00  }
0x1c: {  	[tilespmem:$0x6000] =	vst v0  }
0x1d: {  	[tilespmem:$0x6080] =	vst v1  }
0x1e: {  	[tilespmem:$0x6010] =	vst v2  }
0x1f: {  	[tilespmem:$0x6090] =	vst v3  }
0x20: {  	[tilespmem:$0x6020] =	vst v4  }
0x21: {  	[tilespmem:$0x60A0] =	vst v5  }
0x22: {  	[tilespmem:$0x6030] =	vst v6  }
0x23: {  	[tilespmem:$0x60B0] =	vst v7  }
0x24: {  	[tilespmem:$0x6040] =	vst v8  }
0x25: {  	[tilespmem:$0x60C0] =	vst v9  }
0x26: {  	s19 =	simm.s32 $0x0;
	[bflag:$0x0] =	sbarrier.arrive $0xFFFF  }
.LBB2_2:
0x27: {  	s20 =	smul.u32 $0x7D0, s19;
	_ =	sdelay $0x1  }
0x28: {  	s20 =	sadd.s32 s6, s20  }
0x29: {  	s20 =	sshrl.u32 s20, $0x3  }
0x2a: {  	s21 =	simm.s32 $0x0;
	s20 =	sadd.s32 s4, s20  }
0x2b: {  	[tilespmem:s13], [sflag:$0x1] =	stream.linear.gather [hbm4b:s20+s21], $0x7D0, $0x38;
	[tilespmem:$0x6600] =	vst v63  }
0x2c: {  	_ =	swait.ge [sflag:s9], $0x7D0  }
0x2d: {  	[sflag:s9] =	ssyncset.done $0x0  }
0x2e: {  	s20 =	sadd.s32 $0x9C40, s20;
	[sflag:s9] =	ssyncadd.s32 $0xFFFFF830  }
0x2f: {  	[tilespmem:s14], [sflag:$0x1] =	stream.linear.gather [hbm4b:s20+s21], $0x7D0, $0x38;
	[tilespmem:$0x6600] =	vst v63  }
0x30: {  	_ =	swait.ge [sflag:s9], $0x7D0  }
0x31: {  	[sflag:s9] =	ssyncset.done $0x0  }
0x32: {  	s21 =	simm.s32 $0x0;
	s20 =	simm.s32 $0x40;
	[sflag:s9] =	ssyncadd.s32 $0xFFFFF830  }
.LBB2_3:
0x33: {  	p1 =	sne.s32 s20, $0x1F00;
	v10 =	vld [tilespmem:s21+$0x5000];
	_ =	sdelay $0x4  }
0x34: {  	(xrf1) =	vunique.msk.u32 $0xffff, v10;
	_ =	sdelay $0xd  }
0x35: {  	_, v11, vm0 =	vpop (xrf1);
	_ =	sdelay $0x3  }
0x36: {  	v11 =	vcvt.s32.f32 v11;
	_ =	sdelay $0x1  }
0x37: {  	[tilespmem:v10+s2+$0x0] =	vst.idx.add.f32.msk vm0, v11  }
0x38: {  	v10 =	vld [tilespmem:s21+$0x5800];
	_ =	sdelay $0x4  }
0x39: {  	(xrf1) =	vunique.msk.u32 $0xffff, v10;
	_ =	sdelay $0xd  }
0x3a: {  	_, v11, vm0 =	vpop (xrf1);
	_ =	sdelay $0x1  }
.Ltmp0:
0x3b: {  	(pc) =	sbr.rel @p1 .LBB2_3-.Ltmp0, $3  }
0x3c: {  	_ = 	snop  }
0x3d: {  	v11 =	vcvt.s32.f32 v11;
	_ =	sdelay $0x1  }
0x3e: {  	s21 =	sshra.s32 s20, $0x2;
	s20 =	sadd.s32 $0x40, s20;
	[tilespmem:v10+s10+$0x0] =	vst.idx.add.f32.msk vm0, v11  }
0x3f: {  	v10 =	vld [tilespmem:s21+$0x5000];
	_ =	sdelay $0x4  }
0x40: {  	(xrf1) =	vunique.msk.u32 $0xffff, v10;
	_ =	sdelay $0xd  }
0x41: {  	_, v11, vm0 =	vpop (xrf1);
	_ =	sdelay $0x3  }
0x42: {  	v11 =	vcvt.s32.f32 v11;
	_ =	sdelay $0x1  }
0x43: {  	[tilespmem:v10+s2+$0x0] =	vst.idx.add.f32.msk vm0, v11  }
0x44: {  	v10 =	vld [tilespmem:s21+$0x5800];
	_ =	sdelay $0x4  }
0x45: {  	(xrf1) =	vunique.msk.u32 $0xffff, v10;
	_ =	sdelay $0xd  }
0x46: {  	s19 =	sadd.s32 $0x1, s19;
	_, v11, vm0 =	vpop (xrf1)  }
0x47: {  	p1 =	sne.s32 s19, $0x5  }
.Ltmp1:
0x48: {  	_ = 	snop;
	(pc) =	sbr.rel @p1 .LBB2_2-.Ltmp1, $3  }
0x49: {  	_ = 	snop  }
0x4a: {  	v11 =	vcvt.s32.f32 v11;
	_ =	sdelay $0x1  }
0x4b: {  	[tilespmem:v10+s10+$0x0] =	vst.idx.add.f32.msk vm0, v11  }
0x4c: {  	[spmem:s1] =	stream.indirect.scatter.add.f32 [tilespmem:s2], [sflag:$0x1], $0x80, s16, s15, $0xb8;
	[tilespmem:$0x6600] =	vst v63  }
0x4d: {  	_ =	swait.ge [sflag:s9], $0x2800  }
0x4e: {  	[sflag:s9] =	ssyncset.done $0x0  }
0x4f: {  	[sflag:s9] =	ssyncadd.s32 $0xFFFFD800  }
0x50: {  	[spmem:s1] =	stream.indirect.scatter.add.f32 [tilespmem:s10], [sflag:$0x1], $0x80, s17, s15, $0xb8;
	[tilespmem:$0x6600] =	vst v63  }
0x51: {  	_ =	swait.ge [sflag:s9], $0x2800  }
0x52: {  	s18 =	sadd.s32 $0x1, s18;
	[sflag:s9] =	ssyncset.done $0x0  }
0x53: {  	p1 =	sne.s32 s18, s8;
	[sflag:s9] =	ssyncadd.s32 $0xFFFFD800  }
.Ltmp2:
0x54: {  	s19 =	simm.s32 @!p0 $0x1;
	[bflag:$0x0] =	sbarrier.arrive $0xFFFF;
	(pc) =	sbr.rel @p1 .LBB2_1-.Ltmp2, $4  }
0x55: {  	[hbm:s7], [sflag:s11] =	dma.local @!p0 [spmem:s12], $0x100  }
0x56: {  	_ =	swait.ge @!p0 [sflag:s19], $0x100  }
0x57: {  	[sflag:s19] =	ssyncset.done @!p0 $0x0  }
0x58: {  	[sflag:s19] =	ssyncadd.s32 @!p0 $0xFFFFFF00  }
0x59: {  	_ =	sfence.sel $0x180000  }
0x5a: {  	[bflag:$0x0] =	sbarrier.arrive $0xFFFF  }
0x5b: {  	p0 =	sne.s32 s3, $0x0;
	_ =	strace $0x90000047  }
0x5c: {  	s0 =	sadd.s32 @!p0 $0x100000, s0;
	[bflag:$0x2] =	sbarrier.arrive $0xFFFF  }
0x5d: {  	[sflag:s0] =	ssyncadd.tile.s32 @!p0 $0x1;
	_ =	shalt  }
.Lfunc_end2:
_tile_overlayer_lowered:
.L_overlay_start_2:
0x5e: {  	(tag) =	ssettag $0x2  }
0x5f: {  	s0 =	rddreg [dreg:$0x0];
	s2 =	stileid.u32  }
0x60: {  	s1 =	rddreg [dreg:$0x1];
	p0 =	sne.s32 s2, $0x0  }
0x61: {  	s3 =	rddreg [dreg:$0x2];
	[bflag:$0x3] =	sbarrier.arrive $0xFFFF;
	s2 =	simm.s32 @!p0 $0x1C01  }
0x62: {  	[timem:s3], [sflag:s2] =	dma.local @!p0 [hbm:s0], s1  }
0x63: {  	s0 =	simm.s32 @!p0 $0x1  }
0x64: {  	_ =	swait.ge @!p0 [sflag:s0], s1  }
0x65: {  	s1 =	ssub.s32 @!p0 $0x0, s1;
	[sflag:s0] =	ssyncset.done @!p0 $0x0  }
0x66: {  	[sflag:s0] =	ssyncadd.s32 @!p0 s1  }
0x67: {  	[bflag:$0x3] =	sbarrier.arrive $0xFFFF  }
0x68: {  	_ =	shalt  }

// kernel: kernel.14.cloned.1.call-start
scs
__scs_entry_jumppad:
0x0: {  	(pc) =	sbr.rel $0x88, $3  }
0x1: {  	(tag) =	ssettag $0x0;
	lr =	simm.s32 $0x1  }
0x2: {  	[smem:$0x3F95] =	sst lr;
	_ =	strace $0xD0000000  }
0x3: {  	_ = 	snop  }
0x4: {  	_ = 	snop  }
0x5: {  	_ = 	snop  }
0x6: {  	_ = 	snop  }
0x7: {  	_ = 	snop  }
__scs_overlays_trampoline_lowered:
0x8: {  	[smem:$0x3FA4] =	sst s0  }
0x9: {  	[smem:$0x3FA5] =	sst s1  }
0xa: {  	[smem:$0x3FA6] =	sst s2  }
0xb: {  	[smem:$0x3FA7] =	sst s3  }
0xc: {  	[smem:$0x3FA8] =	sst s4  }
0xd: {  	[smem:$0x3FA9] =	sst s5  }
0xe: {  	[smem:$0x3FAA] =	sst s6  }
0xf: {  	[smem:$0x3FAB] =	sst s7  }
0x10: {  	[smem:$0x3FAC] =	sst s8  }
0x11: {  	[smem:$0x3FAD] =	sst s9;
	s0 =	simm.s32 @!p0 $0x0  }
0x12: {  	s1 =	sld [smem:$0x3F93];
	s0 =	simm.s32 @p0 $0x1  }
0x13: {  	[smem:$0x3FAE] =	sst s0;
	s0 =	simm.s32 @!p1 $0x0  }
0x14: {  	s2 =	sld [smem:$0x3F92];
	s0 =	simm.s32 @p1 $0x1  }
0x15: {  	[smem:$0x3FAF] =	sst s0;
	s0 =	simm.s32 @!p2 $0x0  }
0x16: {  	s3 =	sld [smem:$0x3FDB];
	s0 =	simm.s32 @p2 $0x1  }
0x17: {  	s4 =	simm.s32 $0x1BF5;
	[smem:$0x3FB1] =	sst s0  }
0x18: {  	s0 =	sld [smem:$0x3F94];
	_ =	swait.ge [sflag:s4], $0x0  }
0x19: {  	s7 =	sld [smem:$0x3F95]  }
0x1a: {  	s8 =	sadd.s32 $0xFFFFE003, lr  }
0x1b: {  	s9 =	sadd.s32 $0xFFFFFEF7, lr;
	s5 =	simm.s32 $0xFFFFFFFF;
	p2 =	slt.u32 s8, $0xFFFFF086  }
0x1c: {  	p1 =	slt.u32 s9, $0xF7A;
	s5 =	simm.s32 @!p2 $0x0  }
0x1d: {  	s5 =	simm.s32 @p1 $0x1;
	p0 =	seq.s32 s7, s2  }
0x1e: {  	s7 =	smul.u32 @!p0 $0xF7A, s2;
	p2 =	seq.s32 @!p0 s5, $0x0  }
0x1f: {  	s9 =	smul.u32 $0xF7A, s1;
	s8 =	simm.s32 @!p0 $0x1BF5;
	p2 =	por !p2, p0  }
0x20: {  	[sflag:s8] =	ssyncset.s32 @!p0 $0xFFFFF086;
	s6 =	sadd.s32 @!p0 s3, s7;
	s7 =	simm.s32 @!p0 $0x108  }
0x21: {  	s3 =	sadd.s32 s3, s9;
	s6 =	sadd.s32 @!p0 $0x88, s6;
	s7 =	simm.s32 @p2 $0x1082  }
0x22: {  	[simem:s7], [sflag:s8] =	dma.local @!p0 [hbm:s6], $0xF7A  }
0x23: {  	s9 =	sor.u32 $0xD0000000, s2;
	s6 =	simm.s32 $0x108;
	_ =	swait.ge @!p0 [sflag:s8], $0x0  }
0x24: {  	s3 =	sadd.s32 $0x88, s3;
	s6 =	simm.s32 @!p1 $0x1082;
	[sflag:s4] =	ssyncset.s32 $0xFFFFF086  }
0x25: {  	[simem:s6], [sflag:s4] =	dma.local [hbm:s3], $0xF7A  }
0x26: {  	[smem:$0x3F95] =	sst s1;
	(tag) =	ssettag s2;
	_ =	strace s9  }
0x27: {  	s1 =	sld [smem:$0x3FA5]  }
0x28: {  	s2 =	sld [smem:$0x3FA6]  }
0x29: {  	s4 =	sld [smem:$0x3FA8]  }
0x2a: {  	p0 =	seq.s32 s5, $0x0;
	s5 =	sld [smem:$0x3FA9]  }
0x2b: {  	s6 =	sld [smem:$0x3FAA]  }
0x2c: {  	s7 =	sld [smem:$0x3FAB]  }
0x2d: {  	s3 =	simm.s32 $0x108;
	s8 =	sld [smem:$0x3FAC]  }
0x2e: {  	s3 =	simm.s32 @!p0 $0x1082;
	s9 =	sld [smem:$0x3FAD]  }
0x2f: {  	lr =	sadd.s32 s0, s3;
	s0 =	sld [smem:$0x3FA4]  }
0x30: {  	s3 =	sld [smem:$0x3FA7]  }
0x31: {  	[smem:$0x3FB0] =	sst s10  }
0x32: {  	s10 =	sld [smem:$0x3FAE];
	_ =	sdelay $0x3  }
0x33: {  	p0 =	seq.s32 s10, $0x1;
	s10 =	sld [smem:$0x3FB0];
	_ =	sdelay $0x3  }
0x34: {  	[smem:$0x3FB0] =	sst s10  }
0x35: {  	s10 =	sld [smem:$0x3FAF];
	_ =	sdelay $0x3  }
0x36: {  	p1 =	seq.s32 s10, $0x1;
	s10 =	sld [smem:$0x3FB0];
	_ =	sdelay $0x3  }
0x37: {  	[smem:$0x3FB0] =	sst s10  }
0x38: {  	s10 =	sld [smem:$0x3FB1]  }
0x39: {  	_ = 	snop;
	(pc) =	sbr.ind lr, $3  }
0x3a: {  	_ = 	snop  }
0x3b: {  	_ = 	snop  }
0x3c: {  	p2 =	seq.s32 s10, $0x1;
	s10 =	sld [smem:$0x3FB0]  }
0x3d: {  	_ =	shalt  }
0x3e: {  	_ =	shalt  }
0x3f: {  	_ =	shalt  }
0x40: {  	_ =	shalt  }
0x41: {  	_ =	shalt  }
0x42: {  	_ =	shalt  }
0x43: {  	_ =	shalt  }
0x44: {  	_ =	shalt  }
0x45: {  	_ =	shalt  }
0x46: {  	_ =	shalt  }
0x47: {  	_ =	shalt  }
0x48: {  	_ =	shalt  }
0x49: {  	_ =	shalt  }
0x4a: {  	_ =	shalt  }
0x4b: {  	_ =	shalt  }
0x4c: {  	_ =	shalt  }
0x4d: {  	_ =	shalt  }
0x4e: {  	_ =	shalt  }
0x4f: {  	_ =	shalt  }
0x50: {  	_ =	shalt  }
0x51: {  	_ =	shalt  }
0x52: {  	_ =	shalt  }
0x53: {  	_ =	shalt  }
0x54: {  	_ =	shalt  }
0x55: {  	_ =	shalt  }
0x56: {  	_ =	shalt  }
0x57: {  	_ =	shalt  }
0x58: {  	_ =	shalt  }
0x59: {  	_ =	shalt  }
0x5a: {  	_ =	shalt  }
0x5b: {  	_ =	shalt  }
0x5c: {  	_ =	shalt  }
0x5d: {  	_ =	shalt  }
0x5e: {  	_ =	shalt  }
0x5f: {  	_ =	shalt  }
0x60: {  	_ =	shalt  }
0x61: {  	_ =	shalt  }
0x62: {  	_ =	shalt  }
0x63: {  	_ =	shalt  }
0x64: {  	_ =	shalt  }
0x65: {  	_ =	shalt  }
0x66: {  	_ =	shalt  }
0x67: {  	_ =	shalt  }
0x68: {  	_ =	shalt  }
0x69: {  	_ =	shalt  }
0x6a: {  	_ =	shalt  }
0x6b: {  	_ =	shalt  }
0x6c: {  	_ =	shalt  }
0x6d: {  	_ =	shalt  }
0x6e: {  	_ =	shalt  }
0x6f: {  	_ =	shalt  }
0x70: {  	_ =	shalt  }
0x71: {  	_ =	shalt  }
0x72: {  	_ =	shalt  }
0x73: {  	_ =	shalt  }
0x74: {  	_ =	shalt  }
0x75: {  	_ =	shalt  }
0x76: {  	_ =	shalt  }
0x77: {  	_ =	shalt  }
0x78: {  	_ =	shalt  }
0x79: {  	_ =	shalt  }
0x7a: {  	_ =	shalt  }
0x7b: {  	_ =	shalt  }
0x7c: {  	_ =	shalt  }
0x7d: {  	_ =	shalt  }
0x7e: {  	_ =	shalt  }
0x7f: {  	_ =	shalt  }
0x80: {  	_ =	shalt  }
0x81: {  	_ =	shalt  }
0x82: {  	_ =	shalt  }
0x83: {  	_ =	shalt  }
0x84: {  	_ =	shalt  }
0x85: {  	_ =	shalt  }
0x86: {  	_ =	shalt  }
0x87: {  	_ =	shalt  }
.Lfunc_end0:
.L_simem_size_0:
called_computation.1_lowered:
.L_overlay_start_0:
0x88: {  	s2 =	sld [smem:$0x3FD9]  }
0x89: {  	s3 =	sld [smem:$0x3FFE];
	_ =	sdelay $0x1  }
0x8a: {  	s1 =	srdreg.scid  }
0x8b: {  	s0 =	sand.u32 $0x1, s1  }
0x8c: {  	s16 =	sshll.u32 s0, $0xA;
	s2 =	sadd.s32 s3, s2  }
0x8d: {  	s2 =	sadd.s32 s2, s16  }
0x8e: {  	[smem:$0x3FBC] =	sst s2  }
0x8f: {  	_ = 	snop  }
0x90: {  	(tm) =	ssettm $0x1  }
0x91: {  	s17 =	sld [smem:$0x3FFB];
	_ =	sdelay $0x3  }
0x92: {  	_ =	strace s17  }
0x93: {  	s2 =	sld [smem:$0x3FFC];
	_ =	sdelay $0x3  }
0x94: {  	_ =	strace s2  }
0x95: {  	s2 =	sld [smem:$0x3FFD];
	_ =	sdelay $0x3  }
0x96: {  	_ =	strace s2  }
0x97: {  	_ =	strace $0x8FFFFFFF  }
0x98: {  	s18 =	sld [smem:$0x3FDB];
	_ =	sdelay $0x1  }
0x99: {  	s19 =	simm.s32 $_scs_section_size  }
0x9a: {  	s4 =	simm.s32 $_size__tile_overlayer_lowered;
	s5 =	simm.s32 $_tile_overlayer_lowered  }
0x9b: {  	s22 =	simm.s32 $0x1BFF;
	s21 =	sshll.u32 s5, $0x1;
	s2 =	sadd.s32 s19, s18  }
0x9c: {  	s6 =	simm.s32 $0x0;
	s20 =	sshll.u32 s4, $0x1;
	s4 =	sadd.s32 s21, s2  }
0x9d: {  	[timem:s6], [sflag:s22] =	dma.local [hbm:s4], s20  }
0x9e: {  	_ =	swait.ge [sflag:s22], s20  }
0x9f: {  	s3 =	ssub.s32 $0x0, s20;
	[sflag:s22] =	ssyncset.done $0x0  }
0xa0: {  	[sflag:s22] =	ssyncadd.s32 s3;
	_ =	sdelay $0x1  }
0xa1: {  	s23 =	simm.s32 $0x1B8B  }
0xa2: {  	_ =	swait.ge [sflag:s23], $0x1  }
0xa3: {  	[sflag:s23] =	ssyncset.done $0x0  }
0xa4: {  	s25 =	simm.s32 $0x1B8E;
	s24 =	sld [smem:$0x3FFE];
	[sflag:s23] =	ssyncadd.s32 $0xFFFFFFFF  }
0xa5: {  	s26 =	simm.s32 $execute0_lowered;
	[smem:$0x3FD2] =	sst s25  }
0xa6: {  	s4 =	sshll.u32 s26, $0x1;
	_ =	strace $0x80000049;
	[dreg:$0x1] =	wrdreg $0xFFFFFFFF  }
0xa7: {  	s28 =	simm.s32 $_size_execute0_lowered;
	s2 =	sadd.s32 s2, s4;
	[dreg:$0x0] =	wrdreg $0x0  }
0xa8: {  	s4 =	sshll.u32 s28, $0x1;
	[dreg:$0x2] =	wrdreg s2  }
0xa9: {  	[dreg:$0x3] =	wrdreg s4  }
0xaa: {  	[dreg:$0x4] =	wrdreg $0xC0  }
0xab: {  	_ =	task [dreg:s6], $0x5FFFF  }
0xac: {  	[dreg:$0x1] =	wrdreg $0xFFFFFFFF  }
0xad: {  	[dreg:$0x0] =	wrdreg $0x60  }
0xae: {  	[dreg:$0x2] =	wrdreg s24  }
0xaf: {  	[dreg:$0x3] =	wrdreg $0x0  }
0xb0: {  	[dreg:$0x4] =	wrdreg $0x9  }
0xb1: {  	_ =	task.clear_ibuf [dreg:s6], $0x5FFFF;
	_ =	strace $0x90000049  }
0xb2: {  	s29 =	simm.s32 $0x9;
	_ =	strace $0x8000004B  }
0xb3: {  	_ =	swait.ge [sflag:s29], $0x1  }
0xb4: {  	[sflag:s29] =	ssyncadd.s32 $0xFFFFFFFF  }
0xb5: {  	_ =	strace $0x9000004B  }
0xb6: {  	_ =	sfence  }
0xb7: {  	s30 =	sld [smem:$0x0];
	_ =	sdelay $0x2  }
0xb8: {  	s31 =	sshll.u32 s1, $0xD;
	s1 =	sshrl.u32 s1, $0x2  }
0xb9: {  	s3 =	sand.u32 $0x4000, s31;
	s1 =	sadd.s32 s1, s30  }
0xba: {  	s0 =	sor.u32 s3, s0;
	s1 =	sshll.u32 s1, $0x11  }
0xbb: {  	s0 =	sor.u32 s1, s0  }
0xbc: {  	s0 =	sadd.s32 $0x8F2B, s0  }
0xbd: {  	[sflag:s0] =	ssyncadd.remote.s32 $0x1  }
0xbe: {  	_ =	sfence.sel $0xFFFF  }
0xbf: {  	[dreg:$0x0] =	wrdreg $0xFFFFFFFF;
	(pc) =	sbr.abs _section_cstart, $3  }
0xc0: {  	[dreg:$0x1] =	wrdreg $0xFFFFFFFF  }
0xc1: {  	_ =	task.clear_ibuf [dreg:s6], $0x2FFFF;
	_ =	strace $0x9FFFFFFF  }
0xc2: {  	(tm) =	ssettm $0x7FFFFFFF  }
0xc3: {  	_ =	shalt  }
tec
execute0_lowered:
.L_overlay_start_1:
0x0: {  	(tag) =	ssettag $0x1  }
0x1: {  	s1 =	rddreg [dreg:$0x0]  }
0x2: {  	s2 =	rddreg [dreg:$0x1];
	s11 =	stileid.u32  }
0x3: {  	s0 =	srdreg.scid;
	s5 =	smul.u32 $0x14000, s11  }
0x4: {  	s3 =	simm.s32 $0x0;
	s6 =	sand.u32 $0x1, s0;
	s25 =	smul.u32 $0x50000, s11  }
0x5: {  	[smem:$0x7FF] =	sst s3;
	s4 =	sadd.s32 $0x3F200, s1;
	s12 =	smul.u32 $0x2710, s11  }
0x6: {  	s0 =	sadd.s32 $0x3800, s1;
	s7 =	smul.u32 $0x140000, s6;
	_ =	strace $0x8000004A  }
0x7: {  	s9 =	sshll.u32 s6, $0x4;
	s26 =	ssub.s32 $0x2, s6;
	s6 =	smul.u32 $0x27100, s6  }
0x8: {  	s8 =	sshrl.u32 s5, $0x3;
	s9 =	sor.u32 s11, s9;
	s10 =	sshrl.u32 s26, $0x1  }
0x9: {  	s8 =	sadd.s32 s8, s1;
	s5 =	sadd.s32 s5, s7;
	s7 =	sshrl.u32 s25, $0x2  }
0xa: {  	s9 =	smul.u32 $0x2710, s9;
	s6 =	sadd.s32 s12, s6;
	s5 =	sshrl.u32 s5, $0x3  }
0xb: {  	s7 =	sadd.s32 s7, s2;
	s28 =	sadd.s32 $0x17200, s8;
	s8 =	sshll.u32 s11, $0x6  }
0xc: {  	s20 =	sadd.s32 $0x320, s6;
	s1 =	sadd.s32 s5, s1;
	s5 =	ssub.s32 s26, s10  }
0xd: {  	[dreg:$0xb] =	wrdreg s7;
	s10 =	sshrl.u32 s9, $0x3;
	s9 =	sshrl.u32 s20, $0x3  }
0xe: {  	s24 =	sadd.s32 $0x2D0, s6;
	[dreg:$0xc] =	wrdreg s28;
	s9 =	sadd.s32 s9, s0  }
0xf: {  	s25 =	sshrl.u32 s24, $0x3;
	s24 =	sadd.s32 $0x66400, s1;
	[dreg:$0x3] =	wrdreg s9  }
0x10: {  	s7 =	sor.u32 $0x1C09, s8;
	s8 =	sadd.s32 s0, s10;
	[dreg:$0x1d] =	wrdreg s24  }
0x11: {  	s13 =	sadd.s32 $0xA, s8;
	[dreg:$0xd] =	wrdreg s8  }
0x12: {  	s29 =	simm.s32 $0x9;
	s14 =	sadd.s32 $0x14, s8;
	[dreg:$0xe] =	wrdreg s13  }
0x13: {  	s30 =	simm.s32 $0x14000;
	s15 =	sadd.s32 $0x9C40, s8;
	[dreg:$0xf] =	wrdreg s14  }
0x14: {  	s31 =	simm.s32 $0x50;
	s16 =	sadd.s32 $0x1E, s8;
	[dreg:$0x10] =	wrdreg s15  }
0x15: {  	s26 =	sadd.s32 $0x4E3E0, s6;
	s17 =	sadd.s32 $0x9C4A, s8;
	[dreg:$0x11] =	wrdreg s16  }
0x16: {  	s28 =	sadd.s32 $0x280, s6;
	s18 =	sadd.s32 $0x28, s8;
	[dreg:$0x12] =	wrdreg s17  }
0x17: {  	s10 =	sshrl.u32 s26, $0x3;
	s19 =	sadd.s32 $0x9C54, s8;
	[dreg:$0x13] =	wrdreg s18  }
0x18: {  	s11 =	sshrl.u32 s28, $0x3;
	s21 =	sadd.s32 $0x32, s8;
	[dreg:$0x14] =	wrdreg s19  }
0x19: {  	s1 =	simm.s32 $0x14080;
	s22 =	sadd.s32 $0x9C5E, s8;
	[dreg:$0x15] =	wrdreg s21  }
0x1a: {  	s23 =	sadd.s32 $0x3C, s8;
	s9 =	sadd.s32 s25, s0;
	[dreg:$0x16] =	wrdreg s22  }
0x1b: {  	s10 =	sadd.s32 s10, s0;
	s12 =	sadd.s32 s11, s0;
	[dreg:$0x17] =	wrdreg s23  }
0x1c: {  	s20 =	sadd.s32 $0x4CE, s8;
	s25 =	smax.u32 s5, $0x1;
	[dreg:$0x4] =	wrdreg s9  }
0x1d: {  	s26 =	sadd.s32 $0xA10E, s8;
	s28 =	sadd.s32 $0xA118, s8;
	[dreg:$0x5] =	wrdreg s10  }
0x1e: {  	s5 =	simm.s32 $0x16C00;
	s11 =	simm.s32 $0x14200;
	[dreg:$0x6] =	wrdreg s12  }
0x1f: {  	s24 =	simm.s32 $0x0;
	s13 =	sadd.s32 $0x4E390, s6;
	[dreg:$0x19] =	wrdreg s20  }
0x20: {  	s15 =	sadd.s32 $0x4E340, s6;
	s16 =	sadd.s32 $0xA0F0, s8;
	[dreg:$0x1e] =	wrdreg s25  }
0x21: {  	s18 =	sadd.s32 $0x230, s6;
	s6 =	sadd.s32 $0x4E430, s6;
	[dreg:$0x1f] =	wrdreg s26  }
0x22: {  	s21 =	sadd.s32 $0xA0FA, s8;
	s22 =	sadd.s32 $0x4D8, s8;
	[smem:$0x7FD] =	sst s28  }
0x23: {  	s23 =	sadd.s32 $0xA104, s8;
	s12 =	simm.s32 $0x14180;
	[dreg:$0x18] =	wrdreg s16  }
0x24: {  	s20 =	simm.s32 $0x4;
	s14 =	sshrl.u32 s13, $0x3;
	[dreg:$0x1a] =	wrdreg s21  }
0x25: {  	s10 =	sshrl.u32 s15, $0x3;
	s19 =	sshrl.u32 s18, $0x3;
	[dreg:$0x1b] =	wrdreg s22  }
0x26: {  	s6 =	sshrl.u32 s6, $0x3;
	[dreg:$0x1c] =	wrdreg s23;
	s13 =	simm.s32 $0x1BC00  }
0x27: {  	s15 =	simm.s32 $0x14280;
	s16 =	simm.s32 $0x5;
	s18 =	simm.s32 $0x14300  }
0x28: {  	s21 =	simm.s32 $0x14380;
	s22 =	simm.s32 $0x7;
	s9 =	sadd.s32 s14, s0  }
0x29: {  	s23 =	simm.s32 $0x8;
	s17 =	sadd.s32 s10, s0;
	[dreg:$0x7] =	wrdreg s9  }
0x2a: {  	s10 =	simm.s32 $0x1;
	s14 =	simm.s32 $0x2;
	[dreg:$0x8] =	wrdreg s17  }
0x2b: {  	s9 =	sadd.s32 s19, s0;
	s0 =	sadd.s32 s6, s0;
	s6 =	simm.s32 $0x14100  }
0x2c: {  	s17 =	simm.s32 $0x3;
	s19 =	simm.s32 $0x6;
	[dreg:$0x9] =	wrdreg s9  }
0x2d: {  	[dreg:$0xa] =	wrdreg s0;
	s0 =	simm.s32 $0x14400;
	s9 =	simm.s32 $0x19400  }
.LBB2_1:
0x2e: {  	s8 =	rddreg [dreg:$0xb]  }
0x2f: {  	s28 =	rddreg [dreg:$0xc];
	s25 =	sshrl.u32 s8, $0x3  }
0x30: {  	[spmem:s25], [sflag:s7] =	dma.local [hbm:s28], $0x2800  }
0x31: {  	_ =	swait.ge [sflag:s29], $0x2800  }
0x32: {  	[sflag:s29] =	ssyncset.done $0x0  }
0x33: {  	[sflag:s29] =	ssyncadd.s32 $0xFFFFD800  }
0x34: {  	[bflag:$0x0] =	sbarrier.arrive $0xFFFF  }
0x35: {  	s26 =	rddreg [dreg:$0xd]  }
0x36: {  	[tilespmem:s30], [sflag:$0x9] =	stream.linear.gather [hbm4b:s26+s3], $0x50, $0x38;
	[tilespmem:$0x1E400] =	vst v63  }
0x37: {  	_ =	swait.ge [sflag:s29], $0x50  }
0x38: {  	[sflag:s29] =	ssyncset.done $0x0  }
0x39: {  	[sflag:s29] =	ssyncadd.s32 $0xFFFFFFB0  }
0x3a: {  	[tilespmem:s0], [sflag:$0x1] =	stream.indirect.gather [hbm4b:s4+s31], $0x80, s30, s31, $0xb8;
	[tilespmem:$0x1E400] =	vst v63  }
0x3b: {  	s28 =	rddreg [dreg:$0xe]  }
0x3c: {  	[tilespmem:s1], [sflag:$0x9] =	stream.linear.gather [hbm4b:s28+s3], $0x50, $0x38;
	[tilespmem:$0x1E400] =	vst v63  }
0x3d: {  	_ =	swait.ge [sflag:s29], $0x50  }
0x3e: {  	[sflag:s29] =	ssyncset.done $0x0  }
0x3f: {  	[sflag:s29] =	ssyncadd.s32 $0xFFFFFFB0  }
0x40: {  	[tilespmem:s5], [sflag:$0x2] =	stream.indirect.gather [hbm4b:s4+s31], $0x80, s1, s31, $0xb8;
	[tilespmem:$0x1E400] =	vst v63  }
0x41: {  	s26 =	rddreg [dreg:$0xf]  }
0x42: {  	[tilespmem:s6], [sflag:$0x9] =	stream.linear.gather [hbm4b:s26+s3], $0x50, $0x38;
	[tilespmem:$0x1E400] =	vst v63  }
0x43: {  	_ =	swait.ge [sflag:s29], $0x50  }
0x44: {  	[sflag:s29] =	ssyncset.done $0x0  }
0x45: {  	[sflag:s29] =	ssyncadd.s32 $0xFFFFFFB0  }
0x46: {  	[tilespmem:s9], [sflag:$0x3] =	stream.indirect.gather [hbm4b:s4+s31], $0x80, s6, s31, $0xb8;
	[tilespmem:$0x1E400] =	vst v63  }
0x47: {  	_ =	swait.ge [sflag:s10], $0x2800  }
0x48: {  	[sflag:s10] =	ssyncset.done $0x0  }
0x49: {  	s28 =	rddreg [dreg:$0x10];
	[sflag:s10] =	ssyncadd.s32 $0xFFFFD800  }
0x4a: {  	[tilespmem:s11], [sflag:$0x9] =	stream.linear.gather [hbm4b:s28+s3], $0x50, $0x38;
	[tilespmem:$0x1E400] =	vst v63  }
0x4b: {  	_ =	swait.ge [sflag:s29], $0x50  }
0x4c: {  	[sflag:s29] =	ssyncset.done $0x0  }
0x4d: {  	[sflag:s29] =	ssyncadd.s32 $0xFFFFFFB0  }
0x4e: {  	[spmem:s2] =	stream.indirect.scatter.add.f32 [tilespmem:s0], [sflag:$0x5], $0x80, s11, s31, $0xb8;
	[tilespmem:$0x1E400] =	vst v63  }
0x4f: {  	s26 =	rddreg [dreg:$0x11]  }
0x50: {  	[tilespmem:s12], [sflag:$0x9] =	stream.linear.gather [hbm4b:s26+s3], $0x50, $0x38;
	[tilespmem:$0x1E400] =	vst v63  }
0x51: {  	_ =	swait.ge [sflag:s29], $0x50  }
0x52: {  	[sflag:s29] =	ssyncset.done $0x0  }
0x53: {  	[sflag:s29] =	ssyncadd.s32 $0xFFFFFFB0  }
0x54: {  	[tilespmem:s13], [sflag:$0x4] =	stream.indirect.gather [hbm4b:s4+s31], $0x80, s12, s31, $0xb8;
	[tilespmem:$0x1E400] =	vst v63  }
0x55: {  	_ =	swait.ge [sflag:s14], $0x2800  }
0x56: {  	[sflag:s14] =	ssyncset.done $0x0  }
0x57: {  	s28 =	rddreg [dreg:$0x12];
	[sflag:s14] =	ssyncadd.s32 $0xFFFFD800  }
0x58: {  	[tilespmem:s15], [sflag:$0x9] =	stream.linear.gather [hbm4b:s28+s3], $0x50, $0x38;
	[tilespmem:$0x1E400] =	vst v63  }
0x59: {  	_ =	swait.ge [sflag:s29], $0x50  }
0x5a: {  	[sflag:s29] =	ssyncset.done $0x0  }
0x5b: {  	[sflag:s29] =	ssyncadd.s32 $0xFFFFFFB0  }
0x5c: {  	[spmem:s2] =	stream.indirect.scatter.add.f32 [tilespmem:s5], [sflag:$0x6], $0x80, s15, s31, $0xb8;
	[tilespmem:$0x1E400] =	vst v63  }
0x5d: {  	_ =	swait.ge [sflag:s16], $0x2800  }
0x5e: {  	[sflag:s16] =	ssyncset.done $0x0  }
0x5f: {  	s26 =	rddreg [dreg:$0x13];
	[sflag:s16] =	ssyncadd.s32 $0xFFFFD800  }
0x60: {  	[tilespmem:s30], [sflag:$0x9] =	stream.linear.gather [hbm4b:s26+s3], $0x50, $0x38;
	[tilespmem:$0x1E400] =	vst v63  }
0x61: {  	_ =	swait.ge [sflag:s29], $0x50  }
0x62: {  	[sflag:s29] =	ssyncset.done $0x0  }
0x63: {  	[sflag:s29] =	ssyncadd.s32 $0xFFFFFFB0  }
0x64: {  	[tilespmem:s0], [sflag:$0x1] =	stream.indirect.gather [hbm4b:s4+s31], $0x80, s30, s31, $0xb8;
	[tilespmem:$0x1E400] =	vst v63  }
0x65: {  	_ =	swait.ge [sflag:s17], $0x2800  }
0x66: {  	[sflag:s17] =	ssyncset.done $0x0  }
0x67: {  	s28 =	rddreg [dreg:$0x14];
	[sflag:s17] =	ssyncadd.s32 $0xFFFFD800  }
0x68: {  	[tilespmem:s18], [sflag:$0x9] =	stream.linear.gather [hbm4b:s28+s3], $0x50, $0x38;
	[tilespmem:$0x1E400] =	vst v63  }
0x69: {  	_ =	swait.ge [sflag:s29], $0x50  }
0x6a: {  	[sflag:s29] =	ssyncset.done $0x0  }
0x6b: {  	[sflag:s29] =	ssyncadd.s32 $0xFFFFFFB0  }
0x6c: {  	[spmem:s2] =	stream.indirect.scatter.add.f32 [tilespmem:s9], [sflag:$0x7], $0x80, s18, s31, $0xb8;
	[tilespmem:$0x1E400] =	vst v63  }
0x6d: {  	_ =	swait.ge [sflag:s19], $0x2800  }
0x6e: {  	[sflag:s19] =	ssyncset.done $0x0  }
0x6f: {  	s26 =	rddreg [dreg:$0x15];
	[sflag:s19] =	ssyncadd.s32 $0xFFFFD800  }
0x70: {  	[tilespmem:s1], [sflag:$0x9] =	stream.linear.gather [hbm4b:s26+s3], $0x50, $0x38;
	[tilespmem:$0x1E400] =	vst v63  }
0x71: {  	_ =	swait.ge [sflag:s29], $0x50  }
0x72: {  	[sflag:s29] =	ssyncset.done $0x0  }
0x73: {  	[sflag:s29] =	ssyncadd.s32 $0xFFFFFFB0  }
0x74: {  	[tilespmem:s5], [sflag:$0x2] =	stream.indirect.gather [hbm4b:s4+s31], $0x80, s1, s31, $0xb8;
	[tilespmem:$0x1E400] =	vst v63  }
0x75: {  	_ =	swait.ge [sflag:s20], $0x2800  }
0x76: {  	[sflag:s20] =	ssyncset.done $0x0  }
0x77: {  	s28 =	rddreg [dreg:$0x16];
	[sflag:s20] =	ssyncadd.s32 $0xFFFFD800  }
0x78: {  	[tilespmem:s21], [sflag:$0x9] =	stream.linear.gather [hbm4b:s28+s3], $0x50, $0x38;
	[tilespmem:$0x1E400] =	vst v63  }
0x79: {  	_ =	swait.ge [sflag:s29], $0x50  }
0x7a: {  	[sflag:s29] =	ssyncset.done $0x0  }
0x7b: {  	[sflag:s29] =	ssyncadd.s32 $0xFFFFFFB0  }
0x7c: {  	[spmem:s2] =	stream.indirect.scatter.add.f32 [tilespmem:s13], [sflag:$0x8], $0x80, s21, s31, $0xb8;
	[tilespmem:$0x1E400] =	vst v63  }
0x7d: {  	_ =	swait.ge [sflag:s22], $0x2800  }
0x7e: {  	[sflag:s22] =	ssyncset.done $0x0  }
0x7f: {  	s26 =	rddreg [dreg:$0x17];
	[sflag:s22] =	ssyncadd.s32 $0xFFFFD800  }
0x80: {  	[tilespmem:s6], [sflag:$0x9] =	stream.linear.gather [hbm4b:s26+s3], $0x50, $0x38;
	[tilespmem:$0x1E400] =	vst v63  }
0x81: {  	_ =	swait.ge [sflag:s29], $0x50  }
0x82: {  	[sflag:s29] =	ssyncset.done $0x0  }
0x83: {  	[sflag:s29] =	ssyncadd.s32 $0xFFFFFFB0  }
0x84: {  	[tilespmem:s9], [sflag:$0x3] =	stream.indirect.gather [hbm4b:s4+s31], $0x80, s6, s31, $0xb8;
	[tilespmem:$0x1E400] =	vst v63  }
0x85: {  	_ =	swait.ge [sflag:s10], $0x2800  }
0x86: {  	s26 =	rddreg [dreg:$0x8];
	[sflag:s10] =	ssyncset.done $0x0  }
0x87: {  	[sflag:s10] =	ssyncadd.s32 $0xFFFFD800;
	s26 =	sadd.s32 $0x0, s26  }
0x88: {  	[tilespmem:s11], [sflag:$0x9] =	stream.linear.gather [hbm4b:s26+s3], $0x50, $0x38;
	[tilespmem:$0x1E400] =	vst v63  }
0x89: {  	_ =	swait.ge [sflag:s29], $0x50  }
0x8a: {  	[sflag:s29] =	ssyncset.done $0x0  }
0x8b: {  	[sflag:s29] =	ssyncadd.s32 $0xFFFFFFB0  }
0x8c: {  	[spmem:s2] =	stream.indirect.scatter.add.f32 [tilespmem:s0], [sflag:$0x5], $0x80, s11, s31, $0xb8;
	[tilespmem:$0x1E400] =	vst v63  }
0x8d: {  	_ =	swait.ge [sflag:s23], $0x2800  }
0x8e: {  	s28 =	rddreg [dreg:$0x9];
	[sflag:s23] =	ssyncset.done $0x0  }
0x8f: {  	[sflag:s23] =	ssyncadd.s32 $0xFFFFD800;
	s26 =	sadd.s32 $0x0, s28  }
0x90: {  	[tilespmem:s12], [sflag:$0x9] =	stream.linear.gather [hbm4b:s26+s3], $0x50, $0x38;
	[tilespmem:$0x1E400] =	vst v63  }
0x91: {  	_ =	swait.ge [sflag:s29], $0x50  }
0x92: {  	[sflag:s29] =	ssyncset.done $0x0  }
0x93: {  	[sflag:s29] =	ssyncadd.s32 $0xFFFFFFB0  }
0x94: {  	[tilespmem:s13], [sflag:$0x4] =	stream.indirect.gather [hbm4b:s4+s31], $0x80, s12, s31, $0xb8;
	[tilespmem:$0x1E400] =	vst v63  }
0x95: {  	_ =	swait.ge [sflag:s14], $0x2800  }
0x96: {  	s8 =	rddreg [dreg:$0x7];
	[sflag:s14] =	ssyncset.done $0x0  }
0x97: {  	[sflag:s14] =	ssyncadd.s32 $0xFFFFD800;
	s26 =	sadd.s32 $0x0, s8  }
0x98: {  	[tilespmem:s15], [sflag:$0x9] =	stream.linear.gather [hbm4b:s26+s3], $0x50, $0x38;
	[tilespmem:$0x1E400] =	vst v63  }
0x99: {  	_ =	swait.ge [sflag:s29], $0x50  }
0x9a: {  	[sflag:s29] =	ssyncset.done $0x0  }
0x9b: {  	[sflag:s29] =	ssyncadd.s32 $0xFFFFFFB0  }
0x9c: {  	[spmem:s2] =	stream.indirect.scatter.add.f32 [tilespmem:s5], [sflag:$0x6], $0x80, s15, s31, $0xb8;
	[tilespmem:$0x1E400] =	vst v63  }
0x9d: {  	_ =	swait.ge [sflag:s16], $0x2800  }
0x9e: {  	s28 =	rddreg [dreg:$0x6];
	[sflag:s16] =	ssyncset.done $0x0  }
0x9f: {  	[sflag:s16] =	ssyncadd.s32 $0xFFFFD800;
	s26 =	sadd.s32 $0x0, s28  }
0xa0: {  	[tilespmem:s30], [sflag:$0x9] =	stream.linear.gather [hbm4b:s26+s3], $0x50, $0x38;
	[tilespmem:$0x1E400] =	vst v63  }
0xa1: {  	_ =	swait.ge [sflag:s29], $0x50  }
0xa2: {  	[sflag:s29] =	ssyncset.done $0x0  }
0xa3: {  	[sflag:s29] =	ssyncadd.s32 $0xFFFFFFB0  }
0xa4: {  	[tilespmem:s0], [sflag:$0x1] =	stream.indirect.gather [hbm4b:s4+s31], $0x80, s30, s31, $0xb8;
	[tilespmem:$0x1E400] =	vst v63  }
0xa5: {  	_ =	swait.ge [sflag:s17], $0x2800  }
0xa6: {  	s8 =	rddreg [dreg:$0x5];
	[sflag:s17] =	ssyncset.done $0x0  }
0xa7: {  	[sflag:s17] =	ssyncadd.s32 $0xFFFFD800;
	s26 =	sadd.s32 $0x0, s8  }
0xa8: {  	[tilespmem:s18], [sflag:$0x9] =	stream.linear.gather [hbm4b:s26+s3], $0x50, $0x38;
	[tilespmem:$0x1E400] =	vst v63  }
0xa9: {  	_ =	swait.ge [sflag:s29], $0x50  }
0xaa: {  	[sflag:s29] =	ssyncset.done $0x0  }
0xab: {  	[sflag:s29] =	ssyncadd.s32 $0xFFFFFFB0  }
0xac: {  	[spmem:s2] =	stream.indirect.scatter.add.f32 [tilespmem:s9], [sflag:$0x7], $0x80, s18, s31, $0xb8;
	[tilespmem:$0x1E400] =	vst v63  }
0xad: {  	_ =	swait.ge [sflag:s19], $0x2800  }
0xae: {  	s28 =	rddreg [dreg:$0x4];
	[sflag:s19] =	ssyncset.done $0x0  }
0xaf: {  	[sflag:s19] =	ssyncadd.s32 $0xFFFFD800;
	s26 =	sadd.s32 $0x0, s28  }
0xb0: {  	[tilespmem:s1], [sflag:$0x9] =	stream.linear.gather [hbm4b:s26+s3], $0x50, $0x38;
	[tilespmem:$0x1E400] =	vst v63  }
0xb1: {  	_ =	swait.ge [sflag:s29], $0x50  }
0xb2: {  	[sflag:s29] =	ssyncset.done $0x0  }
0xb3: {  	[sflag:s29] =	ssyncadd.s32 $0xFFFFFFB0  }
0xb4: {  	[tilespmem:s5], [sflag:$0x2] =	stream.indirect.gather [hbm4b:s4+s31], $0x80, s1, s31, $0xb8;
	[tilespmem:$0x1E400] =	vst v63  }
0xb5: {  	_ =	swait.ge [sflag:s20], $0x2800  }
0xb6: {  	s8 =	rddreg [dreg:$0xa];
	[sflag:s20] =	ssyncset.done $0x0  }
0xb7: {  	[sflag:s20] =	ssyncadd.s32 $0xFFFFD800;
	s26 =	sadd.s32 $0x0, s8  }
0xb8: {  	[tilespmem:s21], [sflag:$0x9] =	stream.linear.gather [hbm4b:s26+s3], $0x50, $0x38;
	[tilespmem:$0x1E400] =	vst v63  }
0xb9: {  	_ =	swait.ge [sflag:s29], $0x50  }
0xba: {  	[sflag:s29] =	ssyncset.done $0x0  }
0xbb: {  	[sflag:s29] =	ssyncadd.s32 $0xFFFFFFB0  }
0xbc: {  	[spmem:s2] =	stream.indirect.scatter.add.f32 [tilespmem:s13], [sflag:$0x8], $0x80, s21, s31, $0xb8;
	[tilespmem:$0x1E400] =	vst v63  }
0xbd: {  	_ =	swait.ge [sflag:s22], $0x2800  }
0xbe: {  	s28 =	rddreg [dreg:$0x3];
	[sflag:s22] =	ssyncset.done $0x0  }
0xbf: {  	[sflag:s22] =	ssyncadd.s32 $0xFFFFD800;
	s26 =	sadd.s32 $0x0, s28  }
0xc0: {  	[tilespmem:s6], [sflag:$0x9] =	stream.linear.gather [hbm4b:s26+s3], $0x50, $0x38;
	[tilespmem:$0x1E400] =	vst v63  }
0xc1: {  	_ =	swait.ge [sflag:s29], $0x50  }
0xc2: {  	[sflag:s29] =	ssyncset.done $0x0  }
0xc3: {  	s26 =	simm.s32 $0x28;
	[sflag:s29] =	ssyncadd.s32 $0xFFFFFFB0  }
.LBB2_2:
0xc4: {  	[tilespmem:s9], [sflag:$0x3] =	stream.indirect.gather [hbm4b:s4+s31], $0x80, s6, s31, $0xb8;
	[tilespmem:$0x1E400] =	vst v63  }
0xc5: {  	_ =	swait.ge [sflag:s10], $0x2800  }
0xc6: {  	s28 =	smov.u32 s26;
	s8 =	rddreg [dreg:$0x8];
	[sflag:s10] =	ssyncset.done $0x0  }
0xc7: {  	[sflag:s10] =	ssyncadd.s32 $0xFFFFD800;
	s8 =	sadd.s32 s28, s8  }
0xc8: {  	[tilespmem:s11], [sflag:$0x9] =	stream.linear.gather [hbm4b:s8+s3], $0x50, $0x38;
	[tilespmem:$0x1E400] =	vst v63  }
0xc9: {  	_ =	swait.ge [sflag:s29], $0x50  }
0xca: {  	[sflag:s29] =	ssyncset.done $0x0  }
0xcb: {  	[sflag:s29] =	ssyncadd.s32 $0xFFFFFFB0  }
0xcc: {  	[spmem:s2] =	stream.indirect.scatter.add.f32 [tilespmem:s0], [sflag:$0x5], $0x80, s11, s31, $0xb8;
	[tilespmem:$0x1E400] =	vst v63  }
0xcd: {  	_ =	swait.ge [sflag:s23], $0x2800  }
0xce: {  	s8 =	rddreg [dreg:$0x9];
	[sflag:s23] =	ssyncset.done $0x0  }
0xcf: {  	[sflag:s23] =	ssyncadd.s32 $0xFFFFD800;
	s8 =	sadd.s32 s28, s8  }
0xd0: {  	[tilespmem:s12], [sflag:$0x9] =	stream.linear.gather [hbm4b:s8+s3], $0x50, $0x38;
	[tilespmem:$0x1E400] =	vst v63  }
0xd1: {  	_ =	swait.ge [sflag:s29], $0x50  }
0xd2: {  	[sflag:s29] =	ssyncset.done $0x0  }
0xd3: {  	[sflag:s29] =	ssyncadd.s32 $0xFFFFFFB0  }
0xd4: {  	[tilespmem:s13], [sflag:$0x4] =	stream.indirect.gather [hbm4b:s4+s31], $0x80, s12, s31, $0xb8;
	[tilespmem:$0x1E400] =	vst v63  }
0xd5: {  	_ =	swait.ge [sflag:s14], $0x2800  }
0xd6: {  	s8 =	rddreg [dreg:$0x7];
	[sflag:s14] =	ssyncset.done $0x0  }
0xd7: {  	[sflag:s14] =	ssyncadd.s32 $0xFFFFD800;
	s8 =	sadd.s32 s28, s8  }
0xd8: {  	[tilespmem:s15], [sflag:$0x9] =	stream.linear.gather [hbm4b:s8+s3], $0x50, $0x38;
	[tilespmem:$0x1E400] =	vst v63  }
0xd9: {  	_ =	swait.ge [sflag:s29], $0x50  }
0xda: {  	[sflag:s29] =	ssyncset.done $0x0  }
0xdb: {  	[sflag:s29] =	ssyncadd.s32 $0xFFFFFFB0  }
0xdc: {  	[spmem:s2] =	stream.indirect.scatter.add.f32 [tilespmem:s5], [sflag:$0x6], $0x80, s15, s31, $0xb8;
	[tilespmem:$0x1E400] =	vst v63  }
0xdd: {  	_ =	swait.ge [sflag:s16], $0x2800  }
0xde: {  	s8 =	rddreg [dreg:$0x6];
	[sflag:s16] =	ssyncset.done $0x0  }
0xdf: {  	[sflag:s16] =	ssyncadd.s32 $0xFFFFD800;
	s8 =	sadd.s32 s28, s8  }
0xe0: {  	[tilespmem:s30], [sflag:$0x9] =	stream.linear.gather [hbm4b:s8+s3], $0x50, $0x38;
	[tilespmem:$0x1E400] =	vst v63  }
0xe1: {  	_ =	swait.ge [sflag:s29], $0x50  }
0xe2: {  	[sflag:s29] =	ssyncset.done $0x0  }
0xe3: {  	[sflag:s29] =	ssyncadd.s32 $0xFFFFFFB0  }
0xe4: {  	[tilespmem:s0], [sflag:$0x1] =	stream.indirect.gather [hbm4b:s4+s31], $0x80, s30, s31, $0xb8;
	[tilespmem:$0x1E400] =	vst v63  }
0xe5: {  	_ =	swait.ge [sflag:s17], $0x2800  }
0xe6: {  	s8 =	rddreg [dreg:$0x5];
	[sflag:s17] =	ssyncset.done $0x0  }
0xe7: {  	[sflag:s17] =	ssyncadd.s32 $0xFFFFD800;
	s8 =	sadd.s32 s28, s8  }
0xe8: {  	[tilespmem:s18], [sflag:$0x9] =	stream.linear.gather [hbm4b:s8+s3], $0x50, $0x38;
	[tilespmem:$0x1E400] =	vst v63  }
0xe9: {  	_ =	swait.ge [sflag:s29], $0x50  }
0xea: {  	[sflag:s29] =	ssyncset.done $0x0  }
0xeb: {  	[sflag:s29] =	ssyncadd.s32 $0xFFFFFFB0  }
0xec: {  	[spmem:s2] =	stream.indirect.scatter.add.f32 [tilespmem:s9], [sflag:$0x7], $0x80, s18, s31, $0xb8;
	[tilespmem:$0x1E400] =	vst v63  }
0xed: {  	_ =	swait.ge [sflag:s19], $0x2800  }
0xee: {  	s8 =	rddreg [dreg:$0x4];
	[sflag:s19] =	ssyncset.done $0x0  }
0xef: {  	[sflag:s19] =	ssyncadd.s32 $0xFFFFD800;
	s8 =	sadd.s32 s28, s8  }
0xf0: {  	[tilespmem:s1], [sflag:$0x9] =	stream.linear.gather [hbm4b:s8+s3], $0x50, $0x38;
	[tilespmem:$0x1E400] =	vst v63  }
0xf1: {  	_ =	swait.ge [sflag:s29], $0x50  }
0xf2: {  	[sflag:s29] =	ssyncset.done $0x0  }
0xf3: {  	[sflag:s29] =	ssyncadd.s32 $0xFFFFFFB0  }
0xf4: {  	[tilespmem:s5], [sflag:$0x2] =	stream.indirect.gather [hbm4b:s4+s31], $0x80, s1, s31, $0xb8;
	[tilespmem:$0x1E400] =	vst v63  }
0xf5: {  	_ =	swait.ge [sflag:s20], $0x2800  }
0xf6: {  	s8 =	rddreg [dreg:$0xa];
	[sflag:s20] =	ssyncset.done $0x0  }
0xf7: {  	[sflag:s20] =	ssyncadd.s32 $0xFFFFD800;
	s8 =	sadd.s32 s28, s8  }
0xf8: {  	[tilespmem:s21], [sflag:$0x9] =	stream.linear.gather [hbm4b:s8+s3], $0x50, $0x38;
	[tilespmem:$0x1E400] =	vst v63  }
0xf9: {  	_ =	swait.ge [sflag:s29], $0x50  }
0xfa: {  	[sflag:s29] =	ssyncset.done $0x0  }
0xfb: {  	[sflag:s29] =	ssyncadd.s32 $0xFFFFFFB0  }
0xfc: {  	[spmem:s2] =	stream.indirect.scatter.add.f32 [tilespmem:s13], [sflag:$0x8], $0x80, s21, s31, $0xb8;
	[tilespmem:$0x1E400] =	vst v63  }
0xfd: {  	_ =	swait.ge [sflag:s22], $0x2800  }
0xfe: {  	p0 =	sne.s32 s26, $0x460;
	s8 =	rddreg [dreg:$0x3];
	[sflag:s22] =	ssyncset.done $0x0  }
.Ltmp0:
0xff: {  	[sflag:s22] =	ssyncadd.s32 $0xFFFFD800;
	s8 =	sadd.s32 s28, s8;
	(pc) =	sbr.rel @p0 .LBB2_2-.Ltmp0, $4  }
0x100: {  	[tilespmem:s6], [sflag:$0x9] =	stream.linear.gather [hbm4b:s8+s3], $0x50, $0x38;
	[tilespmem:$0x1E400] =	vst v63  }
0x101: {  	_ =	swait.ge [sflag:s29], $0x50  }
0x102: {  	[sflag:s29] =	ssyncset.done $0x0  }
0x103: {  	s26 =	sadd.s32 $0x28, s26;
	[sflag:s29] =	ssyncadd.s32 $0xFFFFFFB0  }
0x104: {  	[tilespmem:s9], [sflag:$0x3] =	stream.indirect.gather [hbm4b:s4+s31], $0x80, s6, s31, $0xb8;
	[tilespmem:$0x1E400] =	vst v63  }
0x105: {  	_ =	swait.ge [sflag:s10], $0x2800  }
0x106: {  	[sflag:s10] =	ssyncset.done $0x0  }
0x107: {  	s8 =	rddreg [dreg:$0x18];
	[sflag:s10] =	ssyncadd.s32 $0xFFFFD800  }
0x108: {  	[tilespmem:s11], [sflag:$0x9] =	stream.linear.gather [hbm4b:s8+s3], $0x50, $0x38;
	[tilespmem:$0x1E400] =	vst v63  }
0x109: {  	_ =	swait.ge [sflag:s29], $0x50  }
0x10a: {  	[sflag:s29] =	ssyncset.done $0x0  }
0x10b: {  	[sflag:s29] =	ssyncadd.s32 $0xFFFFFFB0  }
0x10c: {  	[spmem:s2] =	stream.indirect.scatter.add.f32 [tilespmem:s0], [sflag:$0x5], $0x80, s11, s31, $0xb8;
	[tilespmem:$0x1E400] =	vst v63  }
0x10d: {  	_ =	swait.ge [sflag:s23], $0x2800  }
0x10e: {  	[sflag:s23] =	ssyncset.done $0x0  }
0x10f: {  	s26 =	rddreg [dreg:$0x19];
	[sflag:s23] =	ssyncadd.s32 $0xFFFFD800  }
0x110: {  	[tilespmem:s12], [sflag:$0x9] =	stream.linear.gather [hbm4b:s26+s3], $0x50, $0x38;
	[tilespmem:$0x1E400] =	vst v63  }
0x111: {  	_ =	swait.ge [sflag:s29], $0x50  }
0x112: {  	[sflag:s29] =	ssyncset.done $0x0  }
0x113: {  	[sflag:s29] =	ssyncadd.s32 $0xFFFFFFB0  }
0x114: {  	[tilespmem:s13], [sflag:$0x4] =	stream.indirect.gather [hbm4b:s4+s31], $0x80, s12, s31, $0xb8;
	[tilespmem:$0x1E400] =	vst v63  }
0x115: {  	_ =	swait.ge [sflag:s14], $0x2800  }
0x116: {  	[sflag:s14] =	ssyncset.done $0x0  }
0x117: {  	s28 =	rddreg [dreg:$0x1a];
	[sflag:s14] =	ssyncadd.s32 $0xFFFFD800  }
0x118: {  	[tilespmem:s15], [sflag:$0x9] =	stream.linear.gather [hbm4b:s28+s3], $0x50, $0x38;
	[tilespmem:$0x1E400] =	vst v63  }
0x119: {  	_ =	swait.ge [sflag:s29], $0x50  }
0x11a: {  	[sflag:s29] =	ssyncset.done $0x0  }
0x11b: {  	[sflag:s29] =	ssyncadd.s32 $0xFFFFFFB0  }
0x11c: {  	[spmem:s2] =	stream.indirect.scatter.add.f32 [tilespmem:s5], [sflag:$0x6], $0x80, s15, s31, $0xb8;
	[tilespmem:$0x1E400] =	vst v63  }
0x11d: {  	_ =	swait.ge [sflag:s16], $0x2800  }
0x11e: {  	[sflag:s16] =	ssyncset.done $0x0  }
0x11f: {  	s26 =	rddreg [dreg:$0x1b];
	[sflag:s16] =	ssyncadd.s32 $0xFFFFD800  }
0x120: {  	[tilespmem:s30], [sflag:$0x9] =	stream.linear.gather [hbm4b:s26+s3], $0x50, $0x38;
	[tilespmem:$0x1E400] =	vst v63  }
0x121: {  	_ =	swait.ge [sflag:s29], $0x50  }
0x122: {  	[sflag:s29] =	ssyncset.done $0x0  }
0x123: {  	[sflag:s29] =	ssyncadd.s32 $0xFFFFFFB0  }
0x124: {  	[tilespmem:s0], [sflag:$0x1] =	stream.indirect.gather [hbm4b:s4+s31], $0x80, s30, s31, $0xb8;
	[tilespmem:$0x1E400] =	vst v63  }
0x125: {  	_ =	swait.ge [sflag:s17], $0x2800  }
0x126: {  	[sflag:s17] =	ssyncset.done $0x0  }
0x127: {  	s28 =	rddreg [dreg:$0x1c];
	[sflag:s17] =	ssyncadd.s32 $0xFFFFD800  }
0x128: {  	[tilespmem:s18], [sflag:$0x9] =	stream.linear.gather [hbm4b:s28+s3], $0x50, $0x38;
	[tilespmem:$0x1E400] =	vst v63  }
0x129: {  	_ =	swait.ge [sflag:s29], $0x50  }
0x12a: {  	[sflag:s29] =	ssyncset.done $0x0  }
0x12b: {  	[sflag:s29] =	ssyncadd.s32 $0xFFFFFFB0  }
0x12c: {  	[spmem:s2] =	stream.indirect.scatter.add.f32 [tilespmem:s9], [sflag:$0x7], $0x80, s18, s31, $0xb8;
	[tilespmem:$0x1E400] =	vst v63  }
0x12d: {  	_ =	swait.ge [sflag:s20], $0x2800  }
0x12e: {  	[sflag:s20] =	ssyncset.done $0x0  }
0x12f: {  	s26 =	rddreg [dreg:$0x1f];
	[sflag:s20] =	ssyncadd.s32 $0xFFFFD800  }
0x130: {  	[tilespmem:s21], [sflag:$0x9] =	stream.linear.gather [hbm4b:s26+s3], $0x50, $0x38;
	[tilespmem:$0x1E400] =	vst v63  }
0x131: {  	_ =	swait.ge [sflag:s29], $0x50  }
0x132: {  	[sflag:s29] =	ssyncset.done $0x0  }
0x133: {  	[sflag:s29] =	ssyncadd.s32 $0xFFFFFFB0  }
0x134: {  	[spmem:s2] =	stream.indirect.scatter.add.f32 [tilespmem:s13], [sflag:$0x8], $0x80, s21, s31, $0xb8;
	[tilespmem:$0x1E400] =	vst v63  }
0x135: {  	_ =	swait.ge [sflag:s10], $0x2800  }
0x136: {  	s28 =	sld [smem:$0x7FD]  }
0x137: {  	[sflag:s10] =	ssyncset.done $0x0  }
0x138: {  	[sflag:s10] =	ssyncadd.s32 $0xFFFFD800  }
0x139: {  	[tilespmem:s11], [sflag:$0x9] =	stream.linear.gather [hbm4b:s28+s3], $0x50, $0x38;
	[tilespmem:$0x1E400] =	vst v63  }
0x13a: {  	_ =	swait.ge [sflag:s29], $0x50  }
0x13b: {  	[sflag:s29] =	ssyncset.done $0x0  }
0x13c: {  	[sflag:s29] =	ssyncadd.s32 $0xFFFFFFB0  }
0x13d: {  	[spmem:s2] =	stream.indirect.scatter.add.f32 [tilespmem:s0], [sflag:$0x5], $0x80, s11, s31, $0xb8;
	[tilespmem:$0x1E400] =	vst v63  }
0x13e: {  	_ =	swait.ge [sflag:s19], $0x2800  }
0x13f: {  	[sflag:s19] =	ssyncset.done $0x0  }
0x140: {  	[sflag:s19] =	ssyncadd.s32 $0xFFFFD800  }
0x141: {  	_ =	swait.ge [sflag:s22], $0x2800  }
0x142: {  	[sflag:s22] =	ssyncset.done $0x0  }
0x143: {  	[sflag:s22] =	ssyncadd.s32 $0xFFFFD800  }
0x144: {  	_ =	swait.ge [sflag:s23], $0x2800  }
0x145: {  	[sflag:s23] =	ssyncset.done $0x0  }
0x146: {  	[sflag:s23] =	ssyncadd.s32 $0xFFFFD800  }
0x147: {  	_ =	swait.ge [sflag:s16], $0x2800  }
0x148: {  	[sflag:s16] =	ssyncset.done $0x0  }
0x149: {  	[sflag:s16] =	ssyncadd.s32 $0xFFFFD800  }
0x14a: {  	[bflag:$0x0] =	sbarrier.arrive $0xFFFF  }
0x14b: {  	s26 =	rddreg [dreg:$0x1d]  }
0x14c: {  	[hbm:s26], [sflag:s7] =	dma.local [spmem:s25], $0x2800  }
0x14d: {  	_ =	swait.ge [sflag:s29], $0x2800  }
0x14e: {  	s24 =	sadd.s32 $0x1, s24;
	s28 =	rddreg [dreg:$0x1e]  }
0x14f: {  	p0 =	sne.s32 s24, s28  }
.Ltmp1:
0x150: {  	_ = 	snop;
	(pc) =	sbr.rel @p0 .LBB2_1-.Ltmp1, $3  }
0x151: {  	_ =	sdelay $0x1  }
0x152: {  	[sflag:s29] =	ssyncset.done $0x0  }
0x153: {  	[sflag:s29] =	ssyncadd.s32 $0xFFFFD800  }
0x154: {  	_ =	sfence.sel $0x180000  }
0x155: {  	[bflag:$0x0] =	sbarrier.arrive $0xFFFF  }
0x156: {  	_ =	strace $0x9000004A  }
0x157: {  	s0 =	stileid.u32;
	[bflag:$0x2] =	sbarrier.arrive $0xFFFF  }
0x158: {  	p0 =	sne.s32 s0, $0x0;
	s0 =	rddreg [dreg:$0x2]  }
0x159: {  	s0 =	sadd.s32 @!p0 $0x100000, s0  }
0x15a: {  	[sflag:s0] =	ssyncadd.tile.s32 @!p0 $0x1;
	_ =	shalt  }
.Lfunc_end2:
_tile_overlayer_lowered:
.L_overlay_start_2:
0x15b: {  	(tag) =	ssettag $0x2  }
0x15c: {  	s0 =	rddreg [dreg:$0x0];
	s2 =	stileid.u32  }
0x15d: {  	s1 =	rddreg [dreg:$0x1];
	p0 =	sne.s32 s2, $0x0  }
0x15e: {  	s3 =	rddreg [dreg:$0x2];
	[bflag:$0x3] =	sbarrier.arrive $0xFFFF;
	s2 =	simm.s32 @!p0 $0x1C09  }
0x15f: {  	[timem:s3], [sflag:s2] =	dma.local @!p0 [hbm:s0], s1  }
0x160: {  	s0 =	simm.s32 @!p0 $0x9  }
0x161: {  	_ =	swait.ge @!p0 [sflag:s0], s1  }
0x162: {  	s1 =	ssub.s32 @!p0 $0x0, s1;
	[sflag:s0] =	ssyncset.done @!p0 $0x0  }
0x163: {  	[sflag:s0] =	ssyncadd.s32 @!p0 s1  }
0x164: {  	[bflag:$0x3] =	sbarrier.arrive $0xFFFF  }
0x165: {  	_ =	shalt  }

// kernel: kernel.17.cloned.1.call-start
scs
__scs_entry_jumppad:
0x0: {  	(pc) =	sbr.rel $0x88, $3  }
0x1: {  	(tag) =	ssettag $0x0;
	lr =	simm.s32 $0x1  }
0x2: {  	[smem:$0x3F95] =	sst lr;
	_ =	strace $0xD0000000  }
0x3: {  	_ = 	snop  }
0x4: {  	_ = 	snop  }
0x5: {  	_ = 	snop  }
0x6: {  	_ = 	snop  }
0x7: {  	_ = 	snop  }
__scs_overlays_trampoline_lowered:
0x8: {  	[smem:$0x3FA4] =	sst s0  }
0x9: {  	[smem:$0x3FA5] =	sst s1  }
0xa: {  	[smem:$0x3FA6] =	sst s2  }
0xb: {  	[smem:$0x3FA7] =	sst s3  }
0xc: {  	[smem:$0x3FA8] =	sst s4  }
0xd: {  	[smem:$0x3FA9] =	sst s5  }
0xe: {  	[smem:$0x3FAA] =	sst s6  }
0xf: {  	[smem:$0x3FAB] =	sst s7  }
0x10: {  	[smem:$0x3FAC] =	sst s8  }
0x11: {  	[smem:$0x3FAD] =	sst s9;
	s0 =	simm.s32 @!p0 $0x0  }
0x12: {  	s1 =	sld [smem:$0x3F93];
	s0 =	simm.s32 @p0 $0x1  }
0x13: {  	[smem:$0x3FAE] =	sst s0;
	s0 =	simm.s32 @!p1 $0x0  }
0x14: {  	s2 =	sld [smem:$0x3F92];
	s0 =	simm.s32 @p1 $0x1  }
0x15: {  	[smem:$0x3FAF] =	sst s0;
	s0 =	simm.s32 @!p2 $0x0  }
0x16: {  	s3 =	sld [smem:$0x3FDB];
	s0 =	simm.s32 @p2 $0x1  }
0x17: {  	s4 =	simm.s32 $0x1BF5;
	[smem:$0x3FB1] =	sst s0  }
0x18: {  	s0 =	sld [smem:$0x3F94];
	_ =	swait.ge [sflag:s4], $0x0  }
0x19: {  	s7 =	sld [smem:$0x3F95]  }
0x1a: {  	s8 =	sadd.s32 $0xFFFFE003, lr  }
0x1b: {  	s9 =	sadd.s32 $0xFFFFFEF7, lr;
	s5 =	simm.s32 $0xFFFFFFFF;
	p2 =	slt.u32 s8, $0xFFFFF086  }
0x1c: {  	p1 =	slt.u32 s9, $0xF7A;
	s5 =	simm.s32 @!p2 $0x0  }
0x1d: {  	s5 =	simm.s32 @p1 $0x1;
	p0 =	seq.s32 s7, s2  }
0x1e: {  	s7 =	smul.u32 @!p0 $0xF7A, s2;
	p2 =	seq.s32 @!p0 s5, $0x0  }
0x1f: {  	s9 =	smul.u32 $0xF7A, s1;
	s8 =	simm.s32 @!p0 $0x1BF5;
	p2 =	por !p2, p0  }
0x20: {  	[sflag:s8] =	ssyncset.s32 @!p0 $0xFFFFF086;
	s6 =	sadd.s32 @!p0 s3, s7;
	s7 =	simm.s32 @!p0 $0x108  }
0x21: {  	s3 =	sadd.s32 s3, s9;
	s6 =	sadd.s32 @!p0 $0x88, s6;
	s7 =	simm.s32 @p2 $0x1082  }
0x22: {  	[simem:s7], [sflag:s8] =	dma.local @!p0 [hbm:s6], $0xF7A  }
0x23: {  	s9 =	sor.u32 $0xD0000000, s2;
	s6 =	simm.s32 $0x108;
	_ =	swait.ge @!p0 [sflag:s8], $0x0  }
0x24: {  	s3 =	sadd.s32 $0x88, s3;
	s6 =	simm.s32 @!p1 $0x1082;
	[sflag:s4] =	ssyncset.s32 $0xFFFFF086  }
0x25: {  	[simem:s6], [sflag:s4] =	dma.local [hbm:s3], $0xF7A  }
0x26: {  	[smem:$0x3F95] =	sst s1;
	(tag) =	ssettag s2;
	_ =	strace s9  }
0x27: {  	s1 =	sld [smem:$0x3FA5]  }
0x28: {  	s2 =	sld [smem:$0x3FA6]  }
0x29: {  	s4 =	sld [smem:$0x3FA8]  }
0x2a: {  	p0 =	seq.s32 s5, $0x0;
	s5 =	sld [smem:$0x3FA9]  }
0x2b: {  	s6 =	sld [smem:$0x3FAA]  }
0x2c: {  	s7 =	sld [smem:$0x3FAB]  }
0x2d: {  	s3 =	simm.s32 $0x108;
	s8 =	sld [smem:$0x3FAC]  }
0x2e: {  	s3 =	simm.s32 @!p0 $0x1082;
	s9 =	sld [smem:$0x3FAD]  }
0x2f: {  	lr =	sadd.s32 s0, s3;
	s0 =	sld [smem:$0x3FA4]  }
0x30: {  	s3 =	sld [smem:$0x3FA7]  }
0x31: {  	[smem:$0x3FB0] =	sst s10  }
0x32: {  	s10 =	sld [smem:$0x3FAE];
	_ =	sdelay $0x3  }
0x33: {  	p0 =	seq.s32 s10, $0x1;
	s10 =	sld [smem:$0x3FB0];
	_ =	sdelay $0x3  }
0x34: {  	[smem:$0x3FB0] =	sst s10  }
0x35: {  	s10 =	sld [smem:$0x3FAF];
	_ =	sdelay $0x3  }
0x36: {  	p1 =	seq.s32 s10, $0x1;
	s10 =	sld [smem:$0x3FB0];
	_ =	sdelay $0x3  }
0x37: {  	[smem:$0x3FB0] =	sst s10  }
0x38: {  	s10 =	sld [smem:$0x3FB1]  }
0x39: {  	_ = 	snop;
	(pc) =	sbr.ind lr, $3  }
0x3a: {  	_ = 	snop  }
0x3b: {  	_ = 	snop  }
0x3c: {  	p2 =	seq.s32 s10, $0x1;
	s10 =	sld [smem:$0x3FB0]  }
0x3d: {  	_ =	shalt  }
0x3e: {  	_ =	shalt  }
0x3f: {  	_ =	shalt  }
0x40: {  	_ =	shalt  }
0x41: {  	_ =	shalt  }
0x42: {  	_ =	shalt  }
0x43: {  	_ =	shalt  }
0x44: {  	_ =	shalt  }
0x45: {  	_ =	shalt  }
0x46: {  	_ =	shalt  }
0x47: {  	_ =	shalt  }
0x48: {  	_ =	shalt  }
0x49: {  	_ =	shalt  }
0x4a: {  	_ =	shalt  }
0x4b: {  	_ =	shalt  }
0x4c: {  	_ =	shalt  }
0x4d: {  	_ =	shalt  }
0x4e: {  	_ =	shalt  }
0x4f: {  	_ =	shalt  }
0x50: {  	_ =	shalt  }
0x51: {  	_ =	shalt  }
0x52: {  	_ =	shalt  }
0x53: {  	_ =	shalt  }
0x54: {  	_ =	shalt  }
0x55: {  	_ =	shalt  }
0x56: {  	_ =	shalt  }
0x57: {  	_ =	shalt  }
0x58: {  	_ =	shalt  }
0x59: {  	_ =	shalt  }
0x5a: {  	_ =	shalt  }
0x5b: {  	_ =	shalt  }
0x5c: {  	_ =	shalt  }
0x5d: {  	_ =	shalt  }
0x5e: {  	_ =	shalt  }
0x5f: {  	_ =	shalt  }
0x60: {  	_ =	shalt  }
0x61: {  	_ =	shalt  }
0x62: {  	_ =	shalt  }
0x63: {  	_ =	shalt  }
0x64: {  	_ =	shalt  }
0x65: {  	_ =	shalt  }
0x66: {  	_ =	shalt  }
0x67: {  	_ =	shalt  }
0x68: {  	_ =	shalt  }
0x69: {  	_ =	shalt  }
0x6a: {  	_ =	shalt  }
0x6b: {  	_ =	shalt  }
0x6c: {  	_ =	shalt  }
0x6d: {  	_ =	shalt  }
0x6e: {  	_ =	shalt  }
0x6f: {  	_ =	shalt  }
0x70: {  	_ =	shalt  }
0x71: {  	_ =	shalt  }
0x72: {  	_ =	shalt  }
0x73: {  	_ =	shalt  }
0x74: {  	_ =	shalt  }
0x75: {  	_ =	shalt  }
0x76: {  	_ =	shalt  }
0x77: {  	_ =	shalt  }
0x78: {  	_ =	shalt  }
0x79: {  	_ =	shalt  }
0x7a: {  	_ =	shalt  }
0x7b: {  	_ =	shalt  }
0x7c: {  	_ =	shalt  }
0x7d: {  	_ =	shalt  }
0x7e: {  	_ =	shalt  }
0x7f: {  	_ =	shalt  }
0x80: {  	_ =	shalt  }
0x81: {  	_ =	shalt  }
0x82: {  	_ =	shalt  }
0x83: {  	_ =	shalt  }
0x84: {  	_ =	shalt  }
0x85: {  	_ =	shalt  }
0x86: {  	_ =	shalt  }
0x87: {  	_ =	shalt  }
.Lfunc_end0:
.L_simem_size_0:
called_computation.2_lowered:
.L_overlay_start_0:
0x88: {  	s2 =	sld [smem:$0x3FD9]  }
0x89: {  	s3 =	sld [smem:$0x3FFE];
	_ =	sdelay $0x1  }
0x8a: {  	s1 =	srdreg.scid  }
0x8b: {  	s0 =	sand.u32 $0x1, s1  }
0x8c: {  	s16 =	sshll.u32 s0, $0xA;
	s2 =	sadd.s32 s3, s2  }
0x8d: {  	s2 =	sadd.s32 s2, s16  }
0x8e: {  	[smem:$0x3FBC] =	sst s2  }
0x8f: {  	_ = 	snop  }
0x90: {  	(tm) =	ssettm $0x1  }
0x91: {  	s17 =	sld [smem:$0x3FFB];
	_ =	sdelay $0x3  }
0x92: {  	_ =	strace s17  }
0x93: {  	s2 =	sld [smem:$0x3FFC];
	_ =	sdelay $0x3  }
0x94: {  	_ =	strace s2  }
0x95: {  	s2 =	sld [smem:$0x3FFD];
	_ =	sdelay $0x3  }
0x96: {  	_ =	strace s2  }
0x97: {  	_ =	strace $0x8FFFFFFF  }
0x98: {  	s18 =	sld [smem:$0x3FDB];
	_ =	sdelay $0x1  }
0x99: {  	s19 =	simm.s32 $_scs_section_size  }
0x9a: {  	s4 =	simm.s32 $_size__tile_overlayer_lowered;
	s5 =	simm.s32 $_tile_overlayer_lowered  }
0x9b: {  	s22 =	simm.s32 $0x1BFF;
	s21 =	sshll.u32 s5, $0x1;
	s2 =	sadd.s32 s19, s18  }
0x9c: {  	s6 =	simm.s32 $0x0;
	s20 =	sshll.u32 s4, $0x1;
	s4 =	sadd.s32 s21, s2  }
0x9d: {  	[timem:s6], [sflag:s22] =	dma.local [hbm:s4], s20  }
0x9e: {  	_ =	swait.ge [sflag:s22], s20  }
0x9f: {  	s3 =	ssub.s32 $0x0, s20;
	[sflag:s22] =	ssyncset.done $0x0  }
0xa0: {  	[sflag:s22] =	ssyncadd.s32 s3;
	_ =	sdelay $0x1  }
0xa1: {  	s23 =	simm.s32 $0x1B8B  }
0xa2: {  	_ =	swait.ge [sflag:s23], $0x1  }
0xa3: {  	[sflag:s23] =	ssyncset.done $0x0  }
0xa4: {  	s25 =	simm.s32 $0x1B8E;
	s24 =	sld [smem:$0x3FFE];
	[sflag:s23] =	ssyncadd.s32 $0xFFFFFFFF  }
0xa5: {  	s26 =	simm.s32 $execute0_lowered;
	[smem:$0x3FD2] =	sst s25  }
0xa6: {  	s4 =	sshll.u32 s26, $0x1;
	_ =	strace $0x8000004C;
	[dreg:$0x1] =	wrdreg $0xFFFFFFFF  }
0xa7: {  	s28 =	simm.s32 $_size_execute0_lowered;
	s2 =	sadd.s32 s2, s4;
	[dreg:$0x0] =	wrdreg $0x0  }
0xa8: {  	s4 =	sshll.u32 s28, $0x1;
	[dreg:$0x2] =	wrdreg s2  }
0xa9: {  	[dreg:$0x3] =	wrdreg s4  }
0xaa: {  	[dreg:$0x4] =	wrdreg $0xC0  }
0xab: {  	_ =	task [dreg:s6], $0x5FFFF  }
0xac: {  	[dreg:$0x1] =	wrdreg $0xFFFFFFFF  }
0xad: {  	[dreg:$0x0] =	wrdreg $0x60  }
0xae: {  	[dreg:$0x2] =	wrdreg s24  }
0xaf: {  	[dreg:$0x3] =	wrdreg $0x0  }
0xb0: {  	[dreg:$0x4] =	wrdreg $0x9  }
0xb1: {  	_ =	task.clear_ibuf [dreg:s6], $0x5FFFF;
	_ =	strace $0x9000004C  }
0xb2: {  	s29 =	simm.s32 $0x9;
	_ =	strace $0x8000004E  }
0xb3: {  	_ =	swait.ge [sflag:s29], $0x1  }
0xb4: {  	[sflag:s29] =	ssyncadd.s32 $0xFFFFFFFF  }
0xb5: {  	_ =	strace $0x9000004E  }
0xb6: {  	_ =	sfence  }
0xb7: {  	s30 =	sld [smem:$0x0];
	_ =	sdelay $0x2  }
0xb8: {  	s31 =	sshll.u32 s1, $0xD;
	s1 =	sshrl.u32 s1, $0x2  }
0xb9: {  	s3 =	sand.u32 $0x4000, s31;
	s1 =	sadd.s32 s1, s30  }
0xba: {  	s0 =	sor.u32 s3, s0;
	s1 =	sshll.u32 s1, $0x11  }
0xbb: {  	s0 =	sor.u32 s1, s0  }
0xbc: {  	s0 =	sadd.s32 $0x8F2B, s0  }
0xbd: {  	[sflag:s0] =	ssyncadd.remote.s32 $0x1  }
0xbe: {  	_ =	sfence.sel $0xFFFF  }
0xbf: {  	[dreg:$0x0] =	wrdreg $0xFFFFFFFF;
	(pc) =	sbr.abs _section_cstart, $3  }
0xc0: {  	[dreg:$0x1] =	wrdreg $0xFFFFFFFF  }
0xc1: {  	_ =	task.clear_ibuf [dreg:s6], $0x2FFFF;
	_ =	strace $0x9FFFFFFF  }
0xc2: {  	(tm) =	ssettm $0x7FFFFFFF  }
0xc3: {  	_ =	shalt  }
tec
execute0_lowered:
.L_overlay_start_1:
0x0: {  	(tag) =	ssettag $0x1  }
0x1: {  	s1 =	rddreg [dreg:$0x0]  }
0x2: {  	s2 =	rddreg [dreg:$0x1];
	s11 =	stileid.u32  }
0x3: {  	s0 =	srdreg.scid;
	s5 =	smul.u32 $0x14000, s11  }
0x4: {  	s3 =	simm.s32 $0x0;
	s6 =	sand.u32 $0x1, s0;
	s25 =	smul.u32 $0x50000, s11  }
0x5: {  	[smem:$0x7FF] =	sst s3;
	s4 =	sadd.s32 $0x3F200, s1;
	s12 =	smul.u32 $0x2710, s11  }
0x6: {  	s0 =	sadd.s32 $0x3800, s1;
	s7 =	smul.u32 $0x140000, s6;
	_ =	strace $0x8000004D  }
0x7: {  	s9 =	sshll.u32 s6, $0x4;
	s26 =	ssub.s32 $0x2, s6;
	s6 =	smul.u32 $0x27100, s6  }
0x8: {  	s8 =	sshrl.u32 s5, $0x3;
	s9 =	sor.u32 s11, s9;
	s10 =	sshrl.u32 s26, $0x1  }
0x9: {  	s8 =	sadd.s32 s8, s1;
	s5 =	sadd.s32 s5, s7;
	s7 =	sshrl.u32 s25, $0x2  }
0xa: {  	s9 =	smul.u32 $0x2710, s9;
	s6 =	sadd.s32 s12, s6;
	s5 =	sshrl.u32 s5, $0x3  }
0xb: {  	s7 =	sadd.s32 s7, s2;
	s28 =	sadd.s32 $0x17200, s8;
	s8 =	sshll.u32 s11, $0x6  }
0xc: {  	s20 =	sadd.s32 $0x320, s6;
	s1 =	sadd.s32 s5, s1;
	s5 =	ssub.s32 s26, s10  }
0xd: {  	[dreg:$0xb] =	wrdreg s7;
	s10 =	sshrl.u32 s9, $0x3;
	s9 =	sshrl.u32 s20, $0x3  }
0xe: {  	s24 =	sadd.s32 $0x2D0, s6;
	[dreg:$0xc] =	wrdreg s28;
	s9 =	sadd.s32 s9, s0  }
0xf: {  	s25 =	sshrl.u32 s24, $0x3;
	s24 =	sadd.s32 $0x66400, s1;
	[dreg:$0x3] =	wrdreg s9  }
0x10: {  	s7 =	sor.u32 $0x1C09, s8;
	s8 =	sadd.s32 s0, s10;
	[dreg:$0x1d] =	wrdreg s24  }
0x11: {  	s13 =	sadd.s32 $0xA, s8;
	[dreg:$0xd] =	wrdreg s8  }
0x12: {  	s29 =	simm.s32 $0x9;
	s14 =	sadd.s32 $0x14, s8;
	[dreg:$0xe] =	wrdreg s13  }
0x13: {  	s30 =	simm.s32 $0x14000;
	s15 =	sadd.s32 $0x9C40, s8;
	[dreg:$0xf] =	wrdreg s14  }
0x14: {  	s31 =	simm.s32 $0x50;
	s16 =	sadd.s32 $0x1E, s8;
	[dreg:$0x10] =	wrdreg s15  }
0x15: {  	s26 =	sadd.s32 $0x4E3E0, s6;
	s17 =	sadd.s32 $0x9C4A, s8;
	[dreg:$0x11] =	wrdreg s16  }
0x16: {  	s28 =	sadd.s32 $0x280, s6;
	s18 =	sadd.s32 $0x28, s8;
	[dreg:$0x12] =	wrdreg s17  }
0x17: {  	s10 =	sshrl.u32 s26, $0x3;
	s19 =	sadd.s32 $0x9C54, s8;
	[dreg:$0x13] =	wrdreg s18  }
0x18: {  	s11 =	sshrl.u32 s28, $0x3;
	s21 =	sadd.s32 $0x32, s8;
	[dreg:$0x14] =	wrdreg s19  }
0x19: {  	s1 =	simm.s32 $0x14080;
	s22 =	sadd.s32 $0x9C5E, s8;
	[dreg:$0x15] =	wrdreg s21  }
0x1a: {  	s23 =	sadd.s32 $0x3C, s8;
	s9 =	sadd.s32 s25, s0;
	[dreg:$0x16] =	wrdreg s22  }
0x1b: {  	s10 =	sadd.s32 s10, s0;
	s12 =	sadd.s32 s11, s0;
	[dreg:$0x17] =	wrdreg s23  }
0x1c: {  	s20 =	sadd.s32 $0x4CE, s8;
	s25 =	smax.u32 s5, $0x1;
	[dreg:$0x4] =	wrdreg s9  }
0x1d: {  	s26 =	sadd.s32 $0xA10E, s8;
	s28 =	sadd.s32 $0xA118, s8;
	[dreg:$0x5] =	wrdreg s10  }
0x1e: {  	s5 =	simm.s32 $0x16C00;
	s11 =	simm.s32 $0x14200;
	[dreg:$0x6] =	wrdreg s12  }
0x1f: {  	s24 =	simm.s32 $0x0;
	s13 =	sadd.s32 $0x4E390, s6;
	[dreg:$0x19] =	wrdreg s20  }
0x20: {  	s15 =	sadd.s32 $0x4E340, s6;
	s16 =	sadd.s32 $0xA0F0, s8;
	[dreg:$0x1e] =	wrdreg s25  }
0x21: {  	s18 =	sadd.s32 $0x230, s6;
	s6 =	sadd.s32 $0x4E430, s6;
	[dreg:$0x1f] =	wrdreg s26  }
0x22: {  	s21 =	sadd.s32 $0xA0FA, s8;
	s22 =	sadd.s32 $0x4D8, s8;
	[smem:$0x7FD] =	sst s28  }
0x23: {  	s23 =	sadd.s32 $0xA104, s8;
	s12 =	simm.s32 $0x14180;
	[dreg:$0x18] =	wrdreg s16  }
0x24: {  	s20 =	simm.s32 $0x4;
	s14 =	sshrl.u32 s13, $0x3;
	[dreg:$0x1a] =	wrdreg s21  }
0x25: {  	s10 =	sshrl.u32 s15, $0x3;
	s19 =	sshrl.u32 s18, $0x3;
	[dreg:$0x1b] =	wrdreg s22  }
0x26: {  	s6 =	sshrl.u32 s6, $0x3;
	[dreg:$0x1c] =	wrdreg s23;
	s13 =	simm.s32 $0x1BC00  }
0x27: {  	s15 =	simm.s32 $0x14280;
	s16 =	simm.s32 $0x5;
	s18 =	simm.s32 $0x14300  }
0x28: {  	s21 =	simm.s32 $0x14380;
	s22 =	simm.s32 $0x7;
	s9 =	sadd.s32 s14, s0  }
0x29: {  	s23 =	simm.s32 $0x8;
	s17 =	sadd.s32 s10, s0;
	[dreg:$0x7] =	wrdreg s9  }
0x2a: {  	s10 =	simm.s32 $0x1;
	s14 =	simm.s32 $0x2;
	[dreg:$0x8] =	wrdreg s17  }
0x2b: {  	s9 =	sadd.s32 s19, s0;
	s0 =	sadd.s32 s6, s0;
	s6 =	simm.s32 $0x14100  }
0x2c: {  	s17 =	simm.s32 $0x3;
	s19 =	simm.s32 $0x6;
	[dreg:$0x9] =	wrdreg s9  }
0x2d: {  	[dreg:$0xa] =	wrdreg s0;
	s0 =	simm.s32 $0x14400;
	s9 =	simm.s32 $0x19400  }
.LBB2_1:
0x2e: {  	s8 =	rddreg [dreg:$0xb]  }
0x2f: {  	s28 =	rddreg [dreg:$0xc];
	s25 =	sshrl.u32 s8, $0x3  }
0x30: {  	[spmem:s25], [sflag:s7] =	dma.local [hbm:s28], $0x2800  }
0x31: {  	_ =	swait.ge [sflag:s29], $0x2800  }
0x32: {  	[sflag:s29] =	ssyncset.done $0x0  }
0x33: {  	[sflag:s29] =	ssyncadd.s32 $0xFFFFD800  }
0x34: {  	[bflag:$0x0] =	sbarrier.arrive $0xFFFF  }
0x35: {  	s26 =	rddreg [dreg:$0xd]  }
0x36: {  	[tilespmem:s30], [sflag:$0x9] =	stream.linear.gather [hbm4b:s26+s3], $0x50, $0x38;
	[tilespmem:$0x1E400] =	vst v63  }
0x37: {  	_ =	swait.ge [sflag:s29], $0x50  }
0x38: {  	[sflag:s29] =	ssyncset.done $0x0  }
0x39: {  	[sflag:s29] =	ssyncadd.s32 $0xFFFFFFB0  }
0x3a: {  	[tilespmem:s0], [sflag:$0x1] =	stream.indirect.gather [hbm4b:s4+s31], $0x80, s30, s31, $0xb8;
	[tilespmem:$0x1E400] =	vst v63  }
0x3b: {  	s28 =	rddreg [dreg:$0xe]  }
0x3c: {  	[tilespmem:s1], [sflag:$0x9] =	stream.linear.gather [hbm4b:s28+s3], $0x50, $0x38;
	[tilespmem:$0x1E400] =	vst v63  }
0x3d: {  	_ =	swait.ge [sflag:s29], $0x50  }
0x3e: {  	[sflag:s29] =	ssyncset.done $0x0  }
0x3f: {  	[sflag:s29] =	ssyncadd.s32 $0xFFFFFFB0  }
0x40: {  	[tilespmem:s5], [sflag:$0x2] =	stream.indirect.gather [hbm4b:s4+s31], $0x80, s1, s31, $0xb8;
	[tilespmem:$0x1E400] =	vst v63  }
0x41: {  	s26 =	rddreg [dreg:$0xf]  }
0x42: {  	[tilespmem:s6], [sflag:$0x9] =	stream.linear.gather [hbm4b:s26+s3], $0x50, $0x38;
	[tilespmem:$0x1E400] =	vst v63  }
0x43: {  	_ =	swait.ge [sflag:s29], $0x50  }
0x44: {  	[sflag:s29] =	ssyncset.done $0x0  }
0x45: {  	[sflag:s29] =	ssyncadd.s32 $0xFFFFFFB0  }
0x46: {  	[tilespmem:s9], [sflag:$0x3] =	stream.indirect.gather [hbm4b:s4+s31], $0x80, s6, s31, $0xb8;
	[tilespmem:$0x1E400] =	vst v63  }
0x47: {  	_ =	swait.ge [sflag:s10], $0x2800  }
0x48: {  	[sflag:s10] =	ssyncset.done $0x0  }
0x49: {  	s28 =	rddreg [dreg:$0x10];
	[sflag:s10] =	ssyncadd.s32 $0xFFFFD800  }
0x4a: {  	[tilespmem:s11], [sflag:$0x9] =	stream.linear.gather [hbm4b:s28+s3], $0x50, $0x38;
	[tilespmem:$0x1E400] =	vst v63  }
0x4b: {  	_ =	swait.ge [sflag:s29], $0x50  }
0x4c: {  	[sflag:s29] =	ssyncset.done $0x0  }
0x4d: {  	[sflag:s29] =	ssyncadd.s32 $0xFFFFFFB0  }
0x4e: {  	[spmem:s2] =	stream.indirect.scatter.add.f32 [tilespmem:s0], [sflag:$0x5], $0x80, s11, s31, $0xb8;
	[tilespmem:$0x1E400] =	vst v63  }
0x4f: {  	s26 =	rddreg [dreg:$0x11]  }
0x50: {  	[tilespmem:s12], [sflag:$0x9] =	stream.linear.gather [hbm4b:s26+s3], $0x50, $0x38;
	[tilespmem:$0x1E400] =	vst v63  }
0x51: {  	_ =	swait.ge [sflag:s29], $0x50  }
0x52: {  	[sflag:s29] =	ssyncset.done $0x0  }
0x53: {  	[sflag:s29] =	ssyncadd.s32 $0xFFFFFFB0  }
0x54: {  	[tilespmem:s13], [sflag:$0x4] =	stream.indirect.gather [hbm4b:s4+s31], $0x80, s12, s31, $0xb8;
	[tilespmem:$0x1E400] =	vst v63  }
0x55: {  	_ =	swait.ge [sflag:s14], $0x2800  }
0x56: {  	[sflag:s14] =	ssyncset.done $0x0  }
0x57: {  	s28 =	rddreg [dreg:$0x12];
	[sflag:s14] =	ssyncadd.s32 $0xFFFFD800  }
0x58: {  	[tilespmem:s15], [sflag:$0x9] =	stream.linear.gather [hbm4b:s28+s3], $0x50, $0x38;
	[tilespmem:$0x1E400] =	vst v63  }
0x59: {  	_ =	swait.ge [sflag:s29], $0x50  }
0x5a: {  	[sflag:s29] =	ssyncset.done $0x0  }
0x5b: {  	[sflag:s29] =	ssyncadd.s32 $0xFFFFFFB0  }
0x5c: {  	[spmem:s2] =	stream.indirect.scatter.add.f32 [tilespmem:s5], [sflag:$0x6], $0x80, s15, s31, $0xb8;
	[tilespmem:$0x1E400] =	vst v63  }
0x5d: {  	_ =	swait.ge [sflag:s16], $0x2800  }
0x5e: {  	[sflag:s16] =	ssyncset.done $0x0  }
0x5f: {  	s26 =	rddreg [dreg:$0x13];
	[sflag:s16] =	ssyncadd.s32 $0xFFFFD800  }
0x60: {  	[tilespmem:s30], [sflag:$0x9] =	stream.linear.gather [hbm4b:s26+s3], $0x50, $0x38;
	[tilespmem:$0x1E400] =	vst v63  }
0x61: {  	_ =	swait.ge [sflag:s29], $0x50  }
0x62: {  	[sflag:s29] =	ssyncset.done $0x0  }
0x63: {  	[sflag:s29] =	ssyncadd.s32 $0xFFFFFFB0  }
0x64: {  	[tilespmem:s0], [sflag:$0x1] =	stream.indirect.gather [hbm4b:s4+s31], $0x80, s30, s31, $0xb8;
	[tilespmem:$0x1E400] =	vst v63  }
0x65: {  	_ =	swait.ge [sflag:s17], $0x2800  }
0x66: {  	[sflag:s17] =	ssyncset.done $0x0  }
0x67: {  	s28 =	rddreg [dreg:$0x14];
	[sflag:s17] =	ssyncadd.s32 $0xFFFFD800  }
0x68: {  	[tilespmem:s18], [sflag:$0x9] =	stream.linear.gather [hbm4b:s28+s3], $0x50, $0x38;
	[tilespmem:$0x1E400] =	vst v63  }
0x69: {  	_ =	swait.ge [sflag:s29], $0x50  }
0x6a: {  	[sflag:s29] =	ssyncset.done $0x0  }
0x6b: {  	[sflag:s29] =	ssyncadd.s32 $0xFFFFFFB0  }
0x6c: {  	[spmem:s2] =	stream.indirect.scatter.add.f32 [tilespmem:s9], [sflag:$0x7], $0x80, s18, s31, $0xb8;
	[tilespmem:$0x1E400] =	vst v63  }
0x6d: {  	_ =	swait.ge [sflag:s19], $0x2800  }
0x6e: {  	[sflag:s19] =	ssyncset.done $0x0  }
0x6f: {  	s26 =	rddreg [dreg:$0x15];
	[sflag:s19] =	ssyncadd.s32 $0xFFFFD800  }
0x70: {  	[tilespmem:s1], [sflag:$0x9] =	stream.linear.gather [hbm4b:s26+s3], $0x50, $0x38;
	[tilespmem:$0x1E400] =	vst v63  }
0x71: {  	_ =	swait.ge [sflag:s29], $0x50  }
0x72: {  	[sflag:s29] =	ssyncset.done $0x0  }
0x73: {  	[sflag:s29] =	ssyncadd.s32 $0xFFFFFFB0  }
0x74: {  	[tilespmem:s5], [sflag:$0x2] =	stream.indirect.gather [hbm4b:s4+s31], $0x80, s1, s31, $0xb8;
	[tilespmem:$0x1E400] =	vst v63  }
0x75: {  	_ =	swait.ge [sflag:s20], $0x2800  }
0x76: {  	[sflag:s20] =	ssyncset.done $0x0  }
0x77: {  	s28 =	rddreg [dreg:$0x16];
	[sflag:s20] =	ssyncadd.s32 $0xFFFFD800  }
0x78: {  	[tilespmem:s21], [sflag:$0x9] =	stream.linear.gather [hbm4b:s28+s3], $0x50, $0x38;
	[tilespmem:$0x1E400] =	vst v63  }
0x79: {  	_ =	swait.ge [sflag:s29], $0x50  }
0x7a: {  	[sflag:s29] =	ssyncset.done $0x0  }
0x7b: {  	[sflag:s29] =	ssyncadd.s32 $0xFFFFFFB0  }
0x7c: {  	[spmem:s2] =	stream.indirect.scatter.add.f32 [tilespmem:s13], [sflag:$0x8], $0x80, s21, s31, $0xb8;
	[tilespmem:$0x1E400] =	vst v63  }
0x7d: {  	_ =	swait.ge [sflag:s22], $0x2800  }
0x7e: {  	[sflag:s22] =	ssyncset.done $0x0  }
0x7f: {  	s26 =	rddreg [dreg:$0x17];
	[sflag:s22] =	ssyncadd.s32 $0xFFFFD800  }
0x80: {  	[tilespmem:s6], [sflag:$0x9] =	stream.linear.gather [hbm4b:s26+s3], $0x50, $0x38;
	[tilespmem:$0x1E400] =	vst v63  }
0x81: {  	_ =	swait.ge [sflag:s29], $0x50  }
0x82: {  	[sflag:s29] =	ssyncset.done $0x0  }
0x83: {  	[sflag:s29] =	ssyncadd.s32 $0xFFFFFFB0  }
0x84: {  	[tilespmem:s9], [sflag:$0x3] =	stream.indirect.gather [hbm4b:s4+s31], $0x80, s6, s31, $0xb8;
	[tilespmem:$0x1E400] =	vst v63  }
0x85: {  	_ =	swait.ge [sflag:s10], $0x2800  }
0x86: {  	s26 =	rddreg [dreg:$0x8];
	[sflag:s10] =	ssyncset.done $0x0  }
0x87: {  	[sflag:s10] =	ssyncadd.s32 $0xFFFFD800;
	s26 =	sadd.s32 $0x0, s26  }
0x88: {  	[tilespmem:s11], [sflag:$0x9] =	stream.linear.gather [hbm4b:s26+s3], $0x50, $0x38;
	[tilespmem:$0x1E400] =	vst v63  }
0x89: {  	_ =	swait.ge [sflag:s29], $0x50  }
0x8a: {  	[sflag:s29] =	ssyncset.done $0x0  }
0x8b: {  	[sflag:s29] =	ssyncadd.s32 $0xFFFFFFB0  }
0x8c: {  	[spmem:s2] =	stream.indirect.scatter.add.f32 [tilespmem:s0], [sflag:$0x5], $0x80, s11, s31, $0xb8;
	[tilespmem:$0x1E400] =	vst v63  }
0x8d: {  	_ =	swait.ge [sflag:s23], $0x2800  }
0x8e: {  	s28 =	rddreg [dreg:$0x9];
	[sflag:s23] =	ssyncset.done $0x0  }
0x8f: {  	[sflag:s23] =	ssyncadd.s32 $0xFFFFD800;
	s26 =	sadd.s32 $0x0, s28  }
0x90: {  	[tilespmem:s12], [sflag:$0x9] =	stream.linear.gather [hbm4b:s26+s3], $0x50, $0x38;
	[tilespmem:$0x1E400] =	vst v63  }
0x91: {  	_ =	swait.ge [sflag:s29], $0x50  }
0x92: {  	[sflag:s29] =	ssyncset.done $0x0  }
0x93: {  	[sflag:s29] =	ssyncadd.s32 $0xFFFFFFB0  }
0x94: {  	[tilespmem:s13], [sflag:$0x4] =	stream.indirect.gather [hbm4b:s4+s31], $0x80, s12, s31, $0xb8;
	[tilespmem:$0x1E400] =	vst v63  }
0x95: {  	_ =	swait.ge [sflag:s14], $0x2800  }
0x96: {  	s8 =	rddreg [dreg:$0x7];
	[sflag:s14] =	ssyncset.done $0x0  }
0x97: {  	[sflag:s14] =	ssyncadd.s32 $0xFFFFD800;
	s26 =	sadd.s32 $0x0, s8  }
0x98: {  	[tilespmem:s15], [sflag:$0x9] =	stream.linear.gather [hbm4b:s26+s3], $0x50, $0x38;
	[tilespmem:$0x1E400] =	vst v63  }
0x99: {  	_ =	swait.ge [sflag:s29], $0x50  }
0x9a: {  	[sflag:s29] =	ssyncset.done $0x0  }
0x9b: {  	[sflag:s29] =	ssyncadd.s32 $0xFFFFFFB0  }
0x9c: {  	[spmem:s2] =	stream.indirect.scatter.add.f32 [tilespmem:s5], [sflag:$0x6], $0x80, s15, s31, $0xb8;
	[tilespmem:$0x1E400] =	vst v63  }
0x9d: {  	_ =	swait.ge [sflag:s16], $0x2800  }
0x9e: {  	s28 =	rddreg [dreg:$0x6];
	[sflag:s16] =	ssyncset.done $0x0  }
0x9f: {  	[sflag:s16] =	ssyncadd.s32 $0xFFFFD800;
	s26 =	sadd.s32 $0x0, s28  }
0xa0: {  	[tilespmem:s30], [sflag:$0x9] =	stream.linear.gather [hbm4b:s26+s3], $0x50, $0x38;
	[tilespmem:$0x1E400] =	vst v63  }
0xa1: {  	_ =	swait.ge [sflag:s29], $0x50  }
0xa2: {  	[sflag:s29] =	ssyncset.done $0x0  }
0xa3: {  	[sflag:s29] =	ssyncadd.s32 $0xFFFFFFB0  }
0xa4: {  	[tilespmem:s0], [sflag:$0x1] =	stream.indirect.gather [hbm4b:s4+s31], $0x80, s30, s31, $0xb8;
	[tilespmem:$0x1E400] =	vst v63  }
0xa5: {  	_ =	swait.ge [sflag:s17], $0x2800  }
0xa6: {  	s8 =	rddreg [dreg:$0x5];
	[sflag:s17] =	ssyncset.done $0x0  }
0xa7: {  	[sflag:s17] =	ssyncadd.s32 $0xFFFFD800;
	s26 =	sadd.s32 $0x0, s8  }
0xa8: {  	[tilespmem:s18], [sflag:$0x9] =	stream.linear.gather [hbm4b:s26+s3], $0x50, $0x38;
	[tilespmem:$0x1E400] =	vst v63  }
0xa9: {  	_ =	swait.ge [sflag:s29], $0x50  }
0xaa: {  	[sflag:s29] =	ssyncset.done $0x0  }
0xab: {  	[sflag:s29] =	ssyncadd.s32 $0xFFFFFFB0  }
0xac: {  	[spmem:s2] =	stream.indirect.scatter.add.f32 [tilespmem:s9], [sflag:$0x7], $0x80, s18, s31, $0xb8;
	[tilespmem:$0x1E400] =	vst v63  }
0xad: {  	_ =	swait.ge [sflag:s19], $0x2800  }
0xae: {  	s28 =	rddreg [dreg:$0x4];
	[sflag:s19] =	ssyncset.done $0x0  }
0xaf: {  	[sflag:s19] =	ssyncadd.s32 $0xFFFFD800;
	s26 =	sadd.s32 $0x0, s28  }
0xb0: {  	[tilespmem:s1], [sflag:$0x9] =	stream.linear.gather [hbm4b:s26+s3], $0x50, $0x38;
	[tilespmem:$0x1E400] =	vst v63  }
0xb1: {  	_ =	swait.ge [sflag:s29], $0x50  }
0xb2: {  	[sflag:s29] =	ssyncset.done $0x0  }
0xb3: {  	[sflag:s29] =	ssyncadd.s32 $0xFFFFFFB0  }
0xb4: {  	[tilespmem:s5], [sflag:$0x2] =	stream.indirect.gather [hbm4b:s4+s31], $0x80, s1, s31, $0xb8;
	[tilespmem:$0x1E400] =	vst v63  }
0xb5: {  	_ =	swait.ge [sflag:s20], $0x2800  }
0xb6: {  	s8 =	rddreg [dreg:$0xa];
	[sflag:s20] =	ssyncset.done $0x0  }
0xb7: {  	[sflag:s20] =	ssyncadd.s32 $0xFFFFD800;
	s26 =	sadd.s32 $0x0, s8  }
0xb8: {  	[tilespmem:s21], [sflag:$0x9] =	stream.linear.gather [hbm4b:s26+s3], $0x50, $0x38;
	[tilespmem:$0x1E400] =	vst v63  }
0xb9: {  	_ =	swait.ge [sflag:s29], $0x50  }
0xba: {  	[sflag:s29] =	ssyncset.done $0x0  }
0xbb: {  	[sflag:s29] =	ssyncadd.s32 $0xFFFFFFB0  }
0xbc: {  	[spmem:s2] =	stream.indirect.scatter.add.f32 [tilespmem:s13], [sflag:$0x8], $0x80, s21, s31, $0xb8;
	[tilespmem:$0x1E400] =	vst v63  }
0xbd: {  	_ =	swait.ge [sflag:s22], $0x2800  }
0xbe: {  	s28 =	rddreg [dreg:$0x3];
	[sflag:s22] =	ssyncset.done $0x0  }
0xbf: {  	[sflag:s22] =	ssyncadd.s32 $0xFFFFD800;
	s26 =	sadd.s32 $0x0, s28  }
0xc0: {  	[tilespmem:s6], [sflag:$0x9] =	stream.linear.gather [hbm4b:s26+s3], $0x50, $0x38;
	[tilespmem:$0x1E400] =	vst v63  }
0xc1: {  	_ =	swait.ge [sflag:s29], $0x50  }
0xc2: {  	[sflag:s29] =	ssyncset.done $0x0  }
0xc3: {  	s26 =	simm.s32 $0x28;
	[sflag:s29] =	ssyncadd.s32 $0xFFFFFFB0  }
.LBB2_2:
0xc4: {  	[tilespmem:s9], [sflag:$0x3] =	stream.indirect.gather [hbm4b:s4+s31], $0x80, s6, s31, $0xb8;
	[tilespmem:$0x1E400] =	vst v63  }
0xc5: {  	_ =	swait.ge [sflag:s10], $0x2800  }
0xc6: {  	s28 =	smov.u32 s26;
	s8 =	rddreg [dreg:$0x8];
	[sflag:s10] =	ssyncset.done $0x0  }
0xc7: {  	[sflag:s10] =	ssyncadd.s32 $0xFFFFD800;
	s8 =	sadd.s32 s28, s8  }
0xc8: {  	[tilespmem:s11], [sflag:$0x9] =	stream.linear.gather [hbm4b:s8+s3], $0x50, $0x38;
	[tilespmem:$0x1E400] =	vst v63  }
0xc9: {  	_ =	swait.ge [sflag:s29], $0x50  }
0xca: {  	[sflag:s29] =	ssyncset.done $0x0  }
0xcb: {  	[sflag:s29] =	ssyncadd.s32 $0xFFFFFFB0  }
0xcc: {  	[spmem:s2] =	stream.indirect.scatter.add.f32 [tilespmem:s0], [sflag:$0x5], $0x80, s11, s31, $0xb8;
	[tilespmem:$0x1E400] =	vst v63  }
0xcd: {  	_ =	swait.ge [sflag:s23], $0x2800  }
0xce: {  	s8 =	rddreg [dreg:$0x9];
	[sflag:s23] =	ssyncset.done $0x0  }
0xcf: {  	[sflag:s23] =	ssyncadd.s32 $0xFFFFD800;
	s8 =	sadd.s32 s28, s8  }
0xd0: {  	[tilespmem:s12], [sflag:$0x9] =	stream.linear.gather [hbm4b:s8+s3], $0x50, $0x38;
	[tilespmem:$0x1E400] =	vst v63  }
0xd1: {  	_ =	swait.ge [sflag:s29], $0x50  }
0xd2: {  	[sflag:s29] =	ssyncset.done $0x0  }
0xd3: {  	[sflag:s29] =	ssyncadd.s32 $0xFFFFFFB0  }
0xd4: {  	[tilespmem:s13], [sflag:$0x4] =	stream.indirect.gather [hbm4b:s4+s31], $0x80, s12, s31, $0xb8;
	[tilespmem:$0x1E400] =	vst v63  }
0xd5: {  	_ =	swait.ge [sflag:s14], $0x2800  }
0xd6: {  	s8 =	rddreg [dreg:$0x7];
	[sflag:s14] =	ssyncset.done $0x0  }
0xd7: {  	[sflag:s14] =	ssyncadd.s32 $0xFFFFD800;
	s8 =	sadd.s32 s28, s8  }
0xd8: {  	[tilespmem:s15], [sflag:$0x9] =	stream.linear.gather [hbm4b:s8+s3], $0x50, $0x38;
	[tilespmem:$0x1E400] =	vst v63  }
0xd9: {  	_ =	swait.ge [sflag:s29], $0x50  }
0xda: {  	[sflag:s29] =	ssyncset.done $0x0  }
0xdb: {  	[sflag:s29] =	ssyncadd.s32 $0xFFFFFFB0  }
0xdc: {  	[spmem:s2] =	stream.indirect.scatter.add.f32 [tilespmem:s5], [sflag:$0x6], $0x80, s15, s31, $0xb8;
	[tilespmem:$0x1E400] =	vst v63  }
0xdd: {  	_ =	swait.ge [sflag:s16], $0x2800  }
0xde: {  	s8 =	rddreg [dreg:$0x6];
	[sflag:s16] =	ssyncset.done $0x0  }
0xdf: {  	[sflag:s16] =	ssyncadd.s32 $0xFFFFD800;
	s8 =	sadd.s32 s28, s8  }
0xe0: {  	[tilespmem:s30], [sflag:$0x9] =	stream.linear.gather [hbm4b:s8+s3], $0x50, $0x38;
	[tilespmem:$0x1E400] =	vst v63  }
0xe1: {  	_ =	swait.ge [sflag:s29], $0x50  }
0xe2: {  	[sflag:s29] =	ssyncset.done $0x0  }
0xe3: {  	[sflag:s29] =	ssyncadd.s32 $0xFFFFFFB0  }
0xe4: {  	[tilespmem:s0], [sflag:$0x1] =	stream.indirect.gather [hbm4b:s4+s31], $0x80, s30, s31, $0xb8;
	[tilespmem:$0x1E400] =	vst v63  }
0xe5: {  	_ =	swait.ge [sflag:s17], $0x2800  }
0xe6: {  	s8 =	rddreg [dreg:$0x5];
	[sflag:s17] =	ssyncset.done $0x0  }
0xe7: {  	[sflag:s17] =	ssyncadd.s32 $0xFFFFD800;
	s8 =	sadd.s32 s28, s8  }
0xe8: {  	[tilespmem:s18], [sflag:$0x9] =	stream.linear.gather [hbm4b:s8+s3], $0x50, $0x38;
	[tilespmem:$0x1E400] =	vst v63  }
0xe9: {  	_ =	swait.ge [sflag:s29], $0x50  }
0xea: {  	[sflag:s29] =	ssyncset.done $0x0  }
0xeb: {  	[sflag:s29] =	ssyncadd.s32 $0xFFFFFFB0  }
0xec: {  	[spmem:s2] =	stream.indirect.scatter.add.f32 [tilespmem:s9], [sflag:$0x7], $0x80, s18, s31, $0xb8;
	[tilespmem:$0x1E400] =	vst v63  }
0xed: {  	_ =	swait.ge [sflag:s19], $0x2800  }
0xee: {  	s8 =	rddreg [dreg:$0x4];
	[sflag:s19] =	ssyncset.done $0x0  }
0xef: {  	[sflag:s19] =	ssyncadd.s32 $0xFFFFD800;
	s8 =	sadd.s32 s28, s8  }
0xf0: {  	[tilespmem:s1], [sflag:$0x9] =	stream.linear.gather [hbm4b:s8+s3], $0x50, $0x38;
	[tilespmem:$0x1E400] =	vst v63  }
0xf1: {  	_ =	swait.ge [sflag:s29], $0x50  }
0xf2: {  	[sflag:s29] =	ssyncset.done $0x0  }
0xf3: {  	[sflag:s29] =	ssyncadd.s32 $0xFFFFFFB0  }
0xf4: {  	[tilespmem:s5], [sflag:$0x2] =	stream.indirect.gather [hbm4b:s4+s31], $0x80, s1, s31, $0xb8;
	[tilespmem:$0x1E400] =	vst v63  }
0xf5: {  	_ =	swait.ge [sflag:s20], $0x2800  }
0xf6: {  	s8 =	rddreg [dreg:$0xa];
	[sflag:s20] =	ssyncset.done $0x0  }
0xf7: {  	[sflag:s20] =	ssyncadd.s32 $0xFFFFD800;
	s8 =	sadd.s32 s28, s8  }
0xf8: {  	[tilespmem:s21], [sflag:$0x9] =	stream.linear.gather [hbm4b:s8+s3], $0x50, $0x38;
	[tilespmem:$0x1E400] =	vst v63  }
0xf9: {  	_ =	swait.ge [sflag:s29], $0x50  }
0xfa: {  	[sflag:s29] =	ssyncset.done $0x0  }
0xfb: {  	[sflag:s29] =	ssyncadd.s32 $0xFFFFFFB0  }
0xfc: {  	[spmem:s2] =	stream.indirect.scatter.add.f32 [tilespmem:s13], [sflag:$0x8], $0x80, s21, s31, $0xb8;
	[tilespmem:$0x1E400] =	vst v63  }
0xfd: {  	_ =	swait.ge [sflag:s22], $0x2800  }
0xfe: {  	p0 =	sne.s32 s26, $0x460;
	s8 =	rddreg [dreg:$0x3];
	[sflag:s22] =	ssyncset.done $0x0  }
.Ltmp0:
0xff: {  	[sflag:s22] =	ssyncadd.s32 $0xFFFFD800;
	s8 =	sadd.s32 s28, s8;
	(pc) =	sbr.rel @p0 .LBB2_2-.Ltmp0, $4  }
0x100: {  	[tilespmem:s6], [sflag:$0x9] =	stream.linear.gather [hbm4b:s8+s3], $0x50, $0x38;
	[tilespmem:$0x1E400] =	vst v63  }
0x101: {  	_ =	swait.ge [sflag:s29], $0x50  }
0x102: {  	[sflag:s29] =	ssyncset.done $0x0  }
0x103: {  	s26 =	sadd.s32 $0x28, s26;
	[sflag:s29] =	ssyncadd.s32 $0xFFFFFFB0  }
0x104: {  	[tilespmem:s9], [sflag:$0x3] =	stream.indirect.gather [hbm4b:s4+s31], $0x80, s6, s31, $0xb8;
	[tilespmem:$0x1E400] =	vst v63  }
0x105: {  	_ =	swait.ge [sflag:s10], $0x2800  }
0x106: {  	[sflag:s10] =	ssyncset.done $0x0  }
0x107: {  	s8 =	rddreg [dreg:$0x18];
	[sflag:s10] =	ssyncadd.s32 $0xFFFFD800  }
0x108: {  	[tilespmem:s11], [sflag:$0x9] =	stream.linear.gather [hbm4b:s8+s3], $0x50, $0x38;
	[tilespmem:$0x1E400] =	vst v63  }
0x109: {  	_ =	swait.ge [sflag:s29], $0x50  }
0x10a: {  	[sflag:s29] =	ssyncset.done $0x0  }
0x10b: {  	[sflag:s29] =	ssyncadd.s32 $0xFFFFFFB0  }
0x10c: {  	[spmem:s2] =	stream.indirect.scatter.add.f32 [tilespmem:s0], [sflag:$0x5], $0x80, s11, s31, $0xb8;
	[tilespmem:$0x1E400] =	vst v63  }
0x10d: {  	_ =	swait.ge [sflag:s23], $0x2800  }
0x10e: {  	[sflag:s23] =	ssyncset.done $0x0  }
0x10f: {  	s26 =	rddreg [dreg:$0x19];
	[sflag:s23] =	ssyncadd.s32 $0xFFFFD800  }
0x110: {  	[tilespmem:s12], [sflag:$0x9] =	stream.linear.gather [hbm4b:s26+s3], $0x50, $0x38;
	[tilespmem:$0x1E400] =	vst v63  }
0x111: {  	_ =	swait.ge [sflag:s29], $0x50  }
0x112: {  	[sflag:s29] =	ssyncset.done $0x0  }
0x113: {  	[sflag:s29] =	ssyncadd.s32 $0xFFFFFFB0  }
0x114: {  	[tilespmem:s13], [sflag:$0x4] =	stream.indirect.gather [hbm4b:s4+s31], $0x80, s12, s31, $0xb8;
	[tilespmem:$0x1E400] =	vst v63  }
0x115: {  	_ =	swait.ge [sflag:s14], $0x2800  }
0x116: {  	[sflag:s14] =	ssyncset.done $0x0  }
0x117: {  	s28 =	rddreg [dreg:$0x1a];
	[sflag:s14] =	ssyncadd.s32 $0xFFFFD800  }
0x118: {  	[tilespmem:s15], [sflag:$0x9] =	stream.linear.gather [hbm4b:s28+s3], $0x50, $0x38;
	[tilespmem:$0x1E400] =	vst v63  }
0x119: {  	_ =	swait.ge [sflag:s29], $0x50  }
0x11a: {  	[sflag:s29] =	ssyncset.done $0x0  }
0x11b: {  	[sflag:s29] =	ssyncadd.s32 $0xFFFFFFB0  }
0x11c: {  	[spmem:s2] =	stream.indirect.scatter.add.f32 [tilespmem:s5], [sflag:$0x6], $0x80, s15, s31, $0xb8;
	[tilespmem:$0x1E400] =	vst v63  }
0x11d: {  	_ =	swait.ge [sflag:s16], $0x2800  }
0x11e: {  	[sflag:s16] =	ssyncset.done $0x0  }
0x11f: {  	s26 =	rddreg [dreg:$0x1b];
	[sflag:s16] =	ssyncadd.s32 $0xFFFFD800  }
0x120: {  	[tilespmem:s30], [sflag:$0x9] =	stream.linear.gather [hbm4b:s26+s3], $0x50, $0x38;
	[tilespmem:$0x1E400] =	vst v63  }
0x121: {  	_ =	swait.ge [sflag:s29], $0x50  }
0x122: {  	[sflag:s29] =	ssyncset.done $0x0  }
0x123: {  	[sflag:s29] =	ssyncadd.s32 $0xFFFFFFB0  }
0x124: {  	[tilespmem:s0], [sflag:$0x1] =	stream.indirect.gather [hbm4b:s4+s31], $0x80, s30, s31, $0xb8;
	[tilespmem:$0x1E400] =	vst v63  }
0x125: {  	_ =	swait.ge [sflag:s17], $0x2800  }
0x126: {  	[sflag:s17] =	ssyncset.done $0x0  }
0x127: {  	s28 =	rddreg [dreg:$0x1c];
	[sflag:s17] =	ssyncadd.s32 $0xFFFFD800  }
0x128: {  	[tilespmem:s18], [sflag:$0x9] =	stream.linear.gather [hbm4b:s28+s3], $0x50, $0x38;
	[tilespmem:$0x1E400] =	vst v63  }
0x129: {  	_ =	swait.ge [sflag:s29], $0x50  }
0x12a: {  	[sflag:s29] =	ssyncset.done $0x0  }
0x12b: {  	[sflag:s29] =	ssyncadd.s32 $0xFFFFFFB0  }
0x12c: {  	[spmem:s2] =	stream.indirect.scatter.add.f32 [tilespmem:s9], [sflag:$0x7], $0x80, s18, s31, $0xb8;
	[tilespmem:$0x1E400] =	vst v63  }
0x12d: {  	_ =	swait.ge [sflag:s20], $0x2800  }
0x12e: {  	[sflag:s20] =	ssyncset.done $0x0  }
0x12f: {  	s26 =	rddreg [dreg:$0x1f];
	[sflag:s20] =	ssyncadd.s32 $0xFFFFD800  }
0x130: {  	[tilespmem:s21], [sflag:$0x9] =	stream.linear.gather [hbm4b:s26+s3], $0x50, $0x38;
	[tilespmem:$0x1E400] =	vst v63  }
0x131: {  	_ =	swait.ge [sflag:s29], $0x50  }
0x132: {  	[sflag:s29] =	ssyncset.done $0x0  }
0x133: {  	[sflag:s29] =	ssyncadd.s32 $0xFFFFFFB0  }
0x134: {  	[spmem:s2] =	stream.indirect.scatter.add.f32 [tilespmem:s13], [sflag:$0x8], $0x80, s21, s31, $0xb8;
	[tilespmem:$0x1E400] =	vst v63  }
0x135: {  	_ =	swait.ge [sflag:s10], $0x2800  }
0x136: {  	s28 =	sld [smem:$0x7FD]  }
0x137: {  	[sflag:s10] =	ssyncset.done $0x0  }
0x138: {  	[sflag:s10] =	ssyncadd.s32 $0xFFFFD800  }
0x139: {  	[tilespmem:s11], [sflag:$0x9] =	stream.linear.gather [hbm4b:s28+s3], $0x50, $0x38;
	[tilespmem:$0x1E400] =	vst v63  }
0x13a: {  	_ =	swait.ge [sflag:s29], $0x50  }
0x13b: {  	[sflag:s29] =	ssyncset.done $0x0  }
0x13c: {  	[sflag:s29] =	ssyncadd.s32 $0xFFFFFFB0  }
0x13d: {  	[spmem:s2] =	stream.indirect.scatter.add.f32 [tilespmem:s0], [sflag:$0x5], $0x80, s11, s31, $0xb8;
	[tilespmem:$0x1E400] =	vst v63  }
0x13e: {  	_ =	swait.ge [sflag:s19], $0x2800  }
0x13f: {  	[sflag:s19] =	ssyncset.done $0x0  }
0x140: {  	[sflag:s19] =	ssyncadd.s32 $0xFFFFD800  }
0x141: {  	_ =	swait.ge [sflag:s22], $0x2800  }
0x142: {  	[sflag:s22] =	ssyncset.done $0x0  }
0x143: {  	[sflag:s22] =	ssyncadd.s32 $0xFFFFD800  }
0x144: {  	_ =	swait.ge [sflag:s23], $0x2800  }
0x145: {  	[sflag:s23] =	ssyncset.done $0x0  }
0x146: {  	[sflag:s23] =	ssyncadd.s32 $0xFFFFD800  }
0x147: {  	_ =	swait.ge [sflag:s16], $0x2800  }
0x148: {  	[sflag:s16] =	ssyncset.done $0x0  }
0x149: {  	[sflag:s16] =	ssyncadd.s32 $0xFFFFD800  }
0x14a: {  	[bflag:$0x0] =	sbarrier.arrive $0xFFFF  }
0x14b: {  	s26 =	rddreg [dreg:$0x1d]  }
0x14c: {  	[hbm:s26], [sflag:s7] =	dma.local [spmem:s25], $0x2800  }
0x14d: {  	_ =	swait.ge [sflag:s29], $0x2800  }
0x14e: {  	s24 =	sadd.s32 $0x1, s24;
	s28 =	rddreg [dreg:$0x1e]  }
0x14f: {  	p0 =	sne.s32 s24, s28  }
.Ltmp1:
0x150: {  	_ = 	snop;
	(pc) =	sbr.rel @p0 .LBB2_1-.Ltmp1, $3  }
0x151: {  	_ =	sdelay $0x1  }
0x152: {  	[sflag:s29] =	ssyncset.done $0x0  }
0x153: {  	[sflag:s29] =	ssyncadd.s32 $0xFFFFD800  }
0x154: {  	_ =	sfence.sel $0x180000  }
0x155: {  	[bflag:$0x0] =	sbarrier.arrive $0xFFFF  }
0x156: {  	_ =	strace $0x9000004D  }
0x157: {  	s0 =	stileid.u32;
	[bflag:$0x2] =	sbarrier.arrive $0xFFFF  }
0x158: {  	p0 =	sne.s32 s0, $0x0;
	s0 =	rddreg [dreg:$0x2]  }
0x159: {  	s0 =	sadd.s32 @!p0 $0x100000, s0  }
0x15a: {  	[sflag:s0] =	ssyncadd.tile.s32 @!p0 $0x1;
	_ =	shalt  }
.Lfunc_end2:
_tile_overlayer_lowered:
.L_overlay_start_2:
0x15b: {  	(tag) =	ssettag $0x2  }
0x15c: {  	s0 =	rddreg [dreg:$0x0];
	s2 =	stileid.u32  }
0x15d: {  	s1 =	rddreg [dreg:$0x1];
	p0 =	sne.s32 s2, $0x0  }
0x15e: {  	s3 =	rddreg [dreg:$0x2];
	[bflag:$0x3] =	sbarrier.arrive $0xFFFF;
	s2 =	simm.s32 @!p0 $0x1C09  }
0x15f: {  	[timem:s3], [sflag:s2] =	dma.local @!p0 [hbm:s0], s1  }
0x160: {  	s0 =	simm.s32 @!p0 $0x9  }
0x161: {  	_ =	swait.ge @!p0 [sflag:s0], s1  }
0x162: {  	s1 =	ssub.s32 @!p0 $0x0, s1;
	[sflag:s0] =	ssyncset.done @!p0 $0x0  }
0x163: {  	[sflag:s0] =	ssyncadd.s32 @!p0 s1  }
0x164: {  	[bflag:$0x3] =	sbarrier.arrive $0xFFFF  }
0x165: {  	_ =	shalt  }

// kernel: kernel.20.cloned.1.call-start
scs
__scs_entry_jumppad:
0x0: {  	(pc) =	sbr.rel $0x88, $3  }
0x1: {  	(tag) =	ssettag $0x0;
	lr =	simm.s32 $0x1  }
0x2: {  	[smem:$0x3F95] =	sst lr;
	_ =	strace $0xD0000000  }
0x3: {  	_ = 	snop  }
0x4: {  	_ = 	snop  }
0x5: {  	_ = 	snop  }
0x6: {  	_ = 	snop  }
0x7: {  	_ = 	snop  }
__scs_overlays_trampoline_lowered:
0x8: {  	[smem:$0x3FA4] =	sst s0  }
0x9: {  	[smem:$0x3FA5] =	sst s1  }
0xa: {  	[smem:$0x3FA6] =	sst s2  }
0xb: {  	[smem:$0x3FA7] =	sst s3  }
0xc: {  	[smem:$0x3FA8] =	sst s4  }
0xd: {  	[smem:$0x3FA9] =	sst s5  }
0xe: {  	[smem:$0x3FAA] =	sst s6  }
0xf: {  	[smem:$0x3FAB] =	sst s7  }
0x10: {  	[smem:$0x3FAC] =	sst s8  }
0x11: {  	[smem:$0x3FAD] =	sst s9;
	s0 =	simm.s32 @!p0 $0x0  }
0x12: {  	s1 =	sld [smem:$0x3F93];
	s0 =	simm.s32 @p0 $0x1  }
0x13: {  	[smem:$0x3FAE] =	sst s0;
	s0 =	simm.s32 @!p1 $0x0  }
0x14: {  	s2 =	sld [smem:$0x3F92];
	s0 =	simm.s32 @p1 $0x1  }
0x15: {  	[smem:$0x3FAF] =	sst s0;
	s0 =	simm.s32 @!p2 $0x0  }
0x16: {  	s3 =	sld [smem:$0x3FDB];
	s0 =	simm.s32 @p2 $0x1  }
0x17: {  	s4 =	simm.s32 $0x1BF5;
	[smem:$0x3FB1] =	sst s0  }
0x18: {  	s0 =	sld [smem:$0x3F94];
	_ =	swait.ge [sflag:s4], $0x0  }
0x19: {  	s7 =	sld [smem:$0x3F95]  }
0x1a: {  	s8 =	sadd.s32 $0xFFFFE003, lr  }
0x1b: {  	s9 =	sadd.s32 $0xFFFFFEF7, lr;
	s5 =	simm.s32 $0xFFFFFFFF;
	p2 =	slt.u32 s8, $0xFFFFF086  }
0x1c: {  	p1 =	slt.u32 s9, $0xF7A;
	s5 =	simm.s32 @!p2 $0x0  }
0x1d: {  	s5 =	simm.s32 @p1 $0x1;
	p0 =	seq.s32 s7, s2  }
0x1e: {  	s7 =	smul.u32 @!p0 $0xF7A, s2;
	p2 =	seq.s32 @!p0 s5, $0x0  }
0x1f: {  	s9 =	smul.u32 $0xF7A, s1;
	s8 =	simm.s32 @!p0 $0x1BF5;
	p2 =	por !p2, p0  }
0x20: {  	[sflag:s8] =	ssyncset.s32 @!p0 $0xFFFFF086;
	s6 =	sadd.s32 @!p0 s3, s7;
	s7 =	simm.s32 @!p0 $0x108  }
0x21: {  	s3 =	sadd.s32 s3, s9;
	s6 =	sadd.s32 @!p0 $0x88, s6;
	s7 =	simm.s32 @p2 $0x1082  }
0x22: {  	[simem:s7], [sflag:s8] =	dma.local @!p0 [hbm:s6], $0xF7A  }
0x23: {  	s9 =	sor.u32 $0xD0000000, s2;
	s6 =	simm.s32 $0x108;
	_ =	swait.ge @!p0 [sflag:s8], $0x0  }
0x24: {  	s3 =	sadd.s32 $0x88, s3;
	s6 =	simm.s32 @!p1 $0x1082;
	[sflag:s4] =	ssyncset.s32 $0xFFFFF086  }
0x25: {  	[simem:s6], [sflag:s4] =	dma.local [hbm:s3], $0xF7A  }
0x26: {  	[smem:$0x3F95] =	sst s1;
	(tag) =	ssettag s2;
	_ =	strace s9  }
0x27: {  	s1 =	sld [smem:$0x3FA5]  }
0x28: {  	s2 =	sld [smem:$0x3FA6]  }
0x29: {  	s4 =	sld [smem:$0x3FA8]  }
0x2a: {  	p0 =	seq.s32 s5, $0x0;
	s5 =	sld [smem:$0x3FA9]  }
0x2b: {  	s6 =	sld [smem:$0x3FAA]  }
0x2c: {  	s7 =	sld [smem:$0x3FAB]  }
0x2d: {  	s3 =	simm.s32 $0x108;
	s8 =	sld [smem:$0x3FAC]  }
0x2e: {  	s3 =	simm.s32 @!p0 $0x1082;
	s9 =	sld [smem:$0x3FAD]  }
0x2f: {  	lr =	sadd.s32 s0, s3;
	s0 =	sld [smem:$0x3FA4]  }
0x30: {  	s3 =	sld [smem:$0x3FA7]  }
0x31: {  	[smem:$0x3FB0] =	sst s10  }
0x32: {  	s10 =	sld [smem:$0x3FAE];
	_ =	sdelay $0x3  }
0x33: {  	p0 =	seq.s32 s10, $0x1;
	s10 =	sld [smem:$0x3FB0];
	_ =	sdelay $0x3  }
0x34: {  	[smem:$0x3FB0] =	sst s10  }
0x35: {  	s10 =	sld [smem:$0x3FAF];
	_ =	sdelay $0x3  }
0x36: {  	p1 =	seq.s32 s10, $0x1;
	s10 =	sld [smem:$0x3FB0];
	_ =	sdelay $0x3  }
0x37: {  	[smem:$0x3FB0] =	sst s10  }
0x38: {  	s10 =	sld [smem:$0x3FB1]  }
0x39: {  	_ = 	snop;
	(pc) =	sbr.ind lr, $3  }
0x3a: {  	_ = 	snop  }
0x3b: {  	_ = 	snop  }
0x3c: {  	p2 =	seq.s32 s10, $0x1;
	s10 =	sld [smem:$0x3FB0]  }
0x3d: {  	_ =	shalt  }
0x3e: {  	_ =	shalt  }
0x3f: {  	_ =	shalt  }
0x40: {  	_ =	shalt  }
0x41: {  	_ =	shalt  }
0x42: {  	_ =	shalt  }
0x43: {  	_ =	shalt  }
0x44: {  	_ =	shalt  }
0x45: {  	_ =	shalt  }
0x46: {  	_ =	shalt  }
0x47: {  	_ =	shalt  }
0x48: {  	_ =	shalt  }
0x49: {  	_ =	shalt  }
0x4a: {  	_ =	shalt  }
0x4b: {  	_ =	shalt  }
0x4c: {  	_ =	shalt  }
0x4d: {  	_ =	shalt  }
0x4e: {  	_ =	shalt  }
0x4f: {  	_ =	shalt  }
0x50: {  	_ =	shalt  }
0x51: {  	_ =	shalt  }
0x52: {  	_ =	shalt  }
0x53: {  	_ =	shalt  }
0x54: {  	_ =	shalt  }
0x55: {  	_ =	shalt  }
0x56: {  	_ =	shalt  }
0x57: {  	_ =	shalt  }
0x58: {  	_ =	shalt  }
0x59: {  	_ =	shalt  }
0x5a: {  	_ =	shalt  }
0x5b: {  	_ =	shalt  }
0x5c: {  	_ =	shalt  }
0x5d: {  	_ =	shalt  }
0x5e: {  	_ =	shalt  }
0x5f: {  	_ =	shalt  }
0x60: {  	_ =	shalt  }
0x61: {  	_ =	shalt  }
0x62: {  	_ =	shalt  }
0x63: {  	_ =	shalt  }
0x64: {  	_ =	shalt  }
0x65: {  	_ =	shalt  }
0x66: {  	_ =	shalt  }
0x67: {  	_ =	shalt  }
0x68: {  	_ =	shalt  }
0x69: {  	_ =	shalt  }
0x6a: {  	_ =	shalt  }
0x6b: {  	_ =	shalt  }
0x6c: {  	_ =	shalt  }
0x6d: {  	_ =	shalt  }
0x6e: {  	_ =	shalt  }
0x6f: {  	_ =	shalt  }
0x70: {  	_ =	shalt  }
0x71: {  	_ =	shalt  }
0x72: {  	_ =	shalt  }
0x73: {  	_ =	shalt  }
0x74: {  	_ =	shalt  }
0x75: {  	_ =	shalt  }
0x76: {  	_ =	shalt  }
0x77: {  	_ =	shalt  }
0x78: {  	_ =	shalt  }
0x79: {  	_ =	shalt  }
0x7a: {  	_ =	shalt  }
0x7b: {  	_ =	shalt  }
0x7c: {  	_ =	shalt  }
0x7d: {  	_ =	shalt  }
0x7e: {  	_ =	shalt  }
0x7f: {  	_ =	shalt  }
0x80: {  	_ =	shalt  }
0x81: {  	_ =	shalt  }
0x82: {  	_ =	shalt  }
0x83: {  	_ =	shalt  }
0x84: {  	_ =	shalt  }
0x85: {  	_ =	shalt  }
0x86: {  	_ =	shalt  }
0x87: {  	_ =	shalt  }
.Lfunc_end0:
.L_simem_size_0:
called_computation.3_lowered:
.L_overlay_start_0:
0x88: {  	s2 =	sld [smem:$0x3FD9]  }
0x89: {  	s3 =	sld [smem:$0x3FFE];
	_ =	sdelay $0x1  }
0x8a: {  	s1 =	srdreg.scid  }
0x8b: {  	s0 =	sand.u32 $0x1, s1  }
0x8c: {  	s16 =	sshll.u32 s0, $0xA;
	s2 =	sadd.s32 s3, s2  }
0x8d: {  	s2 =	sadd.s32 s2, s16  }
0x8e: {  	[smem:$0x3FBC] =	sst s2  }
0x8f: {  	_ = 	snop  }
0x90: {  	(tm) =	ssettm $0x1  }
0x91: {  	s17 =	sld [smem:$0x3FFB];
	_ =	sdelay $0x3  }
0x92: {  	_ =	strace s17  }
0x93: {  	s2 =	sld [smem:$0x3FFC];
	_ =	sdelay $0x3  }
0x94: {  	_ =	strace s2  }
0x95: {  	s2 =	sld [smem:$0x3FFD];
	_ =	sdelay $0x3  }
0x96: {  	_ =	strace s2  }
0x97: {  	_ =	strace $0x8FFFFFFF  }
0x98: {  	s18 =	sld [smem:$0x3FDB];
	_ =	sdelay $0x1  }
0x99: {  	s19 =	simm.s32 $_scs_section_size  }
0x9a: {  	s4 =	simm.s32 $_size__tile_overlayer_lowered;
	s5 =	simm.s32 $_tile_overlayer_lowered  }
0x9b: {  	s22 =	simm.s32 $0x1BFF;
	s21 =	sshll.u32 s5, $0x1;
	s2 =	sadd.s32 s19, s18  }
0x9c: {  	s6 =	simm.s32 $0x0;
	s20 =	sshll.u32 s4, $0x1;
	s4 =	sadd.s32 s21, s2  }
0x9d: {  	[timem:s6], [sflag:s22] =	dma.local [hbm:s4], s20  }
0x9e: {  	_ =	swait.ge [sflag:s22], s20  }
0x9f: {  	s3 =	ssub.s32 $0x0, s20;
	[sflag:s22] =	ssyncset.done $0x0  }
0xa0: {  	[sflag:s22] =	ssyncadd.s32 s3;
	_ =	sdelay $0x1  }
0xa1: {  	s23 =	simm.s32 $0x1B8B  }
0xa2: {  	_ =	swait.ge [sflag:s23], $0x1  }
0xa3: {  	[sflag:s23] =	ssyncset.done $0x0  }
0xa4: {  	s25 =	simm.s32 $0x1B8E;
	s24 =	sld [smem:$0x3FFE];
	[sflag:s23] =	ssyncadd.s32 $0xFFFFFFFF  }
0xa5: {  	s26 =	simm.s32 $execute0_lowered;
	[smem:$0x3FD2] =	sst s25  }
0xa6: {  	s4 =	sshll.u32 s26, $0x1;
	_ =	strace $0x8000004F;
	[dreg:$0x1] =	wrdreg $0xFFFFFFFF  }
0xa7: {  	s28 =	simm.s32 $_size_execute0_lowered;
	s2 =	sadd.s32 s2, s4;
	[dreg:$0x0] =	wrdreg $0x0  }
0xa8: {  	s4 =	sshll.u32 s28, $0x1;
	[dreg:$0x2] =	wrdreg s2  }
0xa9: {  	[dreg:$0x3] =	wrdreg s4  }
0xaa: {  	[dreg:$0x4] =	wrdreg $0xC0  }
0xab: {  	_ =	task [dreg:s6], $0x5FFFF  }
0xac: {  	[dreg:$0x1] =	wrdreg $0xFFFFFFFF  }
0xad: {  	[dreg:$0x0] =	wrdreg $0x60  }
0xae: {  	[dreg:$0x2] =	wrdreg s24  }
0xaf: {  	[dreg:$0x3] =	wrdreg $0x0  }
0xb0: {  	[dreg:$0x4] =	wrdreg $0x9  }
0xb1: {  	_ =	task.clear_ibuf [dreg:s6], $0x5FFFF;
	_ =	strace $0x9000004F  }
0xb2: {  	s29 =	simm.s32 $0x9;
	_ =	strace $0x80000051  }
0xb3: {  	_ =	swait.ge [sflag:s29], $0x1  }
0xb4: {  	[sflag:s29] =	ssyncadd.s32 $0xFFFFFFFF  }
0xb5: {  	_ =	strace $0x90000051  }
0xb6: {  	_ =	sfence  }
0xb7: {  	s30 =	sld [smem:$0x0];
	_ =	sdelay $0x2  }
0xb8: {  	s31 =	sshll.u32 s1, $0xD;
	s1 =	sshrl.u32 s1, $0x2  }
0xb9: {  	s3 =	sand.u32 $0x4000, s31;
	s1 =	sadd.s32 s1, s30  }
0xba: {  	s0 =	sor.u32 s3, s0;
	s1 =	sshll.u32 s1, $0x11  }
0xbb: {  	s0 =	sor.u32 s1, s0  }
0xbc: {  	s0 =	sadd.s32 $0x8F2B, s0  }
0xbd: {  	[sflag:s0] =	ssyncadd.remote.s32 $0x1  }
0xbe: {  	_ =	sfence.sel $0xFFFF  }
0xbf: {  	[dreg:$0x0] =	wrdreg $0xFFFFFFFF;
	(pc) =	sbr.abs _section_cstart, $3  }
0xc0: {  	[dreg:$0x1] =	wrdreg $0xFFFFFFFF  }
0xc1: {  	_ =	task.clear_ibuf [dreg:s6], $0x2FFFF;
	_ =	strace $0x9FFFFFFF  }
0xc2: {  	(tm) =	ssettm $0x7FFFFFFF  }
0xc3: {  	_ =	shalt  }
tec
execute0_lowered:
.L_overlay_start_1:
0x0: {  	(tag) =	ssettag $0x1  }
0x1: {  	s1 =	rddreg [dreg:$0x0]  }
0x2: {  	s2 =	rddreg [dreg:$0x1];
	s11 =	stileid.u32  }
0x3: {  	s0 =	srdreg.scid;
	s5 =	smul.u32 $0x14000, s11  }
0x4: {  	s3 =	simm.s32 $0x0;
	s6 =	sand.u32 $0x1, s0;
	s25 =	smul.u32 $0x50000, s11  }
0x5: {  	[smem:$0x7FF] =	sst s3;
	s4 =	sadd.s32 $0x3F200, s1;
	s12 =	smul.u32 $0x2710, s11  }
0x6: {  	s0 =	sadd.s32 $0x3800, s1;
	s7 =	smul.u32 $0x140000, s6;
	_ =	strace $0x80000050  }
0x7: {  	s9 =	sshll.u32 s6, $0x4;
	s26 =	ssub.s32 $0x2, s6;
	s6 =	smul.u32 $0x27100, s6  }
0x8: {  	s8 =	sshrl.u32 s5, $0x3;
	s9 =	sor.u32 s11, s9;
	s10 =	sshrl.u32 s26, $0x1  }
0x9: {  	s8 =	sadd.s32 s8, s1;
	s5 =	sadd.s32 s5, s7;
	s7 =	sshrl.u32 s25, $0x2  }
0xa: {  	s9 =	smul.u32 $0x2710, s9;
	s6 =	sadd.s32 s12, s6;
	s5 =	sshrl.u32 s5, $0x3  }
0xb: {  	s7 =	sadd.s32 s7, s2;
	s28 =	sadd.s32 $0x17200, s8;
	s8 =	sshll.u32 s11, $0x6  }
0xc: {  	s20 =	sadd.s32 $0x320, s6;
	s1 =	sadd.s32 s5, s1;
	s5 =	ssub.s32 s26, s10  }
0xd: {  	[dreg:$0xb] =	wrdreg s7;
	s10 =	sshrl.u32 s9, $0x3;
	s9 =	sshrl.u32 s20, $0x3  }
0xe: {  	s24 =	sadd.s32 $0x2D0, s6;
	[dreg:$0xc] =	wrdreg s28;
	s9 =	sadd.s32 s9, s0  }
0xf: {  	s25 =	sshrl.u32 s24, $0x3;
	s24 =	sadd.s32 $0x66400, s1;
	[dreg:$0x3] =	wrdreg s9  }
0x10: {  	s7 =	sor.u32 $0x1C09, s8;
	s8 =	sadd.s32 s0, s10;
	[dreg:$0x1d] =	wrdreg s24  }
0x11: {  	s13 =	sadd.s32 $0xA, s8;
	[dreg:$0xd] =	wrdreg s8  }
0x12: {  	s29 =	simm.s32 $0x9;
	s14 =	sadd.s32 $0x14, s8;
	[dreg:$0xe] =	wrdreg s13  }
0x13: {  	s30 =	simm.s32 $0x14000;
	s15 =	sadd.s32 $0x9C40, s8;
	[dreg:$0xf] =	wrdreg s14  }
0x14: {  	s31 =	simm.s32 $0x50;
	s16 =	sadd.s32 $0x1E, s8;
	[dreg:$0x10] =	wrdreg s15  }
0x15: {  	s26 =	sadd.s32 $0x4E3E0, s6;
	s17 =	sadd.s32 $0x9C4A, s8;
	[dreg:$0x11] =	wrdreg s16  }
0x16: {  	s28 =	sadd.s32 $0x280, s6;
	s18 =	sadd.s32 $0x28, s8;
	[dreg:$0x12] =	wrdreg s17  }
0x17: {  	s10 =	sshrl.u32 s26, $0x3;
	s19 =	sadd.s32 $0x9C54, s8;
	[dreg:$0x13] =	wrdreg s18  }
0x18: {  	s11 =	sshrl.u32 s28, $0x3;
	s21 =	sadd.s32 $0x32, s8;
	[dreg:$0x14] =	wrdreg s19  }
0x19: {  	s1 =	simm.s32 $0x14080;
	s22 =	sadd.s32 $0x9C5E, s8;
	[dreg:$0x15] =	wrdreg s21  }
0x1a: {  	s23 =	sadd.s32 $0x3C, s8;
	s9 =	sadd.s32 s25, s0;
	[dreg:$0x16] =	wrdreg s22  }
0x1b: {  	s10 =	sadd.s32 s10, s0;
	s12 =	sadd.s32 s11, s0;
	[dreg:$0x17] =	wrdreg s23  }
0x1c: {  	s20 =	sadd.s32 $0x4CE, s8;
	s25 =	smax.u32 s5, $0x1;
	[dreg:$0x4] =	wrdreg s9  }
0x1d: {  	s26 =	sadd.s32 $0xA10E, s8;
	s28 =	sadd.s32 $0xA118, s8;
	[dreg:$0x5] =	wrdreg s10  }
0x1e: {  	s5 =	simm.s32 $0x16C00;
	s11 =	simm.s32 $0x14200;
	[dreg:$0x6] =	wrdreg s12  }
0x1f: {  	s24 =	simm.s32 $0x0;
	s13 =	sadd.s32 $0x4E390, s6;
	[dreg:$0x19] =	wrdreg s20  }
0x20: {  	s15 =	sadd.s32 $0x4E340, s6;
	s16 =	sadd.s32 $0xA0F0, s8;
	[dreg:$0x1e] =	wrdreg s25  }
0x21: {  	s18 =	sadd.s32 $0x230, s6;
	s6 =	sadd.s32 $0x4E430, s6;
	[dreg:$0x1f] =	wrdreg s26  }
0x22: {  	s21 =	sadd.s32 $0xA0FA, s8;
	s22 =	sadd.s32 $0x4D8, s8;
	[smem:$0x7FD] =	sst s28  }
0x23: {  	s23 =	sadd.s32 $0xA104, s8;
	s12 =	simm.s32 $0x14180;
	[dreg:$0x18] =	wrdreg s16  }
0x24: {  	s20 =	simm.s32 $0x4;
	s14 =	sshrl.u32 s13, $0x3;
	[dreg:$0x1a] =	wrdreg s21  }
0x25: {  	s10 =	sshrl.u32 s15, $0x3;
	s19 =	sshrl.u32 s18, $0x3;
	[dreg:$0x1b] =	wrdreg s22  }
0x26: {  	s6 =	sshrl.u32 s6, $0x3;
	[dreg:$0x1c] =	wrdreg s23;
	s13 =	simm.s32 $0x1BC00  }
0x27: {  	s15 =	simm.s32 $0x14280;
	s16 =	simm.s32 $0x5;
	s18 =	simm.s32 $0x14300  }
0x28: {  	s21 =	simm.s32 $0x14380;
	s22 =	simm.s32 $0x7;
	s9 =	sadd.s32 s14, s0  }
0x29: {  	s23 =	simm.s32 $0x8;
	s17 =	sadd.s32 s10, s0;
	[dreg:$0x7] =	wrdreg s9  }
0x2a: {  	s10 =	simm.s32 $0x1;
	s14 =	simm.s32 $0x2;
	[dreg:$0x8] =	wrdreg s17  }
0x2b: {  	s9 =	sadd.s32 s19, s0;
	s0 =	sadd.s32 s6, s0;
	s6 =	simm.s32 $0x14100  }
0x2c: {  	s17 =	simm.s32 $0x3;
	s19 =	simm.s32 $0x6;
	[dreg:$0x9] =	wrdreg s9  }
0x2d: {  	[dreg:$0xa] =	wrdreg s0;
	s0 =	simm.s32 $0x14400;
	s9 =	simm.s32 $0x19400  }
.LBB2_1:
0x2e: {  	s8 =	rddreg [dreg:$0xb]  }
0x2f: {  	s28 =	rddreg [dreg:$0xc];
	s25 =	sshrl.u32 s8, $0x3  }
0x30: {  	[spmem:s25], [sflag:s7] =	dma.local [hbm:s28], $0x2800  }
0x31: {  	_ =	swait.ge [sflag:s29], $0x2800  }
0x32: {  	[sflag:s29] =	ssyncset.done $0x0  }
0x33: {  	[sflag:s29] =	ssyncadd.s32 $0xFFFFD800  }
0x34: {  	[bflag:$0x0] =	sbarrier.arrive $0xFFFF  }
0x35: {  	s26 =	rddreg [dreg:$0xd]  }
0x36: {  	[tilespmem:s30], [sflag:$0x9] =	stream.linear.gather [hbm4b:s26+s3], $0x50, $0x38;
	[tilespmem:$0x1E400] =	vst v63  }
0x37: {  	_ =	swait.ge [sflag:s29], $0x50  }
0x38: {  	[sflag:s29] =	ssyncset.done $0x0  }
0x39: {  	[sflag:s29] =	ssyncadd.s32 $0xFFFFFFB0  }
0x3a: {  	[tilespmem:s0], [sflag:$0x1] =	stream.indirect.gather [hbm4b:s4+s31], $0x80, s30, s31, $0xb8;
	[tilespmem:$0x1E400] =	vst v63  }
0x3b: {  	s28 =	rddreg [dreg:$0xe]  }
0x3c: {  	[tilespmem:s1], [sflag:$0x9] =	stream.linear.gather [hbm4b:s28+s3], $0x50, $0x38;
	[tilespmem:$0x1E400] =	vst v63  }
0x3d: {  	_ =	swait.ge [sflag:s29], $0x50  }
0x3e: {  	[sflag:s29] =	ssyncset.done $0x0  }
0x3f: {  	[sflag:s29] =	ssyncadd.s32 $0xFFFFFFB0  }
0x40: {  	[tilespmem:s5], [sflag:$0x2] =	stream.indirect.gather [hbm4b:s4+s31], $0x80, s1, s31, $0xb8;
	[tilespmem:$0x1E400] =	vst v63  }
0x41: {  	s26 =	rddreg [dreg:$0xf]  }
0x42: {  	[tilespmem:s6], [sflag:$0x9] =	stream.linear.gather [hbm4b:s26+s3], $0x50, $0x38;
	[tilespmem:$0x1E400] =	vst v63  }
0x43: {  	_ =	swait.ge [sflag:s29], $0x50  }
0x44: {  	[sflag:s29] =	ssyncset.done $0x0  }
0x45: {  	[sflag:s29] =	ssyncadd.s32 $0xFFFFFFB0  }
0x46: {  	[tilespmem:s9], [sflag:$0x3] =	stream.indirect.gather [hbm4b:s4+s31], $0x80, s6, s31, $0xb8;
	[tilespmem:$0x1E400] =	vst v63  }
0x47: {  	_ =	swait.ge [sflag:s10], $0x2800  }
0x48: {  	[sflag:s10] =	ssyncset.done $0x0  }
0x49: {  	s28 =	rddreg [dreg:$0x10];
	[sflag:s10] =	ssyncadd.s32 $0xFFFFD800  }
0x4a: {  	[tilespmem:s11], [sflag:$0x9] =	stream.linear.gather [hbm4b:s28+s3], $0x50, $0x38;
	[tilespmem:$0x1E400] =	vst v63  }
0x4b: {  	_ =	swait.ge [sflag:s29], $0x50  }
0x4c: {  	[sflag:s29] =	ssyncset.done $0x0  }
0x4d: {  	[sflag:s29] =	ssyncadd.s32 $0xFFFFFFB0  }
0x4e: {  	[spmem:s2] =	stream.indirect.scatter.add.f32 [tilespmem:s0], [sflag:$0x5], $0x80, s11, s31, $0xb8;
	[tilespmem:$0x1E400] =	vst v63  }
0x4f: {  	s26 =	rddreg [dreg:$0x11]  }
0x50: {  	[tilespmem:s12], [sflag:$0x9] =	stream.linear.gather [hbm4b:s26+s3], $0x50, $0x38;
	[tilespmem:$0x1E400] =	vst v63  }
0x51: {  	_ =	swait.ge [sflag:s29], $0x50  }
0x52: {  	[sflag:s29] =	ssyncset.done $0x0  }
0x53: {  	[sflag:s29] =	ssyncadd.s32 $0xFFFFFFB0  }
0x54: {  	[tilespmem:s13], [sflag:$0x4] =	stream.indirect.gather [hbm4b:s4+s31], $0x80, s12, s31, $0xb8;
	[tilespmem:$0x1E400] =	vst v63  }
0x55: {  	_ =	swait.ge [sflag:s14], $0x2800  }
0x56: {  	[sflag:s14] =	ssyncset.done $0x0  }
0x57: {  	s28 =	rddreg [dreg:$0x12];
	[sflag:s14] =	ssyncadd.s32 $0xFFFFD800  }
0x58: {  	[tilespmem:s15], [sflag:$0x9] =	stream.linear.gather [hbm4b:s28+s3], $0x50, $0x38;
	[tilespmem:$0x1E400] =	vst v63  }
0x59: {  	_ =	swait.ge [sflag:s29], $0x50  }
0x5a: {  	[sflag:s29] =	ssyncset.done $0x0  }
0x5b: {  	[sflag:s29] =	ssyncadd.s32 $0xFFFFFFB0  }
0x5c: {  	[spmem:s2] =	stream.indirect.scatter.add.f32 [tilespmem:s5], [sflag:$0x6], $0x80, s15, s31, $0xb8;
	[tilespmem:$0x1E400] =	vst v63  }
0x5d: {  	_ =	swait.ge [sflag:s16], $0x2800  }
0x5e: {  	[sflag:s16] =	ssyncset.done $0x0  }
0x5f: {  	s26 =	rddreg [dreg:$0x13];
	[sflag:s16] =	ssyncadd.s32 $0xFFFFD800  }
0x60: {  	[tilespmem:s30], [sflag:$0x9] =	stream.linear.gather [hbm4b:s26+s3], $0x50, $0x38;
	[tilespmem:$0x1E400] =	vst v63  }
0x61: {  	_ =	swait.ge [sflag:s29], $0x50  }
0x62: {  	[sflag:s29] =	ssyncset.done $0x0  }
0x63: {  	[sflag:s29] =	ssyncadd.s32 $0xFFFFFFB0  }
0x64: {  	[tilespmem:s0], [sflag:$0x1] =	stream.indirect.gather [hbm4b:s4+s31], $0x80, s30, s31, $0xb8;
	[tilespmem:$0x1E400] =	vst v63  }
0x65: {  	_ =	swait.ge [sflag:s17], $0x2800  }
0x66: {  	[sflag:s17] =	ssyncset.done $0x0  }
0x67: {  	s28 =	rddreg [dreg:$0x14];
	[sflag:s17] =	ssyncadd.s32 $0xFFFFD800  }
0x68: {  	[tilespmem:s18], [sflag:$0x9] =	stream.linear.gather [hbm4b:s28+s3], $0x50, $0x38;
	[tilespmem:$0x1E400] =	vst v63  }
0x69: {  	_ =	swait.ge [sflag:s29], $0x50  }
0x6a: {  	[sflag:s29] =	ssyncset.done $0x0  }
0x6b: {  	[sflag:s29] =	ssyncadd.s32 $0xFFFFFFB0  }
0x6c: {  	[spmem:s2] =	stream.indirect.scatter.add.f32 [tilespmem:s9], [sflag:$0x7], $0x80, s18, s31, $0xb8;
	[tilespmem:$0x1E400] =	vst v63  }
0x6d: {  	_ =	swait.ge [sflag:s19], $0x2800  }
0x6e: {  	[sflag:s19] =	ssyncset.done $0x0  }
0x6f: {  	s26 =	rddreg [dreg:$0x15];
	[sflag:s19] =	ssyncadd.s32 $0xFFFFD800  }
0x70: {  	[tilespmem:s1], [sflag:$0x9] =	stream.linear.gather [hbm4b:s26+s3], $0x50, $0x38;
	[tilespmem:$0x1E400] =	vst v63  }
0x71: {  	_ =	swait.ge [sflag:s29], $0x50  }
0x72: {  	[sflag:s29] =	ssyncset.done $0x0  }
0x73: {  	[sflag:s29] =	ssyncadd.s32 $0xFFFFFFB0  }
0x74: {  	[tilespmem:s5], [sflag:$0x2] =	stream.indirect.gather [hbm4b:s4+s31], $0x80, s1, s31, $0xb8;
	[tilespmem:$0x1E400] =	vst v63  }
0x75: {  	_ =	swait.ge [sflag:s20], $0x2800  }
0x76: {  	[sflag:s20] =	ssyncset.done $0x0  }
0x77: {  	s28 =	rddreg [dreg:$0x16];
	[sflag:s20] =	ssyncadd.s32 $0xFFFFD800  }
0x78: {  	[tilespmem:s21], [sflag:$0x9] =	stream.linear.gather [hbm4b:s28+s3], $0x50, $0x38;
	[tilespmem:$0x1E400] =	vst v63  }
0x79: {  	_ =	swait.ge [sflag:s29], $0x50  }
0x7a: {  	[sflag:s29] =	ssyncset.done $0x0  }
0x7b: {  	[sflag:s29] =	ssyncadd.s32 $0xFFFFFFB0  }
0x7c: {  	[spmem:s2] =	stream.indirect.scatter.add.f32 [tilespmem:s13], [sflag:$0x8], $0x80, s21, s31, $0xb8;
	[tilespmem:$0x1E400] =	vst v63  }
0x7d: {  	_ =	swait.ge [sflag:s22], $0x2800  }
0x7e: {  	[sflag:s22] =	ssyncset.done $0x0  }
0x7f: {  	s26 =	rddreg [dreg:$0x17];
	[sflag:s22] =	ssyncadd.s32 $0xFFFFD800  }
0x80: {  	[tilespmem:s6], [sflag:$0x9] =	stream.linear.gather [hbm4b:s26+s3], $0x50, $0x38;
	[tilespmem:$0x1E400] =	vst v63  }
0x81: {  	_ =	swait.ge [sflag:s29], $0x50  }
0x82: {  	[sflag:s29] =	ssyncset.done $0x0  }
0x83: {  	[sflag:s29] =	ssyncadd.s32 $0xFFFFFFB0  }
0x84: {  	[tilespmem:s9], [sflag:$0x3] =	stream.indirect.gather [hbm4b:s4+s31], $0x80, s6, s31, $0xb8;
	[tilespmem:$0x1E400] =	vst v63  }
0x85: {  	_ =	swait.ge [sflag:s10], $0x2800  }
0x86: {  	s26 =	rddreg [dreg:$0x8];
	[sflag:s10] =	ssyncset.done $0x0  }
0x87: {  	[sflag:s10] =	ssyncadd.s32 $0xFFFFD800;
	s26 =	sadd.s32 $0x0, s26  }
0x88: {  	[tilespmem:s11], [sflag:$0x9] =	stream.linear.gather [hbm4b:s26+s3], $0x50, $0x38;
	[tilespmem:$0x1E400] =	vst v63  }
0x89: {  	_ =	swait.ge [sflag:s29], $0x50  }
0x8a: {  	[sflag:s29] =	ssyncset.done $0x0  }
0x8b: {  	[sflag:s29] =	ssyncadd.s32 $0xFFFFFFB0  }
0x8c: {  	[spmem:s2] =	stream.indirect.scatter.add.f32 [tilespmem:s0], [sflag:$0x5], $0x80, s11, s31, $0xb8;
	[tilespmem:$0x1E400] =	vst v63  }
0x8d: {  	_ =	swait.ge [sflag:s23], $0x2800  }
0x8e: {  	s28 =	rddreg [dreg:$0x9];
	[sflag:s23] =	ssyncset.done $0x0  }
0x8f: {  	[sflag:s23] =	ssyncadd.s32 $0xFFFFD800;
	s26 =	sadd.s32 $0x0, s28  }
0x90: {  	[tilespmem:s12], [sflag:$0x9] =	stream.linear.gather [hbm4b:s26+s3], $0x50, $0x38;
	[tilespmem:$0x1E400] =	vst v63  }
0x91: {  	_ =	swait.ge [sflag:s29], $0x50  }
0x92: {  	[sflag:s29] =	ssyncset.done $0x0  }
0x93: {  	[sflag:s29] =	ssyncadd.s32 $0xFFFFFFB0  }
0x94: {  	[tilespmem:s13], [sflag:$0x4] =	stream.indirect.gather [hbm4b:s4+s31], $0x80, s12, s31, $0xb8;
	[tilespmem:$0x1E400] =	vst v63  }
0x95: {  	_ =	swait.ge [sflag:s14], $0x2800  }
0x96: {  	s8 =	rddreg [dreg:$0x7];
	[sflag:s14] =	ssyncset.done $0x0  }
0x97: {  	[sflag:s14] =	ssyncadd.s32 $0xFFFFD800;
	s26 =	sadd.s32 $0x0, s8  }
0x98: {  	[tilespmem:s15], [sflag:$0x9] =	stream.linear.gather [hbm4b:s26+s3], $0x50, $0x38;
	[tilespmem:$0x1E400] =	vst v63  }
0x99: {  	_ =	swait.ge [sflag:s29], $0x50  }
0x9a: {  	[sflag:s29] =	ssyncset.done $0x0  }
0x9b: {  	[sflag:s29] =	ssyncadd.s32 $0xFFFFFFB0  }
0x9c: {  	[spmem:s2] =	stream.indirect.scatter.add.f32 [tilespmem:s5], [sflag:$0x6], $0x80, s15, s31, $0xb8;
	[tilespmem:$0x1E400] =	vst v63  }
0x9d: {  	_ =	swait.ge [sflag:s16], $0x2800  }
0x9e: {  	s28 =	rddreg [dreg:$0x6];
	[sflag:s16] =	ssyncset.done $0x0  }
0x9f: {  	[sflag:s16] =	ssyncadd.s32 $0xFFFFD800;
	s26 =	sadd.s32 $0x0, s28  }
0xa0: {  	[tilespmem:s30], [sflag:$0x9] =	stream.linear.gather [hbm4b:s26+s3], $0x50, $0x38;
	[tilespmem:$0x1E400] =	vst v63  }
0xa1: {  	_ =	swait.ge [sflag:s29], $0x50  }
0xa2: {  	[sflag:s29] =	ssyncset.done $0x0  }
0xa3: {  	[sflag:s29] =	ssyncadd.s32 $0xFFFFFFB0  }
0xa4: {  	[tilespmem:s0], [sflag:$0x1] =	stream.indirect.gather [hbm4b:s4+s31], $0x80, s30, s31, $0xb8;
	[tilespmem:$0x1E400] =	vst v63  }
0xa5: {  	_ =	swait.ge [sflag:s17], $0x2800  }
0xa6: {  	s8 =	rddreg [dreg:$0x5];
	[sflag:s17] =	ssyncset.done $0x0  }
0xa7: {  	[sflag:s17] =	ssyncadd.s32 $0xFFFFD800;
	s26 =	sadd.s32 $0x0, s8  }
0xa8: {  	[tilespmem:s18], [sflag:$0x9] =	stream.linear.gather [hbm4b:s26+s3], $0x50, $0x38;
	[tilespmem:$0x1E400] =	vst v63  }
0xa9: {  	_ =	swait.ge [sflag:s29], $0x50  }
0xaa: {  	[sflag:s29] =	ssyncset.done $0x0  }
0xab: {  	[sflag:s29] =	ssyncadd.s32 $0xFFFFFFB0  }
0xac: {  	[spmem:s2] =	stream.indirect.scatter.add.f32 [tilespmem:s9], [sflag:$0x7], $0x80, s18, s31, $0xb8;
	[tilespmem:$0x1E400] =	vst v63  }
0xad: {  	_ =	swait.ge [sflag:s19], $0x2800  }
0xae: {  	s28 =	rddreg [dreg:$0x4];
	[sflag:s19] =	ssyncset.done $0x0  }
0xaf: {  	[sflag:s19] =	ssyncadd.s32 $0xFFFFD800;
	s26 =	sadd.s32 $0x0, s28  }
0xb0: {  	[tilespmem:s1], [sflag:$0x9] =	stream.linear.gather [hbm4b:s26+s3], $0x50, $0x38;
	[tilespmem:$0x1E400] =	vst v63  }
0xb1: {  	_ =	swait.ge [sflag:s29], $0x50  }
0xb2: {  	[sflag:s29] =	ssyncset.done $0x0  }
0xb3: {  	[sflag:s29] =	ssyncadd.s32 $0xFFFFFFB0  }
0xb4: {  	[tilespmem:s5], [sflag:$0x2] =	stream.indirect.gather [hbm4b:s4+s31], $0x80, s1, s31, $0xb8;
	[tilespmem:$0x1E400] =	vst v63  }
0xb5: {  	_ =	swait.ge [sflag:s20], $0x2800  }
0xb6: {  	s8 =	rddreg [dreg:$0xa];
	[sflag:s20] =	ssyncset.done $0x0  }
0xb7: {  	[sflag:s20] =	ssyncadd.s32 $0xFFFFD800;
	s26 =	sadd.s32 $0x0, s8  }
0xb8: {  	[tilespmem:s21], [sflag:$0x9] =	stream.linear.gather [hbm4b:s26+s3], $0x50, $0x38;
	[tilespmem:$0x1E400] =	vst v63  }
0xb9: {  	_ =	swait.ge [sflag:s29], $0x50  }
0xba: {  	[sflag:s29] =	ssyncset.done $0x0  }
0xbb: {  	[sflag:s29] =	ssyncadd.s32 $0xFFFFFFB0  }
0xbc: {  	[spmem:s2] =	stream.indirect.scatter.add.f32 [tilespmem:s13], [sflag:$0x8], $0x80, s21, s31, $0xb8;
	[tilespmem:$0x1E400] =	vst v63  }
0xbd: {  	_ =	swait.ge [sflag:s22], $0x2800  }
0xbe: {  	s28 =	rddreg [dreg:$0x3];
	[sflag:s22] =	ssyncset.done $0x0  }
0xbf: {  	[sflag:s22] =	ssyncadd.s32 $0xFFFFD800;
	s26 =	sadd.s32 $0x0, s28  }
0xc0: {  	[tilespmem:s6], [sflag:$0x9] =	stream.linear.gather [hbm4b:s26+s3], $0x50, $0x38;
	[tilespmem:$0x1E400] =	vst v63  }
0xc1: {  	_ =	swait.ge [sflag:s29], $0x50  }
0xc2: {  	[sflag:s29] =	ssyncset.done $0x0  }
0xc3: {  	s26 =	simm.s32 $0x28;
	[sflag:s29] =	ssyncadd.s32 $0xFFFFFFB0  }
.LBB2_2:
0xc4: {  	[tilespmem:s9], [sflag:$0x3] =	stream.indirect.gather [hbm4b:s4+s31], $0x80, s6, s31, $0xb8;
	[tilespmem:$0x1E400] =	vst v63  }
0xc5: {  	_ =	swait.ge [sflag:s10], $0x2800  }
0xc6: {  	s28 =	smov.u32 s26;
	s8 =	rddreg [dreg:$0x8];
	[sflag:s10] =	ssyncset.done $0x0  }
0xc7: {  	[sflag:s10] =	ssyncadd.s32 $0xFFFFD800;
	s8 =	sadd.s32 s28, s8  }
0xc8: {  	[tilespmem:s11], [sflag:$0x9] =	stream.linear.gather [hbm4b:s8+s3], $0x50, $0x38;
	[tilespmem:$0x1E400] =	vst v63  }
0xc9: {  	_ =	swait.ge [sflag:s29], $0x50  }
0xca: {  	[sflag:s29] =	ssyncset.done $0x0  }
0xcb: {  	[sflag:s29] =	ssyncadd.s32 $0xFFFFFFB0  }
0xcc: {  	[spmem:s2] =	stream.indirect.scatter.add.f32 [tilespmem:s0], [sflag:$0x5], $0x80, s11, s31, $0xb8;
	[tilespmem:$0x1E400] =	vst v63  }
0xcd: {  	_ =	swait.ge [sflag:s23], $0x2800  }
0xce: {  	s8 =	rddreg [dreg:$0x9];
	[sflag:s23] =	ssyncset.done $0x0  }
0xcf: {  	[sflag:s23] =	ssyncadd.s32 $0xFFFFD800;
	s8 =	sadd.s32 s28, s8  }
0xd0: {  	[tilespmem:s12], [sflag:$0x9] =	stream.linear.gather [hbm4b:s8+s3], $0x50, $0x38;
	[tilespmem:$0x1E400] =	vst v63  }
0xd1: {  	_ =	swait.ge [sflag:s29], $0x50  }
0xd2: {  	[sflag:s29] =	ssyncset.done $0x0  }
0xd3: {  	[sflag:s29] =	ssyncadd.s32 $0xFFFFFFB0  }
0xd4: {  	[tilespmem:s13], [sflag:$0x4] =	stream.indirect.gather [hbm4b:s4+s31], $0x80, s12, s31, $0xb8;
	[tilespmem:$0x1E400] =	vst v63  }
0xd5: {  	_ =	swait.ge [sflag:s14], $0x2800  }
0xd6: {  	s8 =	rddreg [dreg:$0x7];
	[sflag:s14] =	ssyncset.done $0x0  }
0xd7: {  	[sflag:s14] =	ssyncadd.s32 $0xFFFFD800;
	s8 =	sadd.s32 s28, s8  }
0xd8: {  	[tilespmem:s15], [sflag:$0x9] =	stream.linear.gather [hbm4b:s8+s3], $0x50, $0x38;
	[tilespmem:$0x1E400] =	vst v63  }
0xd9: {  	_ =	swait.ge [sflag:s29], $0x50  }
0xda: {  	[sflag:s29] =	ssyncset.done $0x0  }
0xdb: {  	[sflag:s29] =	ssyncadd.s32 $0xFFFFFFB0  }
0xdc: {  	[spmem:s2] =	stream.indirect.scatter.add.f32 [tilespmem:s5], [sflag:$0x6], $0x80, s15, s31, $0xb8;
	[tilespmem:$0x1E400] =	vst v63  }
0xdd: {  	_ =	swait.ge [sflag:s16], $0x2800  }
0xde: {  	s8 =	rddreg [dreg:$0x6];
	[sflag:s16] =	ssyncset.done $0x0  }
0xdf: {  	[sflag:s16] =	ssyncadd.s32 $0xFFFFD800;
	s8 =	sadd.s32 s28, s8  }
0xe0: {  	[tilespmem:s30], [sflag:$0x9] =	stream.linear.gather [hbm4b:s8+s3], $0x50, $0x38;
	[tilespmem:$0x1E400] =	vst v63  }
0xe1: {  	_ =	swait.ge [sflag:s29], $0x50  }
0xe2: {  	[sflag:s29] =	ssyncset.done $0x0  }
0xe3: {  	[sflag:s29] =	ssyncadd.s32 $0xFFFFFFB0  }
0xe4: {  	[tilespmem:s0], [sflag:$0x1] =	stream.indirect.gather [hbm4b:s4+s31], $0x80, s30, s31, $0xb8;
	[tilespmem:$0x1E400] =	vst v63  }
0xe5: {  	_ =	swait.ge [sflag:s17], $0x2800  }
0xe6: {  	s8 =	rddreg [dreg:$0x5];
	[sflag:s17] =	ssyncset.done $0x0  }
0xe7: {  	[sflag:s17] =	ssyncadd.s32 $0xFFFFD800;
	s8 =	sadd.s32 s28, s8  }
0xe8: {  	[tilespmem:s18], [sflag:$0x9] =	stream.linear.gather [hbm4b:s8+s3], $0x50, $0x38;
	[tilespmem:$0x1E400] =	vst v63  }
0xe9: {  	_ =	swait.ge [sflag:s29], $0x50  }
0xea: {  	[sflag:s29] =	ssyncset.done $0x0  }
0xeb: {  	[sflag:s29] =	ssyncadd.s32 $0xFFFFFFB0  }
0xec: {  	[spmem:s2] =	stream.indirect.scatter.add.f32 [tilespmem:s9], [sflag:$0x7], $0x80, s18, s31, $0xb8;
	[tilespmem:$0x1E400] =	vst v63  }
0xed: {  	_ =	swait.ge [sflag:s19], $0x2800  }
0xee: {  	s8 =	rddreg [dreg:$0x4];
	[sflag:s19] =	ssyncset.done $0x0  }
0xef: {  	[sflag:s19] =	ssyncadd.s32 $0xFFFFD800;
	s8 =	sadd.s32 s28, s8  }
0xf0: {  	[tilespmem:s1], [sflag:$0x9] =	stream.linear.gather [hbm4b:s8+s3], $0x50, $0x38;
	[tilespmem:$0x1E400] =	vst v63  }
0xf1: {  	_ =	swait.ge [sflag:s29], $0x50  }
0xf2: {  	[sflag:s29] =	ssyncset.done $0x0  }
0xf3: {  	[sflag:s29] =	ssyncadd.s32 $0xFFFFFFB0  }
0xf4: {  	[tilespmem:s5], [sflag:$0x2] =	stream.indirect.gather [hbm4b:s4+s31], $0x80, s1, s31, $0xb8;
	[tilespmem:$0x1E400] =	vst v63  }
0xf5: {  	_ =	swait.ge [sflag:s20], $0x2800  }
0xf6: {  	s8 =	rddreg [dreg:$0xa];
	[sflag:s20] =	ssyncset.done $0x0  }
0xf7: {  	[sflag:s20] =	ssyncadd.s32 $0xFFFFD800;
	s8 =	sadd.s32 s28, s8  }
0xf8: {  	[tilespmem:s21], [sflag:$0x9] =	stream.linear.gather [hbm4b:s8+s3], $0x50, $0x38;
	[tilespmem:$0x1E400] =	vst v63  }
0xf9: {  	_ =	swait.ge [sflag:s29], $0x50  }
0xfa: {  	[sflag:s29] =	ssyncset.done $0x0  }
0xfb: {  	[sflag:s29] =	ssyncadd.s32 $0xFFFFFFB0  }
0xfc: {  	[spmem:s2] =	stream.indirect.scatter.add.f32 [tilespmem:s13], [sflag:$0x8], $0x80, s21, s31, $0xb8;
	[tilespmem:$0x1E400] =	vst v63  }
0xfd: {  	_ =	swait.ge [sflag:s22], $0x2800  }
0xfe: {  	p0 =	sne.s32 s26, $0x460;
	s8 =	rddreg [dreg:$0x3];
	[sflag:s22] =	ssyncset.done $0x0  }
.Ltmp0:
0xff: {  	[sflag:s22] =	ssyncadd.s32 $0xFFFFD800;
	s8 =	sadd.s32 s28, s8;
	(pc) =	sbr.rel @p0 .LBB2_2-.Ltmp0, $4  }
0x100: {  	[tilespmem:s6], [sflag:$0x9] =	stream.linear.gather [hbm4b:s8+s3], $0x50, $0x38;
	[tilespmem:$0x1E400] =	vst v63  }
0x101: {  	_ =	swait.ge [sflag:s29], $0x50  }
0x102: {  	[sflag:s29] =	ssyncset.done $0x0  }
0x103: {  	s26 =	sadd.s32 $0x28, s26;
	[sflag:s29] =	ssyncadd.s32 $0xFFFFFFB0  }
0x104: {  	[tilespmem:s9], [sflag:$0x3] =	stream.indirect.gather [hbm4b:s4+s31], $0x80, s6, s31, $0xb8;
	[tilespmem:$0x1E400] =	vst v63  }
0x105: {  	_ =	swait.ge [sflag:s10], $0x2800  }
0x106: {  	[sflag:s10] =	ssyncset.done $0x0  }
0x107: {  	s8 =	rddreg [dreg:$0x18];
	[sflag:s10] =	ssyncadd.s32 $0xFFFFD800  }
0x108: {  	[tilespmem:s11], [sflag:$0x9] =	stream.linear.gather [hbm4b:s8+s3], $0x50, $0x38;
	[tilespmem:$0x1E400] =	vst v63  }
0x109: {  	_ =	swait.ge [sflag:s29], $0x50  }
0x10a: {  	[sflag:s29] =	ssyncset.done $0x0  }
0x10b: {  	[sflag:s29] =	ssyncadd.s32 $0xFFFFFFB0  }
0x10c: {  	[spmem:s2] =	stream.indirect.scatter.add.f32 [tilespmem:s0], [sflag:$0x5], $0x80, s11, s31, $0xb8;
	[tilespmem:$0x1E400] =	vst v63  }
0x10d: {  	_ =	swait.ge [sflag:s23], $0x2800  }
0x10e: {  	[sflag:s23] =	ssyncset.done $0x0  }
0x10f: {  	s26 =	rddreg [dreg:$0x19];
	[sflag:s23] =	ssyncadd.s32 $0xFFFFD800  }
0x110: {  	[tilespmem:s12], [sflag:$0x9] =	stream.linear.gather [hbm4b:s26+s3], $0x50, $0x38;
	[tilespmem:$0x1E400] =	vst v63  }
0x111: {  	_ =	swait.ge [sflag:s29], $0x50  }
0x112: {  	[sflag:s29] =	ssyncset.done $0x0  }
0x113: {  	[sflag:s29] =	ssyncadd.s32 $0xFFFFFFB0  }
0x114: {  	[tilespmem:s13], [sflag:$0x4] =	stream.indirect.gather [hbm4b:s4+s31], $0x80, s12, s31, $0xb8;
	[tilespmem:$0x1E400] =	vst v63  }
0x115: {  	_ =	swait.ge [sflag:s14], $0x2800  }
0x116: {  	[sflag:s14] =	ssyncset.done $0x0  }
0x117: {  	s28 =	rddreg [dreg:$0x1a];
	[sflag:s14] =	ssyncadd.s32 $0xFFFFD800  }
0x118: {  	[tilespmem:s15], [sflag:$0x9] =	stream.linear.gather [hbm4b:s28+s3], $0x50, $0x38;
	[tilespmem:$0x1E400] =	vst v63  }
0x119: {  	_ =	swait.ge [sflag:s29], $0x50  }
0x11a: {  	[sflag:s29] =	ssyncset.done $0x0  }
0x11b: {  	[sflag:s29] =	ssyncadd.s32 $0xFFFFFFB0  }
0x11c: {  	[spmem:s2] =	stream.indirect.scatter.add.f32 [tilespmem:s5], [sflag:$0x6], $0x80, s15, s31, $0xb8;
	[tilespmem:$0x1E400] =	vst v63  }
0x11d: {  	_ =	swait.ge [sflag:s16], $0x2800  }
0x11e: {  	[sflag:s16] =	ssyncset.done $0x0  }
0x11f: {  	s26 =	rddreg [dreg:$0x1b];
	[sflag:s16] =	ssyncadd.s32 $0xFFFFD800  }
0x120: {  	[tilespmem:s30], [sflag:$0x9] =	stream.linear.gather [hbm4b:s26+s3], $0x50, $0x38;
	[tilespmem:$0x1E400] =	vst v63  }
0x121: {  	_ =	swait.ge [sflag:s29], $0x50  }
0x122: {  	[sflag:s29] =	ssyncset.done $0x0  }
0x123: {  	[sflag:s29] =	ssyncadd.s32 $0xFFFFFFB0  }
0x124: {  	[tilespmem:s0], [sflag:$0x1] =	stream.indirect.gather [hbm4b:s4+s31], $0x80, s30, s31, $0xb8;
	[tilespmem:$0x1E400] =	vst v63  }
0x125: {  	_ =	swait.ge [sflag:s17], $0x2800  }
0x126: {  	[sflag:s17] =	ssyncset.done $0x0  }
0x127: {  	s28 =	rddreg [dreg:$0x1c];
	[sflag:s17] =	ssyncadd.s32 $0xFFFFD800  }
0x128: {  	[tilespmem:s18], [sflag:$0x9] =	stream.linear.gather [hbm4b:s28+s3], $0x50, $0x38;
	[tilespmem:$0x1E400] =	vst v63  }
0x129: {  	_ =	swait.ge [sflag:s29], $0x50  }
0x12a: {  	[sflag:s29] =	ssyncset.done $0x0  }
0x12b: {  	[sflag:s29] =	ssyncadd.s32 $0xFFFFFFB0  }
0x12c: {  	[spmem:s2] =	stream.indirect.scatter.add.f32 [tilespmem:s9], [sflag:$0x7], $0x80, s18, s31, $0xb8;
	[tilespmem:$0x1E400] =	vst v63  }
0x12d: {  	_ =	swait.ge [sflag:s20], $0x2800  }
0x12e: {  	[sflag:s20] =	ssyncset.done $0x0  }
0x12f: {  	s26 =	rddreg [dreg:$0x1f];
	[sflag:s20] =	ssyncadd.s32 $0xFFFFD800  }
0x130: {  	[tilespmem:s21], [sflag:$0x9] =	stream.linear.gather [hbm4b:s26+s3], $0x50, $0x38;
	[tilespmem:$0x1E400] =	vst v63  }
0x131: {  	_ =	swait.ge [sflag:s29], $0x50  }
0x132: {  	[sflag:s29] =	ssyncset.done $0x0  }
0x133: {  	[sflag:s29] =	ssyncadd.s32 $0xFFFFFFB0  }
0x134: {  	[spmem:s2] =	stream.indirect.scatter.add.f32 [tilespmem:s13], [sflag:$0x8], $0x80, s21, s31, $0xb8;
	[tilespmem:$0x1E400] =	vst v63  }
0x135: {  	_ =	swait.ge [sflag:s10], $0x2800  }
0x136: {  	s28 =	sld [smem:$0x7FD]  }
0x137: {  	[sflag:s10] =	ssyncset.done $0x0  }
0x138: {  	[sflag:s10] =	ssyncadd.s32 $0xFFFFD800  }
0x139: {  	[tilespmem:s11], [sflag:$0x9] =	stream.linear.gather [hbm4b:s28+s3], $0x50, $0x38;
	[tilespmem:$0x1E400] =	vst v63  }
0x13a: {  	_ =	swait.ge [sflag:s29], $0x50  }
0x13b: {  	[sflag:s29] =	ssyncset.done $0x0  }
0x13c: {  	[sflag:s29] =	ssyncadd.s32 $0xFFFFFFB0  }
0x13d: {  	[spmem:s2] =	stream.indirect.scatter.add.f32 [tilespmem:s0], [sflag:$0x5], $0x80, s11, s31, $0xb8;
	[tilespmem:$0x1E400] =	vst v63  }
0x13e: {  	_ =	swait.ge [sflag:s19], $0x2800  }
0x13f: {  	[sflag:s19] =	ssyncset.done $0x0  }
0x140: {  	[sflag:s19] =	ssyncadd.s32 $0xFFFFD800  }
0x141: {  	_ =	swait.ge [sflag:s22], $0x2800  }
0x142: {  	[sflag:s22] =	ssyncset.done $0x0  }
0x143: {  	[sflag:s22] =	ssyncadd.s32 $0xFFFFD800  }
0x144: {  	_ =	swait.ge [sflag:s23], $0x2800  }
0x145: {  	[sflag:s23] =	ssyncset.done $0x0  }
0x146: {  	[sflag:s23] =	ssyncadd.s32 $0xFFFFD800  }
0x147: {  	_ =	swait.ge [sflag:s16], $0x2800  }
0x148: {  	[sflag:s16] =	ssyncset.done $0x0  }
0x149: {  	[sflag:s16] =	ssyncadd.s32 $0xFFFFD800  }
0x14a: {  	[bflag:$0x0] =	sbarrier.arrive $0xFFFF  }
0x14b: {  	s26 =	rddreg [dreg:$0x1d]  }
0x14c: {  	[hbm:s26], [sflag:s7] =	dma.local [spmem:s25], $0x2800  }
0x14d: {  	_ =	swait.ge [sflag:s29], $0x2800  }
0x14e: {  	s24 =	sadd.s32 $0x1, s24;
	s28 =	rddreg [dreg:$0x1e]  }
0x14f: {  	p0 =	sne.s32 s24, s28  }
.Ltmp1:
0x150: {  	_ = 	snop;
	(pc) =	sbr.rel @p0 .LBB2_1-.Ltmp1, $3  }
0x151: {  	_ =	sdelay $0x1  }
0x152: {  	[sflag:s29] =	ssyncset.done $0x0  }
0x153: {  	[sflag:s29] =	ssyncadd.s32 $0xFFFFD800  }
0x154: {  	_ =	sfence.sel $0x180000  }
0x155: {  	[bflag:$0x0] =	sbarrier.arrive $0xFFFF  }
0x156: {  	_ =	strace $0x90000050  }
0x157: {  	s0 =	stileid.u32;
	[bflag:$0x2] =	sbarrier.arrive $0xFFFF  }
0x158: {  	p0 =	sne.s32 s0, $0x0;
	s0 =	rddreg [dreg:$0x2]  }
0x159: {  	s0 =	sadd.s32 @!p0 $0x100000, s0  }
0x15a: {  	[sflag:s0] =	ssyncadd.tile.s32 @!p0 $0x1;
	_ =	shalt  }
.Lfunc_end2:
_tile_overlayer_lowered:
.L_overlay_start_2:
0x15b: {  	(tag) =	ssettag $0x2  }
0x15c: {  	s0 =	rddreg [dreg:$0x0];
	s2 =	stileid.u32  }
0x15d: {  	s1 =	rddreg [dreg:$0x1];
	p0 =	sne.s32 s2, $0x0  }
0x15e: {  	s3 =	rddreg [dreg:$0x2];
	[bflag:$0x3] =	sbarrier.arrive $0xFFFF;
	s2 =	simm.s32 @!p0 $0x1C09  }
0x15f: {  	[timem:s3], [sflag:s2] =	dma.local @!p0 [hbm:s0], s1  }
0x160: {  	s0 =	simm.s32 @!p0 $0x9  }
0x161: {  	_ =	swait.ge @!p0 [sflag:s0], s1  }
0x162: {  	s1 =	ssub.s32 @!p0 $0x0, s1;
	[sflag:s0] =	ssyncset.done @!p0 $0x0  }
0x163: {  	[sflag:s0] =	ssyncadd.s32 @!p0 s1  }
0x164: {  	[bflag:$0x3] =	sbarrier.arrive $0xFFFF  }
0x165: {  	_ =	shalt  }

</sc_bundles>
